<compile_context>
chip_gen: v7x
topology: tpu7x:2x2x1
jax: 0.10.2.dev20260603
libtpu: 0.0.44.dev20260713+nightly
codegen_flags: <defaults>
</compile_context>

<pallas_src>
import functools

import jax
import jax.numpy as jnp
from jax import lax
from jax.experimental import pallas as pl
from jax.experimental.pallas import tpu as pltpu, tpu_sc as plsc

N = 10000
E = 320000
NC = 2
NS = 16
NW = NC * NS
EPT = E // NW
K = 125
C = EPT // K
NBUF = 2
RPT = 640
RLAST = N - (NS - 1) * RPT
RB = 80
MB = 2000



def _init_acc(buf_v, acc, s):
    for t in range(RLAST // RB):
        pltpu.sync_copy(buf_v.at[pl.ds(0, RB)],
                        acc.at[pl.ds(s * RPT + t * RB, RB)])

    @pl.when(s < NS - 1)
    def _():
        for t in range(RLAST // RB, RPT // RB):
            pltpu.sync_copy(buf_v.at[pl.ds(0, RB)],
                            acc.at[pl.ds(s * RPT + t * RB, RB)])


def _copy_out(acc, out_c, s):
    @pl.when(s < NS - 1)
    def _():
        sl = pl.ds(s * RPT, RPT)
        pltpu.sync_copy(acc.at[sl], out_c.at[sl])

    @pl.when(s == NS - 1)
    def _():
        sl = pl.ds((NS - 1) * RPT, RLAST)
        pltpu.sync_copy(acc.at[sl], out_c.at[sl])


@functools.cache
def _sc_deg():
    NP = 10240
    CPT = NP // NS

    @functools.partial(
        pl.kernel,
        out_type=jax.ShapeDtypeStruct((NC, NP), jnp.float32),
        mesh=plsc.VectorSubcoreMesh(core_axis_name="c", subcore_axis_name="s"),
        scratch_types=[
            pltpu.VMEM((EPT,), jnp.int32),
            pltpu.VMEM((NP,), jnp.float32),
            pltpu.VMEM((NS, CPT), jnp.float32),
            pltpu.VMEM((CPT,), jnp.float32),
            pltpu.VMEM_SHARED((NS, NP), jnp.float32),
        ],
        compiler_params=pltpu.CompilerParams(needs_layout_passes=False),
        name="sc_deg",
    )
    def deg_kernel(dst_hbm, out_hbm, idx_v, hist, stage, sumbuf, acc):
        c = lax.axis_index("c")
        s = lax.axis_index("s")
        wid = c * NS + s

        def zero(r, carry):
            hist[pl.ds(16 * r, 16)] = jnp.zeros((16,), jnp.float32)
            return carry
        lax.fori_loop(0, NP // 16, zero, 0)

        pltpu.sync_copy(dst_hbm.at[pl.ds(wid * EPT, EPT)], idx_v)
        ones16 = jnp.full((16,), 1.0, jnp.float32)

        def scat(i, carry):
            v = idx_v[pl.ds(16 * i, 16)]
            plsc.addupdate_scatter(hist, [v], ones16)
            return carry
        lax.fori_loop(0, EPT // 16, scat, 0)

        pltpu.sync_copy(hist, acc.at[s])
        plsc.subcore_barrier()

        pltpu.sync_copy(acc.at[:, pl.ds(s * CPT, CPT)], stage)

        def colsum(i, carry):
            v = stage[0, pl.ds(16 * i, 16)]
            for r in range(1, NS):
                v = v + stage[r, pl.ds(16 * i, 16)]
            sumbuf[pl.ds(16 * i, 16)] = v
            return carry
        lax.fori_loop(0, CPT // 16, colsum, 0)

        pltpu.sync_copy(sumbuf, out_hbm.at[c].at[pl.ds(s * CPT, CPT)])

    return deg_kernel


@functools.cache
def _sc_prop(D):
    Q = C // 4

    @functools.partial(
        pl.kernel,
        out_type=jax.ShapeDtypeStruct((NC, N, D), jnp.float32),
        mesh=plsc.VectorSubcoreMesh(core_axis_name="c", subcore_axis_name="s"),
        scratch_types=[
            pltpu.VMEM((2, 2, K), jnp.int32),
            pltpu.VMEM((2, 2, K), jnp.int32),
            pltpu.VMEM((K, D), jnp.float32),
            pltpu.VMEM((K, D), jnp.float32),
            pltpu.VMEM_SHARED((N, D), jnp.float32),
            pltpu.SemaphoreType.DMA,
            pltpu.SemaphoreType.DMA,
            pltpu.SemaphoreType.DMA,
            pltpu.SemaphoreType.DMA,
        ],
        name=f"sc_prop{D}",
    )
    def prop(eidx_hbm, u_hbm, out_hbm, idxA, idxB, rows0, rows1, acc,
             sem0, sem1, isemA, isemB):
        c = lax.axis_index("c")
        s = lax.axis_index("s")
        wid = c * NS + s

        def zbody(r, carry):
            for q in range(D // 16):
                rows0[r, pl.ds(q * 16, 16)] = jnp.zeros((16,), jnp.float32)
            return carry
        lax.fori_loop(0, K, zbody, 0)
        _init_acc(rows0, acc, s)
        plsc.subcore_barrier()

        my = eidx_hbm.at[wid]

        def gather(idx_sl, rows, sem):
            pltpu.async_copy(u_hbm.at[idx_sl], rows, sem)

        def drain_scatter(idx2, e, rows, sem):
            pltpu.make_async_copy(u_hbm.at[idx2.at[e].at[0]], rows, sem).wait()
            pltpu.sync_copy(rows, acc.at[idx2.at[e].at[1]], add=True)

        pltpu.sync_copy(my.at[0], idxA)
        gather(idxA.at[0].at[0], rows0, sem0)
        gather(idxA.at[1].at[0], rows1, sem1)
        pltpu.async_copy(my.at[1], idxB, isemB)

        def quad(q, carry):
            pltpu.make_async_copy(my.at[2 * q + 1], idxB, isemB).wait()
            drain_scatter(idxA, 0, rows0, sem0)
            gather(idxB.at[0].at[0], rows0, sem0)
            drain_scatter(idxA, 1, rows1, sem1)

            @pl.when(q + 1 < Q)
            def _():
                pltpu.async_copy(my.at[2 * q + 2], idxA, isemA)
            gather(idxB.at[1].at[0], rows1, sem1)
            drain_scatter(idxB, 0, rows0, sem0)

            @pl.when(q + 1 < Q)
            def _():
                pltpu.make_async_copy(my.at[2 * q + 2], idxA, isemA).wait()
                gather(idxA.at[0].at[0], rows0, sem0)
            drain_scatter(idxB, 1, rows1, sem1)

            @pl.when(q + 1 < Q)
            def _():
                pltpu.async_copy(my.at[2 * q + 3], idxB, isemB)
                gather(idxA.at[1].at[0], rows1, sem1)
            return carry
        lax.fori_loop(0, Q, quad, 0)
        plsc.subcore_barrier()

        _copy_out(acc, out_hbm.at[c], s)

    return prop



def _dinv(degp_ref):
    deg = degp_ref[0] + degp_ref[1] + 1.0
    return lax.rsqrt(deg)


def _tc1_body(degp_ref, x_ref, w1_ref, u1_ref):
    h = jnp.dot(x_ref[...], w1_ref[...], preferred_element_type=jnp.float32)
    u1_ref[...] = _dinv(degp_ref) * h


def _tc2_body(degp_ref, s1_ref, u1_ref, w2_ref, b1_ref, u2_ref):
    dinv = _dinv(degp_ref)
    h1 = dinv * (s1_ref[0] + s1_ref[1] + u1_ref[...]) + b1_ref[...]
    h1 = jnp.maximum(h1, 0.0)
    u2_ref[...] = dinv * jnp.dot(h1, w2_ref[...], preferred_element_type=jnp.float32)


def _tc3_body(degp_ref, s2_ref, u2_ref, b2_ref, u3_ref):
    dinv = _dinv(degp_ref)
    h2 = dinv * (s2_ref[0] + s2_ref[1] + u2_ref[...]) + b2_ref[...]
    u3_ref[...] = dinv * jnp.maximum(h2, 0.0)


def _tc4_body(degp_ref, s3_ref, u3_ref, wz_ref, bz_ref, z_ref):
    p = _dinv(degp_ref) * (s3_ref[0] + s3_ref[1] + u3_ref[...])
    z_ref[...] = jnp.dot(p, wz_ref[...], preferred_element_type=jnp.float32) + bz_ref[...]


def _degp_spec():
    return pl.BlockSpec((2, MB, 1), lambda i: (0, i, 0))


def _rows(d):
    return pl.BlockSpec((MB, d), lambda i: (i, 0))


def _pair(d):
    return pl.BlockSpec((2, MB, d), lambda i: (0, i, 0))


def _full(shape):
    return pl.BlockSpec(shape, lambda i: tuple(0 for _ in shape))


def _tc_call(body, in_specs, out_d, interpret=False):
    return pl.pallas_call(
        body,
        grid=(N // MB,),
        in_specs=in_specs,
        out_specs=_rows(out_d),
        out_shape=jax.ShapeDtypeStruct((N, out_d), jnp.float32),
        interpret=interpret,
    )


def _tc1(degp, x, W1, interpret=False):
    return _tc_call(_tc1_body, [_degp_spec(), _rows(128), _full((128, 128))],
                    128, interpret)(degp, x, W1)


def _tc2(degp, s1, u1, W2p, b1r, interpret=False):
    return _tc_call(_tc2_body,
                    [_degp_spec(), _pair(128), _rows(128), _full((128, 128)),
                     _full((1, 128))], 128, interpret)(degp, s1, u1, W2p, b1r)


def _tc3(degp, s2, u2, b2r, interpret=False):
    return _tc_call(_tc3_body,
                    [_degp_spec(), _pair(128), _rows(128), _full((1, 128))],
                    128, interpret)(degp, s2, u2, b2r)


def _tc4(degp, s3, u3, wz, bz, interpret=False):
    return _tc_call(_tc4_body,
                    [_degp_spec(), _pair(128), _rows(128), _full((128, 64)),
                     _full((1, 64))], 64, interpret)(degp, s3, u3, wz, bz)


def kernel(x, edge_index, W1, b1, W2, b2, Wm, bm, Ws, bs):
    eidx = jnp.transpose(edge_index.reshape(2, NW, C, K),
                         (1, 2, 0, 3)).reshape(NW, C // 2, 2, 2, K)
    W2p = jnp.concatenate([W2, jnp.zeros((128, 64), W2.dtype)], axis=1)
    b2r = jnp.concatenate([b2, jnp.zeros((64,), b2.dtype)]).reshape(1, 128)
    wz = jnp.concatenate(
        [jnp.concatenate([Wm, Ws], axis=1), jnp.zeros((64, 64), Wm.dtype)],
        axis=0)
    bz = jnp.concatenate([bm, bs]).reshape(1, 2 * Wm.shape[1])

    degp = _sc_deg()(edge_index[1])[:, :N].reshape(2, N, 1)
    u1 = _tc1(degp, x, W1)
    s1 = _sc_prop(128)(eidx, u1)
    u2 = _tc2(degp, s1, u1, W2p, b1.reshape(1, -1))
    s2 = _sc_prop(128)(eidx, u2)
    u3 = _tc3(degp, s2, u2, b2r)
    s3 = _sc_prop(128)(eidx, u3)
    z = _tc4(degp, s3, u3, wz, bz)
    lat = Wm.shape[1]
    return z[:, :lat], z[:, lat:2 * lat]

# --- scband reference (transcript-rebuilt; emitter-appended) ---
"""Pipeline reference for scband-cell-vgae-gcnencoder-37495064494308 (READ-ONLY COPY).

The authoritative reference and input builder live on the scoring server;
editing this copy changes nothing except your own understanding.
"""

import jax, jax.numpy as jnp
import numpy as np

N = 10000
E = 320000
D_IN = 128
H1 = 128
H2 = 64
LAT = 32


def gcn_conv(x, edge_index, W, b):
    num_nodes = x.shape[0]
    src = edge_index[0]
    dst = edge_index[1]
    loop = jnp.arange(num_nodes, dtype=src.dtype)
    src = jnp.concatenate([src, loop])
    dst = jnp.concatenate([dst, loop])
    deg = jax.ops.segment_sum(jnp.ones(src.shape[0], dtype=x.dtype), dst, num_segments=num_nodes)
    dinv = jnp.where(deg > 0, deg ** -0.5, 0.0)
    norm = dinv[src] * dinv[dst]
    h = x @ W
    msgs = h[src] * norm[:, None]
    out = jax.ops.segment_sum(msgs, dst, num_segments=num_nodes)
    return out + b


def setup_inputs(seed: int = 0) -> dict:
    key = jax.random.key(seed)
    ks = jax.random.split(key, 12)
    x = jax.random.normal(ks[0], (N, D_IN), dtype=jnp.float32)
    edge_index = jax.random.randint(ks[1], (2, E), 0, N, dtype=jnp.int32)
    def glorot(k, fan_in, fan_out):
        s = (2.0 / (fan_in + fan_out)) ** 0.5
        return jax.random.normal(k, (fan_in, fan_out), dtype=jnp.float32) * s
    W1 = glorot(ks[2], D_IN, H1)
    b1 = jnp.zeros((H1,), dtype=jnp.float32)
    W2 = glorot(ks[3], H1, H2)
    b2 = jnp.zeros((H2,), dtype=jnp.float32)
    Wm = glorot(ks[4], H2, LAT)
    bm = jnp.zeros((LAT,), dtype=jnp.float32)
    Ws = glorot(ks[5], H2, LAT)
    bs = jnp.zeros((LAT,), dtype=jnp.float32)
    return {"x": x, "edge_index": edge_index, "W1": W1, "b1": b1, "W2": W2, "b2": b2, "Wm": Wm, "bm": bm, "Ws": Ws, "bs": bs}


def reference(x, edge_index, W1, b1, W2, b2, Wm, bm, Ws, bs):
    h1 = jax.nn.relu(gcn_conv(x, edge_index, W1, b1))
    h2 = jax.nn.relu(gcn_conv(h1, edge_index, W2, b2))
    # dropout p=0.4 is identity in eval mode
    z_mean = gcn_conv(h2, edge_index, Wm, bm)
    z_log_std = gcn_conv(h2, edge_index, Ws, bs)
    return (z_mean, z_log_std)

if __name__ == "__main__":
    import jax
    _d = setup_inputs()
    print(jax.jit(kernel)(*tuple(_d.values())))

</pallas_src>

<mosaic_0001>
#map = affine_map<(d0, d1) -> (0, 0, 0, 0, 0)>
#map1 = affine_map<(d0, d1) -> (0, 0)>
#map2 = affine_map<(d0, d1) -> (0, 0, 0)>
module attributes {stable_mosaic.version = 14 : i64} {
  func.func @sc_prop128(%arg0: i32, %arg1: i32, %arg2: memref<32x40x2x2x125xi32, #tpu.memory_space<hbm>>, %arg3: memref<10000x128xf32, #tpu.memory_space<hbm>>, %arg4: memref<2x10000x128xf32, #tpu.memory_space<hbm>>, %arg5: memref<2x2x125xi32, #tpu.memory_space<vmem>>, %arg6: memref<2x2x125xi32, #tpu.memory_space<vmem>>, %arg7: memref<125x128xf32, #tpu.memory_space<vmem>>, %arg8: memref<125x128xf32, #tpu.memory_space<vmem>>, %arg9: memref<10000x128xf32, #tpu.memory_space<vmem_shared>>, %arg10: memref<!tpu.dma_semaphore, #tpu.memory_space<semaphore_mem>>, %arg11: memref<!tpu.dma_semaphore, #tpu.memory_space<semaphore_mem>>, %arg12: memref<!tpu.dma_semaphore, #tpu.memory_space<semaphore_mem>>, %arg13: memref<!tpu.dma_semaphore, #tpu.memory_space<semaphore_mem>>) attributes {dimension_semantics = [#tpu.dimension_semantics<core_parallel>, #tpu.dimension_semantics<subcore_parallel>], iteration_bounds = array<i64: 2, 16>, scalar_prefetch = 0 : i64, scratch_operands = 9 : i64, tpu.core_type = #tpu.core_type<sc_vector_subcore>, window_params = [{transform_indices = #map}, {transform_indices = #map1}, {transform_indices = #map2}]} {
    %mul3A = arith.constant 16 : i32
    %mul3A_0 = arith.muli %arg0, %mul3A : i32
    %add3A = arith.addi %mul3A_0, %arg1 : i32
    %scan3A = arith.constant 0 : i32
    %scan3A_1 = arith.constant 0 : i32
    %scan3A_2 = arith.constant 125 : i32
    %scan3A_3 = arith.addi %scan3A_1, %scan3A_2 : i32
    %scan3A_4 = arith.constant 1 : i32
    scf.for %scan3A_90 = %scan3A_1 to %scan3A_3 step %scan3A_4  : i32 {
      %broadcast_in_dim3A = arith.constant 0.000000e+00 : f32
      %broadcast_in_dim3A_91 = vector.broadcast %broadcast_in_dim3A : f32 to vector<16xf32>
      %swap3A = arith.index_cast %scan3A_90 : i32 to index
      %swap3A_92 = arith.constant 0 : index
      %swap3A_93 = tpu.vector_load %arg7[%swap3A, %swap3A_92] {strides = array<i32>} : memref<125x128xf32, #tpu.memory_space<vmem>>, vector<1x16xf32>,
      %swap3A_94 = vector.shape_cast %swap3A_93 : vector<1x16xf32> to vector<16xf32>
      %swap3A_95 = vector.shape_cast %broadcast_in_dim3A_91 : vector<16xf32> to vector<1x16xf32>
      tpu.vector_store %arg7[%swap3A, %swap3A_92], %swap3A_95 {strides = array<i32>} : memref<125x128xf32, #tpu.memory_space<vmem>>, vector<1x16xf32>,
      %broadcast_in_dim3A_96 = arith.constant 0.000000e+00 : f32
      %broadcast_in_dim3A_97 = vector.broadcast %broadcast_in_dim3A_96 : f32 to vector<16xf32>
      %swap3A_98 = arith.index_cast %scan3A_90 : i32 to index
      %swap3A_99 = arith.constant 16 : index
      %swap3A_100 = tpu.vector_load %arg7[%swap3A_98, %swap3A_99] {strides = array<i32>} : memref<125x128xf32, #tpu.memory_space<vmem>>, vector<1x16xf32>,
      %swap3A_101 = vector.shape_cast %swap3A_100 : vector<1x16xf32> to vector<16xf32>
      %swap3A_102 = vector.shape_cast %broadcast_in_dim3A_97 : vector<16xf32> to vector<1x16xf32>
      tpu.vector_store %arg7[%swap3A_98, %swap3A_99], %swap3A_102 {strides = array<i32>} : memref<125x128xf32, #tpu.memory_space<vmem>>, vector<1x16xf32>,
      %broadcast_in_dim3A_103 = arith.constant 0.000000e+00 : f32
      %broadcast_in_dim3A_104 = vector.broadcast %broadcast_in_dim3A_103 : f32 to vector<16xf32>
      %swap3A_105 = arith.index_cast %scan3A_90 : i32 to index
      %swap3A_106 = arith.constant 32 : index
      %swap3A_107 = tpu.vector_load %arg7[%swap3A_105, %swap3A_106] {strides = array<i32>} : memref<125x128xf32, #tpu.memory_space<vmem>>, vector<1x16xf32>,
      %swap3A_108 = vector.shape_cast %swap3A_107 : vector<1x16xf32> to vector<16xf32>
      %swap3A_109 = vector.shape_cast %broadcast_in_dim3A_104 : vector<16xf32> to vector<1x16xf32>
      tpu.vector_store %arg7[%swap3A_105, %swap3A_106], %swap3A_109 {strides = array<i32>} : memref<125x128xf32, #tpu.memory_space<vmem>>, vector<1x16xf32>,
      %broadcast_in_dim3A_110 = arith.constant 0.000000e+00 : f32
      %broadcast_in_dim3A_111 = vector.broadcast %broadcast_in_dim3A_110 : f32 to vector<16xf32>
      %swap3A_112 = arith.index_cast %scan3A_90 : i32 to index
      %swap3A_113 = arith.constant 48 : index
      %swap3A_114 = tpu.vector_load %arg7[%swap3A_112, %swap3A_113] {strides = array<i32>} : memref<125x128xf32, #tpu.memory_space<vmem>>, vector<1x16xf32>,
      %swap3A_115 = vector.shape_cast %swap3A_114 : vector<1x16xf32> to vector<16xf32>
      %swap3A_116 = vector.shape_cast %broadcast_in_dim3A_111 : vector<16xf32> to vector<1x16xf32>
      tpu.vector_store %arg7[%swap3A_112, %swap3A_113], %swap3A_116 {strides = array<i32>} : memref<125x128xf32, #tpu.memory_space<vmem>>, vector<1x16xf32>,
      %broadcast_in_dim3A_117 = arith.constant 0.000000e+00 : f32
      %broadcast_in_dim3A_118 = vector.broadcast %broadcast_in_dim3A_117 : f32 to vector<16xf32>
      %swap3A_119 = arith.index_cast %scan3A_90 : i32 to index
      %swap3A_120 = arith.constant 64 : index
      %swap3A_121 = tpu.vector_load %arg7[%swap3A_119, %swap3A_120] {strides = array<i32>} : memref<125x128xf32, #tpu.memory_space<vmem>>, vector<1x16xf32>,
      %swap3A_122 = vector.shape_cast %swap3A_121 : vector<1x16xf32> to vector<16xf32>
      %swap3A_123 = vector.shape_cast %broadcast_in_dim3A_118 : vector<16xf32> to vector<1x16xf32>
      tpu.vector_store %arg7[%swap3A_119, %swap3A_120], %swap3A_123 {strides = array<i32>} : memref<125x128xf32, #tpu.memory_space<vmem>>, vector<1x16xf32>,
      %broadcast_in_dim3A_124 = arith.constant 0.000000e+00 : f32
      %broadcast_in_dim3A_125 = vector.broadcast %broadcast_in_dim3A_124 : f32 to vector<16xf32>
      %swap3A_126 = arith.index_cast %scan3A_90 : i32 to index
      %swap3A_127 = arith.constant 80 : index
      %swap3A_128 = tpu.vector_load %arg7[%swap3A_126, %swap3A_127] {strides = array<i32>} : memref<125x128xf32, #tpu.memory_space<vmem>>, vector<1x16xf32>,
      %swap3A_129 = vector.shape_cast %swap3A_128 : vector<1x16xf32> to vector<16xf32>
      %swap3A_130 = vector.shape_cast %broadcast_in_dim3A_125 : vector<16xf32> to vector<1x16xf32>
      tpu.vector_store %arg7[%swap3A_126, %swap3A_127], %swap3A_130 {strides = array<i32>} : memref<125x128xf32, #tpu.memory_space<vmem>>, vector<1x16xf32>,
      %broadcast_in_dim3A_131 = arith.constant 0.000000e+00 : f32
      %broadcast_in_dim3A_132 = vector.broadcast %broadcast_in_dim3A_131 : f32 to vector<16xf32>
      %swap3A_133 = arith.index_cast %scan3A_90 : i32 to index
      %swap3A_134 = arith.constant 96 : index
      %swap3A_135 = tpu.vector_load %arg7[%swap3A_133, %swap3A_134] {strides = array<i32>} : memref<125x128xf32, #tpu.memory_space<vmem>>, vector<1x16xf32>,
      %swap3A_136 = vector.shape_cast %swap3A_135 : vector<1x16xf32> to vector<16xf32>
      %swap3A_137 = vector.shape_cast %broadcast_in_dim3A_132 : vector<16xf32> to vector<1x16xf32>
      tpu.vector_store %arg7[%swap3A_133, %swap3A_134], %swap3A_137 {strides = array<i32>} : memref<125x128xf32, #tpu.memory_space<vmem>>, vector<1x16xf32>,
      %broadcast_in_dim3A_138 = arith.constant 0.000000e+00 : f32
      %broadcast_in_dim3A_139 = vector.broadcast %broadcast_in_dim3A_138 : f32 to vector<16xf32>
      %swap3A_140 = arith.index_cast %scan3A_90 : i32 to index
      %swap3A_141 = arith.constant 112 : index
      %swap3A_142 = tpu.vector_load %arg7[%swap3A_140, %swap3A_141] {strides = array<i32>} : memref<125x128xf32, #tpu.memory_space<vmem>>, vector<1x16xf32>,
      %swap3A_143 = vector.shape_cast %swap3A_142 : vector<1x16xf32> to vector<16xf32>
      %swap3A_144 = vector.shape_cast %broadcast_in_dim3A_139 : vector<16xf32> to vector<1x16xf32>
      tpu.vector_store %arg7[%swap3A_140, %swap3A_141], %swap3A_144 {strides = array<i32>} : memref<125x128xf32, #tpu.memory_space<vmem>>, vector<1x16xf32>,
    }
    %scan3A_5 = arith.constant 125 : i32
    %mul3A_6 = arith.constant 640 : i32
    %mul3A_7 = arith.muli %arg1, %mul3A_6 : i32
    %add3A_8 = arith.constant 0 : i32
    %add3A_9 = arith.addi %mul3A_7, %add3A_8 : i32
    "tpu.region"() ({
      %run_scoped3A_90 = tpu.sem_alloc : memref<!tpu.dma_semaphore, #tpu.memory_space<semaphore_mem>>
      %dma_start3A_91 = arith.constant 0 : i32
      %dma_start3A_92 = arith.constant 0 : i32
      %dma_start3A_93 = tpu.memref_slice %arg7[%dma_start3A_91, %dma_start3A_92] : memref<125x128xf32, #tpu.memory_space<vmem>> -> memref<80x128xf32, #tpu.memory_space<vmem>>
      %dma_start3A_94 = arith.constant 0 : i32
      %dma_start3A_95 = tpu.memref_slice %arg9[%add3A_9, %dma_start3A_94] : memref<10000x128xf32, #tpu.memory_space<vmem_shared>> -> memref<80x128xf32, #tpu.memory_space<vmem_shared>>
      %dma_start3A_96 = arith.constant 0 : i32
      %dma_start3A_97 = tpu.memref_slice %arg9[%add3A_9, %dma_start3A_96] : memref<10000x128xf32, #tpu.memory_space<vmem_shared>> -> memref<80x128xf32, #tpu.memory_space<vmem_shared>>
      %dma_start3A_98 = arith.constant 0 : i32
      %dma_start3A_99 = arith.constant 0 : i32
      %dma_start3A_100 = tpu.memref_slice %arg7[%dma_start3A_98, %dma_start3A_99] : memref<125x128xf32, #tpu.memory_space<vmem>> -> memref<80x128xf32, #tpu.memory_space<vmem>>
      tpu.enqueue_dma source(%dma_start3A_100 : memref<80x128xf32, #tpu.memory_space<vmem>>) target(%dma_start3A_97 : memref<80x128xf32, #tpu.memory_space<vmem_shared>>) target_semaphore(%run_scoped3A_90 : memref<!tpu.dma_semaphore, #tpu.memory_space<semaphore_mem>>)
      %dma_wait3A = arith.constant 0 : i32
      %dma_wait3A_101 = arith.constant 0 : i32
      %dma_wait3A_102 = tpu.memref_slice %arg7[%dma_wait3A, %dma_wait3A_101] : memref<125x128xf32, #tpu.memory_space<vmem>> -> memref<80x128xf32, #tpu.memory_space<vmem>>
      %dma_wait3A_103 = arith.constant 0 : i32
      %dma_wait3A_104 = tpu.memref_slice %arg9[%add3A_9, %dma_wait3A_103] : memref<10000x128xf32, #tpu.memory_space<vmem_shared>> -> memref<80x128xf32, #tpu.memory_space<vmem_shared>>
      %dma_wait3A_105 = arith.constant 0 : i32
      %dma_wait3A_106 = tpu.memref_slice %arg9[%add3A_9, %dma_wait3A_105] : memref<10000x128xf32, #tpu.memory_space<vmem_shared>> -> memref<80x128xf32, #tpu.memory_space<vmem_shared>>
      %dma_wait3A_107 = arith.constant 0 : i32
      %dma_wait3A_108 = arith.constant 0 : i32
      %dma_wait3A_109 = tpu.memref_slice %arg7[%dma_wait3A_107, %dma_wait3A_108] : memref<125x128xf32, #tpu.memory_space<vmem>> -> memref<80x128xf32, #tpu.memory_space<vmem>>
      tpu.wait_dma2 semaphore(%run_scoped3A_90 : memref<!tpu.dma_semaphore, #tpu.memory_space<semaphore_mem>>) src(%dma_wait3A_109 : memref<80x128xf32, #tpu.memory_space<vmem>>) dst(%dma_wait3A_106 : memref<80x128xf32, #tpu.memory_space<vmem_shared>>)
      tpu.yield
    }) : () -> ()
    %mul3A_10 = arith.constant 640 : i32
    %mul3A_11 = arith.muli %arg1, %mul3A_10 : i32
    %add3A_12 = arith.constant 80 : i32
    %add3A_13 = arith.addi %mul3A_11, %add3A_12 : i32
    "tpu.region"() ({
      %run_scoped3A_90 = tpu.sem_alloc : memref<!tpu.dma_semaphore, #tpu.memory_space<semaphore_mem>>
      %dma_start3A_91 = arith.constant 0 : i32
      %dma_start3A_92 = arith.constant 0 : i32
      %dma_start3A_93 = tpu.memref_slice %arg7[%dma_start3A_91, %dma_start3A_92] : memref<125x128xf32, #tpu.memory_space<vmem>> -> memref<80x128xf32, #tpu.memory_space<vmem>>
      %dma_start3A_94 = arith.constant 0 : i32
      %dma_start3A_95 = tpu.memref_slice %arg9[%add3A_13, %dma_start3A_94] : memref<10000x128xf32, #tpu.memory_space<vmem_shared>> -> memref<80x128xf32, #tpu.memory_space<vmem_shared>>
      %dma_start3A_96 = arith.constant 0 : i32
      %dma_start3A_97 = tpu.memref_slice %arg9[%add3A_13, %dma_start3A_96] : memref<10000x128xf32, #tpu.memory_space<vmem_shared>> -> memref<80x128xf32, #tpu.memory_space<vmem_shared>>
      %dma_start3A_98 = arith.constant 0 : i32
      %dma_start3A_99 = arith.constant 0 : i32
      %dma_start3A_100 = tpu.memref_slice %arg7[%dma_start3A_98, %dma_start3A_99] : memref<125x128xf32, #tpu.memory_space<vmem>> -> memref<80x128xf32, #tpu.memory_space<vmem>>
      tpu.enqueue_dma source(%dma_start3A_100 : memref<80x128xf32, #tpu.memory_space<vmem>>) target(%dma_start3A_97 : memref<80x128xf32, #tpu.memory_space<vmem_shared>>) target_semaphore(%run_scoped3A_90 : memref<!tpu.dma_semaphore, #tpu.memory_space<semaphore_mem>>)
      %dma_wait3A = arith.constant 0 : i32
      %dma_wait3A_101 = arith.constant 0 : i32
      %dma_wait3A_102 = tpu.memref_slice %arg7[%dma_wait3A, %dma_wait3A_101] : memref<125x128xf32, #tpu.memory_space<vmem>> -> memref<80x128xf32, #tpu.memory_space<vmem>>
      %dma_wait3A_103 = arith.constant 0 : i32
      %dma_wait3A_104 = tpu.memref_slice %arg9[%add3A_13, %dma_wait3A_103] : memref<10000x128xf32, #tpu.memory_space<vmem_shared>> -> memref<80x128xf32, #tpu.memory_space<vmem_shared>>
      %dma_wait3A_105 = arith.constant 0 : i32
      %dma_wait3A_106 = tpu.memref_slice %arg9[%add3A_13, %dma_wait3A_105] : memref<10000x128xf32, #tpu.memory_space<vmem_shared>> -> memref<80x128xf32, #tpu.memory_space<vmem_shared>>
      %dma_wait3A_107 = arith.constant 0 : i32
      %dma_wait3A_108 = arith.constant 0 : i32
      %dma_wait3A_109 = tpu.memref_slice %arg7[%dma_wait3A_107, %dma_wait3A_108] : memref<125x128xf32, #tpu.memory_space<vmem>> -> memref<80x128xf32, #tpu.memory_space<vmem>>
      tpu.wait_dma2 semaphore(%run_scoped3A_90 : memref<!tpu.dma_semaphore, #tpu.memory_space<semaphore_mem>>) src(%dma_wait3A_109 : memref<80x128xf32, #tpu.memory_space<vmem>>) dst(%dma_wait3A_106 : memref<80x128xf32, #tpu.memory_space<vmem_shared>>)
      tpu.yield
    }) : () -> ()
    %mul3A_14 = arith.constant 640 : i32
    %mul3A_15 = arith.muli %arg1, %mul3A_14 : i32
    %add3A_16 = arith.constant 160 : i32
    %add3A_17 = arith.addi %mul3A_15, %add3A_16 : i32
    "tpu.region"() ({
      %run_scoped3A_90 = tpu.sem_alloc : memref<!tpu.dma_semaphore, #tpu.memory_space<semaphore_mem>>
      %dma_start3A_91 = arith.constant 0 : i32
      %dma_start3A_92 = arith.constant 0 : i32
      %dma_start3A_93 = tpu.memref_slice %arg7[%dma_start3A_91, %dma_start3A_92] : memref<125x128xf32, #tpu.memory_space<vmem>> -> memref<80x128xf32, #tpu.memory_space<vmem>>
      %dma_start3A_94 = arith.constant 0 : i32
      %dma_start3A_95 = tpu.memref_slice %arg9[%add3A_17, %dma_start3A_94] : memref<10000x128xf32, #tpu.memory_space<vmem_shared>> -> memref<80x128xf32, #tpu.memory_space<vmem_shared>>
      %dma_start3A_96 = arith.constant 0 : i32
      %dma_start3A_97 = tpu.memref_slice %arg9[%add3A_17, %dma_start3A_96] : memref<10000x128xf32, #tpu.memory_space<vmem_shared>> -> memref<80x128xf32, #tpu.memory_space<vmem_shared>>
      %dma_start3A_98 = arith.constant 0 : i32
      %dma_start3A_99 = arith.constant 0 : i32
      %dma_start3A_100 = tpu.memref_slice %arg7[%dma_start3A_98, %dma_start3A_99] : memref<125x128xf32, #tpu.memory_space<vmem>> -> memref<80x128xf32, #tpu.memory_space<vmem>>
      tpu.enqueue_dma source(%dma_start3A_100 : memref<80x128xf32, #tpu.memory_space<vmem>>) target(%dma_start3A_97 : memref<80x128xf32, #tpu.memory_space<vmem_shared>>) target_semaphore(%run_scoped3A_90 : memref<!tpu.dma_semaphore, #tpu.memory_space<semaphore_mem>>)
      %dma_wait3A = arith.constant 0 : i32
      %dma_wait3A_101 = arith.constant 0 : i32
      %dma_wait3A_102 = tpu.memref_slice %arg7[%dma_wait3A, %dma_wait3A_101] : memref<125x128xf32, #tpu.memory_space<vmem>> -> memref<80x128xf32, #tpu.memory_space<vmem>>
      %dma_wait3A_103 = arith.constant 0 : i32
      %dma_wait3A_104 = tpu.memref_slice %arg9[%add3A_17, %dma_wait3A_103] : memref<10000x128xf32, #tpu.memory_space<vmem_shared>> -> memref<80x128xf32, #tpu.memory_space<vmem_shared>>
      %dma_wait3A_105 = arith.constant 0 : i32
      %dma_wait3A_106 = tpu.memref_slice %arg9[%add3A_17, %dma_wait3A_105] : memref<10000x128xf32, #tpu.memory_space<vmem_shared>> -> memref<80x128xf32, #tpu.memory_space<vmem_shared>>
      %dma_wait3A_107 = arith.constant 0 : i32
      %dma_wait3A_108 = arith.constant 0 : i32
      %dma_wait3A_109 = tpu.memref_slice %arg7[%dma_wait3A_107, %dma_wait3A_108] : memref<125x128xf32, #tpu.memory_space<vmem>> -> memref<80x128xf32, #tpu.memory_space<vmem>>
      tpu.wait_dma2 semaphore(%run_scoped3A_90 : memref<!tpu.dma_semaphore, #tpu.memory_space<semaphore_mem>>) src(%dma_wait3A_109 : memref<80x128xf32, #tpu.memory_space<vmem>>) dst(%dma_wait3A_106 : memref<80x128xf32, #tpu.memory_space<vmem_shared>>)
      tpu.yield
    }) : () -> ()
    %mul3A_18 = arith.constant 640 : i32
    %mul3A_19 = arith.muli %arg1, %mul3A_18 : i32
    %add3A_20 = arith.constant 240 : i32
    %add3A_21 = arith.addi %mul3A_19, %add3A_20 : i32
    "tpu.region"() ({
      %run_scoped3A_90 = tpu.sem_alloc : memref<!tpu.dma_semaphore, #tpu.memory_space<semaphore_mem>>
      %dma_start3A_91 = arith.constant 0 : i32
      %dma_start3A_92 = arith.constant 0 : i32
      %dma_start3A_93 = tpu.memref_slice %arg7[%dma_start3A_91, %dma_start3A_92] : memref<125x128xf32, #tpu.memory_space<vmem>> -> memref<80x128xf32, #tpu.memory_space<vmem>>
      %dma_start3A_94 = arith.constant 0 : i32
      %dma_start3A_95 = tpu.memref_slice %arg9[%add3A_21, %dma_start3A_94] : memref<10000x128xf32, #tpu.memory_space<vmem_shared>> -> memref<80x128xf32, #tpu.memory_space<vmem_shared>>
      %dma_start3A_96 = arith.constant 0 : i32
      %dma_start3A_97 = tpu.memref_slice %arg9[%add3A_21, %dma_start3A_96] : memref<10000x128xf32, #tpu.memory_space<vmem_shared>> -> memref<80x128xf32, #tpu.memory_space<vmem_shared>>
      %dma_start3A_98 = arith.constant 0 : i32
      %dma_start3A_99 = arith.constant 0 : i32
      %dma_start3A_100 = tpu.memref_slice %arg7[%dma_start3A_98, %dma_start3A_99] : memref<125x128xf32, #tpu.memory_space<vmem>> -> memref<80x128xf32, #tpu.memory_space<vmem>>
      tpu.enqueue_dma source(%dma_start3A_100 : memref<80x128xf32, #tpu.memory_space<vmem>>) target(%dma_start3A_97 : memref<80x128xf32, #tpu.memory_space<vmem_shared>>) target_semaphore(%run_scoped3A_90 : memref<!tpu.dma_semaphore, #tpu.memory_space<semaphore_mem>>)
      %dma_wait3A = arith.constant 0 : i32
      %dma_wait3A_101 = arith.constant 0 : i32
      %dma_wait3A_102 = tpu.memref_slice %arg7[%dma_wait3A, %dma_wait3A_101] : memref<125x128xf32, #tpu.memory_space<vmem>> -> memref<80x128xf32, #tpu.memory_space<vmem>>
      %dma_wait3A_103 = arith.constant 0 : i32
      %dma_wait3A_104 = tpu.memref_slice %arg9[%add3A_21, %dma_wait3A_103] : memref<10000x128xf32, #tpu.memory_space<vmem_shared>> -> memref<80x128xf32, #tpu.memory_space<vmem_shared>>
      %dma_wait3A_105 = arith.constant 0 : i32
      %dma_wait3A_106 = tpu.memref_slice %arg9[%add3A_21, %dma_wait3A_105] : memref<10000x128xf32, #tpu.memory_space<vmem_shared>> -> memref<80x128xf32, #tpu.memory_space<vmem_shared>>
      %dma_wait3A_107 = arith.constant 0 : i32
      %dma_wait3A_108 = arith.constant 0 : i32
      %dma_wait3A_109 = tpu.memref_slice %arg7[%dma_wait3A_107, %dma_wait3A_108] : memref<125x128xf32, #tpu.memory_space<vmem>> -> memref<80x128xf32, #tpu.memory_space<vmem>>
      tpu.wait_dma2 semaphore(%run_scoped3A_90 : memref<!tpu.dma_semaphore, #tpu.memory_space<semaphore_mem>>) src(%dma_wait3A_109 : memref<80x128xf32, #tpu.memory_space<vmem>>) dst(%dma_wait3A_106 : memref<80x128xf32, #tpu.memory_space<vmem_shared>>)
      tpu.yield
    }) : () -> ()
    %mul3A_22 = arith.constant 640 : i32
    %mul3A_23 = arith.muli %arg1, %mul3A_22 : i32
    %add3A_24 = arith.constant 320 : i32
    %add3A_25 = arith.addi %mul3A_23, %add3A_24 : i32
    "tpu.region"() ({
      %run_scoped3A_90 = tpu.sem_alloc : memref<!tpu.dma_semaphore, #tpu.memory_space<semaphore_mem>>
      %dma_start3A_91 = arith.constant 0 : i32
      %dma_start3A_92 = arith.constant 0 : i32
      %dma_start3A_93 = tpu.memref_slice %arg7[%dma_start3A_91, %dma_start3A_92] : memref<125x128xf32, #tpu.memory_space<vmem>> -> memref<80x128xf32, #tpu.memory_space<vmem>>
      %dma_start3A_94 = arith.constant 0 : i32
      %dma_start3A_95 = tpu.memref_slice %arg9[%add3A_25, %dma_start3A_94] : memref<10000x128xf32, #tpu.memory_space<vmem_shared>> -> memref<80x128xf32, #tpu.memory_space<vmem_shared>>
      %dma_start3A_96 = arith.constant 0 : i32
      %dma_start3A_97 = tpu.memref_slice %arg9[%add3A_25, %dma_start3A_96] : memref<10000x128xf32, #tpu.memory_space<vmem_shared>> -> memref<80x128xf32, #tpu.memory_space<vmem_shared>>
      %dma_start3A_98 = arith.constant 0 : i32
      %dma_start3A_99 = arith.constant 0 : i32
      %dma_start3A_100 = tpu.memref_slice %arg7[%dma_start3A_98, %dma_start3A_99] : memref<125x128xf32, #tpu.memory_space<vmem>> -> memref<80x128xf32, #tpu.memory_space<vmem>>
      tpu.enqueue_dma source(%dma_start3A_100 : memref<80x128xf32, #tpu.memory_space<vmem>>) target(%dma_start3A_97 : memref<80x128xf32, #tpu.memory_space<vmem_shared>>) target_semaphore(%run_scoped3A_90 : memref<!tpu.dma_semaphore, #tpu.memory_space<semaphore_mem>>)
      %dma_wait3A = arith.constant 0 : i32
      %dma_wait3A_101 = arith.constant 0 : i32
      %dma_wait3A_102 = tpu.memref_slice %arg7[%dma_wait3A, %dma_wait3A_101] : memref<125x128xf32, #tpu.memory_space<vmem>> -> memref<80x128xf32, #tpu.memory_space<vmem>>
      %dma_wait3A_103 = arith.constant 0 : i32
      %dma_wait3A_104 = tpu.memref_slice %arg9[%add3A_25, %dma_wait3A_103] : memref<10000x128xf32, #tpu.memory_space<vmem_shared>> -> memref<80x128xf32, #tpu.memory_space<vmem_shared>>
      %dma_wait3A_105 = arith.constant 0 : i32
      %dma_wait3A_106 = tpu.memref_slice %arg9[%add3A_25, %dma_wait3A_105] : memref<10000x128xf32, #tpu.memory_space<vmem_shared>> -> memref<80x128xf32, #tpu.memory_space<vmem_shared>>
      %dma_wait3A_107 = arith.constant 0 : i32
      %dma_wait3A_108 = arith.constant 0 : i32
      %dma_wait3A_109 = tpu.memref_slice %arg7[%dma_wait3A_107, %dma_wait3A_108] : memref<125x128xf32, #tpu.memory_space<vmem>> -> memref<80x128xf32, #tpu.memory_space<vmem>>
      tpu.wait_dma2 semaphore(%run_scoped3A_90 : memref<!tpu.dma_semaphore, #tpu.memory_space<semaphore_mem>>) src(%dma_wait3A_109 : memref<80x128xf32, #tpu.memory_space<vmem>>) dst(%dma_wait3A_106 : memref<80x128xf32, #tpu.memory_space<vmem_shared>>)
      tpu.yield
    }) : () -> ()
    %lt3A = arith.constant 15 : i32
    %lt3A_26 = arith.cmpi slt, %arg1, %lt3A : i32
    %convert_element_type3A = arith.extui %lt3A_26 : i1 to i32
    %cond3A = arith.constant 0 : i32
    %cond3A_27 = arith.cmpi ne, %convert_element_type3A, %cond3A : i32
    scf.if %cond3A_27 {
      %mul3A_90 = arith.constant 640 : i32
      %mul3A_91 = arith.muli %arg1, %mul3A_90 : i32
      %add3A_92 = arith.constant 400 : i32
      %add3A_93 = arith.addi %mul3A_91, %add3A_92 : i32
      "tpu.region"() ({
        %run_scoped3A_102 = tpu.sem_alloc : memref<!tpu.dma_semaphore, #tpu.memory_space<semaphore_mem>>
        %dma_start3A_103 = arith.constant 0 : i32
        %dma_start3A_104 = arith.constant 0 : i32
        %dma_start3A_105 = tpu.memref_slice %arg7[%dma_start3A_103, %dma_start3A_104] : memref<125x128xf32, #tpu.memory_space<vmem>> -> memref<80x128xf32, #tpu.memory_space<vmem>>
        %dma_start3A_106 = arith.constant 0 : i32
        %dma_start3A_107 = tpu.memref_slice %arg9[%add3A_93, %dma_start3A_106] : memref<10000x128xf32, #tpu.memory_space<vmem_shared>> -> memref<80x128xf32, #tpu.memory_space<vmem_shared>>
        %dma_start3A_108 = arith.constant 0 : i32
        %dma_start3A_109 = tpu.memref_slice %arg9[%add3A_93, %dma_start3A_108] : memref<10000x128xf32, #tpu.memory_space<vmem_shared>> -> memref<80x128xf32, #tpu.memory_space<vmem_shared>>
        %dma_start3A_110 = arith.constant 0 : i32
        %dma_start3A_111 = arith.constant 0 : i32
        %dma_start3A_112 = tpu.memref_slice %arg7[%dma_start3A_110, %dma_start3A_111] : memref<125x128xf32, #tpu.memory_space<vmem>> -> memref<80x128xf32, #tpu.memory_space<vmem>>
        tpu.enqueue_dma source(%dma_start3A_112 : memref<80x128xf32, #tpu.memory_space<vmem>>) target(%dma_start3A_109 : memref<80x128xf32, #tpu.memory_space<vmem_shared>>) target_semaphore(%run_scoped3A_102 : memref<!tpu.dma_semaphore, #tpu.memory_space<semaphore_mem>>)
        %dma_wait3A = arith.constant 0 : i32
        %dma_wait3A_113 = arith.constant 0 : i32
        %dma_wait3A_114 = tpu.memref_slice %arg7[%dma_wait3A, %dma_wait3A_113] : memref<125x128xf32, #tpu.memory_space<vmem>> -> memref<80x128xf32, #tpu.memory_space<vmem>>
        %dma_wait3A_115 = arith.constant 0 : i32
        %dma_wait3A_116 = tpu.memref_slice %arg9[%add3A_93, %dma_wait3A_115] : memref<10000x128xf32, #tpu.memory_space<vmem_shared>> -> memref<80x128xf32, #tpu.memory_space<vmem_shared>>
        %dma_wait3A_117 = arith.constant 0 : i32
        %dma_wait3A_118 = tpu.memref_slice %arg9[%add3A_93, %dma_wait3A_117] : memref<10000x128xf32, #tpu.memory_space<vmem_shared>> -> memref<80x128xf32, #tpu.memory_space<vmem_shared>>
        %dma_wait3A_119 = arith.constant 0 : i32
        %dma_wait3A_120 = arith.constant 0 : i32
        %dma_wait3A_121 = tpu.memref_slice %arg7[%dma_wait3A_119, %dma_wait3A_120] : memref<125x128xf32, #tpu.memory_space<vmem>> -> memref<80x128xf32, #tpu.memory_space<vmem>>
        tpu.wait_dma2 semaphore(%run_scoped3A_102 : memref<!tpu.dma_semaphore, #tpu.memory_space<semaphore_mem>>) src(%dma_wait3A_121 : memref<80x128xf32, #tpu.memory_space<vmem>>) dst(%dma_wait3A_118 : memref<80x128xf32, #tpu.memory_space<vmem_shared>>)
        tpu.yield
      }) : () -> ()
      %mul3A_94 = arith.constant 640 : i32
      %mul3A_95 = arith.muli %arg1, %mul3A_94 : i32
      %add3A_96 = arith.constant 480 : i32
      %add3A_97 = arith.addi %mul3A_95, %add3A_96 : i32
      "tpu.region"() ({
        %run_scoped3A_102 = tpu.sem_alloc : memref<!tpu.dma_semaphore, #tpu.memory_space<semaphore_mem>>
        %dma_start3A_103 = arith.constant 0 : i32
        %dma_start3A_104 = arith.constant 0 : i32
        %dma_start3A_105 = tpu.memref_slice %arg7[%dma_start3A_103, %dma_start3A_104] : memref<125x128xf32, #tpu.memory_space<vmem>> -> memref<80x128xf32, #tpu.memory_space<vmem>>
        %dma_start3A_106 = arith.constant 0 : i32
        %dma_start3A_107 = tpu.memref_slice %arg9[%add3A_97, %dma_start3A_106] : memref<10000x128xf32, #tpu.memory_space<vmem_shared>> -> memref<80x128xf32, #tpu.memory_space<vmem_shared>>
        %dma_start3A_108 = arith.constant 0 : i32
        %dma_start3A_109 = tpu.memref_slice %arg9[%add3A_97, %dma_start3A_108] : memref<10000x128xf32, #tpu.memory_space<vmem_shared>> -> memref<80x128xf32, #tpu.memory_space<vmem_shared>>
        %dma_start3A_110 = arith.constant 0 : i32
        %dma_start3A_111 = arith.constant 0 : i32
        %dma_start3A_112 = tpu.memref_slice %arg7[%dma_start3A_110, %dma_start3A_111] : memref<125x128xf32, #tpu.memory_space<vmem>> -> memref<80x128xf32, #tpu.memory_space<vmem>>
        tpu.enqueue_dma source(%dma_start3A_112 : memref<80x128xf32, #tpu.memory_space<vmem>>) target(%dma_start3A_109 : memref<80x128xf32, #tpu.memory_space<vmem_shared>>) target_semaphore(%run_scoped3A_102 : memref<!tpu.dma_semaphore, #tpu.memory_space<semaphore_mem>>)
        %dma_wait3A = arith.constant 0 : i32
        %dma_wait3A_113 = arith.constant 0 : i32
        %dma_wait3A_114 = tpu.memref_slice %arg7[%dma_wait3A, %dma_wait3A_113] : memref<125x128xf32, #tpu.memory_space<vmem>> -> memref<80x128xf32, #tpu.memory_space<vmem>>
        %dma_wait3A_115 = arith.constant 0 : i32
        %dma_wait3A_116 = tpu.memref_slice %arg9[%add3A_97, %dma_wait3A_115] : memref<10000x128xf32, #tpu.memory_space<vmem_shared>> -> memref<80x128xf32, #tpu.memory_space<vmem_shared>>
        %dma_wait3A_117 = arith.constant 0 : i32
        %dma_wait3A_118 = tpu.memref_slice %arg9[%add3A_97, %dma_wait3A_117] : memref<10000x128xf32, #tpu.memory_space<vmem_shared>> -> memref<80x128xf32, #tpu.memory_space<vmem_shared>>
        %dma_wait3A_119 = arith.constant 0 : i32
        %dma_wait3A_120 = arith.constant 0 : i32
        %dma_wait3A_121 = tpu.memref_slice %arg7[%dma_wait3A_119, %dma_wait3A_120] : memref<125x128xf32, #tpu.memory_space<vmem>> -> memref<80x128xf32, #tpu.memory_space<vmem>>
        tpu.wait_dma2 semaphore(%run_scoped3A_102 : memref<!tpu.dma_semaphore, #tpu.memory_space<semaphore_mem>>) src(%dma_wait3A_121 : memref<80x128xf32, #tpu.memory_space<vmem>>) dst(%dma_wait3A_118 : memref<80x128xf32, #tpu.memory_space<vmem_shared>>)
        tpu.yield
      }) : () -> ()
      %mul3A_98 = arith.constant 640 : i32
      %mul3A_99 = arith.muli %arg1, %mul3A_98 : i32
      %add3A_100 = arith.constant 560 : i32
      %add3A_101 = arith.addi %mul3A_99, %add3A_100 : i32
      "tpu.region"() ({
        %run_scoped3A_102 = tpu.sem_alloc : memref<!tpu.dma_semaphore, #tpu.memory_space<semaphore_mem>>
        %dma_start3A_103 = arith.constant 0 : i32
        %dma_start3A_104 = arith.constant 0 : i32
        %dma_start3A_105 = tpu.memref_slice %arg7[%dma_start3A_103, %dma_start3A_104] : memref<125x128xf32, #tpu.memory_space<vmem>> -> memref<80x128xf32, #tpu.memory_space<vmem>>
        %dma_start3A_106 = arith.constant 0 : i32
        %dma_start3A_107 = tpu.memref_slice %arg9[%add3A_101, %dma_start3A_106] : memref<10000x128xf32, #tpu.memory_space<vmem_shared>> -> memref<80x128xf32, #tpu.memory_space<vmem_shared>>
        %dma_start3A_108 = arith.constant 0 : i32
        %dma_start3A_109 = tpu.memref_slice %arg9[%add3A_101, %dma_start3A_108] : memref<10000x128xf32, #tpu.memory_space<vmem_shared>> -> memref<80x128xf32, #tpu.memory_space<vmem_shared>>
        %dma_start3A_110 = arith.constant 0 : i32
        %dma_start3A_111 = arith.constant 0 : i32
        %dma_start3A_112 = tpu.memref_slice %arg7[%dma_start3A_110, %dma_start3A_111] : memref<125x128xf32, #tpu.memory_space<vmem>> -> memref<80x128xf32, #tpu.memory_space<vmem>>
        tpu.enqueue_dma source(%dma_start3A_112 : memref<80x128xf32, #tpu.memory_space<vmem>>) target(%dma_start3A_109 : memref<80x128xf32, #tpu.memory_space<vmem_shared>>) target_semaphore(%run_scoped3A_102 : memref<!tpu.dma_semaphore, #tpu.memory_space<semaphore_mem>>)
        %dma_wait3A = arith.constant 0 : i32
        %dma_wait3A_113 = arith.constant 0 : i32
        %dma_wait3A_114 = tpu.memref_slice %arg7[%dma_wait3A, %dma_wait3A_113] : memref<125x128xf32, #tpu.memory_space<vmem>> -> memref<80x128xf32, #tpu.memory_space<vmem>>
        %dma_wait3A_115 = arith.constant 0 : i32
        %dma_wait3A_116 = tpu.memref_slice %arg9[%add3A_101, %dma_wait3A_115] : memref<10000x128xf32, #tpu.memory_space<vmem_shared>> -> memref<80x128xf32, #tpu.memory_space<vmem_shared>>
        %dma_wait3A_117 = arith.constant 0 : i32
        %dma_wait3A_118 = tpu.memref_slice %arg9[%add3A_101, %dma_wait3A_117] : memref<10000x128xf32, #tpu.memory_space<vmem_shared>> -> memref<80x128xf32, #tpu.memory_space<vmem_shared>>
        %dma_wait3A_119 = arith.constant 0 : i32
        %dma_wait3A_120 = arith.constant 0 : i32
        %dma_wait3A_121 = tpu.memref_slice %arg7[%dma_wait3A_119, %dma_wait3A_120] : memref<125x128xf32, #tpu.memory_space<vmem>> -> memref<80x128xf32, #tpu.memory_space<vmem>>
        tpu.wait_dma2 semaphore(%run_scoped3A_102 : memref<!tpu.dma_semaphore, #tpu.memory_space<semaphore_mem>>) src(%dma_wait3A_121 : memref<80x128xf32, #tpu.memory_space<vmem>>) dst(%dma_wait3A_118 : memref<80x128xf32, #tpu.memory_space<vmem_shared>>)
        tpu.yield
      }) : () -> ()
    } else {
    }
    %barrier3A = arith.constant 0 : index
    tpu.barrier barrier_id(%barrier3A)
    %run_scoped3A = arith.constant 0 : i32
    "tpu.region"() ({
      %run_scoped3A_90 = tpu.sem_alloc : memref<!tpu.dma_semaphore, #tpu.memory_space<semaphore_mem>>
      %dma_start3A_91 = arith.constant 0 : i32
      %dma_start3A_92 = arith.constant 0 : i32
      %dma_start3A_93 = arith.constant 0 : i32
      %dma_start3A_94 = arith.constant 0 : i32
      %dma_start3A_95 = tpu.memref_slice %arg2[%add3A, %dma_start3A_91, %dma_start3A_92, %dma_start3A_93, %dma_start3A_94] : memref<32x40x2x2x125xi32, #tpu.memory_space<hbm>> -> memref<1x40x2x2x125xi32, #tpu.memory_space<hbm>>
      %dma_start3A_96 = tpu.memref_squeeze %dma_start3A_95 : memref<1x40x2x2x125xi32, #tpu.memory_space<hbm>> -> memref<40x2x2x125xi32, #tpu.memory_space<hbm>>
      %dma_start3A_97 = arith.constant 0 : i32
      %dma_start3A_98 = arith.constant 0 : i32
      %dma_start3A_99 = arith.constant 0 : i32
      %dma_start3A_100 = tpu.memref_slice %dma_start3A_96[%run_scoped3A, %dma_start3A_97, %dma_start3A_98, %dma_start3A_99] : memref<40x2x2x125xi32, #tpu.memory_space<hbm>> -> memref<1x2x2x125xi32, #tpu.memory_space<hbm>>
      %dma_start3A_101 = tpu.memref_squeeze %dma_start3A_100 : memref<1x2x2x125xi32, #tpu.memory_space<hbm>> -> memref<2x2x125xi32, #tpu.memory_space<hbm>>
      %dma_start3A_102 = arith.constant 0 : i32
      %dma_start3A_103 = arith.constant 0 : i32
      %dma_start3A_104 = arith.constant 0 : i32
      %dma_start3A_105 = arith.constant 0 : i32
      %dma_start3A_106 = tpu.memref_slice %arg2[%add3A, %dma_start3A_102, %dma_start3A_103, %dma_start3A_104, %dma_start3A_105] : memref<32x40x2x2x125xi32, #tpu.memory_space<hbm>> -> memref<1x40x2x2x125xi32, #tpu.memory_space<hbm>>
      %dma_start3A_107 = tpu.memref_squeeze %dma_start3A_106 : memref<1x40x2x2x125xi32, #tpu.memory_space<hbm>> -> memref<40x2x2x125xi32, #tpu.memory_space<hbm>>
      %dma_start3A_108 = arith.constant 0 : i32
      %dma_start3A_109 = arith.constant 0 : i32
      %dma_start3A_110 = arith.constant 0 : i32
      %dma_start3A_111 = tpu.memref_slice %dma_start3A_107[%run_scoped3A, %dma_start3A_108, %dma_start3A_109, %dma_start3A_110] : memref<40x2x2x125xi32, #tpu.memory_space<hbm>> -> memref<1x2x2x125xi32, #tpu.memory_space<hbm>>
      %dma_start3A_112 = tpu.memref_squeeze %dma_start3A_111 : memref<1x2x2x125xi32, #tpu.memory_space<hbm>> -> memref<2x2x125xi32, #tpu.memory_space<hbm>>
      tpu.enqueue_dma source(%dma_start3A_112 : memref<2x2x125xi32, #tpu.memory_space<hbm>>) target(%arg5 : memref<2x2x125xi32, #tpu.memory_space<vmem>>) target_semaphore(%run_scoped3A_90 : memref<!tpu.dma_semaphore, #tpu.memory_space<semaphore_mem>>)
      %dma_wait3A = arith.constant 0 : i32
      %dma_wait3A_113 = arith.constant 0 : i32
      %dma_wait3A_114 = arith.constant 0 : i32
      %dma_wait3A_115 = arith.constant 0 : i32
      %dma_wait3A_116 = tpu.memref_slice %arg2[%add3A, %dma_wait3A, %dma_wait3A_113, %dma_wait3A_114, %dma_wait3A_115] : memref<32x40x2x2x125xi32, #tpu.memory_space<hbm>> -> memref<1x40x2x2x125xi32, #tpu.memory_space<hbm>>
      %dma_wait3A_117 = tpu.memref_squeeze %dma_wait3A_116 : memref<1x40x2x2x125xi32, #tpu.memory_space<hbm>> -> memref<40x2x2x125xi32, #tpu.memory_space<hbm>>
      %dma_wait3A_118 = arith.constant 0 : i32
      %dma_wait3A_119 = arith.constant 0 : i32
      %dma_wait3A_120 = arith.constant 0 : i32
      %dma_wait3A_121 = tpu.memref_slice %dma_wait3A_117[%run_scoped3A, %dma_wait3A_118, %dma_wait3A_119, %dma_wait3A_120] : memref<40x2x2x125xi32, #tpu.memory_space<hbm>> -> memref<1x2x2x125xi32, #tpu.memory_space<hbm>>
      %dma_wait3A_122 = tpu.memref_squeeze %dma_wait3A_121 : memref<1x2x2x125xi32, #tpu.memory_space<hbm>> -> memref<2x2x125xi32, #tpu.memory_space<hbm>>
      %dma_wait3A_123 = arith.constant 0 : i32
      %dma_wait3A_124 = arith.constant 0 : i32
      %dma_wait3A_125 = arith.constant 0 : i32
      %dma_wait3A_126 = arith.constant 0 : i32
      %dma_wait3A_127 = tpu.memref_slice %arg2[%add3A, %dma_wait3A_123, %dma_wait3A_124, %dma_wait3A_125, %dma_wait3A_126] : memref<32x40x2x2x125xi32, #tpu.memory_space<hbm>> -> memref<1x40x2x2x125xi32, #tpu.memory_space<hbm>>
      %dma_wait3A_128 = tpu.memref_squeeze %dma_wait3A_127 : memref<1x40x2x2x125xi32, #tpu.memory_space<hbm>> -> memref<40x2x2x125xi32, #tpu.memory_space<hbm>>
      %dma_wait3A_129 = arith.constant 0 : i32
      %dma_wait3A_130 = arith.constant 0 : i32
      %dma_wait3A_131 = arith.constant 0 : i32
      %dma_wait3A_132 = tpu.memref_slice %dma_wait3A_128[%run_scoped3A, %dma_wait3A_129, %dma_wait3A_130, %dma_wait3A_131] : memref<40x2x2x125xi32, #tpu.memory_space<hbm>> -> memref<1x2x2x125xi32, #tpu.memory_space<hbm>>
      %dma_wait3A_133 = tpu.memref_squeeze %dma_wait3A_132 : memref<1x2x2x125xi32, #tpu.memory_space<hbm>> -> memref<2x2x125xi32, #tpu.memory_space<hbm>>
      tpu.wait_dma2 semaphore(%run_scoped3A_90 : memref<!tpu.dma_semaphore, #tpu.memory_space<semaphore_mem>>) src(%dma_wait3A_133 : memref<2x2x125xi32, #tpu.memory_space<hbm>>) dst(%arg5 : memref<2x2x125xi32, #tpu.memory_space<vmem>>)
      tpu.yield
    }) : () -> ()
    %dma_start3A = arith.constant 0 : i32
    %dma_start3A_28 = arith.constant 0 : i32
    %dma_start3A_29 = arith.constant 0 : i32
    %dma_start3A_30 = arith.constant 0 : i32
    %dma_start3A_31 = tpu.memref_slice %arg5[%dma_start3A, %dma_start3A_29, %dma_start3A_30] : memref<2x2x125xi32, #tpu.memory_space<vmem>> -> memref<1x2x125xi32, #tpu.memory_space<vmem>>
    %dma_start3A_32 = tpu.memref_squeeze %dma_start3A_31 : memref<1x2x125xi32, #tpu.memory_space<vmem>> -> memref<2x125xi32, #tpu.memory_space<vmem>>
    %dma_start3A_33 = arith.constant 0 : i32
    %dma_start3A_34 = tpu.memref_slice %dma_start3A_32[%dma_start3A_28, %dma_start3A_33] : memref<2x125xi32, #tpu.memory_space<vmem>> -> memref<1x125xi32, #tpu.memory_space<vmem>>
    %dma_start3A_35 = tpu.memref_squeeze %dma_start3A_34 : memref<1x125xi32, #tpu.memory_space<vmem>> -> memref<125xi32, #tpu.memory_space<vmem>>
    %dma_start3A_36 = arith.constant 0 : i32
    %dma_start3A_37 = arith.constant 0 : i32
    %dma_start3A_38 = tpu.memref_slice %arg3[%dma_start3A_36, %dma_start3A_37] : memref<10000x128xf32, #tpu.memory_space<hbm>> -> memref<10000x128xf32, #tpu.memory_space<hbm>>
    tpu.enqueue_indirect_dma source(%dma_start3A_38 : memref<10000x128xf32, #tpu.memory_space<hbm>>) target(%arg7 : memref<125x128xf32, #tpu.memory_space<vmem>>) offsets(%dma_start3A_35 : memref<125xi32, #tpu.memory_space<vmem>>) semaphore(%arg10 : memref<!tpu.dma_semaphore, #tpu.memory_space<semaphore_mem>>)
    %dma_start3A_39 = arith.constant 1 : i32
    %dma_start3A_40 = arith.constant 0 : i32
    %dma_start3A_41 = arith.constant 0 : i32
    %dma_start3A_42 = arith.constant 0 : i32
    %dma_start3A_43 = tpu.memref_slice %arg5[%dma_start3A_39, %dma_start3A_41, %dma_start3A_42] : memref<2x2x125xi32, #tpu.memory_space<vmem>> -> memref<1x2x125xi32, #tpu.memory_space<vmem>>
    %dma_start3A_44 = tpu.memref_squeeze %dma_start3A_43 : memref<1x2x125xi32, #tpu.memory_space<vmem>> -> memref<2x125xi32, #tpu.memory_space<vmem>>
    %dma_start3A_45 = arith.constant 0 : i32
    %dma_start3A_46 = tpu.memref_slice %dma_start3A_44[%dma_start3A_40, %dma_start3A_45] : memref<2x125xi32, #tpu.memory_space<vmem>> -> memref<1x125xi32, #tpu.memory_space<vmem>>
    %dma_start3A_47 = tpu.memref_squeeze %dma_start3A_46 : memref<1x125xi32, #tpu.memory_space<vmem>> -> memref<125xi32, #tpu.memory_space<vmem>>
    %dma_start3A_48 = arith.constant 0 : i32
    %dma_start3A_49 = arith.constant 0 : i32
    %dma_start3A_50 = tpu.memref_slice %arg3[%dma_start3A_48, %dma_start3A_49] : memref<10000x128xf32, #tpu.memory_space<hbm>> -> memref<10000x128xf32, #tpu.memory_space<hbm>>
    tpu.enqueue_indirect_dma source(%dma_start3A_50 : memref<10000x128xf32, #tpu.memory_space<hbm>>) target(%arg8 : memref<125x128xf32, #tpu.memory_space<vmem>>) offsets(%dma_start3A_47 : memref<125xi32, #tpu.memory_space<vmem>>) semaphore(%arg11 : memref<!tpu.dma_semaphore, #tpu.memory_space<semaphore_mem>>)
    %dma_start3A_51 = arith.constant 1 : i32
    %dma_start3A_52 = arith.constant 0 : i32
    %dma_start3A_53 = arith.constant 0 : i32
    %dma_start3A_54 = arith.constant 0 : i32
    %dma_start3A_55 = arith.constant 0 : i32
    %dma_start3A_56 = tpu.memref_slice %arg2[%add3A, %dma_start3A_52, %dma_start3A_53, %dma_start3A_54, %dma_start3A_55] : memref<32x40x2x2x125xi32, #tpu.memory_space<hbm>> -> memref<1x40x2x2x125xi32, #tpu.memory_space<hbm>>
    %dma_start3A_57 = tpu.memref_squeeze %dma_start3A_56 : memref<1x40x2x2x125xi32, #tpu.memory_space<hbm>> -> memref<40x2x2x125xi32, #tpu.memory_space<hbm>>
    %dma_start3A_58 = arith.constant 0 : i32
    %dma_start3A_59 = arith.constant 0 : i32
    %dma_start3A_60 = arith.constant 0 : i32
    %dma_start3A_61 = tpu.memref_slice %dma_start3A_57[%dma_start3A_51, %dma_start3A_58, %dma_start3A_59, %dma_start3A_60] : memref<40x2x2x125xi32, #tpu.memory_space<hbm>> -> memref<1x2x2x125xi32, #tpu.memory_space<hbm>>
    %dma_start3A_62 = tpu.memref_squeeze %dma_start3A_61 : memref<1x2x2x125xi32, #tpu.memory_space<hbm>> -> memref<2x2x125xi32, #tpu.memory_space<hbm>>
    %dma_start3A_63 = arith.constant 0 : i32
    %dma_start3A_64 = arith.constant 0 : i32
    %dma_start3A_65 = arith.constant 0 : i32
    %dma_start3A_66 = arith.constant 0 : i32
    %dma_start3A_67 = tpu.memref_slice %arg2[%add3A, %dma_start3A_63, %dma_start3A_64, %dma_start3A_65, %dma_start3A_66] : memref<32x40x2x2x125xi32, #tpu.memory_space<hbm>> -> memref<1x40x2x2x125xi32, #tpu.memory_space<hbm>>
    %dma_start3A_68 = tpu.memref_squeeze %dma_start3A_67 : memref<1x40x2x2x125xi32, #tpu.memory_space<hbm>> -> memref<40x2x2x125xi32, #tpu.memory_space<hbm>>
    %dma_start3A_69 = arith.constant 0 : i32
    %dma_start3A_70 = arith.constant 0 : i32
    %dma_start3A_71 = arith.constant 0 : i32
    %dma_start3A_72 = tpu.memref_slice %dma_start3A_68[%dma_start3A_51, %dma_start3A_69, %dma_start3A_70, %dma_start3A_71] : memref<40x2x2x125xi32, #tpu.memory_space<hbm>> -> memref<1x2x2x125xi32, #tpu.memory_space<hbm>>
    %dma_start3A_73 = tpu.memref_squeeze %dma_start3A_72 : memref<1x2x2x125xi32, #tpu.memory_space<hbm>> -> memref<2x2x125xi32, #tpu.memory_space<hbm>>
    tpu.enqueue_dma source(%dma_start3A_73 : memref<2x2x125xi32, #tpu.memory_space<hbm>>) target(%arg6 : memref<2x2x125xi32, #tpu.memory_space<vmem>>) target_semaphore(%arg13 : memref<!tpu.dma_semaphore, #tpu.memory_space<semaphore_mem>>)
    %scan3A_74 = arith.constant 0 : i32
    %scan3A_75 = arith.constant 0 : i32
    %scan3A_76 = arith.constant 20 : i32
    %scan3A_77 = arith.addi %scan3A_75, %scan3A_76 : i32
    %scan3A_78 = arith.constant 1 : i32
    scf.for %scan3A_90 = %scan3A_75 to %scan3A_77 step %scan3A_78  : i32 {
      %mul3A_91 = arith.constant 2 : i32
      %mul3A_92 = arith.muli %mul3A_91, %scan3A_90 : i32
      %add3A_93 = arith.constant 1 : i32
      %add3A_94 = arith.addi %mul3A_92, %add3A_93 : i32
      %dma_wait3A = arith.constant 0 : i32
      %dma_wait3A_95 = arith.constant 0 : i32
      %dma_wait3A_96 = arith.constant 0 : i32
      %dma_wait3A_97 = arith.constant 0 : i32
      %dma_wait3A_98 = tpu.memref_slice %arg2[%add3A, %dma_wait3A, %dma_wait3A_95, %dma_wait3A_96, %dma_wait3A_97] : memref<32x40x2x2x125xi32, #tpu.memory_space<hbm>> -> memref<1x40x2x2x125xi32, #tpu.memory_space<hbm>>
      %dma_wait3A_99 = tpu.memref_squeeze %dma_wait3A_98 : memref<1x40x2x2x125xi32, #tpu.memory_space<hbm>> -> memref<40x2x2x125xi32, #tpu.memory_space<hbm>>
      %dma_wait3A_100 = arith.constant 0 : i32
      %dma_wait3A_101 = arith.constant 0 : i32
      %dma_wait3A_102 = arith.constant 0 : i32
      %dma_wait3A_103 = tpu.memref_slice %dma_wait3A_99[%add3A_94, %dma_wait3A_100, %dma_wait3A_101, %dma_wait3A_102] : memref<40x2x2x125xi32, #tpu.memory_space<hbm>> -> memref<1x2x2x125xi32, #tpu.memory_space<hbm>>
      %dma_wait3A_104 = tpu.memref_squeeze %dma_wait3A_103 : memref<1x2x2x125xi32, #tpu.memory_space<hbm>> -> memref<2x2x125xi32, #tpu.memory_space<hbm>>
      %dma_wait3A_105 = arith.constant 0 : i32
      %dma_wait3A_106 = arith.constant 0 : i32
      %dma_wait3A_107 = arith.constant 0 : i32
      %dma_wait3A_108 = arith.constant 0 : i32
      %dma_wait3A_109 = tpu.memref_slice %arg2[%add3A, %dma_wait3A_105, %dma_wait3A_106, %dma_wait3A_107, %dma_wait3A_108] : memref<32x40x2x2x125xi32, #tpu.memory_space<hbm>> -> memref<1x40x2x2x125xi32, #tpu.memory_space<hbm>>
      %dma_wait3A_110 = tpu.memref_squeeze %dma_wait3A_109 : memref<1x40x2x2x125xi32, #tpu.memory_space<hbm>> -> memref<40x2x2x125xi32, #tpu.memory_space<hbm>>
      %dma_wait3A_111 = arith.constant 0 : i32
      %dma_wait3A_112 = arith.constant 0 : i32
      %dma_wait3A_113 = arith.constant 0 : i32
      %dma_wait3A_114 = tpu.memref_slice %dma_wait3A_110[%add3A_94, %dma_wait3A_111, %dma_wait3A_112, %dma_wait3A_113] : memref<40x2x2x125xi32, #tpu.memory_space<hbm>> -> memref<1x2x2x125xi32, #tpu.memory_space<hbm>>
      %dma_wait3A_115 = tpu.memref_squeeze %dma_wait3A_114 : memref<1x2x2x125xi32, #tpu.memory_space<hbm>> -> memref<2x2x125xi32, #tpu.memory_space<hbm>>
      tpu.wait_dma2 semaphore(%arg13 : memref<!tpu.dma_semaphore, #tpu.memory_space<semaphore_mem>>) src(%dma_wait3A_115 : memref<2x2x125xi32, #tpu.memory_space<hbm>>) dst(%arg6 : memref<2x2x125xi32, #tpu.memory_space<vmem>>)
      %dma_wait3A_116 = arith.constant 0 : i32
      %dma_wait3A_117 = arith.constant 0 : i32
      %dma_wait3A_118 = arith.constant 0 : i32
      %dma_wait3A_119 = arith.constant 0 : i32
      %dma_wait3A_120 = tpu.memref_slice %arg5[%dma_wait3A_116, %dma_wait3A_118, %dma_wait3A_119] : memref<2x2x125xi32, #tpu.memory_space<vmem>> -> memref<1x2x125xi32, #tpu.memory_space<vmem>>
      %dma_wait3A_121 = tpu.memref_squeeze %dma_wait3A_120 : memref<1x2x125xi32, #tpu.memory_space<vmem>> -> memref<2x125xi32, #tpu.memory_space<vmem>>
      %dma_wait3A_122 = arith.constant 0 : i32
      %dma_wait3A_123 = tpu.memref_slice %dma_wait3A_121[%dma_wait3A_117, %dma_wait3A_122] : memref<2x125xi32, #tpu.memory_space<vmem>> -> memref<1x125xi32, #tpu.memory_space<vmem>>
      %dma_wait3A_124 = tpu.memref_squeeze %dma_wait3A_123 : memref<1x125xi32, #tpu.memory_space<vmem>> -> memref<125xi32, #tpu.memory_space<vmem>>
      %dma_wait3A_125 = arith.constant 0 : i32
      %dma_wait3A_126 = arith.constant 0 : i32
      %dma_wait3A_127 = tpu.memref_slice %arg3[%dma_wait3A_125, %dma_wait3A_126] : memref<10000x128xf32, #tpu.memory_space<hbm>> -> memref<10000x128xf32, #tpu.memory_space<hbm>>
      tpu.wait_indirect_dma semaphore(%arg10 : memref<!tpu.dma_semaphore, #tpu.memory_space<semaphore_mem>>) src(%dma_wait3A_127 : memref<10000x128xf32, #tpu.memory_space<hbm>>) dst(%arg7 : memref<125x128xf32, #tpu.memory_space<vmem>>)
      %run_scoped3A_128 = arith.constant 0 : i32
      %run_scoped3A_129 = arith.constant 1 : i32
      "tpu.region"() ({
        %run_scoped3A_217 = tpu.sem_alloc : memref<!tpu.dma_semaphore, #tpu.memory_space<semaphore_mem>>
        %dma_start3A_218 = arith.constant 0 : i32
        %dma_start3A_219 = arith.constant 0 : i32
        %dma_start3A_220 = tpu.memref_slice %arg5[%run_scoped3A_128, %dma_start3A_218, %dma_start3A_219] : memref<2x2x125xi32, #tpu.memory_space<vmem>> -> memref<1x2x125xi32, #tpu.memory_space<vmem>>
        %dma_start3A_221 = tpu.memref_squeeze %dma_start3A_220 : memref<1x2x125xi32, #tpu.memory_space<vmem>> -> memref<2x125xi32, #tpu.memory_space<vmem>>
        %dma_start3A_222 = arith.constant 0 : i32
        %dma_start3A_223 = tpu.memref_slice %dma_start3A_221[%run_scoped3A_129, %dma_start3A_222] : memref<2x125xi32, #tpu.memory_space<vmem>> -> memref<1x125xi32, #tpu.memory_space<vmem>>
        %dma_start3A_224 = tpu.memref_squeeze %dma_start3A_223 : memref<1x125xi32, #tpu.memory_space<vmem>> -> memref<125xi32, #tpu.memory_space<vmem>>
        %dma_start3A_225 = arith.constant 0 : i32
        %dma_start3A_226 = arith.constant 0 : i32
        %dma_start3A_227 = tpu.memref_slice %arg9[%dma_start3A_225, %dma_start3A_226] : memref<10000x128xf32, #tpu.memory_space<vmem_shared>> -> memref<10000x128xf32, #tpu.memory_space<vmem_shared>>
        tpu.enqueue_indirect_dma source(%arg7 : memref<125x128xf32, #tpu.memory_space<vmem>>) target(%dma_start3A_227 : memref<10000x128xf32, #tpu.memory_space<vmem_shared>>) offsets(%dma_start3A_224 : memref<125xi32, #tpu.memory_space<vmem>>) semaphore(%run_scoped3A_217 : memref<!tpu.dma_semaphore, #tpu.memory_space<semaphore_mem>>) {add = true}
        %dma_wait3A_228 = arith.constant 0 : i32
        %dma_wait3A_229 = arith.constant 0 : i32
        %dma_wait3A_230 = tpu.memref_slice %arg5[%run_scoped3A_128, %dma_wait3A_228, %dma_wait3A_229] : memref<2x2x125xi32, #tpu.memory_space<vmem>> -> memref<1x2x125xi32, #tpu.memory_space<vmem>>
        %dma_wait3A_231 = tpu.memref_squeeze %dma_wait3A_230 : memref<1x2x125xi32, #tpu.memory_space<vmem>> -> memref<2x125xi32, #tpu.memory_space<vmem>>
        %dma_wait3A_232 = arith.constant 0 : i32
        %dma_wait3A_233 = tpu.memref_slice %dma_wait3A_231[%run_scoped3A_129, %dma_wait3A_232] : memref<2x125xi32, #tpu.memory_space<vmem>> -> memref<1x125xi32, #tpu.memory_space<vmem>>
        %dma_wait3A_234 = tpu.memref_squeeze %dma_wait3A_233 : memref<1x125xi32, #tpu.memory_space<vmem>> -> memref<125xi32, #tpu.memory_space<vmem>>
        %dma_wait3A_235 = arith.constant 0 : i32
        %dma_wait3A_236 = arith.constant 0 : i32
        %dma_wait3A_237 = tpu.memref_slice %arg9[%dma_wait3A_235, %dma_wait3A_236] : memref<10000x128xf32, #tpu.memory_space<vmem_shared>> -> memref<10000x128xf32, #tpu.memory_space<vmem_shared>>
        tpu.wait_indirect_dma semaphore(%run_scoped3A_217 : memref<!tpu.dma_semaphore, #tpu.memory_space<semaphore_mem>>) src(%arg7 : memref<125x128xf32, #tpu.memory_space<vmem>>) dst(%dma_wait3A_237 : memref<10000x128xf32, #tpu.memory_space<vmem_shared>>)
        tpu.yield
      }) : () -> ()
      %dma_start3A_130 = arith.constant 0 : i32
      %dma_start3A_131 = arith.constant 0 : i32
      %dma_start3A_132 = arith.constant 0 : i32
      %dma_start3A_133 = arith.constant 0 : i32
      %dma_start3A_134 = tpu.memref_slice %arg6[%dma_start3A_130, %dma_start3A_132, %dma_start3A_133] : memref<2x2x125xi32, #tpu.memory_space<vmem>> -> memref<1x2x125xi32, #tpu.memory_space<vmem>>
      %dma_start3A_135 = tpu.memref_squeeze %dma_start3A_134 : memref<1x2x125xi32, #tpu.memory_space<vmem>> -> memref<2x125xi32, #tpu.memory_space<vmem>>
      %dma_start3A_136 = arith.constant 0 : i32
      %dma_start3A_137 = tpu.memref_slice %dma_start3A_135[%dma_start3A_131, %dma_start3A_136] : memref<2x125xi32, #tpu.memory_space<vmem>> -> memref<1x125xi32, #tpu.memory_space<vmem>>
      %dma_start3A_138 = tpu.memref_squeeze %dma_start3A_137 : memref<1x125xi32, #tpu.memory_space<vmem>> -> memref<125xi32, #tpu.memory_space<vmem>>
      %dma_start3A_139 = arith.constant 0 : i32
      %dma_start3A_140 = arith.constant 0 : i32
      %dma_start3A_141 = tpu.memref_slice %arg3[%dma_start3A_139, %dma_start3A_140] : memref<10000x128xf32, #tpu.memory_space<hbm>> -> memref<10000x128xf32, #tpu.memory_space<hbm>>
      tpu.enqueue_indirect_dma source(%dma_start3A_141 : memref<10000x128xf32, #tpu.memory_space<hbm>>) target(%arg7 : memref<125x128xf32, #tpu.memory_space<vmem>>) offsets(%dma_start3A_138 : memref<125xi32, #tpu.memory_space<vmem>>) semaphore(%arg10 : memref<!tpu.dma_semaphore, #tpu.memory_space<semaphore_mem>>)
      %dma_wait3A_142 = arith.constant 1 : i32
      %dma_wait3A_143 = arith.constant 0 : i32
      %dma_wait3A_144 = arith.constant 0 : i32
      %dma_wait3A_145 = arith.constant 0 : i32
      %dma_wait3A_146 = tpu.memref_slice %arg5[%dma_wait3A_142, %dma_wait3A_144, %dma_wait3A_145] : memref<2x2x125xi32, #tpu.memory_space<vmem>> -> memref<1x2x125xi32, #tpu.memory_space<vmem>>
      %dma_wait3A_147 = tpu.memref_squeeze %dma_wait3A_146 : memref<1x2x125xi32, #tpu.memory_space<vmem>> -> memref<2x125xi32, #tpu.memory_space<vmem>>
      %dma_wait3A_148 = arith.constant 0 : i32
      %dma_wait3A_149 = tpu.memref_slice %dma_wait3A_147[%dma_wait3A_143, %dma_wait3A_148] : memref<2x125xi32, #tpu.memory_space<vmem>> -> memref<1x125xi32, #tpu.memory_space<vmem>>
      %dma_wait3A_150 = tpu.memref_squeeze %dma_wait3A_149 : memref<1x125xi32, #tpu.memory_space<vmem>> -> memref<125xi32, #tpu.memory_space<vmem>>
      %dma_wait3A_151 = arith.constant 0 : i32
      %dma_wait3A_152 = arith.constant 0 : i32
      %dma_wait3A_153 = tpu.memref_slice %arg3[%dma_wait3A_151, %dma_wait3A_152] : memref<10000x128xf32, #tpu.memory_space<hbm>> -> memref<10000x128xf32, #tpu.memory_space<hbm>>
      tpu.wait_indirect_dma semaphore(%arg11 : memref<!tpu.dma_semaphore, #tpu.memory_space<semaphore_mem>>) src(%dma_wait3A_153 : memref<10000x128xf32, #tpu.memory_space<hbm>>) dst(%arg8 : memref<125x128xf32, #tpu.memory_space<vmem>>)
      %run_scoped3A_154 = arith.constant 1 : i32
      %run_scoped3A_155 = arith.constant 1 : i32
      "tpu.region"() ({
        %run_scoped3A_217 = tpu.sem_alloc : memref<!tpu.dma_semaphore, #tpu.memory_space<semaphore_mem>>
        %dma_start3A_218 = arith.constant 0 : i32
        %dma_start3A_219 = arith.constant 0 : i32
        %dma_start3A_220 = tpu.memref_slice %arg5[%run_scoped3A_154, %dma_start3A_218, %dma_start3A_219] : memref<2x2x125xi32, #tpu.memory_space<vmem>> -> memref<1x2x125xi32, #tpu.memory_space<vmem>>
        %dma_start3A_221 = tpu.memref_squeeze %dma_start3A_220 : memref<1x2x125xi32, #tpu.memory_space<vmem>> -> memref<2x125xi32, #tpu.memory_space<vmem>>
        %dma_start3A_222 = arith.constant 0 : i32
        %dma_start3A_223 = tpu.memref_slice %dma_start3A_221[%run_scoped3A_155, %dma_start3A_222] : memref<2x125xi32, #tpu.memory_space<vmem>> -> memref<1x125xi32, #tpu.memory_space<vmem>>
        %dma_start3A_224 = tpu.memref_squeeze %dma_start3A_223 : memref<1x125xi32, #tpu.memory_space<vmem>> -> memref<125xi32, #tpu.memory_space<vmem>>
        %dma_start3A_225 = arith.constant 0 : i32
        %dma_start3A_226 = arith.constant 0 : i32
        %dma_start3A_227 = tpu.memref_slice %arg9[%dma_start3A_225, %dma_start3A_226] : memref<10000x128xf32, #tpu.memory_space<vmem_shared>> -> memref<10000x128xf32, #tpu.memory_space<vmem_shared>>
        tpu.enqueue_indirect_dma source(%arg8 : memref<125x128xf32, #tpu.memory_space<vmem>>) target(%dma_start3A_227 : memref<10000x128xf32, #tpu.memory_space<vmem_shared>>) offsets(%dma_start3A_224 : memref<125xi32, #tpu.memory_space<vmem>>) semaphore(%run_scoped3A_217 : memref<!tpu.dma_semaphore, #tpu.memory_space<semaphore_mem>>) {add = true}
        %dma_wait3A_228 = arith.constant 0 : i32
        %dma_wait3A_229 = arith.constant 0 : i32
        %dma_wait3A_230 = tpu.memref_slice %arg5[%run_scoped3A_154, %dma_wait3A_228, %dma_wait3A_229] : memref<2x2x125xi32, #tpu.memory_space<vmem>> -> memref<1x2x125xi32, #tpu.memory_space<vmem>>
        %dma_wait3A_231 = tpu.memref_squeeze %dma_wait3A_230 : memref<1x2x125xi32, #tpu.memory_space<vmem>> -> memref<2x125xi32, #tpu.memory_space<vmem>>
        %dma_wait3A_232 = arith.constant 0 : i32
        %dma_wait3A_233 = tpu.memref_slice %dma_wait3A_231[%run_scoped3A_155, %dma_wait3A_232] : memref<2x125xi32, #tpu.memory_space<vmem>> -> memref<1x125xi32, #tpu.memory_space<vmem>>
        %dma_wait3A_234 = tpu.memref_squeeze %dma_wait3A_233 : memref<1x125xi32, #tpu.memory_space<vmem>> -> memref<125xi32, #tpu.memory_space<vmem>>
        %dma_wait3A_235 = arith.constant 0 : i32
        %dma_wait3A_236 = arith.constant 0 : i32
        %dma_wait3A_237 = tpu.memref_slice %arg9[%dma_wait3A_235, %dma_wait3A_236] : memref<10000x128xf32, #tpu.memory_space<vmem_shared>> -> memref<10000x128xf32, #tpu.memory_space<vmem_shared>>
        tpu.wait_indirect_dma semaphore(%run_scoped3A_217 : memref<!tpu.dma_semaphore, #tpu.memory_space<semaphore_mem>>) src(%arg8 : memref<125x128xf32, #tpu.memory_space<vmem>>) dst(%dma_wait3A_237 : memref<10000x128xf32, #tpu.memory_space<vmem_shared>>)
        tpu.yield
      }) : () -> ()
      %add3A_156 = arith.constant 1 : i32
      %add3A_157 = arith.addi %scan3A_90, %add3A_156 : i32
      %lt3A_158 = arith.constant 20 : i32
      %lt3A_159 = arith.cmpi slt, %add3A_157, %lt3A_158 : i32
      %convert_element_type3A_160 = arith.extui %lt3A_159 : i1 to i32
      %cond3A_161 = arith.constant 0 : i32
      %cond3A_162 = arith.cmpi ne, %convert_element_type3A_160, %cond3A_161 : i32
      scf.if %cond3A_162 {
        %mul3A_217 = arith.constant 2 : i32
        %mul3A_218 = arith.muli %mul3A_217, %scan3A_90 : i32
        %add3A_219 = arith.constant 2 : i32
        %add3A_220 = arith.addi %mul3A_218, %add3A_219 : i32
        %dma_start3A_221 = arith.constant 0 : i32
        %dma_start3A_222 = arith.constant 0 : i32
        %dma_start3A_223 = arith.constant 0 : i32
        %dma_start3A_224 = arith.constant 0 : i32
        %dma_start3A_225 = tpu.memref_slice %arg2[%add3A, %dma_start3A_221, %dma_start3A_222, %dma_start3A_223, %dma_start3A_224] : memref<32x40x2x2x125xi32, #tpu.memory_space<hbm>> -> memref<1x40x2x2x125xi32, #tpu.memory_space<hbm>>
        %dma_start3A_226 = tpu.memref_squeeze %dma_start3A_225 : memref<1x40x2x2x125xi32, #tpu.memory_space<hbm>> -> memref<40x2x2x125xi32, #tpu.memory_space<hbm>>
        %dma_start3A_227 = arith.constant 0 : i32
        %dma_start3A_228 = arith.constant 0 : i32
        %dma_start3A_229 = arith.constant 0 : i32
        %dma_start3A_230 = tpu.memref_slice %dma_start3A_226[%add3A_220, %dma_start3A_227, %dma_start3A_228, %dma_start3A_229] : memref<40x2x2x125xi32, #tpu.memory_space<hbm>> -> memref<1x2x2x125xi32, #tpu.memory_space<hbm>>
        %dma_start3A_231 = tpu.memref_squeeze %dma_start3A_230 : memref<1x2x2x125xi32, #tpu.memory_space<hbm>> -> memref<2x2x125xi32, #tpu.memory_space<hbm>>
        %dma_start3A_232 = arith.constant 0 : i32
        %dma_start3A_233 = arith.constant 0 : i32
        %dma_start3A_234 = arith.constant 0 : i32
        %dma_start3A_235 = arith.constant 0 : i32
        %dma_start3A_236 = tpu.memref_slice %arg2[%add3A, %dma_start3A_232, %dma_start3A_233, %dma_start3A_234, %dma_start3A_235] : memref<32x40x2x2x125xi32, #tpu.memory_space<hbm>> -> memref<1x40x2x2x125xi32, #tpu.memory_space<hbm>>
        %dma_start3A_237 = tpu.memref_squeeze %dma_start3A_236 : memref<1x40x2x2x125xi32, #tpu.memory_space<hbm>> -> memref<40x2x2x125xi32, #tpu.memory_space<hbm>>
        %dma_start3A_238 = arith.constant 0 : i32
        %dma_start3A_239 = arith.constant 0 : i32
        %dma_start3A_240 = arith.constant 0 : i32
        %dma_start3A_241 = tpu.memref_slice %dma_start3A_237[%add3A_220, %dma_start3A_238, %dma_start3A_239, %dma_start3A_240] : memref<40x2x2x125xi32, #tpu.memory_space<hbm>> -> memref<1x2x2x125xi32, #tpu.memory_space<hbm>>
        %dma_start3A_242 = tpu.memref_squeeze %dma_start3A_241 : memref<1x2x2x125xi32, #tpu.memory_space<hbm>> -> memref<2x2x125xi32, #tpu.memory_space<hbm>>
        tpu.enqueue_dma source(%dma_start3A_242 : memref<2x2x125xi32, #tpu.memory_space<hbm>>) target(%arg5 : memref<2x2x125xi32, #tpu.memory_space<vmem>>) target_semaphore(%arg12 : memref<!tpu.dma_semaphore, #tpu.memory_space<semaphore_mem>>)
      } else {
      }
      %dma_start3A_163 = arith.constant 1 : i32
      %dma_start3A_164 = arith.constant 0 : i32
      %dma_start3A_165 = arith.constant 0 : i32
      %dma_start3A_166 = arith.constant 0 : i32
      %dma_start3A_167 = tpu.memref_slice %arg6[%dma_start3A_163, %dma_start3A_165, %dma_start3A_166] : memref<2x2x125xi32, #tpu.memory_space<vmem>> -> memref<1x2x125xi32, #tpu.memory_space<vmem>>
      %dma_start3A_168 = tpu.memref_squeeze %dma_start3A_167 : memref<1x2x125xi32, #tpu.memory_space<vmem>> -> memref<2x125xi32, #tpu.memory_space<vmem>>
      %dma_start3A_169 = arith.constant 0 : i32
      %dma_start3A_170 = tpu.memref_slice %dma_start3A_168[%dma_start3A_164, %dma_start3A_169] : memref<2x125xi32, #tpu.memory_space<vmem>> -> memref<1x125xi32, #tpu.memory_space<vmem>>
      %dma_start3A_171 = tpu.memref_squeeze %dma_start3A_170 : memref<1x125xi32, #tpu.memory_space<vmem>> -> memref<125xi32, #tpu.memory_space<vmem>>
      %dma_start3A_172 = arith.constant 0 : i32
      %dma_start3A_173 = arith.constant 0 : i32
      %dma_start3A_174 = tpu.memref_slice %arg3[%dma_start3A_172, %dma_start3A_173] : memref<10000x128xf32, #tpu.memory_space<hbm>> -> memref<10000x128xf32, #tpu.memory_space<hbm>>
      tpu.enqueue_indirect_dma source(%dma_start3A_174 : memref<10000x128xf32, #tpu.memory_space<hbm>>) target(%arg8 : memref<125x128xf32, #tpu.memory_space<vmem>>) offsets(%dma_start3A_171 : memref<125xi32, #tpu.memory_space<vmem>>) semaphore(%arg11 : memref<!tpu.dma_semaphore, #tpu.memory_space<semaphore_mem>>)
      %dma_wait3A_175 = arith.constant 0 : i32
      %dma_wait3A_176 = arith.constant 0 : i32
      %dma_wait3A_177 = arith.constant 0 : i32
      %dma_wait3A_178 = arith.constant 0 : i32
      %dma_wait3A_179 = tpu.memref_slice %arg6[%dma_wait3A_175, %dma_wait3A_177, %dma_wait3A_178] : memref<2x2x125xi32, #tpu.memory_space<vmem>> -> memref<1x2x125xi32, #tpu.memory_space<vmem>>
      %dma_wait3A_180 = tpu.memref_squeeze %dma_wait3A_179 : memref<1x2x125xi32, #tpu.memory_space<vmem>> -> memref<2x125xi32, #tpu.memory_space<vmem>>
      %dma_wait3A_181 = arith.constant 0 : i32
      %dma_wait3A_182 = tpu.memref_slice %dma_wait3A_180[%dma_wait3A_176, %dma_wait3A_181] : memref<2x125xi32, #tpu.memory_space<vmem>> -> memref<1x125xi32, #tpu.memory_space<vmem>>
      %dma_wait3A_183 = tpu.memref_squeeze %dma_wait3A_182 : memref<1x125xi32, #tpu.memory_space<vmem>> -> memref<125xi32, #tpu.memory_space<vmem>>
      %dma_wait3A_184 = arith.constant 0 : i32
      %dma_wait3A_185 = arith.constant 0 : i32
      %dma_wait3A_186 = tpu.memref_slice %arg3[%dma_wait3A_184, %dma_wait3A_185] : memref<10000x128xf32, #tpu.memory_space<hbm>> -> memref<10000x128xf32, #tpu.memory_space<hbm>>
      tpu.wait_indirect_dma semaphore(%arg10 : memref<!tpu.dma_semaphore, #tpu.memory_space<semaphore_mem>>) src(%dma_wait3A_186 : memref<10000x128xf32, #tpu.memory_space<hbm>>) dst(%arg7 : memref<125x128xf32, #tpu.memory_space<vmem>>)
      %run_scoped3A_187 = arith.constant 0 : i32
      %run_scoped3A_188 = arith.constant 1 : i32
      "tpu.region"() ({
        %run_scoped3A_217 = tpu.sem_alloc : memref<!tpu.dma_semaphore, #tpu.memory_space<semaphore_mem>>
        %dma_start3A_218 = arith.constant 0 : i32
        %dma_start3A_219 = arith.constant 0 : i32
        %dma_start3A_220 = tpu.memref_slice %arg6[%run_scoped3A_187, %dma_start3A_218, %dma_start3A_219] : memref<2x2x125xi32, #tpu.memory_space<vmem>> -> memref<1x2x125xi32, #tpu.memory_space<vmem>>
        %dma_start3A_221 = tpu.memref_squeeze %dma_start3A_220 : memref<1x2x125xi32, #tpu.memory_space<vmem>> -> memref<2x125xi32, #tpu.memory_space<vmem>>
        %dma_start3A_222 = arith.constant 0 : i32
        %dma_start3A_223 = tpu.memref_slice %dma_start3A_221[%run_scoped3A_188, %dma_start3A_222] : memref<2x125xi32, #tpu.memory_space<vmem>> -> memref<1x125xi32, #tpu.memory_space<vmem>>
        %dma_start3A_224 = tpu.memref_squeeze %dma_start3A_223 : memref<1x125xi32, #tpu.memory_space<vmem>> -> memref<125xi32, #tpu.memory_space<vmem>>
        %dma_start3A_225 = arith.constant 0 : i32
        %dma_start3A_226 = arith.constant 0 : i32
        %dma_start3A_227 = tpu.memref_slice %arg9[%dma_start3A_225, %dma_start3A_226] : memref<10000x128xf32, #tpu.memory_space<vmem_shared>> -> memref<10000x128xf32, #tpu.memory_space<vmem_shared>>
        tpu.enqueue_indirect_dma source(%arg7 : memref<125x128xf32, #tpu.memory_space<vmem>>) target(%dma_start3A_227 : memref<10000x128xf32, #tpu.memory_space<vmem_shared>>) offsets(%dma_start3A_224 : memref<125xi32, #tpu.memory_space<vmem>>) semaphore(%run_scoped3A_217 : memref<!tpu.dma_semaphore, #tpu.memory_space<semaphore_mem>>) {add = true}
        %dma_wait3A_228 = arith.constant 0 : i32
        %dma_wait3A_229 = arith.constant 0 : i32
        %dma_wait3A_230 = tpu.memref_slice %arg6[%run_scoped3A_187, %dma_wait3A_228, %dma_wait3A_229] : memref<2x2x125xi32, #tpu.memory_space<vmem>> -> memref<1x2x125xi32, #tpu.memory_space<vmem>>
        %dma_wait3A_231 = tpu.memref_squeeze %dma_wait3A_230 : memref<1x2x125xi32, #tpu.memory_space<vmem>> -> memref<2x125xi32, #tpu.memory_space<vmem>>
        %dma_wait3A_232 = arith.constant 0 : i32
        %dma_wait3A_233 = tpu.memref_slice %dma_wait3A_231[%run_scoped3A_188, %dma_wait3A_232] : memref<2x125xi32, #tpu.memory_space<vmem>> -> memref<1x125xi32, #tpu.memory_space<vmem>>
        %dma_wait3A_234 = tpu.memref_squeeze %dma_wait3A_233 : memref<1x125xi32, #tpu.memory_space<vmem>> -> memref<125xi32, #tpu.memory_space<vmem>>
        %dma_wait3A_235 = arith.constant 0 : i32
        %dma_wait3A_236 = arith.constant 0 : i32
        %dma_wait3A_237 = tpu.memref_slice %arg9[%dma_wait3A_235, %dma_wait3A_236] : memref<10000x128xf32, #tpu.memory_space<vmem_shared>> -> memref<10000x128xf32, #tpu.memory_space<vmem_shared>>
        tpu.wait_indirect_dma semaphore(%run_scoped3A_217 : memref<!tpu.dma_semaphore, #tpu.memory_space<semaphore_mem>>) src(%arg7 : memref<125x128xf32, #tpu.memory_space<vmem>>) dst(%dma_wait3A_237 : memref<10000x128xf32, #tpu.memory_space<vmem_shared>>)
        tpu.yield
      }) : () -> ()
      %add3A_189 = arith.constant 1 : i32
      %add3A_190 = arith.addi %scan3A_90, %add3A_189 : i32
      %lt3A_191 = arith.constant 20 : i32
      %lt3A_192 = arith.cmpi slt, %add3A_190, %lt3A_191 : i32
      %convert_element_type3A_193 = arith.extui %lt3A_192 : i1 to i32
      %cond3A_194 = arith.constant 0 : i32
      %cond3A_195 = arith.cmpi ne, %convert_element_type3A_193, %cond3A_194 : i32
      scf.if %cond3A_195 {
        %mul3A_217 = arith.constant 2 : i32
        %mul3A_218 = arith.muli %mul3A_217, %scan3A_90 : i32
        %add3A_219 = arith.constant 2 : i32
        %add3A_220 = arith.addi %mul3A_218, %add3A_219 : i32
        %dma_wait3A_221 = arith.constant 0 : i32
        %dma_wait3A_222 = arith.constant 0 : i32
        %dma_wait3A_223 = arith.constant 0 : i32
        %dma_wait3A_224 = arith.constant 0 : i32
        %dma_wait3A_225 = tpu.memref_slice %arg2[%add3A, %dma_wait3A_221, %dma_wait3A_222, %dma_wait3A_223, %dma_wait3A_224] : memref<32x40x2x2x125xi32, #tpu.memory_space<hbm>> -> memref<1x40x2x2x125xi32, #tpu.memory_space<hbm>>
        %dma_wait3A_226 = tpu.memref_squeeze %dma_wait3A_225 : memref<1x40x2x2x125xi32, #tpu.memory_space<hbm>> -> memref<40x2x2x125xi32, #tpu.memory_space<hbm>>
        %dma_wait3A_227 = arith.constant 0 : i32
        %dma_wait3A_228 = arith.constant 0 : i32
        %dma_wait3A_229 = arith.constant 0 : i32
        %dma_wait3A_230 = tpu.memref_slice %dma_wait3A_226[%add3A_220, %dma_wait3A_227, %dma_wait3A_228, %dma_wait3A_229] : memref<40x2x2x125xi32, #tpu.memory_space<hbm>> -> memref<1x2x2x125xi32, #tpu.memory_space<hbm>>
        %dma_wait3A_231 = tpu.memref_squeeze %dma_wait3A_230 : memref<1x2x2x125xi32, #tpu.memory_space<hbm>> -> memref<2x2x125xi32, #tpu.memory_space<hbm>>
        %dma_wait3A_232 = arith.constant 0 : i32
        %dma_wait3A_233 = arith.constant 0 : i32
        %dma_wait3A_234 = arith.constant 0 : i32
        %dma_wait3A_235 = arith.constant 0 : i32
        %dma_wait3A_236 = tpu.memref_slice %arg2[%add3A, %dma_wait3A_232, %dma_wait3A_233, %dma_wait3A_234, %dma_wait3A_235] : memref<32x40x2x2x125xi32, #tpu.memory_space<hbm>> -> memref<1x40x2x2x125xi32, #tpu.memory_space<hbm>>
        %dma_wait3A_237 = tpu.memref_squeeze %dma_wait3A_236 : memref<1x40x2x2x125xi32, #tpu.memory_space<hbm>> -> memref<40x2x2x125xi32, #tpu.memory_space<hbm>>
        %dma_wait3A_238 = arith.constant 0 : i32
        %dma_wait3A_239 = arith.constant 0 : i32
        %dma_wait3A_240 = arith.constant 0 : i32
        %dma_wait3A_241 = tpu.memref_slice %dma_wait3A_237[%add3A_220, %dma_wait3A_238, %dma_wait3A_239, %dma_wait3A_240] : memref<40x2x2x125xi32, #tpu.memory_space<hbm>> -> memref<1x2x2x125xi32, #tpu.memory_space<hbm>>
        %dma_wait3A_242 = tpu.memref_squeeze %dma_wait3A_241 : memref<1x2x2x125xi32, #tpu.memory_space<hbm>> -> memref<2x2x125xi32, #tpu.memory_space<hbm>>
        tpu.wait_dma2 semaphore(%arg12 : memref<!tpu.dma_semaphore, #tpu.memory_space<semaphore_mem>>) src(%dma_wait3A_242 : memref<2x2x125xi32, #tpu.memory_space<hbm>>) dst(%arg5 : memref<2x2x125xi32, #tpu.memory_space<vmem>>)
        %dma_start3A_243 = arith.constant 0 : i32
        %dma_start3A_244 = arith.constant 0 : i32
        %dma_start3A_245 = arith.constant 0 : i32
        %dma_start3A_246 = arith.constant 0 : i32
        %dma_start3A_247 = tpu.memref_slice %arg5[%dma_start3A_243, %dma_start3A_245, %dma_start3A_246] : memref<2x2x125xi32, #tpu.memory_space<vmem>> -> memref<1x2x125xi32, #tpu.memory_space<vmem>>
        %dma_start3A_248 = tpu.memref_squeeze %dma_start3A_247 : memref<1x2x125xi32, #tpu.memory_space<vmem>> -> memref<2x125xi32, #tpu.memory_space<vmem>>
        %dma_start3A_249 = arith.constant 0 : i32
        %dma_start3A_250 = tpu.memref_slice %dma_start3A_248[%dma_start3A_244, %dma_start3A_249] : memref<2x125xi32, #tpu.memory_space<vmem>> -> memref<1x125xi32, #tpu.memory_space<vmem>>
        %dma_start3A_251 = tpu.memref_squeeze %dma_start3A_250 : memref<1x125xi32, #tpu.memory_space<vmem>> -> memref<125xi32, #tpu.memory_space<vmem>>
        %dma_start3A_252 = arith.constant 0 : i32
        %dma_start3A_253 = arith.constant 0 : i32
        %dma_start3A_254 = tpu.memref_slice %arg3[%dma_start3A_252, %dma_start3A_253] : memref<10000x128xf32, #tpu.memory_space<hbm>> -> memref<10000x128xf32, #tpu.memory_space<hbm>>
        tpu.enqueue_indirect_dma source(%dma_start3A_254 : memref<10000x128xf32, #tpu.memory_space<hbm>>) target(%arg7 : memref<125x128xf32, #tpu.memory_space<vmem>>) offsets(%dma_start3A_251 : memref<125xi32, #tpu.memory_space<vmem>>) semaphore(%arg10 : memref<!tpu.dma_semaphore, #tpu.memory_space<semaphore_mem>>)
      } else {
      }
      %dma_wait3A_196 = arith.constant 1 : i32
      %dma_wait3A_197 = arith.constant 0 : i32
      %dma_wait3A_198 = arith.constant 0 : i32
      %dma_wait3A_199 = arith.constant 0 : i32
      %dma_wait3A_200 = tpu.memref_slice %arg6[%dma_wait3A_196, %dma_wait3A_198, %dma_wait3A_199] : memref<2x2x125xi32, #tpu.memory_space<vmem>> -> memref<1x2x125xi32, #tpu.memory_space<vmem>>
      %dma_wait3A_201 = tpu.memref_squeeze %dma_wait3A_200 : memref<1x2x125xi32, #tpu.memory_space<vmem>> -> memref<2x125xi32, #tpu.memory_space<vmem>>
      %dma_wait3A_202 = arith.constant 0 : i32
      %dma_wait3A_203 = tpu.memref_slice %dma_wait3A_201[%dma_wait3A_197, %dma_wait3A_202] : memref<2x125xi32, #tpu.memory_space<vmem>> -> memref<1x125xi32, #tpu.memory_space<vmem>>
      %dma_wait3A_204 = tpu.memref_squeeze %dma_wait3A_203 : memref<1x125xi32, #tpu.memory_space<vmem>> -> memref<125xi32, #tpu.memory_space<vmem>>
      %dma_wait3A_205 = arith.constant 0 : i32
      %dma_wait3A_206 = arith.constant 0 : i32
      %dma_wait3A_207 = tpu.memref_slice %arg3[%dma_wait3A_205, %dma_wait3A_206] : memref<10000x128xf32, #tpu.memory_space<hbm>> -> memref<10000x128xf32, #tpu.memory_space<hbm>>
      tpu.wait_indirect_dma semaphore(%arg11 : memref<!tpu.dma_semaphore, #tpu.memory_space<semaphore_mem>>) src(%dma_wait3A_207 : memref<10000x128xf32, #tpu.memory_space<hbm>>) dst(%arg8 : memref<125x128xf32, #tpu.memory_space<vmem>>)
      %run_scoped3A_208 = arith.constant 1 : i32
      %run_scoped3A_209 = arith.constant 1 : i32
      "tpu.region"() ({
        %run_scoped3A_217 = tpu.sem_alloc : memref<!tpu.dma_semaphore, #tpu.memory_space<semaphore_mem>>
        %dma_start3A_218 = arith.constant 0 : i32
        %dma_start3A_219 = arith.constant 0 : i32
        %dma_start3A_220 = tpu.memref_slice %arg6[%run_scoped3A_208, %dma_start3A_218, %dma_start3A_219] : memref<2x2x125xi32, #tpu.memory_space<vmem>> -> memref<1x2x125xi32, #tpu.memory_space<vmem>>
        %dma_start3A_221 = tpu.memref_squeeze %dma_start3A_220 : memref<1x2x125xi32, #tpu.memory_space<vmem>> -> memref<2x125xi32, #tpu.memory_space<vmem>>
        %dma_start3A_222 = arith.constant 0 : i32
        %dma_start3A_223 = tpu.memref_slice %dma_start3A_221[%run_scoped3A_209, %dma_start3A_222] : memref<2x125xi32, #tpu.memory_space<vmem>> -> memref<1x125xi32, #tpu.memory_space<vmem>>
        %dma_start3A_224 = tpu.memref_squeeze %dma_start3A_223 : memref<1x125xi32, #tpu.memory_space<vmem>> -> memref<125xi32, #tpu.memory_space<vmem>>
        %dma_start3A_225 = arith.constant 0 : i32
        %dma_start3A_226 = arith.constant 0 : i32
        %dma_start3A_227 = tpu.memref_slice %arg9[%dma_start3A_225, %dma_start3A_226] : memref<10000x128xf32, #tpu.memory_space<vmem_shared>> -> memref<10000x128xf32, #tpu.memory_space<vmem_shared>>
        tpu.enqueue_indirect_dma source(%arg8 : memref<125x128xf32, #tpu.memory_space<vmem>>) target(%dma_start3A_227 : memref<10000x128xf32, #tpu.memory_space<vmem_shared>>) offsets(%dma_start3A_224 : memref<125xi32, #tpu.memory_space<vmem>>) semaphore(%run_scoped3A_217 : memref<!tpu.dma_semaphore, #tpu.memory_space<semaphore_mem>>) {add = true}
        %dma_wait3A_228 = arith.constant 0 : i32
        %dma_wait3A_229 = arith.constant 0 : i32
        %dma_wait3A_230 = tpu.memref_slice %arg6[%run_scoped3A_208, %dma_wait3A_228, %dma_wait3A_229] : memref<2x2x125xi32, #tpu.memory_space<vmem>> -> memref<1x2x125xi32, #tpu.memory_space<vmem>>
        %dma_wait3A_231 = tpu.memref_squeeze %dma_wait3A_230 : memref<1x2x125xi32, #tpu.memory_space<vmem>> -> memref<2x125xi32, #tpu.memory_space<vmem>>
        %dma_wait3A_232 = arith.constant 0 : i32
        %dma_wait3A_233 = tpu.memref_slice %dma_wait3A_231[%run_scoped3A_209, %dma_wait3A_232] : memref<2x125xi32, #tpu.memory_space<vmem>> -> memref<1x125xi32, #tpu.memory_space<vmem>>
        %dma_wait3A_234 = tpu.memref_squeeze %dma_wait3A_233 : memref<1x125xi32, #tpu.memory_space<vmem>> -> memref<125xi32, #tpu.memory_space<vmem>>
        %dma_wait3A_235 = arith.constant 0 : i32
        %dma_wait3A_236 = arith.constant 0 : i32
        %dma_wait3A_237 = tpu.memref_slice %arg9[%dma_wait3A_235, %dma_wait3A_236] : memref<10000x128xf32, #tpu.memory_space<vmem_shared>> -> memref<10000x128xf32, #tpu.memory_space<vmem_shared>>
        tpu.wait_indirect_dma semaphore(%run_scoped3A_217 : memref<!tpu.dma_semaphore, #tpu.memory_space<semaphore_mem>>) src(%arg8 : memref<125x128xf32, #tpu.memory_space<vmem>>) dst(%dma_wait3A_237 : memref<10000x128xf32, #tpu.memory_space<vmem_shared>>)
        tpu.yield
      }) : () -> ()
      %add3A_210 = arith.constant 1 : i32
      %add3A_211 = arith.addi %scan3A_90, %add3A_210 : i32
      %lt3A_212 = arith.constant 20 : i32
      %lt3A_213 = arith.cmpi slt, %add3A_211, %lt3A_212 : i32
      %convert_element_type3A_214 = arith.extui %lt3A_213 : i1 to i32
      %cond3A_215 = arith.constant 0 : i32
      %cond3A_216 = arith.cmpi ne, %convert_element_type3A_214, %cond3A_215 : i32
      scf.if %cond3A_216 {
        %mul3A_217 = arith.constant 2 : i32
        %mul3A_218 = arith.muli %mul3A_217, %scan3A_90 : i32
        %add3A_219 = arith.constant 3 : i32
        %add3A_220 = arith.addi %mul3A_218, %add3A_219 : i32
        %dma_start3A_221 = arith.constant 0 : i32
        %dma_start3A_222 = arith.constant 0 : i32
        %dma_start3A_223 = arith.constant 0 : i32
        %dma_start3A_224 = arith.constant 0 : i32
        %dma_start3A_225 = tpu.memref_slice %arg2[%add3A, %dma_start3A_221, %dma_start3A_222, %dma_start3A_223, %dma_start3A_224] : memref<32x40x2x2x125xi32, #tpu.memory_space<hbm>> -> memref<1x40x2x2x125xi32, #tpu.memory_space<hbm>>
        %dma_start3A_226 = tpu.memref_squeeze %dma_start3A_225 : memref<1x40x2x2x125xi32, #tpu.memory_space<hbm>> -> memref<40x2x2x125xi32, #tpu.memory_space<hbm>>
        %dma_start3A_227 = arith.constant 0 : i32
        %dma_start3A_228 = arith.constant 0 : i32
        %dma_start3A_229 = arith.constant 0 : i32
        %dma_start3A_230 = tpu.memref_slice %dma_start3A_226[%add3A_220, %dma_start3A_227, %dma_start3A_228, %dma_start3A_229] : memref<40x2x2x125xi32, #tpu.memory_space<hbm>> -> memref<1x2x2x125xi32, #tpu.memory_space<hbm>>
        %dma_start3A_231 = tpu.memref_squeeze %dma_start3A_230 : memref<1x2x2x125xi32, #tpu.memory_space<hbm>> -> memref<2x2x125xi32, #tpu.memory_space<hbm>>
        %dma_start3A_232 = arith.constant 0 : i32
        %dma_start3A_233 = arith.constant 0 : i32
        %dma_start3A_234 = arith.constant 0 : i32
        %dma_start3A_235 = arith.constant 0 : i32
        %dma_start3A_236 = tpu.memref_slice %arg2[%add3A, %dma_start3A_232, %dma_start3A_233, %dma_start3A_234, %dma_start3A_235] : memref<32x40x2x2x125xi32, #tpu.memory_space<hbm>> -> memref<1x40x2x2x125xi32, #tpu.memory_space<hbm>>
        %dma_start3A_237 = tpu.memref_squeeze %dma_start3A_236 : memref<1x40x2x2x125xi32, #tpu.memory_space<hbm>> -> memref<40x2x2x125xi32, #tpu.memory_space<hbm>>
        %dma_start3A_238 = arith.constant 0 : i32
        %dma_start3A_239 = arith.constant 0 : i32
        %dma_start3A_240 = arith.constant 0 : i32
        %dma_start3A_241 = tpu.memref_slice %dma_start3A_237[%add3A_220, %dma_start3A_238, %dma_start3A_239, %dma_start3A_240] : memref<40x2x2x125xi32, #tpu.memory_space<hbm>> -> memref<1x2x2x125xi32, #tpu.memory_space<hbm>>
        %dma_start3A_242 = tpu.memref_squeeze %dma_start3A_241 : memref<1x2x2x125xi32, #tpu.memory_space<hbm>> -> memref<2x2x125xi32, #tpu.memory_space<hbm>>
        tpu.enqueue_dma source(%dma_start3A_242 : memref<2x2x125xi32, #tpu.memory_space<hbm>>) target(%arg6 : memref<2x2x125xi32, #tpu.memory_space<vmem>>) target_semaphore(%arg13 : memref<!tpu.dma_semaphore, #tpu.memory_space<semaphore_mem>>)
        %dma_start3A_243 = arith.constant 1 : i32
        %dma_start3A_244 = arith.constant 0 : i32
        %dma_start3A_245 = arith.constant 0 : i32
        %dma_start3A_246 = arith.constant 0 : i32
        %dma_start3A_247 = tpu.memref_slice %arg5[%dma_start3A_243, %dma_start3A_245, %dma_start3A_246] : memref<2x2x125xi32, #tpu.memory_space<vmem>> -> memref<1x2x125xi32, #tpu.memory_space<vmem>>
        %dma_start3A_248 = tpu.memref_squeeze %dma_start3A_247 : memref<1x2x125xi32, #tpu.memory_space<vmem>> -> memref<2x125xi32, #tpu.memory_space<vmem>>
        %dma_start3A_249 = arith.constant 0 : i32
        %dma_start3A_250 = tpu.memref_slice %dma_start3A_248[%dma_start3A_244, %dma_start3A_249] : memref<2x125xi32, #tpu.memory_space<vmem>> -> memref<1x125xi32, #tpu.memory_space<vmem>>
        %dma_start3A_251 = tpu.memref_squeeze %dma_start3A_250 : memref<1x125xi32, #tpu.memory_space<vmem>> -> memref<125xi32, #tpu.memory_space<vmem>>
        %dma_start3A_252 = arith.constant 0 : i32
        %dma_start3A_253 = arith.constant 0 : i32
        %dma_start3A_254 = tpu.memref_slice %arg3[%dma_start3A_252, %dma_start3A_253] : memref<10000x128xf32, #tpu.memory_space<hbm>> -> memref<10000x128xf32, #tpu.memory_space<hbm>>
        tpu.enqueue_indirect_dma source(%dma_start3A_254 : memref<10000x128xf32, #tpu.memory_space<hbm>>) target(%arg8 : memref<125x128xf32, #tpu.memory_space<vmem>>) offsets(%dma_start3A_251 : memref<125xi32, #tpu.memory_space<vmem>>) semaphore(%arg11 : memref<!tpu.dma_semaphore, #tpu.memory_space<semaphore_mem>>)
      } else {
      }
    }
    %scan3A_79 = arith.constant 20 : i32
    %barrier3A_80 = arith.constant 0 : index
    tpu.barrier barrier_id(%barrier3A_80)
    %lt3A_81 = arith.constant 15 : i32
    %lt3A_82 = arith.cmpi slt, %arg1, %lt3A_81 : i32
    %convert_element_type3A_83 = arith.extui %lt3A_82 : i1 to i32
    %cond3A_84 = arith.constant 0 : i32
    %cond3A_85 = arith.cmpi ne, %convert_element_type3A_83, %cond3A_84 : i32
    scf.if %cond3A_85 {
      %mul3A_90 = arith.constant 640 : i32
      %mul3A_91 = arith.muli %arg1, %mul3A_90 : i32
      "tpu.region"() ({
        %run_scoped3A_92 = tpu.sem_alloc : memref<!tpu.dma_semaphore, #tpu.memory_space<semaphore_mem>>
        %dma_start3A_93 = arith.constant 0 : i32
        %dma_start3A_94 = arith.constant 0 : i32
        %dma_start3A_95 = tpu.memref_slice %arg4[%arg0, %dma_start3A_93, %dma_start3A_94] : memref<2x10000x128xf32, #tpu.memory_space<hbm>> -> memref<1x10000x128xf32, #tpu.memory_space<hbm>>
        %dma_start3A_96 = tpu.memref_squeeze %dma_start3A_95 : memref<1x10000x128xf32, #tpu.memory_space<hbm>> -> memref<10000x128xf32, #tpu.memory_space<hbm>>
        %dma_start3A_97 = arith.constant 0 : i32
        %dma_start3A_98 = tpu.memref_slice %dma_start3A_96[%mul3A_91, %dma_start3A_97] : memref<10000x128xf32, #tpu.memory_space<hbm>> -> memref<640x128xf32, #tpu.memory_space<hbm>>
        %dma_start3A_99 = arith.constant 0 : i32
        %dma_start3A_100 = tpu.memref_slice %arg9[%mul3A_91, %dma_start3A_99] : memref<10000x128xf32, #tpu.memory_space<vmem_shared>> -> memref<640x128xf32, #tpu.memory_space<vmem_shared>>
        tpu.enqueue_dma source(%dma_start3A_100 : memref<640x128xf32, #tpu.memory_space<vmem_shared>>) target(%dma_start3A_98 : memref<640x128xf32, #tpu.memory_space<hbm>>) target_semaphore(%run_scoped3A_92 : memref<!tpu.dma_semaphore, #tpu.memory_space<semaphore_mem>>)
        %dma_wait3A = arith.constant 0 : i32
        %dma_wait3A_101 = arith.constant 0 : i32
        %dma_wait3A_102 = tpu.memref_slice %arg4[%arg0, %dma_wait3A, %dma_wait3A_101] : memref<2x10000x128xf32, #tpu.memory_space<hbm>> -> memref<1x10000x128xf32, #tpu.memory_space<hbm>>
        %dma_wait3A_103 = tpu.memref_squeeze %dma_wait3A_102 : memref<1x10000x128xf32, #tpu.memory_space<hbm>> -> memref<10000x128xf32, #tpu.memory_space<hbm>>
        %dma_wait3A_104 = arith.constant 0 : i32
        %dma_wait3A_105 = tpu.memref_slice %dma_wait3A_103[%mul3A_91, %dma_wait3A_104] : memref<10000x128xf32, #tpu.memory_space<hbm>> -> memref<640x128xf32, #tpu.memory_space<hbm>>
        %dma_wait3A_106 = arith.constant 0 : i32
        %dma_wait3A_107 = tpu.memref_slice %arg9[%mul3A_91, %dma_wait3A_106] : memref<10000x128xf32, #tpu.memory_space<vmem_shared>> -> memref<640x128xf32, #tpu.memory_space<vmem_shared>>
        tpu.wait_dma2 semaphore(%run_scoped3A_92 : memref<!tpu.dma_semaphore, #tpu.memory_space<semaphore_mem>>) src(%dma_wait3A_107 : memref<640x128xf32, #tpu.memory_space<vmem_shared>>) dst(%dma_wait3A_105 : memref<640x128xf32, #tpu.memory_space<hbm>>)
        tpu.yield
      }) : () -> ()
    } else {
    }
    %eq3A = arith.constant 15 : i32
    %eq3A_86 = arith.cmpi eq, %arg1, %eq3A : i32
    %convert_element_type3A_87 = arith.extui %eq3A_86 : i1 to i32
    %cond3A_88 = arith.constant 0 : i32
    %cond3A_89 = arith.cmpi ne, %convert_element_type3A_87, %cond3A_88 : i32
    scf.if %cond3A_89 {
      "tpu.region"() ({
        %run_scoped3A_90 = tpu.sem_alloc : memref<!tpu.dma_semaphore, #tpu.memory_space<semaphore_mem>>
        %dma_start3A_91 = arith.constant 0 : i32
        %dma_start3A_92 = arith.constant 0 : i32
        %dma_start3A_93 = tpu.memref_slice %arg4[%arg0, %dma_start3A_91, %dma_start3A_92] : memref<2x10000x128xf32, #tpu.memory_space<hbm>> -> memref<1x10000x128xf32, #tpu.memory_space<hbm>>
        %dma_start3A_94 = tpu.memref_squeeze %dma_start3A_93 : memref<1x10000x128xf32, #tpu.memory_space<hbm>> -> memref<10000x128xf32, #tpu.memory_space<hbm>>
        %dma_start3A_95 = arith.constant 9600 : i32
        %dma_start3A_96 = arith.constant 0 : i32
        %dma_start3A_97 = tpu.memref_slice %dma_start3A_94[%dma_start3A_95, %dma_start3A_96] : memref<10000x128xf32, #tpu.memory_space<hbm>> -> memref<400x128xf32, #tpu.memory_space<hbm>>
        %dma_start3A_98 = arith.constant 9600 : i32
        %dma_start3A_99 = arith.constant 0 : i32
        %dma_start3A_100 = tpu.memref_slice %arg9[%dma_start3A_98, %dma_start3A_99] : memref<10000x128xf32, #tpu.memory_space<vmem_shared>> -> memref<400x128xf32, #tpu.memory_space<vmem_shared>>
        tpu.enqueue_dma source(%dma_start3A_100 : memref<400x128xf32, #tpu.memory_space<vmem_shared>>) target(%dma_start3A_97 : memref<400x128xf32, #tpu.memory_space<hbm>>) target_semaphore(%run_scoped3A_90 : memref<!tpu.dma_semaphore, #tpu.memory_space<semaphore_mem>>)
        %dma_wait3A = arith.constant 0 : i32
        %dma_wait3A_101 = arith.constant 0 : i32
        %dma_wait3A_102 = tpu.memref_slice %arg4[%arg0, %dma_wait3A, %dma_wait3A_101] : memref<2x10000x128xf32, #tpu.memory_space<hbm>> -> memref<1x10000x128xf32, #tpu.memory_space<hbm>>
        %dma_wait3A_103 = tpu.memref_squeeze %dma_wait3A_102 : memref<1x10000x128xf32, #tpu.memory_space<hbm>> -> memref<10000x128xf32, #tpu.memory_space<hbm>>
        %dma_wait3A_104 = arith.constant 9600 : i32
        %dma_wait3A_105 = arith.constant 0 : i32
        %dma_wait3A_106 = tpu.memref_slice %dma_wait3A_103[%dma_wait3A_104, %dma_wait3A_105] : memref<10000x128xf32, #tpu.memory_space<hbm>> -> memref<400x128xf32, #tpu.memory_space<hbm>>
        %dma_wait3A_107 = arith.constant 9600 : i32
        %dma_wait3A_108 = arith.constant 0 : i32
        %dma_wait3A_109 = tpu.memref_slice %arg9[%dma_wait3A_107, %dma_wait3A_108] : memref<10000x128xf32, #tpu.memory_space<vmem_shared>> -> memref<400x128xf32, #tpu.memory_space<vmem_shared>>
        tpu.wait_dma2 semaphore(%run_scoped3A_90 : memref<!tpu.dma_semaphore, #tpu.memory_space<semaphore_mem>>) src(%dma_wait3A_109 : memref<400x128xf32, #tpu.memory_space<vmem_shared>>) dst(%dma_wait3A_106 : memref<400x128xf32, #tpu.memory_space<hbm>>)
        tpu.yield
      }) : () -> ()
    } else {
    }
    return
  }
}

#map = affine_map<(d0, d1) -> (0, 0, 0, 0, 0)>
#map1 = affine_map<(d0, d1) -> (0, 0)>
#map2 = affine_map<(d0, d1) -> (0, 0, 0)>
module attributes {stable_mosaic.version = 14 : i64} {
  func.func @sc_prop128(%arg0: i32, %arg1: i32, %arg2: memref<32x40x2x2x125xi32, #tpu.memory_space<hbm>>, %arg3: memref<10000x128xf32, #tpu.memory_space<hbm>>, %arg4: memref<2x10000x128xf32, #tpu.memory_space<hbm>>, %arg5: memref<2x2x125xi32, #tpu.memory_space<vmem>>, %arg6: memref<2x2x125xi32, #tpu.memory_space<vmem>>, %arg7: memref<125x128xf32, #tpu.memory_space<vmem>>, %arg8: memref<125x128xf32, #tpu.memory_space<vmem>>, %arg9: memref<10000x128xf32, #tpu.memory_space<vmem_shared>>, %arg10: memref<!tpu.dma_semaphore, #tpu.memory_space<semaphore_mem>>, %arg11: memref<!tpu.dma_semaphore, #tpu.memory_space<semaphore_mem>>, %arg12: memref<!tpu.dma_semaphore, #tpu.memory_space<semaphore_mem>>, %arg13: memref<!tpu.dma_semaphore, #tpu.memory_space<semaphore_mem>>) attributes {dimension_semantics = [#tpu.dimension_semantics<core_parallel>, #tpu.dimension_semantics<subcore_parallel>], iteration_bounds = array<i64: 2, 16>, scalar_prefetch = 0 : i64, scratch_operands = 9 : i64, tpu.core_type = #tpu.core_type<sc_vector_subcore>, window_params = [{transform_indices = #map}, {transform_indices = #map1}, {transform_indices = #map2}]} {
    %mul3A = arith.constant 16 : i32
    %mul3A_0 = arith.muli %arg0, %mul3A : i32
    %add3A = arith.addi %mul3A_0, %arg1 : i32
    %scan3A = arith.constant 0 : i32
    %scan3A_1 = arith.constant 0 : i32
    %scan3A_2 = arith.constant 125 : i32
    %scan3A_3 = arith.addi %scan3A_1, %scan3A_2 : i32
    %scan3A_4 = arith.constant 1 : i32
    scf.for %scan3A_90 = %scan3A_1 to %scan3A_3 step %scan3A_4  : i32 {
      %broadcast_in_dim3A = arith.constant 0.000000e+00 : f32
      %broadcast_in_dim3A_91 = vector.broadcast %broadcast_in_dim3A : f32 to vector<16xf32>
      %swap3A = arith.index_cast %scan3A_90 : i32 to index
      %swap3A_92 = arith.constant 0 : index
      %swap3A_93 = tpu.vector_load %arg7[%swap3A, %swap3A_92] {strides = array<i32>} : memref<125x128xf32, #tpu.memory_space<vmem>>, vector<1x16xf32>,
      %swap3A_94 = vector.shape_cast %swap3A_93 : vector<1x16xf32> to vector<16xf32>
      %swap3A_95 = vector.shape_cast %broadcast_in_dim3A_91 : vector<16xf32> to vector<1x16xf32>
      tpu.vector_store %arg7[%swap3A, %swap3A_92], %swap3A_95 {strides = array<i32>} : memref<125x128xf32, #tpu.memory_space<vmem>>, vector<1x16xf32>,
      %broadcast_in_dim3A_96 = arith.constant 0.000000e+00 : f32
      %broadcast_in_dim3A_97 = vector.broadcast %broadcast_in_dim3A_96 : f32 to vector<16xf32>
      %swap3A_98 = arith.index_cast %scan3A_90 : i32 to index
      %swap3A_99 = arith.constant 16 : index
      %swap3A_100 = tpu.vector_load %arg7[%swap3A_98, %swap3A_99] {strides = array<i32>} : memref<125x128xf32, #tpu.memory_space<vmem>>, vector<1x16xf32>,
      %swap3A_101 = vector.shape_cast %swap3A_100 : vector<1x16xf32> to vector<16xf32>
      %swap3A_102 = vector.shape_cast %broadcast_in_dim3A_97 : vector<16xf32> to vector<1x16xf32>
      tpu.vector_store %arg7[%swap3A_98, %swap3A_99], %swap3A_102 {strides = array<i32>} : memref<125x128xf32, #tpu.memory_space<vmem>>, vector<1x16xf32>,
      %broadcast_in_dim3A_103 = arith.constant 0.000000e+00 : f32
      %broadcast_in_dim3A_104 = vector.broadcast %broadcast_in_dim3A_103 : f32 to vector<16xf32>
      %swap3A_105 = arith.index_cast %scan3A_90 : i32 to index
      %swap3A_106 = arith.constant 32 : index
      %swap3A_107 = tpu.vector_load %arg7[%swap3A_105, %swap3A_106] {strides = array<i32>} : memref<125x128xf32, #tpu.memory_space<vmem>>, vector<1x16xf32>,
      %swap3A_108 = vector.shape_cast %swap3A_107 : vector<1x16xf32> to vector<16xf32>
      %swap3A_109 = vector.shape_cast %broadcast_in_dim3A_104 : vector<16xf32> to vector<1x16xf32>
      tpu.vector_store %arg7[%swap3A_105, %swap3A_106], %swap3A_109 {strides = array<i32>} : memref<125x128xf32, #tpu.memory_space<vmem>>, vector<1x16xf32>,
      %broadcast_in_dim3A_110 = arith.constant 0.000000e+00 : f32
      %broadcast_in_dim3A_111 = vector.broadcast %broadcast_in_dim3A_110 : f32 to vector<16xf32>
      %swap3A_112 = arith.index_cast %scan3A_90 : i32 to index
      %swap3A_113 = arith.constant 48 : index
      %swap3A_114 = tpu.vector_load %arg7[%swap3A_112, %swap3A_113] {strides = array<i32>} : memref<125x128xf32, #tpu.memory_space<vmem>>, vector<1x16xf32>,
      %swap3A_115 = vector.shape_cast %swap3A_114 : vector<1x16xf32> to vector<16xf32>
      %swap3A_116 = vector.shape_cast %broadcast_in_dim3A_111 : vector<16xf32> to vector<1x16xf32>
      tpu.vector_store %arg7[%swap3A_112, %swap3A_113], %swap3A_116 {strides = array<i32>} : memref<125x128xf32, #tpu.memory_space<vmem>>, vector<1x16xf32>,
      %broadcast_in_dim3A_117 = arith.constant 0.000000e+00 : f32
      %broadcast_in_dim3A_118 = vector.broadcast %broadcast_in_dim3A_117 : f32 to vector<16xf32>
      %swap3A_119 = arith.index_cast %scan3A_90 : i32 to index
      %swap3A_120 = arith.constant 64 : index
      %swap3A_121 = tpu.vector_load %arg7[%swap3A_119, %swap3A_120] {strides = array<i32>} : memref<125x128xf32, #tpu.memory_space<vmem>>, vector<1x16xf32>,
      %swap3A_122 = vector.shape_cast %swap3A_121 : vector<1x16xf32> to vector<16xf32>
      %swap3A_123 = vector.shape_cast %broadcast_in_dim3A_118 : vector<16xf32> to vector<1x16xf32>
      tpu.vector_store %arg7[%swap3A_119, %swap3A_120], %swap3A_123 {strides = array<i32>} : memref<125x128xf32, #tpu.memory_space<vmem>>, vector<1x16xf32>,
      %broadcast_in_dim3A_124 = arith.constant 0.000000e+00 : f32
      %broadcast_in_dim3A_125 = vector.broadcast %broadcast_in_dim3A_124 : f32 to vector<16xf32>
      %swap3A_126 = arith.index_cast %scan3A_90 : i32 to index
      %swap3A_127 = arith.constant 80 : index
      %swap3A_128 = tpu.vector_load %arg7[%swap3A_126, %swap3A_127] {strides = array<i32>} : memref<125x128xf32, #tpu.memory_space<vmem>>, vector<1x16xf32>,
      %swap3A_129 = vector.shape_cast %swap3A_128 : vector<1x16xf32> to vector<16xf32>
      %swap3A_130 = vector.shape_cast %broadcast_in_dim3A_125 : vector<16xf32> to vector<1x16xf32>
      tpu.vector_store %arg7[%swap3A_126, %swap3A_127], %swap3A_130 {strides = array<i32>} : memref<125x128xf32, #tpu.memory_space<vmem>>, vector<1x16xf32>,
      %broadcast_in_dim3A_131 = arith.constant 0.000000e+00 : f32
      %broadcast_in_dim3A_132 = vector.broadcast %broadcast_in_dim3A_131 : f32 to vector<16xf32>
      %swap3A_133 = arith.index_cast %scan3A_90 : i32 to index
      %swap3A_134 = arith.constant 96 : index
      %swap3A_135 = tpu.vector_load %arg7[%swap3A_133, %swap3A_134] {strides = array<i32>} : memref<125x128xf32, #tpu.memory_space<vmem>>, vector<1x16xf32>,
      %swap3A_136 = vector.shape_cast %swap3A_135 : vector<1x16xf32> to vector<16xf32>
      %swap3A_137 = vector.shape_cast %broadcast_in_dim3A_132 : vector<16xf32> to vector<1x16xf32>
      tpu.vector_store %arg7[%swap3A_133, %swap3A_134], %swap3A_137 {strides = array<i32>} : memref<125x128xf32, #tpu.memory_space<vmem>>, vector<1x16xf32>,
      %broadcast_in_dim3A_138 = arith.constant 0.000000e+00 : f32
      %broadcast_in_dim3A_139 = vector.broadcast %broadcast_in_dim3A_138 : f32 to vector<16xf32>
      %swap3A_140 = arith.index_cast %scan3A_90 : i32 to index
      %swap3A_141 = arith.constant 112 : index
      %swap3A_142 = tpu.vector_load %arg7[%swap3A_140, %swap3A_141] {strides = array<i32>} : memref<125x128xf32, #tpu.memory_space<vmem>>, vector<1x16xf32>,
      %swap3A_143 = vector.shape_cast %swap3A_142 : vector<1x16xf32> to vector<16xf32>
      %swap3A_144 = vector.shape_cast %broadcast_in_dim3A_139 : vector<16xf32> to vector<1x16xf32>
      tpu.vector_store %arg7[%swap3A_140, %swap3A_141], %swap3A_144 {strides = array<i32>} : memref<125x128xf32, #tpu.memory_space<vmem>>, vector<1x16xf32>,
    }
    %scan3A_5 = arith.constant 125 : i32
    %mul3A_6 = arith.constant 640 : i32
    %mul3A_7 = arith.muli %arg1, %mul3A_6 : i32
    %add3A_8 = arith.constant 0 : i32
    %add3A_9 = arith.addi %mul3A_7, %add3A_8 : i32
    "tpu.region"() ({
      %run_scoped3A_90 = tpu.sem_alloc : memref<!tpu.dma_semaphore, #tpu.memory_space<semaphore_mem>>
      %dma_start3A_91 = arith.constant 0 : i32
      %dma_start3A_92 = arith.constant 0 : i32
      %dma_start3A_93 = tpu.memref_slice %arg7[%dma_start3A_91, %dma_start3A_92] : memref<125x128xf32, #tpu.memory_space<vmem>> -> memref<80x128xf32, #tpu.memory_space<vmem>>
      %dma_start3A_94 = arith.constant 0 : i32
      %dma_start3A_95 = tpu.memref_slice %arg9[%add3A_9, %dma_start3A_94] : memref<10000x128xf32, #tpu.memory_space<vmem_shared>> -> memref<80x128xf32, #tpu.memory_space<vmem_shared>>
      %dma_start3A_96 = arith.constant 0 : i32
      %dma_start3A_97 = tpu.memref_slice %arg9[%add3A_9, %dma_start3A_96] : memref<10000x128xf32, #tpu.memory_space<vmem_shared>> -> memref<80x128xf32, #tpu.memory_space<vmem_shared>>
      %dma_start3A_98 = arith.constant 0 : i32
      %dma_start3A_99 = arith.constant 0 : i32
      %dma_start3A_100 = tpu.memref_slice %arg7[%dma_start3A_98, %dma_start3A_99] : memref<125x128xf32, #tpu.memory_space<vmem>> -> memref<80x128xf32, #tpu.memory_space<vmem>>
      tpu.enqueue_dma source(%dma_start3A_100 : memref<80x128xf32, #tpu.memory_space<vmem>>) target(%dma_start3A_97 : memref<80x128xf32, #tpu.memory_space<vmem_shared>>) target_semaphore(%run_scoped3A_90 : memref<!tpu.dma_semaphore, #tpu.memory_space<semaphore_mem>>)
      %dma_wait3A = arith.constant 0 : i32
      %dma_wait3A_101 = arith.constant 0 : i32
      %dma_wait3A_102 = tpu.memref_slice %arg7[%dma_wait3A, %dma_wait3A_101] : memref<125x128xf32, #tpu.memory_space<vmem>> -> memref<80x128xf32, #tpu.memory_space<vmem>>
      %dma_wait3A_103 = arith.constant 0 : i32
      %dma_wait3A_104 = tpu.memref_slice %arg9[%add3A_9, %dma_wait3A_103] : memref<10000x128xf32, #tpu.memory_space<vmem_shared>> -> memref<80x128xf32, #tpu.memory_space<vmem_shared>>
      %dma_wait3A_105 = arith.constant 0 : i32
      %dma_wait3A_106 = tpu.memref_slice %arg9[%add3A_9, %dma_wait3A_105] : memref<10000x128xf32, #tpu.memory_space<vmem_shared>> -> memref<80x128xf32, #tpu.memory_space<vmem_shared>>
      %dma_wait3A_107 = arith.constant 0 : i32
      %dma_wait3A_108 = arith.constant 0 : i32
      %dma_wait3A_109 = tpu.memref_slice %arg7[%dma_wait3A_107, %dma_wait3A_108] : memref<125x128xf32, #tpu.memory_space<vmem>> -> memref<80x128xf32, #tpu.memory_space<vmem>>
      tpu.wait_dma2 semaphore(%run_scoped3A_90 : memref<!tpu.dma_semaphore, #tpu.memory_space<semaphore_mem>>) src(%dma_wait3A_109 : memref<80x128xf32, #tpu.memory_space<vmem>>) dst(%dma_wait3A_106 : memref<80x128xf32, #tpu.memory_space<vmem_shared>>)
      tpu.yield
    }) : () -> ()
    %mul3A_10 = arith.constant 640 : i32
    %mul3A_11 = arith.muli %arg1, %mul3A_10 : i32
    %add3A_12 = arith.constant 80 : i32
    %add3A_13 = arith.addi %mul3A_11, %add3A_12 : i32
    "tpu.region"() ({
      %run_scoped3A_90 = tpu.sem_alloc : memref<!tpu.dma_semaphore, #tpu.memory_space<semaphore_mem>>
      %dma_start3A_91 = arith.constant 0 : i32
      %dma_start3A_92 = arith.constant 0 : i32
      %dma_start3A_93 = tpu.memref_slice %arg7[%dma_start3A_91, %dma_start3A_92] : memref<125x128xf32, #tpu.memory_space<vmem>> -> memref<80x128xf32, #tpu.memory_space<vmem>>
      %dma_start3A_94 = arith.constant 0 : i32
      %dma_start3A_95 = tpu.memref_slice %arg9[%add3A_13, %dma_start3A_94] : memref<10000x128xf32, #tpu.memory_space<vmem_shared>> -> memref<80x128xf32, #tpu.memory_space<vmem_shared>>
      %dma_start3A_96 = arith.constant 0 : i32
      %dma_start3A_97 = tpu.memref_slice %arg9[%add3A_13, %dma_start3A_96] : memref<10000x128xf32, #tpu.memory_space<vmem_shared>> -> memref<80x128xf32, #tpu.memory_space<vmem_shared>>
      %dma_start3A_98 = arith.constant 0 : i32
      %dma_start3A_99 = arith.constant 0 : i32
      %dma_start3A_100 = tpu.memref_slice %arg7[%dma_start3A_98, %dma_start3A_99] : memref<125x128xf32, #tpu.memory_space<vmem>> -> memref<80x128xf32, #tpu.memory_space<vmem>>
      tpu.enqueue_dma source(%dma_start3A_100 : memref<80x128xf32, #tpu.memory_space<vmem>>) target(%dma_start3A_97 : memref<80x128xf32, #tpu.memory_space<vmem_shared>>) target_semaphore(%run_scoped3A_90 : memref<!tpu.dma_semaphore, #tpu.memory_space<semaphore_mem>>)
      %dma_wait3A = arith.constant 0 : i32
      %dma_wait3A_101 = arith.constant 0 : i32
      %dma_wait3A_102 = tpu.memref_slice %arg7[%dma_wait3A, %dma_wait3A_101] : memref<125x128xf32, #tpu.memory_space<vmem>> -> memref<80x128xf32, #tpu.memory_space<vmem>>
      %dma_wait3A_103 = arith.constant 0 : i32
      %dma_wait3A_104 = tpu.memref_slice %arg9[%add3A_13, %dma_wait3A_103] : memref<10000x128xf32, #tpu.memory_space<vmem_shared>> -> memref<80x128xf32, #tpu.memory_space<vmem_shared>>
      %dma_wait3A_105 = arith.constant 0 : i32
      %dma_wait3A_106 = tpu.memref_slice %arg9[%add3A_13, %dma_wait3A_105] : memref<10000x128xf32, #tpu.memory_space<vmem_shared>> -> memref<80x128xf32, #tpu.memory_space<vmem_shared>>
      %dma_wait3A_107 = arith.constant 0 : i32
      %dma_wait3A_108 = arith.constant 0 : i32
      %dma_wait3A_109 = tpu.memref_slice %arg7[%dma_wait3A_107, %dma_wait3A_108] : memref<125x128xf32, #tpu.memory_space<vmem>> -> memref<80x128xf32, #tpu.memory_space<vmem>>
      tpu.wait_dma2 semaphore(%run_scoped3A_90 : memref<!tpu.dma_semaphore, #tpu.memory_space<semaphore_mem>>) src(%dma_wait3A_109 : memref<80x128xf32, #tpu.memory_space<vmem>>) dst(%dma_wait3A_106 : memref<80x128xf32, #tpu.memory_space<vmem_shared>>)
      tpu.yield
    }) : () -> ()
    %mul3A_14 = arith.constant 640 : i32
    %mul3A_15 = arith.muli %arg1, %mul3A_14 : i32
    %add3A_16 = arith.constant 160 : i32
    %add3A_17 = arith.addi %mul3A_15, %add3A_16 : i32
    "tpu.region"() ({
      %run_scoped3A_90 = tpu.sem_alloc : memref<!tpu.dma_semaphore, #tpu.memory_space<semaphore_mem>>
      %dma_start3A_91 = arith.constant 0 : i32
      %dma_start3A_92 = arith.constant 0 : i32
      %dma_start3A_93 = tpu.memref_slice %arg7[%dma_start3A_91, %dma_start3A_92] : memref<125x128xf32, #tpu.memory_space<vmem>> -> memref<80x128xf32, #tpu.memory_space<vmem>>
      %dma_start3A_94 = arith.constant 0 : i32
      %dma_start3A_95 = tpu.memref_slice %arg9[%add3A_17, %dma_start3A_94] : memref<10000x128xf32, #tpu.memory_space<vmem_shared>> -> memref<80x128xf32, #tpu.memory_space<vmem_shared>>
      %dma_start3A_96 = arith.constant 0 : i32
      %dma_start3A_97 = tpu.memref_slice %arg9[%add3A_17, %dma_start3A_96] : memref<10000x128xf32, #tpu.memory_space<vmem_shared>> -> memref<80x128xf32, #tpu.memory_space<vmem_shared>>
      %dma_start3A_98 = arith.constant 0 : i32
      %dma_start3A_99 = arith.constant 0 : i32
      %dma_start3A_100 = tpu.memref_slice %arg7[%dma_start3A_98, %dma_start3A_99] : memref<125x128xf32, #tpu.memory_space<vmem>> -> memref<80x128xf32, #tpu.memory_space<vmem>>
      tpu.enqueue_dma source(%dma_start3A_100 : memref<80x128xf32, #tpu.memory_space<vmem>>) target(%dma_start3A_97 : memref<80x128xf32, #tpu.memory_space<vmem_shared>>) target_semaphore(%run_scoped3A_90 : memref<!tpu.dma_semaphore, #tpu.memory_space<semaphore_mem>>)
      %dma_wait3A = arith.constant 0 : i32
      %dma_wait3A_101 = arith.constant 0 : i32
      %dma_wait3A_102 = tpu.memref_slice %arg7[%dma_wait3A, %dma_wait3A_101] : memref<125x128xf32, #tpu.memory_space<vmem>> -> memref<80x128xf32, #tpu.memory_space<vmem>>
      %dma_wait3A_103 = arith.constant 0 : i32
      %dma_wait3A_104 = tpu.memref_slice %arg9[%add3A_17, %dma_wait3A_103] : memref<10000x128xf32, #tpu.memory_space<vmem_shared>> -> memref<80x128xf32, #tpu.memory_space<vmem_shared>>
      %dma_wait3A_105 = arith.constant 0 : i32
      %dma_wait3A_106 = tpu.memref_slice %arg9[%add3A_17, %dma_wait3A_105] : memref<10000x128xf32, #tpu.memory_space<vmem_shared>> -> memref<80x128xf32, #tpu.memory_space<vmem_shared>>
      %dma_wait3A_107 = arith.constant 0 : i32
      %dma_wait3A_108 = arith.constant 0 : i32
      %dma_wait3A_109 = tpu.memref_slice %arg7[%dma_wait3A_107, %dma_wait3A_108] : memref<125x128xf32, #tpu.memory_space<vmem>> -> memref<80x128xf32, #tpu.memory_space<vmem>>
      tpu.wait_dma2 semaphore(%run_scoped3A_90 : memref<!tpu.dma_semaphore, #tpu.memory_space<semaphore_mem>>) src(%dma_wait3A_109 : memref<80x128xf32, #tpu.memory_space<vmem>>) dst(%dma_wait3A_106 : memref<80x128xf32, #tpu.memory_space<vmem_shared>>)
      tpu.yield
    }) : () -> ()
    %mul3A_18 = arith.constant 640 : i32
    %mul3A_19 = arith.muli %arg1, %mul3A_18 : i32
    %add3A_20 = arith.constant 240 : i32
    %add3A_21 = arith.addi %mul3A_19, %add3A_20 : i32
    "tpu.region"() ({
      %run_scoped3A_90 = tpu.sem_alloc : memref<!tpu.dma_semaphore, #tpu.memory_space<semaphore_mem>>
      %dma_start3A_91 = arith.constant 0 : i32
      %dma_start3A_92 = arith.constant 0 : i32
      %dma_start3A_93 = tpu.memref_slice %arg7[%dma_start3A_91, %dma_start3A_92] : memref<125x128xf32, #tpu.memory_space<vmem>> -> memref<80x128xf32, #tpu.memory_space<vmem>>
      %dma_start3A_94 = arith.constant 0 : i32
      %dma_start3A_95 = tpu.memref_slice %arg9[%add3A_21, %dma_start3A_94] : memref<10000x128xf32, #tpu.memory_space<vmem_shared>> -> memref<80x128xf32, #tpu.memory_space<vmem_shared>>
      %dma_start3A_96 = arith.constant 0 : i32
      %dma_start3A_97 = tpu.memref_slice %arg9[%add3A_21, %dma_start3A_96] : memref<10000x128xf32, #tpu.memory_space<vmem_shared>> -> memref<80x128xf32, #tpu.memory_space<vmem_shared>>
      %dma_start3A_98 = arith.constant 0 : i32
      %dma_start3A_99 = arith.constant 0 : i32
      %dma_start3A_100 = tpu.memref_slice %arg7[%dma_start3A_98, %dma_start3A_99] : memref<125x128xf32, #tpu.memory_space<vmem>> -> memref<80x128xf32, #tpu.memory_space<vmem>>
      tpu.enqueue_dma source(%dma_start3A_100 : memref<80x128xf32, #tpu.memory_space<vmem>>) target(%dma_start3A_97 : memref<80x128xf32, #tpu.memory_space<vmem_shared>>) target_semaphore(%run_scoped3A_90 : memref<!tpu.dma_semaphore, #tpu.memory_space<semaphore_mem>>)
      %dma_wait3A = arith.constant 0 : i32
      %dma_wait3A_101 = arith.constant 0 : i32
      %dma_wait3A_102 = tpu.memref_slice %arg7[%dma_wait3A, %dma_wait3A_101] : memref<125x128xf32, #tpu.memory_space<vmem>> -> memref<80x128xf32, #tpu.memory_space<vmem>>
      %dma_wait3A_103 = arith.constant 0 : i32
      %dma_wait3A_104 = tpu.memref_slice %arg9[%add3A_21, %dma_wait3A_103] : memref<10000x128xf32, #tpu.memory_space<vmem_shared>> -> memref<80x128xf32, #tpu.memory_space<vmem_shared>>
      %dma_wait3A_105 = arith.constant 0 : i32
      %dma_wait3A_106 = tpu.memref_slice %arg9[%add3A_21, %dma_wait3A_105] : memref<10000x128xf32, #tpu.memory_space<vmem_shared>> -> memref<80x128xf32, #tpu.memory_space<vmem_shared>>
      %dma_wait3A_107 = arith.constant 0 : i32
      %dma_wait3A_108 = arith.constant 0 : i32
      %dma_wait3A_109 = tpu.memref_slice %arg7[%dma_wait3A_107, %dma_wait3A_108] : memref<125x128xf32, #tpu.memory_space<vmem>> -> memref<80x128xf32, #tpu.memory_space<vmem>>
      tpu.wait_dma2 semaphore(%run_scoped3A_90 : memref<!tpu.dma_semaphore, #tpu.memory_space<semaphore_mem>>) src(%dma_wait3A_109 : memref<80x128xf32, #tpu.memory_space<vmem>>) dst(%dma_wait3A_106 : memref<80x128xf32, #tpu.memory_space<vmem_shared>>)
      tpu.yield
    }) : () -> ()
    %mul3A_22 = arith.constant 640 : i32
    %mul3A_23 = arith.muli %arg1, %mul3A_22 : i32
    %add3A_24 = arith.constant 320 : i32
    %add3A_25 = arith.addi %mul3A_23, %add3A_24 : i32
    "tpu.region"() ({
      %run_scoped3A_90 = tpu.sem_alloc : memref<!tpu.dma_semaphore, #tpu.memory_space<semaphore_mem>>
      %dma_start3A_91 = arith.constant 0 : i32
      %dma_start3A_92 = arith.constant 0 : i32
      %dma_start3A_93 = tpu.memref_slice %arg7[%dma_start3A_91, %dma_start3A_92] : memref<125x128xf32, #tpu.memory_space<vmem>> -> memref<80x128xf32, #tpu.memory_space<vmem>>
      %dma_start3A_94 = arith.constant 0 : i32
      %dma_start3A_95 = tpu.memref_slice %arg9[%add3A_25, %dma_start3A_94] : memref<10000x128xf32, #tpu.memory_space<vmem_shared>> -> memref<80x128xf32, #tpu.memory_space<vmem_shared>>
      %dma_start3A_96 = arith.constant 0 : i32
      %dma_start3A_97 = tpu.memref_slice %arg9[%add3A_25, %dma_start3A_96] : memref<10000x128xf32, #tpu.memory_space<vmem_shared>> -> memref<80x128xf32, #tpu.memory_space<vmem_shared>>
      %dma_start3A_98 = arith.constant 0 : i32
      %dma_start3A_99 = arith.constant 0 : i32
      %dma_start3A_100 = tpu.memref_slice %arg7[%dma_start3A_98, %dma_start3A_99] : memref<125x128xf32, #tpu.memory_space<vmem>> -> memref<80x128xf32, #tpu.memory_space<vmem>>
      tpu.enqueue_dma source(%dma_start3A_100 : memref<80x128xf32, #tpu.memory_space<vmem>>) target(%dma_start3A_97 : memref<80x128xf32, #tpu.memory_space<vmem_shared>>) target_semaphore(%run_scoped3A_90 : memref<!tpu.dma_semaphore, #tpu.memory_space<semaphore_mem>>)
      %dma_wait3A = arith.constant 0 : i32
      %dma_wait3A_101 = arith.constant 0 : i32
      %dma_wait3A_102 = tpu.memref_slice %arg7[%dma_wait3A, %dma_wait3A_101] : memref<125x128xf32, #tpu.memory_space<vmem>> -> memref<80x128xf32, #tpu.memory_space<vmem>>
      %dma_wait3A_103 = arith.constant 0 : i32
      %dma_wait3A_104 = tpu.memref_slice %arg9[%add3A_25, %dma_wait3A_103] : memref<10000x128xf32, #tpu.memory_space<vmem_shared>> -> memref<80x128xf32, #tpu.memory_space<vmem_shared>>
      %dma_wait3A_105 = arith.constant 0 : i32
      %dma_wait3A_106 = tpu.memref_slice %arg9[%add3A_25, %dma_wait3A_105] : memref<10000x128xf32, #tpu.memory_space<vmem_shared>> -> memref<80x128xf32, #tpu.memory_space<vmem_shared>>
      %dma_wait3A_107 = arith.constant 0 : i32
      %dma_wait3A_108 = arith.constant 0 : i32
      %dma_wait3A_109 = tpu.memref_slice %arg7[%dma_wait3A_107, %dma_wait3A_108] : memref<125x128xf32, #tpu.memory_space<vmem>> -> memref<80x128xf32, #tpu.memory_space<vmem>>
      tpu.wait_dma2 semaphore(%run_scoped3A_90 : memref<!tpu.dma_semaphore, #tpu.memory_space<semaphore_mem>>) src(%dma_wait3A_109 : memref<80x128xf32, #tpu.memory_space<vmem>>) dst(%dma_wait3A_106 : memref<80x128xf32, #tpu.memory_space<vmem_shared>>)
      tpu.yield
    }) : () -> ()
    %lt3A = arith.constant 15 : i32
    %lt3A_26 = arith.cmpi slt, %arg1, %lt3A : i32
    %convert_element_type3A = arith.extui %lt3A_26 : i1 to i32
    %cond3A = arith.constant 0 : i32
    %cond3A_27 = arith.cmpi ne, %convert_element_type3A, %cond3A : i32
    scf.if %cond3A_27 {
      %mul3A_90 = arith.constant 640 : i32
      %mul3A_91 = arith.muli %arg1, %mul3A_90 : i32
      %add3A_92 = arith.constant 400 : i32
      %add3A_93 = arith.addi %mul3A_91, %add3A_92 : i32
      "tpu.region"() ({
        %run_scoped3A_102 = tpu.sem_alloc : memref<!tpu.dma_semaphore, #tpu.memory_space<semaphore_mem>>
        %dma_start3A_103 = arith.constant 0 : i32
        %dma_start3A_104 = arith.constant 0 : i32
        %dma_start3A_105 = tpu.memref_slice %arg7[%dma_start3A_103, %dma_start3A_104] : memref<125x128xf32, #tpu.memory_space<vmem>> -> memref<80x128xf32, #tpu.memory_space<vmem>>
        %dma_start3A_106 = arith.constant 0 : i32
        %dma_start3A_107 = tpu.memref_slice %arg9[%add3A_93, %dma_start3A_106] : memref<10000x128xf32, #tpu.memory_space<vmem_shared>> -> memref<80x128xf32, #tpu.memory_space<vmem_shared>>
        %dma_start3A_108 = arith.constant 0 : i32
        %dma_start3A_109 = tpu.memref_slice %arg9[%add3A_93, %dma_start3A_108] : memref<10000x128xf32, #tpu.memory_space<vmem_shared>> -> memref<80x128xf32, #tpu.memory_space<vmem_shared>>
        %dma_start3A_110 = arith.constant 0 : i32
        %dma_start3A_111 = arith.constant 0 : i32
        %dma_start3A_112 = tpu.memref_slice %arg7[%dma_start3A_110, %dma_start3A_111] : memref<125x128xf32, #tpu.memory_space<vmem>> -> memref<80x128xf32, #tpu.memory_space<vmem>>
        tpu.enqueue_dma source(%dma_start3A_112 : memref<80x128xf32, #tpu.memory_space<vmem>>) target(%dma_start3A_109 : memref<80x128xf32, #tpu.memory_space<vmem_shared>>) target_semaphore(%run_scoped3A_102 : memref<!tpu.dma_semaphore, #tpu.memory_space<semaphore_mem>>)
        %dma_wait3A = arith.constant 0 : i32
        %dma_wait3A_113 = arith.constant 0 : i32
        %dma_wait3A_114 = tpu.memref_slice %arg7[%dma_wait3A, %dma_wait3A_113] : memref<125x128xf32, #tpu.memory_space<vmem>> -> memref<80x128xf32, #tpu.memory_space<vmem>>
        %dma_wait3A_115 = arith.constant 0 : i32
        %dma_wait3A_116 = tpu.memref_slice %arg9[%add3A_93, %dma_wait3A_115] : memref<10000x128xf32, #tpu.memory_space<vmem_shared>> -> memref<80x128xf32, #tpu.memory_space<vmem_shared>>
        %dma_wait3A_117 = arith.constant 0 : i32
        %dma_wait3A_118 = tpu.memref_slice %arg9[%add3A_93, %dma_wait3A_117] : memref<10000x128xf32, #tpu.memory_space<vmem_shared>> -> memref<80x128xf32, #tpu.memory_space<vmem_shared>>
        %dma_wait3A_119 = arith.constant 0 : i32
        %dma_wait3A_120 = arith.constant 0 : i32
        %dma_wait3A_121 = tpu.memref_slice %arg7[%dma_wait3A_119, %dma_wait3A_120] : memref<125x128xf32, #tpu.memory_space<vmem>> -> memref<80x128xf32, #tpu.memory_space<vmem>>
        tpu.wait_dma2 semaphore(%run_scoped3A_102 : memref<!tpu.dma_semaphore, #tpu.memory_space<semaphore_mem>>) src(%dma_wait3A_121 : memref<80x128xf32, #tpu.memory_space<vmem>>) dst(%dma_wait3A_118 : memref<80x128xf32, #tpu.memory_space<vmem_shared>>)
        tpu.yield
      }) : () -> ()
      %mul3A_94 = arith.constant 640 : i32
      %mul3A_95 = arith.muli %arg1, %mul3A_94 : i32
      %add3A_96 = arith.constant 480 : i32
      %add3A_97 = arith.addi %mul3A_95, %add3A_96 : i32
      "tpu.region"() ({
        %run_scoped3A_102 = tpu.sem_alloc : memref<!tpu.dma_semaphore, #tpu.memory_space<semaphore_mem>>
        %dma_start3A_103 = arith.constant 0 : i32
        %dma_start3A_104 = arith.constant 0 : i32
        %dma_start3A_105 = tpu.memref_slice %arg7[%dma_start3A_103, %dma_start3A_104] : memref<125x128xf32, #tpu.memory_space<vmem>> -> memref<80x128xf32, #tpu.memory_space<vmem>>
        %dma_start3A_106 = arith.constant 0 : i32
        %dma_start3A_107 = tpu.memref_slice %arg9[%add3A_97, %dma_start3A_106] : memref<10000x128xf32, #tpu.memory_space<vmem_shared>> -> memref<80x128xf32, #tpu.memory_space<vmem_shared>>
        %dma_start3A_108 = arith.constant 0 : i32
        %dma_start3A_109 = tpu.memref_slice %arg9[%add3A_97, %dma_start3A_108] : memref<10000x128xf32, #tpu.memory_space<vmem_shared>> -> memref<80x128xf32, #tpu.memory_space<vmem_shared>>
        %dma_start3A_110 = arith.constant 0 : i32
        %dma_start3A_111 = arith.constant 0 : i32
        %dma_start3A_112 = tpu.memref_slice %arg7[%dma_start3A_110, %dma_start3A_111] : memref<125x128xf32, #tpu.memory_space<vmem>> -> memref<80x128xf32, #tpu.memory_space<vmem>>
        tpu.enqueue_dma source(%dma_start3A_112 : memref<80x128xf32, #tpu.memory_space<vmem>>) target(%dma_start3A_109 : memref<80x128xf32, #tpu.memory_space<vmem_shared>>) target_semaphore(%run_scoped3A_102 : memref<!tpu.dma_semaphore, #tpu.memory_space<semaphore_mem>>)
        %dma_wait3A = arith.constant 0 : i32
        %dma_wait3A_113 = arith.constant 0 : i32
        %dma_wait3A_114 = tpu.memref_slice %arg7[%dma_wait3A, %dma_wait3A_113] : memref<125x128xf32, #tpu.memory_space<vmem>> -> memref<80x128xf32, #tpu.memory_space<vmem>>
        %dma_wait3A_115 = arith.constant 0 : i32
        %dma_wait3A_116 = tpu.memref_slice %arg9[%add3A_97, %dma_wait3A_115] : memref<10000x128xf32, #tpu.memory_space<vmem_shared>> -> memref<80x128xf32, #tpu.memory_space<vmem_shared>>
        %dma_wait3A_117 = arith.constant 0 : i32
        %dma_wait3A_118 = tpu.memref_slice %arg9[%add3A_97, %dma_wait3A_117] : memref<10000x128xf32, #tpu.memory_space<vmem_shared>> -> memref<80x128xf32, #tpu.memory_space<vmem_shared>>
        %dma_wait3A_119 = arith.constant 0 : i32
        %dma_wait3A_120 = arith.constant 0 : i32
        %dma_wait3A_121 = tpu.memref_slice %arg7[%dma_wait3A_119, %dma_wait3A_120] : memref<125x128xf32, #tpu.memory_space<vmem>> -> memref<80x128xf32, #tpu.memory_space<vmem>>
        tpu.wait_dma2 semaphore(%run_scoped3A_102 : memref<!tpu.dma_semaphore, #tpu.memory_space<semaphore_mem>>) src(%dma_wait3A_121 : memref<80x128xf32, #tpu.memory_space<vmem>>) dst(%dma_wait3A_118 : memref<80x128xf32, #tpu.memory_space<vmem_shared>>)
        tpu.yield
      }) : () -> ()
      %mul3A_98 = arith.constant 640 : i32
      %mul3A_99 = arith.muli %arg1, %mul3A_98 : i32
      %add3A_100 = arith.constant 560 : i32
      %add3A_101 = arith.addi %mul3A_99, %add3A_100 : i32
      "tpu.region"() ({
        %run_scoped3A_102 = tpu.sem_alloc : memref<!tpu.dma_semaphore, #tpu.memory_space<semaphore_mem>>
        %dma_start3A_103 = arith.constant 0 : i32
        %dma_start3A_104 = arith.constant 0 : i32
        %dma_start3A_105 = tpu.memref_slice %arg7[%dma_start3A_103, %dma_start3A_104] : memref<125x128xf32, #tpu.memory_space<vmem>> -> memref<80x128xf32, #tpu.memory_space<vmem>>
        %dma_start3A_106 = arith.constant 0 : i32
        %dma_start3A_107 = tpu.memref_slice %arg9[%add3A_101, %dma_start3A_106] : memref<10000x128xf32, #tpu.memory_space<vmem_shared>> -> memref<80x128xf32, #tpu.memory_space<vmem_shared>>
        %dma_start3A_108 = arith.constant 0 : i32
        %dma_start3A_109 = tpu.memref_slice %arg9[%add3A_101, %dma_start3A_108] : memref<10000x128xf32, #tpu.memory_space<vmem_shared>> -> memref<80x128xf32, #tpu.memory_space<vmem_shared>>
        %dma_start3A_110 = arith.constant 0 : i32
        %dma_start3A_111 = arith.constant 0 : i32
        %dma_start3A_112 = tpu.memref_slice %arg7[%dma_start3A_110, %dma_start3A_111] : memref<125x128xf32, #tpu.memory_space<vmem>> -> memref<80x128xf32, #tpu.memory_space<vmem>>
        tpu.enqueue_dma source(%dma_start3A_112 : memref<80x128xf32, #tpu.memory_space<vmem>>) target(%dma_start3A_109 : memref<80x128xf32, #tpu.memory_space<vmem_shared>>) target_semaphore(%run_scoped3A_102 : memref<!tpu.dma_semaphore, #tpu.memory_space<semaphore_mem>>)
        %dma_wait3A = arith.constant 0 : i32
        %dma_wait3A_113 = arith.constant 0 : i32
        %dma_wait3A_114 = tpu.memref_slice %arg7[%dma_wait3A, %dma_wait3A_113] : memref<125x128xf32, #tpu.memory_space<vmem>> -> memref<80x128xf32, #tpu.memory_space<vmem>>
        %dma_wait3A_115 = arith.constant 0 : i32
        %dma_wait3A_116 = tpu.memref_slice %arg9[%add3A_101, %dma_wait3A_115] : memref<10000x128xf32, #tpu.memory_space<vmem_shared>> -> memref<80x128xf32, #tpu.memory_space<vmem_shared>>
        %dma_wait3A_117 = arith.constant 0 : i32
        %dma_wait3A_118 = tpu.memref_slice %arg9[%add3A_101, %dma_wait3A_117] : memref<10000x128xf32, #tpu.memory_space<vmem_shared>> -> memref<80x128xf32, #tpu.memory_space<vmem_shared>>
        %dma_wait3A_119 = arith.constant 0 : i32
        %dma_wait3A_120 = arith.constant 0 : i32
        %dma_wait3A_121 = tpu.memref_slice %arg7[%dma_wait3A_119, %dma_wait3A_120] : memref<125x128xf32, #tpu.memory_space<vmem>> -> memref<80x128xf32, #tpu.memory_space<vmem>>
        tpu.wait_dma2 semaphore(%run_scoped3A_102 : memref<!tpu.dma_semaphore, #tpu.memory_space<semaphore_mem>>) src(%dma_wait3A_121 : memref<80x128xf32, #tpu.memory_space<vmem>>) dst(%dma_wait3A_118 : memref<80x128xf32, #tpu.memory_space<vmem_shared>>)
        tpu.yield
      }) : () -> ()
    } else {
    }
    %barrier3A = arith.constant 0 : index
    tpu.barrier barrier_id(%barrier3A)
    %run_scoped3A = arith.constant 0 : i32
    "tpu.region"() ({
      %run_scoped3A_90 = tpu.sem_alloc : memref<!tpu.dma_semaphore, #tpu.memory_space<semaphore_mem>>
      %dma_start3A_91 = arith.constant 0 : i32
      %dma_start3A_92 = arith.constant 0 : i32
      %dma_start3A_93 = arith.constant 0 : i32
      %dma_start3A_94 = arith.constant 0 : i32
      %dma_start3A_95 = tpu.memref_slice %arg2[%add3A, %dma_start3A_91, %dma_start3A_92, %dma_start3A_93, %dma_start3A_94] : memref<32x40x2x2x125xi32, #tpu.memory_space<hbm>> -> memref<1x40x2x2x125xi32, #tpu.memory_space<hbm>>
      %dma_start3A_96 = tpu.memref_squeeze %dma_start3A_95 : memref<1x40x2x2x125xi32, #tpu.memory_space<hbm>> -> memref<40x2x2x125xi32, #tpu.memory_space<hbm>>
      %dma_start3A_97 = arith.constant 0 : i32
      %dma_start3A_98 = arith.constant 0 : i32
      %dma_start3A_99 = arith.constant 0 : i32
      %dma_start3A_100 = tpu.memref_slice %dma_start3A_96[%run_scoped3A, %dma_start3A_97, %dma_start3A_98, %dma_start3A_99] : memref<40x2x2x125xi32, #tpu.memory_space<hbm>> -> memref<1x2x2x125xi32, #tpu.memory_space<hbm>>
      %dma_start3A_101 = tpu.memref_squeeze %dma_start3A_100 : memref<1x2x2x125xi32, #tpu.memory_space<hbm>> -> memref<2x2x125xi32, #tpu.memory_space<hbm>>
      %dma_start3A_102 = arith.constant 0 : i32
      %dma_start3A_103 = arith.constant 0 : i32
      %dma_start3A_104 = arith.constant 0 : i32
      %dma_start3A_105 = arith.constant 0 : i32
      %dma_start3A_106 = tpu.memref_slice %arg2[%add3A, %dma_start3A_102, %dma_start3A_103, %dma_start3A_104, %dma_start3A_105] : memref<32x40x2x2x125xi32, #tpu.memory_space<hbm>> -> memref<1x40x2x2x125xi32, #tpu.memory_space<hbm>>
      %dma_start3A_107 = tpu.memref_squeeze %dma_start3A_106 : memref<1x40x2x2x125xi32, #tpu.memory_space<hbm>> -> memref<40x2x2x125xi32, #tpu.memory_space<hbm>>
      %dma_start3A_108 = arith.constant 0 : i32
      %dma_start3A_109 = arith.constant 0 : i32
      %dma_start3A_110 = arith.constant 0 : i32
      %dma_start3A_111 = tpu.memref_slice %dma_start3A_107[%run_scoped3A, %dma_start3A_108, %dma_start3A_109, %dma_start3A_110] : memref<40x2x2x125xi32, #tpu.memory_space<hbm>> -> memref<1x2x2x125xi32, #tpu.memory_space<hbm>>
      %dma_start3A_112 = tpu.memref_squeeze %dma_start3A_111 : memref<1x2x2x125xi32, #tpu.memory_space<hbm>> -> memref<2x2x125xi32, #tpu.memory_space<hbm>>
      tpu.enqueue_dma source(%dma_start3A_112 : memref<2x2x125xi32, #tpu.memory_space<hbm>>) target(%arg5 : memref<2x2x125xi32, #tpu.memory_space<vmem>>) target_semaphore(%run_scoped3A_90 : memref<!tpu.dma_semaphore, #tpu.memory_space<semaphore_mem>>)
      %dma_wait3A = arith.constant 0 : i32
      %dma_wait3A_113 = arith.constant 0 : i32
      %dma_wait3A_114 = arith.constant 0 : i32
      %dma_wait3A_115 = arith.constant 0 : i32
      %dma_wait3A_116 = tpu.memref_slice %arg2[%add3A, %dma_wait3A, %dma_wait3A_113, %dma_wait3A_114, %dma_wait3A_115] : memref<32x40x2x2x125xi32, #tpu.memory_space<hbm>> -> memref<1x40x2x2x125xi32, #tpu.memory_space<hbm>>
      %dma_wait3A_117 = tpu.memref_squeeze %dma_wait3A_116 : memref<1x40x2x2x125xi32, #tpu.memory_space<hbm>> -> memref<40x2x2x125xi32, #tpu.memory_space<hbm>>
      %dma_wait3A_118 = arith.constant 0 : i32
      %dma_wait3A_119 = arith.constant 0 : i32
      %dma_wait3A_120 = arith.constant 0 : i32
      %dma_wait3A_121 = tpu.memref_slice %dma_wait3A_117[%run_scoped3A, %dma_wait3A_118, %dma_wait3A_119, %dma_wait3A_120] : memref<40x2x2x125xi32, #tpu.memory_space<hbm>> -> memref<1x2x2x125xi32, #tpu.memory_space<hbm>>
      %dma_wait3A_122 = tpu.memref_squeeze %dma_wait3A_121 : memref<1x2x2x125xi32, #tpu.memory_space<hbm>> -> memref<2x2x125xi32, #tpu.memory_space<hbm>>
      %dma_wait3A_123 = arith.constant 0 : i32
      %dma_wait3A_124 = arith.constant 0 : i32
      %dma_wait3A_125 = arith.constant 0 : i32
      %dma_wait3A_126 = arith.constant 0 : i32
      %dma_wait3A_127 = tpu.memref_slice %arg2[%add3A, %dma_wait3A_123, %dma_wait3A_124, %dma_wait3A_125, %dma_wait3A_126] : memref<32x40x2x2x125xi32, #tpu.memory_space<hbm>> -> memref<1x40x2x2x125xi32, #tpu.memory_space<hbm>>
      %dma_wait3A_128 = tpu.memref_squeeze %dma_wait3A_127 : memref<1x40x2x2x125xi32, #tpu.memory_space<hbm>> -> memref<40x2x2x125xi32, #tpu.memory_space<hbm>>
      %dma_wait3A_129 = arith.constant 0 : i32
      %dma_wait3A_130 = arith.constant 0 : i32
      %dma_wait3A_131 = arith.constant 0 : i32
      %dma_wait3A_132 = tpu.memref_slice %dma_wait3A_128[%run_scoped3A, %dma_wait3A_129, %dma_wait3A_130, %dma_wait3A_131] : memref<40x2x2x125xi32, #tpu.memory_space<hbm>> -> memref<1x2x2x125xi32, #tpu.memory_space<hbm>>
      %dma_wait3A_133 = tpu.memref_squeeze %dma_wait3A_132 : memref<1x2x2x125xi32, #tpu.memory_space<hbm>> -> memref<2x2x125xi32, #tpu.memory_space<hbm>>
      tpu.wait_dma2 semaphore(%run_scoped3A_90 : memref<!tpu.dma_semaphore, #tpu.memory_space<semaphore_mem>>) src(%dma_wait3A_133 : memref<2x2x125xi32, #tpu.memory_space<hbm>>) dst(%arg5 : memref<2x2x125xi32, #tpu.memory_space<vmem>>)
      tpu.yield
    }) : () -> ()
    %dma_start3A = arith.constant 0 : i32
    %dma_start3A_28 = arith.constant 0 : i32
    %dma_start3A_29 = arith.constant 0 : i32
    %dma_start3A_30 = arith.constant 0 : i32
    %dma_start3A_31 = tpu.memref_slice %arg5[%dma_start3A, %dma_start3A_29, %dma_start3A_30] : memref<2x2x125xi32, #tpu.memory_space<vmem>> -> memref<1x2x125xi32, #tpu.memory_space<vmem>>
    %dma_start3A_32 = tpu.memref_squeeze %dma_start3A_31 : memref<1x2x125xi32, #tpu.memory_space<vmem>> -> memref<2x125xi32, #tpu.memory_space<vmem>>
    %dma_start3A_33 = arith.constant 0 : i32
    %dma_start3A_34 = tpu.memref_slice %dma_start3A_32[%dma_start3A_28, %dma_start3A_33] : memref<2x125xi32, #tpu.memory_space<vmem>> -> memref<1x125xi32, #tpu.memory_space<vmem>>
    %dma_start3A_35 = tpu.memref_squeeze %dma_start3A_34 : memref<1x125xi32, #tpu.memory_space<vmem>> -> memref<125xi32, #tpu.memory_space<vmem>>
    %dma_start3A_36 = arith.constant 0 : i32
    %dma_start3A_37 = arith.constant 0 : i32
    %dma_start3A_38 = tpu.memref_slice %arg3[%dma_start3A_36, %dma_start3A_37] : memref<10000x128xf32, #tpu.memory_space<hbm>> -> memref<10000x128xf32, #tpu.memory_space<hbm>>
    tpu.enqueue_indirect_dma source(%dma_start3A_38 : memref<10000x128xf32, #tpu.memory_space<hbm>>) target(%arg7 : memref<125x128xf32, #tpu.memory_space<vmem>>) offsets(%dma_start3A_35 : memref<125xi32, #tpu.memory_space<vmem>>) semaphore(%arg10 : memref<!tpu.dma_semaphore, #tpu.memory_space<semaphore_mem>>)
    %dma_start3A_39 = arith.constant 1 : i32
    %dma_start3A_40 = arith.constant 0 : i32
    %dma_start3A_41 = arith.constant 0 : i32
    %dma_start3A_42 = arith.constant 0 : i32
    %dma_start3A_43 = tpu.memref_slice %arg5[%dma_start3A_39, %dma_start3A_41, %dma_start3A_42] : memref<2x2x125xi32, #tpu.memory_space<vmem>> -> memref<1x2x125xi32, #tpu.memory_space<vmem>>
    %dma_start3A_44 = tpu.memref_squeeze %dma_start3A_43 : memref<1x2x125xi32, #tpu.memory_space<vmem>> -> memref<2x125xi32, #tpu.memory_space<vmem>>
    %dma_start3A_45 = arith.constant 0 : i32
    %dma_start3A_46 = tpu.memref_slice %dma_start3A_44[%dma_start3A_40, %dma_start3A_45] : memref<2x125xi32, #tpu.memory_space<vmem>> -> memref<1x125xi32, #tpu.memory_space<vmem>>
    %dma_start3A_47 = tpu.memref_squeeze %dma_start3A_46 : memref<1x125xi32, #tpu.memory_space<vmem>> -> memref<125xi32, #tpu.memory_space<vmem>>
    %dma_start3A_48 = arith.constant 0 : i32
    %dma_start3A_49 = arith.constant 0 : i32
    %dma_start3A_50 = tpu.memref_slice %arg3[%dma_start3A_48, %dma_start3A_49] : memref<10000x128xf32, #tpu.memory_space<hbm>> -> memref<10000x128xf32, #tpu.memory_space<hbm>>
    tpu.enqueue_indirect_dma source(%dma_start3A_50 : memref<10000x128xf32, #tpu.memory_space<hbm>>) target(%arg8 : memref<125x128xf32, #tpu.memory_space<vmem>>) offsets(%dma_start3A_47 : memref<125xi32, #tpu.memory_space<vmem>>) semaphore(%arg11 : memref<!tpu.dma_semaphore, #tpu.memory_space<semaphore_mem>>)
    %dma_start3A_51 = arith.constant 1 : i32
    %dma_start3A_52 = arith.constant 0 : i32
    %dma_start3A_53 = arith.constant 0 : i32
    %dma_start3A_54 = arith.constant 0 : i32
    %dma_start3A_55 = arith.constant 0 : i32
    %dma_start3A_56 = tpu.memref_slice %arg2[%add3A, %dma_start3A_52, %dma_start3A_53, %dma_start3A_54, %dma_start3A_55] : memref<32x40x2x2x125xi32, #tpu.memory_space<hbm>> -> memref<1x40x2x2x125xi32, #tpu.memory_space<hbm>>
    %dma_start3A_57 = tpu.memref_squeeze %dma_start3A_56 : memref<1x40x2x2x125xi32, #tpu.memory_space<hbm>> -> memref<40x2x2x125xi32, #tpu.memory_space<hbm>>
    %dma_start3A_58 = arith.constant 0 : i32
    %dma_start3A_59 = arith.constant 0 : i32
    %dma_start3A_60 = arith.constant 0 : i32
    %dma_start3A_61 = tpu.memref_slice %dma_start3A_57[%dma_start3A_51, %dma_start3A_58, %dma_start3A_59, %dma_start3A_60] : memref<40x2x2x125xi32, #tpu.memory_space<hbm>> -> memref<1x2x2x125xi32, #tpu.memory_space<hbm>>
    %dma_start3A_62 = tpu.memref_squeeze %dma_start3A_61 : memref<1x2x2x125xi32, #tpu.memory_space<hbm>> -> memref<2x2x125xi32, #tpu.memory_space<hbm>>
    %dma_start3A_63 = arith.constant 0 : i32
    %dma_start3A_64 = arith.constant 0 : i32
    %dma_start3A_65 = arith.constant 0 : i32
    %dma_start3A_66 = arith.constant 0 : i32
    %dma_start3A_67 = tpu.memref_slice %arg2[%add3A, %dma_start3A_63, %dma_start3A_64, %dma_start3A_65, %dma_start3A_66] : memref<32x40x2x2x125xi32, #tpu.memory_space<hbm>> -> memref<1x40x2x2x125xi32, #tpu.memory_space<hbm>>
    %dma_start3A_68 = tpu.memref_squeeze %dma_start3A_67 : memref<1x40x2x2x125xi32, #tpu.memory_space<hbm>> -> memref<40x2x2x125xi32, #tpu.memory_space<hbm>>
    %dma_start3A_69 = arith.constant 0 : i32
    %dma_start3A_70 = arith.constant 0 : i32
    %dma_start3A_71 = arith.constant 0 : i32
    %dma_start3A_72 = tpu.memref_slice %dma_start3A_68[%dma_start3A_51, %dma_start3A_69, %dma_start3A_70, %dma_start3A_71] : memref<40x2x2x125xi32, #tpu.memory_space<hbm>> -> memref<1x2x2x125xi32, #tpu.memory_space<hbm>>
    %dma_start3A_73 = tpu.memref_squeeze %dma_start3A_72 : memref<1x2x2x125xi32, #tpu.memory_space<hbm>> -> memref<2x2x125xi32, #tpu.memory_space<hbm>>
    tpu.enqueue_dma source(%dma_start3A_73 : memref<2x2x125xi32, #tpu.memory_space<hbm>>) target(%arg6 : memref<2x2x125xi32, #tpu.memory_space<vmem>>) target_semaphore(%arg13 : memref<!tpu.dma_semaphore, #tpu.memory_space<semaphore_mem>>)
    %scan3A_74 = arith.constant 0 : i32
    %scan3A_75 = arith.constant 0 : i32
    %scan3A_76 = arith.constant 20 : i32
    %scan3A_77 = arith.addi %scan3A_75, %scan3A_76 : i32
    %scan3A_78 = arith.constant 1 : i32
    scf.for %scan3A_90 = %scan3A_75 to %scan3A_77 step %scan3A_78  : i32 {
      %mul3A_91 = arith.constant 2 : i32
      %mul3A_92 = arith.muli %mul3A_91, %scan3A_90 : i32
      %add3A_93 = arith.constant 1 : i32
      %add3A_94 = arith.addi %mul3A_92, %add3A_93 : i32
      %dma_wait3A = arith.constant 0 : i32
      %dma_wait3A_95 = arith.constant 0 : i32
      %dma_wait3A_96 = arith.constant 0 : i32
      %dma_wait3A_97 = arith.constant 0 : i32
      %dma_wait3A_98 = tpu.memref_slice %arg2[%add3A, %dma_wait3A, %dma_wait3A_95, %dma_wait3A_96, %dma_wait3A_97] : memref<32x40x2x2x125xi32, #tpu.memory_space<hbm>> -> memref<1x40x2x2x125xi32, #tpu.memory_space<hbm>>
      %dma_wait3A_99 = tpu.memref_squeeze %dma_wait3A_98 : memref<1x40x2x2x125xi32, #tpu.memory_space<hbm>> -> memref<40x2x2x125xi32, #tpu.memory_space<hbm>>
      %dma_wait3A_100 = arith.constant 0 : i32
      %dma_wait3A_101 = arith.constant 0 : i32
      %dma_wait3A_102 = arith.constant 0 : i32
      %dma_wait3A_103 = tpu.memref_slice %dma_wait3A_99[%add3A_94, %dma_wait3A_100, %dma_wait3A_101, %dma_wait3A_102] : memref<40x2x2x125xi32, #tpu.memory_space<hbm>> -> memref<1x2x2x125xi32, #tpu.memory_space<hbm>>
      %dma_wait3A_104 = tpu.memref_squeeze %dma_wait3A_103 : memref<1x2x2x125xi32, #tpu.memory_space<hbm>> -> memref<2x2x125xi32, #tpu.memory_space<hbm>>
      %dma_wait3A_105 = arith.constant 0 : i32
      %dma_wait3A_106 = arith.constant 0 : i32
      %dma_wait3A_107 = arith.constant 0 : i32
      %dma_wait3A_108 = arith.constant 0 : i32
      %dma_wait3A_109 = tpu.memref_slice %arg2[%add3A, %dma_wait3A_105, %dma_wait3A_106, %dma_wait3A_107, %dma_wait3A_108] : memref<32x40x2x2x125xi32, #tpu.memory_space<hbm>> -> memref<1x40x2x2x125xi32, #tpu.memory_space<hbm>>
      %dma_wait3A_110 = tpu.memref_squeeze %dma_wait3A_109 : memref<1x40x2x2x125xi32, #tpu.memory_space<hbm>> -> memref<40x2x2x125xi32, #tpu.memory_space<hbm>>
      %dma_wait3A_111 = arith.constant 0 : i32
      %dma_wait3A_112 = arith.constant 0 : i32
      %dma_wait3A_113 = arith.constant 0 : i32
      %dma_wait3A_114 = tpu.memref_slice %dma_wait3A_110[%add3A_94, %dma_wait3A_111, %dma_wait3A_112, %dma_wait3A_113] : memref<40x2x2x125xi32, #tpu.memory_space<hbm>> -> memref<1x2x2x125xi32, #tpu.memory_space<hbm>>
      %dma_wait3A_115 = tpu.memref_squeeze %dma_wait3A_114 : memref<1x2x2x125xi32, #tpu.memory_space<hbm>> -> memref<2x2x125xi32, #tpu.memory_space<hbm>>
      tpu.wait_dma2 semaphore(%arg13 : memref<!tpu.dma_semaphore, #tpu.memory_space<semaphore_mem>>) src(%dma_wait3A_115 : memref<2x2x125xi32, #tpu.memory_space<hbm>>) dst(%arg6 : memref<2x2x125xi32, #tpu.memory_space<vmem>>)
      %dma_wait3A_116 = arith.constant 0 : i32
      %dma_wait3A_117 = arith.constant 0 : i32
      %dma_wait3A_118 = arith.constant 0 : i32
      %dma_wait3A_119 = arith.constant 0 : i32
      %dma_wait3A_120 = tpu.memref_slice %arg5[%dma_wait3A_116, %dma_wait3A_118, %dma_wait3A_119] : memref<2x2x125xi32, #tpu.memory_space<vmem>> -> memref<1x2x125xi32, #tpu.memory_space<vmem>>
      %dma_wait3A_121 = tpu.memref_squeeze %dma_wait3A_120 : memref<1x2x125xi32, #tpu.memory_space<vmem>> -> memref<2x125xi32, #tpu.memory_space<vmem>>
      %dma_wait3A_122 = arith.constant 0 : i32
      %dma_wait3A_123 = tpu.memref_slice %dma_wait3A_121[%dma_wait3A_117, %dma_wait3A_122] : memref<2x125xi32, #tpu.memory_space<vmem>> -> memref<1x125xi32, #tpu.memory_space<vmem>>
      %dma_wait3A_124 = tpu.memref_squeeze %dma_wait3A_123 : memref<1x125xi32, #tpu.memory_space<vmem>> -> memref<125xi32, #tpu.memory_space<vmem>>
      %dma_wait3A_125 = arith.constant 0 : i32
      %dma_wait3A_126 = arith.constant 0 : i32
      %dma_wait3A_127 = tpu.memref_slice %arg3[%dma_wait3A_125, %dma_wait3A_126] : memref<10000x128xf32, #tpu.memory_space<hbm>> -> memref<10000x128xf32, #tpu.memory_space<hbm>>
      tpu.wait_indirect_dma semaphore(%arg10 : memref<!tpu.dma_semaphore, #tpu.memory_space<semaphore_mem>>) src(%dma_wait3A_127 : memref<10000x128xf32, #tpu.memory_space<hbm>>) dst(%arg7 : memref<125x128xf32, #tpu.memory_space<vmem>>)
      %run_scoped3A_128 = arith.constant 0 : i32
      %run_scoped3A_129 = arith.constant 1 : i32
      "tpu.region"() ({
        %run_scoped3A_217 = tpu.sem_alloc : memref<!tpu.dma_semaphore, #tpu.memory_space<semaphore_mem>>
        %dma_start3A_218 = arith.constant 0 : i32
        %dma_start3A_219 = arith.constant 0 : i32
        %dma_start3A_220 = tpu.memref_slice %arg5[%run_scoped3A_128, %dma_start3A_218, %dma_start3A_219] : memref<2x2x125xi32, #tpu.memory_space<vmem>> -> memref<1x2x125xi32, #tpu.memory_space<vmem>>
        %dma_start3A_221 = tpu.memref_squeeze %dma_start3A_220 : memref<1x2x125xi32, #tpu.memory_space<vmem>> -> memref<2x125xi32, #tpu.memory_space<vmem>>
        %dma_start3A_222 = arith.constant 0 : i32
        %dma_start3A_223 = tpu.memref_slice %dma_start3A_221[%run_scoped3A_129, %dma_start3A_222] : memref<2x125xi32, #tpu.memory_space<vmem>> -> memref<1x125xi32, #tpu.memory_space<vmem>>
        %dma_start3A_224 = tpu.memref_squeeze %dma_start3A_223 : memref<1x125xi32, #tpu.memory_space<vmem>> -> memref<125xi32, #tpu.memory_space<vmem>>
        %dma_start3A_225 = arith.constant 0 : i32
        %dma_start3A_226 = arith.constant 0 : i32
        %dma_start3A_227 = tpu.memref_slice %arg9[%dma_start3A_225, %dma_start3A_226] : memref<10000x128xf32, #tpu.memory_space<vmem_shared>> -> memref<10000x128xf32, #tpu.memory_space<vmem_shared>>
        tpu.enqueue_indirect_dma source(%arg7 : memref<125x128xf32, #tpu.memory_space<vmem>>) target(%dma_start3A_227 : memref<10000x128xf32, #tpu.memory_space<vmem_shared>>) offsets(%dma_start3A_224 : memref<125xi32, #tpu.memory_space<vmem>>) semaphore(%run_scoped3A_217 : memref<!tpu.dma_semaphore, #tpu.memory_space<semaphore_mem>>) {add = true}
        %dma_wait3A_228 = arith.constant 0 : i32
        %dma_wait3A_229 = arith.constant 0 : i32
        %dma_wait3A_230 = tpu.memref_slice %arg5[%run_scoped3A_128, %dma_wait3A_228, %dma_wait3A_229] : memref<2x2x125xi32, #tpu.memory_space<vmem>> -> memref<1x2x125xi32, #tpu.memory_space<vmem>>
        %dma_wait3A_231 = tpu.memref_squeeze %dma_wait3A_230 : memref<1x2x125xi32, #tpu.memory_space<vmem>> -> memref<2x125xi32, #tpu.memory_space<vmem>>
        %dma_wait3A_232 = arith.constant 0 : i32
        %dma_wait3A_233 = tpu.memref_slice %dma_wait3A_231[%run_scoped3A_129, %dma_wait3A_232] : memref<2x125xi32, #tpu.memory_space<vmem>> -> memref<1x125xi32, #tpu.memory_space<vmem>>
        %dma_wait3A_234 = tpu.memref_squeeze %dma_wait3A_233 : memref<1x125xi32, #tpu.memory_space<vmem>> -> memref<125xi32, #tpu.memory_space<vmem>>
        %dma_wait3A_235 = arith.constant 0 : i32
        %dma_wait3A_236 = arith.constant 0 : i32
        %dma_wait3A_237 = tpu.memref_slice %arg9[%dma_wait3A_235, %dma_wait3A_236] : memref<10000x128xf32, #tpu.memory_space<vmem_shared>> -> memref<10000x128xf32, #tpu.memory_space<vmem_shared>>
        tpu.wait_indirect_dma semaphore(%run_scoped3A_217 : memref<!tpu.dma_semaphore, #tpu.memory_space<semaphore_mem>>) src(%arg7 : memref<125x128xf32, #tpu.memory_space<vmem>>) dst(%dma_wait3A_237 : memref<10000x128xf32, #tpu.memory_space<vmem_shared>>)
        tpu.yield
      }) : () -> ()
      %dma_start3A_130 = arith.constant 0 : i32
      %dma_start3A_131 = arith.constant 0 : i32
      %dma_start3A_132 = arith.constant 0 : i32
      %dma_start3A_133 = arith.constant 0 : i32
      %dma_start3A_134 = tpu.memref_slice %arg6[%dma_start3A_130, %dma_start3A_132, %dma_start3A_133] : memref<2x2x125xi32, #tpu.memory_space<vmem>> -> memref<1x2x125xi32, #tpu.memory_space<vmem>>
      %dma_start3A_135 = tpu.memref_squeeze %dma_start3A_134 : memref<1x2x125xi32, #tpu.memory_space<vmem>> -> memref<2x125xi32, #tpu.memory_space<vmem>>
      %dma_start3A_136 = arith.constant 0 : i32
      %dma_start3A_137 = tpu.memref_slice %dma_start3A_135[%dma_start3A_131, %dma_start3A_136] : memref<2x125xi32, #tpu.memory_space<vmem>> -> memref<1x125xi32, #tpu.memory_space<vmem>>
      %dma_start3A_138 = tpu.memref_squeeze %dma_start3A_137 : memref<1x125xi32, #tpu.memory_space<vmem>> -> memref<125xi32, #tpu.memory_space<vmem>>
      %dma_start3A_139 = arith.constant 0 : i32
      %dma_start3A_140 = arith.constant 0 : i32
      %dma_start3A_141 = tpu.memref_slice %arg3[%dma_start3A_139, %dma_start3A_140] : memref<10000x128xf32, #tpu.memory_space<hbm>> -> memref<10000x128xf32, #tpu.memory_space<hbm>>
      tpu.enqueue_indirect_dma source(%dma_start3A_141 : memref<10000x128xf32, #tpu.memory_space<hbm>>) target(%arg7 : memref<125x128xf32, #tpu.memory_space<vmem>>) offsets(%dma_start3A_138 : memref<125xi32, #tpu.memory_space<vmem>>) semaphore(%arg10 : memref<!tpu.dma_semaphore, #tpu.memory_space<semaphore_mem>>)
      %dma_wait3A_142 = arith.constant 1 : i32
      %dma_wait3A_143 = arith.constant 0 : i32
      %dma_wait3A_144 = arith.constant 0 : i32
      %dma_wait3A_145 = arith.constant 0 : i32
      %dma_wait3A_146 = tpu.memref_slice %arg5[%dma_wait3A_142, %dma_wait3A_144, %dma_wait3A_145] : memref<2x2x125xi32, #tpu.memory_space<vmem>> -> memref<1x2x125xi32, #tpu.memory_space<vmem>>
      %dma_wait3A_147 = tpu.memref_squeeze %dma_wait3A_146 : memref<1x2x125xi32, #tpu.memory_space<vmem>> -> memref<2x125xi32, #tpu.memory_space<vmem>>
      %dma_wait3A_148 = arith.constant 0 : i32
      %dma_wait3A_149 = tpu.memref_slice %dma_wait3A_147[%dma_wait3A_143, %dma_wait3A_148] : memref<2x125xi32, #tpu.memory_space<vmem>> -> memref<1x125xi32, #tpu.memory_space<vmem>>
      %dma_wait3A_150 = tpu.memref_squeeze %dma_wait3A_149 : memref<1x125xi32, #tpu.memory_space<vmem>> -> memref<125xi32, #tpu.memory_space<vmem>>
      %dma_wait3A_151 = arith.constant 0 : i32
      %dma_wait3A_152 = arith.constant 0 : i32
      %dma_wait3A_153 = tpu.memref_slice %arg3[%dma_wait3A_151, %dma_wait3A_152] : memref<10000x128xf32, #tpu.memory_space<hbm>> -> memref<10000x128xf32, #tpu.memory_space<hbm>>
      tpu.wait_indirect_dma semaphore(%arg11 : memref<!tpu.dma_semaphore, #tpu.memory_space<semaphore_mem>>) src(%dma_wait3A_153 : memref<10000x128xf32, #tpu.memory_space<hbm>>) dst(%arg8 : memref<125x128xf32, #tpu.memory_space<vmem>>)
      %run_scoped3A_154 = arith.constant 1 : i32
      %run_scoped3A_155 = arith.constant 1 : i32
      "tpu.region"() ({
        %run_scoped3A_217 = tpu.sem_alloc : memref<!tpu.dma_semaphore, #tpu.memory_space<semaphore_mem>>
        %dma_start3A_218 = arith.constant 0 : i32
        %dma_start3A_219 = arith.constant 0 : i32
        %dma_start3A_220 = tpu.memref_slice %arg5[%run_scoped3A_154, %dma_start3A_218, %dma_start3A_219] : memref<2x2x125xi32, #tpu.memory_space<vmem>> -> memref<1x2x125xi32, #tpu.memory_space<vmem>>
        %dma_start3A_221 = tpu.memref_squeeze %dma_start3A_220 : memref<1x2x125xi32, #tpu.memory_space<vmem>> -> memref<2x125xi32, #tpu.memory_space<vmem>>
        %dma_start3A_222 = arith.constant 0 : i32
        %dma_start3A_223 = tpu.memref_slice %dma_start3A_221[%run_scoped3A_155, %dma_start3A_222] : memref<2x125xi32, #tpu.memory_space<vmem>> -> memref<1x125xi32, #tpu.memory_space<vmem>>
        %dma_start3A_224 = tpu.memref_squeeze %dma_start3A_223 : memref<1x125xi32, #tpu.memory_space<vmem>> -> memref<125xi32, #tpu.memory_space<vmem>>
        %dma_start3A_225 = arith.constant 0 : i32
        %dma_start3A_226 = arith.constant 0 : i32
        %dma_start3A_227 = tpu.memref_slice %arg9[%dma_start3A_225, %dma_start3A_226] : memref<10000x128xf32, #tpu.memory_space<vmem_shared>> -> memref<10000x128xf32, #tpu.memory_space<vmem_shared>>
        tpu.enqueue_indirect_dma source(%arg8 : memref<125x128xf32, #tpu.memory_space<vmem>>) target(%dma_start3A_227 : memref<10000x128xf32, #tpu.memory_space<vmem_shared>>) offsets(%dma_start3A_224 : memref<125xi32, #tpu.memory_space<vmem>>) semaphore(%run_scoped3A_217 : memref<!tpu.dma_semaphore, #tpu.memory_space<semaphore_mem>>) {add = true}
        %dma_wait3A_228 = arith.constant 0 : i32
        %dma_wait3A_229 = arith.constant 0 : i32
        %dma_wait3A_230 = tpu.memref_slice %arg5[%run_scoped3A_154, %dma_wait3A_228, %dma_wait3A_229] : memref<2x2x125xi32, #tpu.memory_space<vmem>> -> memref<1x2x125xi32, #tpu.memory_space<vmem>>
        %dma_wait3A_231 = tpu.memref_squeeze %dma_wait3A_230 : memref<1x2x125xi32, #tpu.memory_space<vmem>> -> memref<2x125xi32, #tpu.memory_space<vmem>>
        %dma_wait3A_232 = arith.constant 0 : i32
        %dma_wait3A_233 = tpu.memref_slice %dma_wait3A_231[%run_scoped3A_155, %dma_wait3A_232] : memref<2x125xi32, #tpu.memory_space<vmem>> -> memref<1x125xi32, #tpu.memory_space<vmem>>
        %dma_wait3A_234 = tpu.memref_squeeze %dma_wait3A_233 : memref<1x125xi32, #tpu.memory_space<vmem>> -> memref<125xi32, #tpu.memory_space<vmem>>
        %dma_wait3A_235 = arith.constant 0 : i32
        %dma_wait3A_236 = arith.constant 0 : i32
        %dma_wait3A_237 = tpu.memref_slice %arg9[%dma_wait3A_235, %dma_wait3A_236] : memref<10000x128xf32, #tpu.memory_space<vmem_shared>> -> memref<10000x128xf32, #tpu.memory_space<vmem_shared>>
        tpu.wait_indirect_dma semaphore(%run_scoped3A_217 : memref<!tpu.dma_semaphore, #tpu.memory_space<semaphore_mem>>) src(%arg8 : memref<125x128xf32, #tpu.memory_space<vmem>>) dst(%dma_wait3A_237 : memref<10000x128xf32, #tpu.memory_space<vmem_shared>>)
        tpu.yield
      }) : () -> ()
      %add3A_156 = arith.constant 1 : i32
      %add3A_157 = arith.addi %scan3A_90, %add3A_156 : i32
      %lt3A_158 = arith.constant 20 : i32
      %lt3A_159 = arith.cmpi slt, %add3A_157, %lt3A_158 : i32
      %convert_element_type3A_160 = arith.extui %lt3A_159 : i1 to i32
      %cond3A_161 = arith.constant 0 : i32
      %cond3A_162 = arith.cmpi ne, %convert_element_type3A_160, %cond3A_161 : i32
      scf.if %cond3A_162 {
        %mul3A_217 = arith.constant 2 : i32
        %mul3A_218 = arith.muli %mul3A_217, %scan3A_90 : i32
        %add3A_219 = arith.constant 2 : i32
        %add3A_220 = arith.addi %mul3A_218, %add3A_219 : i32
        %dma_start3A_221 = arith.constant 0 : i32
        %dma_start3A_222 = arith.constant 0 : i32
        %dma_start3A_223 = arith.constant 0 : i32
        %dma_start3A_224 = arith.constant 0 : i32
        %dma_start3A_225 = tpu.memref_slice %arg2[%add3A, %dma_start3A_221, %dma_start3A_222, %dma_start3A_223, %dma_start3A_224] : memref<32x40x2x2x125xi32, #tpu.memory_space<hbm>> -> memref<1x40x2x2x125xi32, #tpu.memory_space<hbm>>
        %dma_start3A_226 = tpu.memref_squeeze %dma_start3A_225 : memref<1x40x2x2x125xi32, #tpu.memory_space<hbm>> -> memref<40x2x2x125xi32, #tpu.memory_space<hbm>>
        %dma_start3A_227 = arith.constant 0 : i32
        %dma_start3A_228 = arith.constant 0 : i32
        %dma_start3A_229 = arith.constant 0 : i32
        %dma_start3A_230 = tpu.memref_slice %dma_start3A_226[%add3A_220, %dma_start3A_227, %dma_start3A_228, %dma_start3A_229] : memref<40x2x2x125xi32, #tpu.memory_space<hbm>> -> memref<1x2x2x125xi32, #tpu.memory_space<hbm>>
        %dma_start3A_231 = tpu.memref_squeeze %dma_start3A_230 : memref<1x2x2x125xi32, #tpu.memory_space<hbm>> -> memref<2x2x125xi32, #tpu.memory_space<hbm>>
        %dma_start3A_232 = arith.constant 0 : i32
        %dma_start3A_233 = arith.constant 0 : i32
        %dma_start3A_234 = arith.constant 0 : i32
        %dma_start3A_235 = arith.constant 0 : i32
        %dma_start3A_236 = tpu.memref_slice %arg2[%add3A, %dma_start3A_232, %dma_start3A_233, %dma_start3A_234, %dma_start3A_235] : memref<32x40x2x2x125xi32, #tpu.memory_space<hbm>> -> memref<1x40x2x2x125xi32, #tpu.memory_space<hbm>>
        %dma_start3A_237 = tpu.memref_squeeze %dma_start3A_236 : memref<1x40x2x2x125xi32, #tpu.memory_space<hbm>> -> memref<40x2x2x125xi32, #tpu.memory_space<hbm>>
        %dma_start3A_238 = arith.constant 0 : i32
        %dma_start3A_239 = arith.constant 0 : i32
        %dma_start3A_240 = arith.constant 0 : i32
        %dma_start3A_241 = tpu.memref_slice %dma_start3A_237[%add3A_220, %dma_start3A_238, %dma_start3A_239, %dma_start3A_240] : memref<40x2x2x125xi32, #tpu.memory_space<hbm>> -> memref<1x2x2x125xi32, #tpu.memory_space<hbm>>
        %dma_start3A_242 = tpu.memref_squeeze %dma_start3A_241 : memref<1x2x2x125xi32, #tpu.memory_space<hbm>> -> memref<2x2x125xi32, #tpu.memory_space<hbm>>
        tpu.enqueue_dma source(%dma_start3A_242 : memref<2x2x125xi32, #tpu.memory_space<hbm>>) target(%arg5 : memref<2x2x125xi32, #tpu.memory_space<vmem>>) target_semaphore(%arg12 : memref<!tpu.dma_semaphore, #tpu.memory_space<semaphore_mem>>)
      } else {
      }
      %dma_start3A_163 = arith.constant 1 : i32
      %dma_start3A_164 = arith.constant 0 : i32
      %dma_start3A_165 = arith.constant 0 : i32
      %dma_start3A_166 = arith.constant 0 : i32
      %dma_start3A_167 = tpu.memref_slice %arg6[%dma_start3A_163, %dma_start3A_165, %dma_start3A_166] : memref<2x2x125xi32, #tpu.memory_space<vmem>> -> memref<1x2x125xi32, #tpu.memory_space<vmem>>
      %dma_start3A_168 = tpu.memref_squeeze %dma_start3A_167 : memref<1x2x125xi32, #tpu.memory_space<vmem>> -> memref<2x125xi32, #tpu.memory_space<vmem>>
      %dma_start3A_169 = arith.constant 0 : i32
      %dma_start3A_170 = tpu.memref_slice %dma_start3A_168[%dma_start3A_164, %dma_start3A_169] : memref<2x125xi32, #tpu.memory_space<vmem>> -> memref<1x125xi32, #tpu.memory_space<vmem>>
      %dma_start3A_171 = tpu.memref_squeeze %dma_start3A_170 : memref<1x125xi32, #tpu.memory_space<vmem>> -> memref<125xi32, #tpu.memory_space<vmem>>
      %dma_start3A_172 = arith.constant 0 : i32
      %dma_start3A_173 = arith.constant 0 : i32
      %dma_start3A_174 = tpu.memref_slice %arg3[%dma_start3A_172, %dma_start3A_173] : memref<10000x128xf32, #tpu.memory_space<hbm>> -> memref<10000x128xf32, #tpu.memory_space<hbm>>
      tpu.enqueue_indirect_dma source(%dma_start3A_174 : memref<10000x128xf32, #tpu.memory_space<hbm>>) target(%arg8 : memref<125x128xf32, #tpu.memory_space<vmem>>) offsets(%dma_start3A_171 : memref<125xi32, #tpu.memory_space<vmem>>) semaphore(%arg11 : memref<!tpu.dma_semaphore, #tpu.memory_space<semaphore_mem>>)
      %dma_wait3A_175 = arith.constant 0 : i32
      %dma_wait3A_176 = arith.constant 0 : i32
      %dma_wait3A_177 = arith.constant 0 : i32
      %dma_wait3A_178 = arith.constant 0 : i32
      %dma_wait3A_179 = tpu.memref_slice %arg6[%dma_wait3A_175, %dma_wait3A_177, %dma_wait3A_178] : memref<2x2x125xi32, #tpu.memory_space<vmem>> -> memref<1x2x125xi32, #tpu.memory_space<vmem>>
      %dma_wait3A_180 = tpu.memref_squeeze %dma_wait3A_179 : memref<1x2x125xi32, #tpu.memory_space<vmem>> -> memref<2x125xi32, #tpu.memory_space<vmem>>
      %dma_wait3A_181 = arith.constant 0 : i32
      %dma_wait3A_182 = tpu.memref_slice %dma_wait3A_180[%dma_wait3A_176, %dma_wait3A_181] : memref<2x125xi32, #tpu.memory_space<vmem>> -> memref<1x125xi32, #tpu.memory_space<vmem>>
      %dma_wait3A_183 = tpu.memref_squeeze %dma_wait3A_182 : memref<1x125xi32, #tpu.memory_space<vmem>> -> memref<125xi32, #tpu.memory_space<vmem>>
      %dma_wait3A_184 = arith.constant 0 : i32
      %dma_wait3A_185 = arith.constant 0 : i32
      %dma_wait3A_186 = tpu.memref_slice %arg3[%dma_wait3A_184, %dma_wait3A_185] : memref<10000x128xf32, #tpu.memory_space<hbm>> -> memref<10000x128xf32, #tpu.memory_space<hbm>>
      tpu.wait_indirect_dma semaphore(%arg10 : memref<!tpu.dma_semaphore, #tpu.memory_space<semaphore_mem>>) src(%dma_wait3A_186 : memref<10000x128xf32, #tpu.memory_space<hbm>>) dst(%arg7 : memref<125x128xf32, #tpu.memory_space<vmem>>)
      %run_scoped3A_187 = arith.constant 0 : i32
      %run_scoped3A_188 = arith.constant 1 : i32
      "tpu.region"() ({
        %run_scoped3A_217 = tpu.sem_alloc : memref<!tpu.dma_semaphore, #tpu.memory_space<semaphore_mem>>
        %dma_start3A_218 = arith.constant 0 : i32
        %dma_start3A_219 = arith.constant 0 : i32
        %dma_start3A_220 = tpu.memref_slice %arg6[%run_scoped3A_187, %dma_start3A_218, %dma_start3A_219] : memref<2x2x125xi32, #tpu.memory_space<vmem>> -> memref<1x2x125xi32, #tpu.memory_space<vmem>>
        %dma_start3A_221 = tpu.memref_squeeze %dma_start3A_220 : memref<1x2x125xi32, #tpu.memory_space<vmem>> -> memref<2x125xi32, #tpu.memory_space<vmem>>
        %dma_start3A_222 = arith.constant 0 : i32
        %dma_start3A_223 = tpu.memref_slice %dma_start3A_221[%run_scoped3A_188, %dma_start3A_222] : memref<2x125xi32, #tpu.memory_space<vmem>> -> memref<1x125xi32, #tpu.memory_space<vmem>>
        %dma_start3A_224 = tpu.memref_squeeze %dma_start3A_223 : memref<1x125xi32, #tpu.memory_space<vmem>> -> memref<125xi32, #tpu.memory_space<vmem>>
        %dma_start3A_225 = arith.constant 0 : i32
        %dma_start3A_226 = arith.constant 0 : i32
        %dma_start3A_227 = tpu.memref_slice %arg9[%dma_start3A_225, %dma_start3A_226] : memref<10000x128xf32, #tpu.memory_space<vmem_shared>> -> memref<10000x128xf32, #tpu.memory_space<vmem_shared>>
        tpu.enqueue_indirect_dma source(%arg7 : memref<125x128xf32, #tpu.memory_space<vmem>>) target(%dma_start3A_227 : memref<10000x128xf32, #tpu.memory_space<vmem_shared>>) offsets(%dma_start3A_224 : memref<125xi32, #tpu.memory_space<vmem>>) semaphore(%run_scoped3A_217 : memref<!tpu.dma_semaphore, #tpu.memory_space<semaphore_mem>>) {add = true}
        %dma_wait3A_228 = arith.constant 0 : i32
        %dma_wait3A_229 = arith.constant 0 : i32
        %dma_wait3A_230 = tpu.memref_slice %arg6[%run_scoped3A_187, %dma_wait3A_228, %dma_wait3A_229] : memref<2x2x125xi32, #tpu.memory_space<vmem>> -> memref<1x2x125xi32, #tpu.memory_space<vmem>>
        %dma_wait3A_231 = tpu.memref_squeeze %dma_wait3A_230 : memref<1x2x125xi32, #tpu.memory_space<vmem>> -> memref<2x125xi32, #tpu.memory_space<vmem>>
        %dma_wait3A_232 = arith.constant 0 : i32
        %dma_wait3A_233 = tpu.memref_slice %dma_wait3A_231[%run_scoped3A_188, %dma_wait3A_232] : memref<2x125xi32, #tpu.memory_space<vmem>> -> memref<1x125xi32, #tpu.memory_space<vmem>>
        %dma_wait3A_234 = tpu.memref_squeeze %dma_wait3A_233 : memref<1x125xi32, #tpu.memory_space<vmem>> -> memref<125xi32, #tpu.memory_space<vmem>>
        %dma_wait3A_235 = arith.constant 0 : i32
        %dma_wait3A_236 = arith.constant 0 : i32
        %dma_wait3A_237 = tpu.memref_slice %arg9[%dma_wait3A_235, %dma_wait3A_236] : memref<10000x128xf32, #tpu.memory_space<vmem_shared>> -> memref<10000x128xf32, #tpu.memory_space<vmem_shared>>
        tpu.wait_indirect_dma semaphore(%run_scoped3A_217 : memref<!tpu.dma_semaphore, #tpu.memory_space<semaphore_mem>>) src(%arg7 : memref<125x128xf32, #tpu.memory_space<vmem>>) dst(%dma_wait3A_237 : memref<10000x128xf32, #tpu.memory_space<vmem_shared>>)
        tpu.yield
      }) : () -> ()
      %add3A_189 = arith.constant 1 : i32
      %add3A_190 = arith.addi %scan3A_90, %add3A_189 : i32
      %lt3A_191 = arith.constant 20 : i32
      %lt3A_192 = arith.cmpi slt, %add3A_190, %lt3A_191 : i32
      %convert_element_type3A_193 = arith.extui %lt3A_192 : i1 to i32
      %cond3A_194 = arith.constant 0 : i32
      %cond3A_195 = arith.cmpi ne, %convert_element_type3A_193, %cond3A_194 : i32
      scf.if %cond3A_195 {
        %mul3A_217 = arith.constant 2 : i32
        %mul3A_218 = arith.muli %mul3A_217, %scan3A_90 : i32
        %add3A_219 = arith.constant 2 : i32
        %add3A_220 = arith.addi %mul3A_218, %add3A_219 : i32
        %dma_wait3A_221 = arith.constant 0 : i32
        %dma_wait3A_222 = arith.constant 0 : i32
        %dma_wait3A_223 = arith.constant 0 : i32
        %dma_wait3A_224 = arith.constant 0 : i32
        %dma_wait3A_225 = tpu.memref_slice %arg2[%add3A, %dma_wait3A_221, %dma_wait3A_222, %dma_wait3A_223, %dma_wait3A_224] : memref<32x40x2x2x125xi32, #tpu.memory_space<hbm>> -> memref<1x40x2x2x125xi32, #tpu.memory_space<hbm>>
        %dma_wait3A_226 = tpu.memref_squeeze %dma_wait3A_225 : memref<1x40x2x2x125xi32, #tpu.memory_space<hbm>> -> memref<40x2x2x125xi32, #tpu.memory_space<hbm>>
        %dma_wait3A_227 = arith.constant 0 : i32
        %dma_wait3A_228 = arith.constant 0 : i32
        %dma_wait3A_229 = arith.constant 0 : i32
        %dma_wait3A_230 = tpu.memref_slice %dma_wait3A_226[%add3A_220, %dma_wait3A_227, %dma_wait3A_228, %dma_wait3A_229] : memref<40x2x2x125xi32, #tpu.memory_space<hbm>> -> memref<1x2x2x125xi32, #tpu.memory_space<hbm>>
        %dma_wait3A_231 = tpu.memref_squeeze %dma_wait3A_230 : memref<1x2x2x125xi32, #tpu.memory_space<hbm>> -> memref<2x2x125xi32, #tpu.memory_space<hbm>>
        %dma_wait3A_232 = arith.constant 0 : i32
        %dma_wait3A_233 = arith.constant 0 : i32
        %dma_wait3A_234 = arith.constant 0 : i32
        %dma_wait3A_235 = arith.constant 0 : i32
        %dma_wait3A_236 = tpu.memref_slice %arg2[%add3A, %dma_wait3A_232, %dma_wait3A_233, %dma_wait3A_234, %dma_wait3A_235] : memref<32x40x2x2x125xi32, #tpu.memory_space<hbm>> -> memref<1x40x2x2x125xi32, #tpu.memory_space<hbm>>
        %dma_wait3A_237 = tpu.memref_squeeze %dma_wait3A_236 : memref<1x40x2x2x125xi32, #tpu.memory_space<hbm>> -> memref<40x2x2x125xi32, #tpu.memory_space<hbm>>
        %dma_wait3A_238 = arith.constant 0 : i32
        %dma_wait3A_239 = arith.constant 0 : i32
        %dma_wait3A_240 = arith.constant 0 : i32
        %dma_wait3A_241 = tpu.memref_slice %dma_wait3A_237[%add3A_220, %dma_wait3A_238, %dma_wait3A_239, %dma_wait3A_240] : memref<40x2x2x125xi32, #tpu.memory_space<hbm>> -> memref<1x2x2x125xi32, #tpu.memory_space<hbm>>
        %dma_wait3A_242 = tpu.memref_squeeze %dma_wait3A_241 : memref<1x2x2x125xi32, #tpu.memory_space<hbm>> -> memref<2x2x125xi32, #tpu.memory_space<hbm>>
        tpu.wait_dma2 semaphore(%arg12 : memref<!tpu.dma_semaphore, #tpu.memory_space<semaphore_mem>>) src(%dma_wait3A_242 : memref<2x2x125xi32, #tpu.memory_space<hbm>>) dst(%arg5 : memref<2x2x125xi32, #tpu.memory_space<vmem>>)
        %dma_start3A_243 = arith.constant 0 : i32
        %dma_start3A_244 = arith.constant 0 : i32
        %dma_start3A_245 = arith.constant 0 : i32
        %dma_start3A_246 = arith.constant 0 : i32
        %dma_start3A_247 = tpu.memref_slice %arg5[%dma_start3A_243, %dma_start3A_245, %dma_start3A_246] : memref<2x2x125xi32, #tpu.memory_space<vmem>> -> memref<1x2x125xi32, #tpu.memory_space<vmem>>
        %dma_start3A_248 = tpu.memref_squeeze %dma_start3A_247 : memref<1x2x125xi32, #tpu.memory_space<vmem>> -> memref<2x125xi32, #tpu.memory_space<vmem>>
        %dma_start3A_249 = arith.constant 0 : i32
        %dma_start3A_250 = tpu.memref_slice %dma_start3A_248[%dma_start3A_244, %dma_start3A_249] : memref<2x125xi32, #tpu.memory_space<vmem>> -> memref<1x125xi32, #tpu.memory_space<vmem>>
        %dma_start3A_251 = tpu.memref_squeeze %dma_start3A_250 : memref<1x125xi32, #tpu.memory_space<vmem>> -> memref<125xi32, #tpu.memory_space<vmem>>
        %dma_start3A_252 = arith.constant 0 : i32
        %dma_start3A_253 = arith.constant 0 : i32
        %dma_start3A_254 = tpu.memref_slice %arg3[%dma_start3A_252, %dma_start3A_253] : memref<10000x128xf32, #tpu.memory_space<hbm>> -> memref<10000x128xf32, #tpu.memory_space<hbm>>
        tpu.enqueue_indirect_dma source(%dma_start3A_254 : memref<10000x128xf32, #tpu.memory_space<hbm>>) target(%arg7 : memref<125x128xf32, #tpu.memory_space<vmem>>) offsets(%dma_start3A_251 : memref<125xi32, #tpu.memory_space<vmem>>) semaphore(%arg10 : memref<!tpu.dma_semaphore, #tpu.memory_space<semaphore_mem>>)
      } else {
      }
      %dma_wait3A_196 = arith.constant 1 : i32
      %dma_wait3A_197 = arith.constant 0 : i32
      %dma_wait3A_198 = arith.constant 0 : i32
      %dma_wait3A_199 = arith.constant 0 : i32
      %dma_wait3A_200 = tpu.memref_slice %arg6[%dma_wait3A_196, %dma_wait3A_198, %dma_wait3A_199] : memref<2x2x125xi32, #tpu.memory_space<vmem>> -> memref<1x2x125xi32, #tpu.memory_space<vmem>>
      %dma_wait3A_201 = tpu.memref_squeeze %dma_wait3A_200 : memref<1x2x125xi32, #tpu.memory_space<vmem>> -> memref<2x125xi32, #tpu.memory_space<vmem>>
      %dma_wait3A_202 = arith.constant 0 : i32
      %dma_wait3A_203 = tpu.memref_slice %dma_wait3A_201[%dma_wait3A_197, %dma_wait3A_202] : memref<2x125xi32, #tpu.memory_space<vmem>> -> memref<1x125xi32, #tpu.memory_space<vmem>>
      %dma_wait3A_204 = tpu.memref_squeeze %dma_wait3A_203 : memref<1x125xi32, #tpu.memory_space<vmem>> -> memref<125xi32, #tpu.memory_space<vmem>>
      %dma_wait3A_205 = arith.constant 0 : i32
      %dma_wait3A_206 = arith.constant 0 : i32
      %dma_wait3A_207 = tpu.memref_slice %arg3[%dma_wait3A_205, %dma_wait3A_206] : memref<10000x128xf32, #tpu.memory_space<hbm>> -> memref<10000x128xf32, #tpu.memory_space<hbm>>
      tpu.wait_indirect_dma semaphore(%arg11 : memref<!tpu.dma_semaphore, #tpu.memory_space<semaphore_mem>>) src(%dma_wait3A_207 : memref<10000x128xf32, #tpu.memory_space<hbm>>) dst(%arg8 : memref<125x128xf32, #tpu.memory_space<vmem>>)
      %run_scoped3A_208 = arith.constant 1 : i32
      %run_scoped3A_209 = arith.constant 1 : i32
      "tpu.region"() ({
        %run_scoped3A_217 = tpu.sem_alloc : memref<!tpu.dma_semaphore, #tpu.memory_space<semaphore_mem>>
        %dma_start3A_218 = arith.constant 0 : i32
        %dma_start3A_219 = arith.constant 0 : i32
        %dma_start3A_220 = tpu.memref_slice %arg6[%run_scoped3A_208, %dma_start3A_218, %dma_start3A_219] : memref<2x2x125xi32, #tpu.memory_space<vmem>> -> memref<1x2x125xi32, #tpu.memory_space<vmem>>
        %dma_start3A_221 = tpu.memref_squeeze %dma_start3A_220 : memref<1x2x125xi32, #tpu.memory_space<vmem>> -> memref<2x125xi32, #tpu.memory_space<vmem>>
        %dma_start3A_222 = arith.constant 0 : i32
        %dma_start3A_223 = tpu.memref_slice %dma_start3A_221[%run_scoped3A_209, %dma_start3A_222] : memref<2x125xi32, #tpu.memory_space<vmem>> -> memref<1x125xi32, #tpu.memory_space<vmem>>
        %dma_start3A_224 = tpu.memref_squeeze %dma_start3A_223 : memref<1x125xi32, #tpu.memory_space<vmem>> -> memref<125xi32, #tpu.memory_space<vmem>>
        %dma_start3A_225 = arith.constant 0 : i32
        %dma_start3A_226 = arith.constant 0 : i32
        %dma_start3A_227 = tpu.memref_slice %arg9[%dma_start3A_225, %dma_start3A_226] : memref<10000x128xf32, #tpu.memory_space<vmem_shared>> -> memref<10000x128xf32, #tpu.memory_space<vmem_shared>>
        tpu.enqueue_indirect_dma source(%arg8 : memref<125x128xf32, #tpu.memory_space<vmem>>) target(%dma_start3A_227 : memref<10000x128xf32, #tpu.memory_space<vmem_shared>>) offsets(%dma_start3A_224 : memref<125xi32, #tpu.memory_space<vmem>>) semaphore(%run_scoped3A_217 : memref<!tpu.dma_semaphore, #tpu.memory_space<semaphore_mem>>) {add = true}
        %dma_wait3A_228 = arith.constant 0 : i32
        %dma_wait3A_229 = arith.constant 0 : i32
        %dma_wait3A_230 = tpu.memref_slice %arg6[%run_scoped3A_208, %dma_wait3A_228, %dma_wait3A_229] : memref<2x2x125xi32, #tpu.memory_space<vmem>> -> memref<1x2x125xi32, #tpu.memory_space<vmem>>
        %dma_wait3A_231 = tpu.memref_squeeze %dma_wait3A_230 : memref<1x2x125xi32, #tpu.memory_space<vmem>> -> memref<2x125xi32, #tpu.memory_space<vmem>>
        %dma_wait3A_232 = arith.constant 0 : i32
        %dma_wait3A_233 = tpu.memref_slice %dma_wait3A_231[%run_scoped3A_209, %dma_wait3A_232] : memref<2x125xi32, #tpu.memory_space<vmem>> -> memref<1x125xi32, #tpu.memory_space<vmem>>
        %dma_wait3A_234 = tpu.memref_squeeze %dma_wait3A_233 : memref<1x125xi32, #tpu.memory_space<vmem>> -> memref<125xi32, #tpu.memory_space<vmem>>
        %dma_wait3A_235 = arith.constant 0 : i32
        %dma_wait3A_236 = arith.constant 0 : i32
        %dma_wait3A_237 = tpu.memref_slice %arg9[%dma_wait3A_235, %dma_wait3A_236] : memref<10000x128xf32, #tpu.memory_space<vmem_shared>> -> memref<10000x128xf32, #tpu.memory_space<vmem_shared>>
        tpu.wait_indirect_dma semaphore(%run_scoped3A_217 : memref<!tpu.dma_semaphore, #tpu.memory_space<semaphore_mem>>) src(%arg8 : memref<125x128xf32, #tpu.memory_space<vmem>>) dst(%dma_wait3A_237 : memref<10000x128xf32, #tpu.memory_space<vmem_shared>>)
        tpu.yield
      }) : () -> ()
      %add3A_210 = arith.constant 1 : i32
      %add3A_211 = arith.addi %scan3A_90, %add3A_210 : i32
      %lt3A_212 = arith.constant 20 : i32
      %lt3A_213 = arith.cmpi slt, %add3A_211, %lt3A_212 : i32
      %convert_element_type3A_214 = arith.extui %lt3A_213 : i1 to i32
      %cond3A_215 = arith.constant 0 : i32
      %cond3A_216 = arith.cmpi ne, %convert_element_type3A_214, %cond3A_215 : i32
      scf.if %cond3A_216 {
        %mul3A_217 = arith.constant 2 : i32
        %mul3A_218 = arith.muli %mul3A_217, %scan3A_90 : i32
        %add3A_219 = arith.constant 3 : i32
        %add3A_220 = arith.addi %mul3A_218, %add3A_219 : i32
        %dma_start3A_221 = arith.constant 0 : i32
        %dma_start3A_222 = arith.constant 0 : i32
        %dma_start3A_223 = arith.constant 0 : i32
        %dma_start3A_224 = arith.constant 0 : i32
        %dma_start3A_225 = tpu.memref_slice %arg2[%add3A, %dma_start3A_221, %dma_start3A_222, %dma_start3A_223, %dma_start3A_224] : memref<32x40x2x2x125xi32, #tpu.memory_space<hbm>> -> memref<1x40x2x2x125xi32, #tpu.memory_space<hbm>>
        %dma_start3A_226 = tpu.memref_squeeze %dma_start3A_225 : memref<1x40x2x2x125xi32, #tpu.memory_space<hbm>> -> memref<40x2x2x125xi32, #tpu.memory_space<hbm>>
        %dma_start3A_227 = arith.constant 0 : i32
        %dma_start3A_228 = arith.constant 0 : i32
        %dma_start3A_229 = arith.constant 0 : i32
        %dma_start3A_230 = tpu.memref_slice %dma_start3A_226[%add3A_220, %dma_start3A_227, %dma_start3A_228, %dma_start3A_229] : memref<40x2x2x125xi32, #tpu.memory_space<hbm>> -> memref<1x2x2x125xi32, #tpu.memory_space<hbm>>
        %dma_start3A_231 = tpu.memref_squeeze %dma_start3A_230 : memref<1x2x2x125xi32, #tpu.memory_space<hbm>> -> memref<2x2x125xi32, #tpu.memory_space<hbm>>
        %dma_start3A_232 = arith.constant 0 : i32
        %dma_start3A_233 = arith.constant 0 : i32
        %dma_start3A_234 = arith.constant 0 : i32
        %dma_start3A_235 = arith.constant 0 : i32
        %dma_start3A_236 = tpu.memref_slice %arg2[%add3A, %dma_start3A_232, %dma_start3A_233, %dma_start3A_234, %dma_start3A_235] : memref<32x40x2x2x125xi32, #tpu.memory_space<hbm>> -> memref<1x40x2x2x125xi32, #tpu.memory_space<hbm>>
        %dma_start3A_237 = tpu.memref_squeeze %dma_start3A_236 : memref<1x40x2x2x125xi32, #tpu.memory_space<hbm>> -> memref<40x2x2x125xi32, #tpu.memory_space<hbm>>
        %dma_start3A_238 = arith.constant 0 : i32
        %dma_start3A_239 = arith.constant 0 : i32
        %dma_start3A_240 = arith.constant 0 : i32
        %dma_start3A_241 = tpu.memref_slice %dma_start3A_237[%add3A_220, %dma_start3A_238, %dma_start3A_239, %dma_start3A_240] : memref<40x2x2x125xi32, #tpu.memory_space<hbm>> -> memref<1x2x2x125xi32, #tpu.memory_space<hbm>>
        %dma_start3A_242 = tpu.memref_squeeze %dma_start3A_241 : memref<1x2x2x125xi32, #tpu.memory_space<hbm>> -> memref<2x2x125xi32, #tpu.memory_space<hbm>>
        tpu.enqueue_dma source(%dma_start3A_242 : memref<2x2x125xi32, #tpu.memory_space<hbm>>) target(%arg6 : memref<2x2x125xi32, #tpu.memory_space<vmem>>) target_semaphore(%arg13 : memref<!tpu.dma_semaphore, #tpu.memory_space<semaphore_mem>>)
        %dma_start3A_243 = arith.constant 1 : i32
        %dma_start3A_244 = arith.constant 0 : i32
        %dma_start3A_245 = arith.constant 0 : i32
        %dma_start3A_246 = arith.constant 0 : i32
        %dma_start3A_247 = tpu.memref_slice %arg5[%dma_start3A_243, %dma_start3A_245, %dma_start3A_246] : memref<2x2x125xi32, #tpu.memory_space<vmem>> -> memref<1x2x125xi32, #tpu.memory_space<vmem>>
        %dma_start3A_248 = tpu.memref_squeeze %dma_start3A_247 : memref<1x2x125xi32, #tpu.memory_space<vmem>> -> memref<2x125xi32, #tpu.memory_space<vmem>>
        %dma_start3A_249 = arith.constant 0 : i32
        %dma_start3A_250 = tpu.memref_slice %dma_start3A_248[%dma_start3A_244, %dma_start3A_249] : memref<2x125xi32, #tpu.memory_space<vmem>> -> memref<1x125xi32, #tpu.memory_space<vmem>>
        %dma_start3A_251 = tpu.memref_squeeze %dma_start3A_250 : memref<1x125xi32, #tpu.memory_space<vmem>> -> memref<125xi32, #tpu.memory_space<vmem>>
        %dma_start3A_252 = arith.constant 0 : i32
        %dma_start3A_253 = arith.constant 0 : i32
        %dma_start3A_254 = tpu.memref_slice %arg3[%dma_start3A_252, %dma_start3A_253] : memref<10000x128xf32, #tpu.memory_space<hbm>> -> memref<10000x128xf32, #tpu.memory_space<hbm>>
        tpu.enqueue_indirect_dma source(%dma_start3A_254 : memref<10000x128xf32, #tpu.memory_space<hbm>>) target(%arg8 : memref<125x128xf32, #tpu.memory_space<vmem>>) offsets(%dma_start3A_251 : memref<125xi32, #tpu.memory_space<vmem>>) semaphore(%arg11 : memref<!tpu.dma_semaphore, #tpu.memory_space<semaphore_mem>>)
      } else {
      }
    }
    %scan3A_79 = arith.constant 20 : i32
    %barrier3A_80 = arith.constant 0 : index
    tpu.barrier barrier_id(%barrier3A_80)
    %lt3A_81 = arith.constant 15 : i32
    %lt3A_82 = arith.cmpi slt, %arg1, %lt3A_81 : i32
    %convert_element_type3A_83 = arith.extui %lt3A_82 : i1 to i32
    %cond3A_84 = arith.constant 0 : i32
    %cond3A_85 = arith.cmpi ne, %convert_element_type3A_83, %cond3A_84 : i32
    scf.if %cond3A_85 {
      %mul3A_90 = arith.constant 640 : i32
      %mul3A_91 = arith.muli %arg1, %mul3A_90 : i32
      "tpu.region"() ({
        %run_scoped3A_92 = tpu.sem_alloc : memref<!tpu.dma_semaphore, #tpu.memory_space<semaphore_mem>>
        %dma_start3A_93 = arith.constant 0 : i32
        %dma_start3A_94 = arith.constant 0 : i32
        %dma_start3A_95 = tpu.memref_slice %arg4[%arg0, %dma_start3A_93, %dma_start3A_94] : memref<2x10000x128xf32, #tpu.memory_space<hbm>> -> memref<1x10000x128xf32, #tpu.memory_space<hbm>>
        %dma_start3A_96 = tpu.memref_squeeze %dma_start3A_95 : memref<1x10000x128xf32, #tpu.memory_space<hbm>> -> memref<10000x128xf32, #tpu.memory_space<hbm>>
        %dma_start3A_97 = arith.constant 0 : i32
        %dma_start3A_98 = tpu.memref_slice %dma_start3A_96[%mul3A_91, %dma_start3A_97] : memref<10000x128xf32, #tpu.memory_space<hbm>> -> memref<640x128xf32, #tpu.memory_space<hbm>>
        %dma_start3A_99 = arith.constant 0 : i32
        %dma_start3A_100 = tpu.memref_slice %arg9[%mul3A_91, %dma_start3A_99] : memref<10000x128xf32, #tpu.memory_space<vmem_shared>> -> memref<640x128xf32, #tpu.memory_space<vmem_shared>>
        tpu.enqueue_dma source(%dma_start3A_100 : memref<640x128xf32, #tpu.memory_space<vmem_shared>>) target(%dma_start3A_98 : memref<640x128xf32, #tpu.memory_space<hbm>>) target_semaphore(%run_scoped3A_92 : memref<!tpu.dma_semaphore, #tpu.memory_space<semaphore_mem>>)
        %dma_wait3A = arith.constant 0 : i32
        %dma_wait3A_101 = arith.constant 0 : i32
        %dma_wait3A_102 = tpu.memref_slice %arg4[%arg0, %dma_wait3A, %dma_wait3A_101] : memref<2x10000x128xf32, #tpu.memory_space<hbm>> -> memref<1x10000x128xf32, #tpu.memory_space<hbm>>
        %dma_wait3A_103 = tpu.memref_squeeze %dma_wait3A_102 : memref<1x10000x128xf32, #tpu.memory_space<hbm>> -> memref<10000x128xf32, #tpu.memory_space<hbm>>
        %dma_wait3A_104 = arith.constant 0 : i32
        %dma_wait3A_105 = tpu.memref_slice %dma_wait3A_103[%mul3A_91, %dma_wait3A_104] : memref<10000x128xf32, #tpu.memory_space<hbm>> -> memref<640x128xf32, #tpu.memory_space<hbm>>
        %dma_wait3A_106 = arith.constant 0 : i32
        %dma_wait3A_107 = tpu.memref_slice %arg9[%mul3A_91, %dma_wait3A_106] : memref<10000x128xf32, #tpu.memory_space<vmem_shared>> -> memref<640x128xf32, #tpu.memory_space<vmem_shared>>
        tpu.wait_dma2 semaphore(%run_scoped3A_92 : memref<!tpu.dma_semaphore, #tpu.memory_space<semaphore_mem>>) src(%dma_wait3A_107 : memref<640x128xf32, #tpu.memory_space<vmem_shared>>) dst(%dma_wait3A_105 : memref<640x128xf32, #tpu.memory_space<hbm>>)
        tpu.yield
      }) : () -> ()
    } else {
    }
    %eq3A = arith.constant 15 : i32
    %eq3A_86 = arith.cmpi eq, %arg1, %eq3A : i32
    %convert_element_type3A_87 = arith.extui %eq3A_86 : i1 to i32
    %cond3A_88 = arith.constant 0 : i32
    %cond3A_89 = arith.cmpi ne, %convert_element_type3A_87, %cond3A_88 : i32
    scf.if %cond3A_89 {
      "tpu.region"() ({
        %run_scoped3A_90 = tpu.sem_alloc : memref<!tpu.dma_semaphore, #tpu.memory_space<semaphore_mem>>
        %dma_start3A_91 = arith.constant 0 : i32
        %dma_start3A_92 = arith.constant 0 : i32
        %dma_start3A_93 = tpu.memref_slice %arg4[%arg0, %dma_start3A_91, %dma_start3A_92] : memref<2x10000x128xf32, #tpu.memory_space<hbm>> -> memref<1x10000x128xf32, #tpu.memory_space<hbm>>
        %dma_start3A_94 = tpu.memref_squeeze %dma_start3A_93 : memref<1x10000x128xf32, #tpu.memory_space<hbm>> -> memref<10000x128xf32, #tpu.memory_space<hbm>>
        %dma_start3A_95 = arith.constant 9600 : i32
        %dma_start3A_96 = arith.constant 0 : i32
        %dma_start3A_97 = tpu.memref_slice %dma_start3A_94[%dma_start3A_95, %dma_start3A_96] : memref<10000x128xf32, #tpu.memory_space<hbm>> -> memref<400x128xf32, #tpu.memory_space<hbm>>
        %dma_start3A_98 = arith.constant 9600 : i32
        %dma_start3A_99 = arith.constant 0 : i32
        %dma_start3A_100 = tpu.memref_slice %arg9[%dma_start3A_98, %dma_start3A_99] : memref<10000x128xf32, #tpu.memory_space<vmem_shared>> -> memref<400x128xf32, #tpu.memory_space<vmem_shared>>
        tpu.enqueue_dma source(%dma_start3A_100 : memref<400x128xf32, #tpu.memory_space<vmem_shared>>) target(%dma_start3A_97 : memref<400x128xf32, #tpu.memory_space<hbm>>) target_semaphore(%run_scoped3A_90 : memref<!tpu.dma_semaphore, #tpu.memory_space<semaphore_mem>>)
        %dma_wait3A = arith.constant 0 : i32
        %dma_wait3A_101 = arith.constant 0 : i32
        %dma_wait3A_102 = tpu.memref_slice %arg4[%arg0, %dma_wait3A, %dma_wait3A_101] : memref<2x10000x128xf32, #tpu.memory_space<hbm>> -> memref<1x10000x128xf32, #tpu.memory_space<hbm>>
        %dma_wait3A_103 = tpu.memref_squeeze %dma_wait3A_102 : memref<1x10000x128xf32, #tpu.memory_space<hbm>> -> memref<10000x128xf32, #tpu.memory_space<hbm>>
        %dma_wait3A_104 = arith.constant 9600 : i32
        %dma_wait3A_105 = arith.constant 0 : i32
        %dma_wait3A_106 = tpu.memref_slice %dma_wait3A_103[%dma_wait3A_104, %dma_wait3A_105] : memref<10000x128xf32, #tpu.memory_space<hbm>> -> memref<400x128xf32, #tpu.memory_space<hbm>>
        %dma_wait3A_107 = arith.constant 9600 : i32
        %dma_wait3A_108 = arith.constant 0 : i32
        %dma_wait3A_109 = tpu.memref_slice %arg9[%dma_wait3A_107, %dma_wait3A_108] : memref<10000x128xf32, #tpu.memory_space<vmem_shared>> -> memref<400x128xf32, #tpu.memory_space<vmem_shared>>
        tpu.wait_dma2 semaphore(%run_scoped3A_90 : memref<!tpu.dma_semaphore, #tpu.memory_space<semaphore_mem>>) src(%dma_wait3A_109 : memref<400x128xf32, #tpu.memory_space<vmem_shared>>) dst(%dma_wait3A_106 : memref<400x128xf32, #tpu.memory_space<hbm>>)
        tpu.yield
      }) : () -> ()
    } else {
    }
    return
  }
}

#map = affine_map<(d0, d1) -> (0)>
#map1 = affine_map<(d0, d1) -> (0, 0)>
module attributes {stable_mosaic.version = 14 : i64} {
  func.func @sc_deg(%arg0: i32, %arg1: i32, %arg2: memref<320000xi32, #tpu.memory_space<hbm>>, %arg3: memref<2x10240xf32, #tpu.memory_space<hbm>>, %arg4: memref<10000xi32, #tpu.memory_space<vmem>>, %arg5: memref<10240xf32, #tpu.memory_space<vmem>>, %arg6: memref<16x640xf32, #tpu.memory_space<vmem>>, %arg7: memref<640xf32, #tpu.memory_space<vmem>>, %arg8: memref<16x10240xf32, #tpu.memory_space<vmem_shared>>) attributes {dimension_semantics = [#tpu.dimension_semantics<core_parallel>, #tpu.dimension_semantics<subcore_parallel>], iteration_bounds = array<i64: 2, 16>, scalar_prefetch = 0 : i64, scratch_operands = 5 : i64, tpu.core_type = #tpu.core_type<sc_vector_subcore>, window_params = [{transform_indices = #map}, {transform_indices = #map1}]} {
    %mul3A = arith.constant 16 : i32
    %mul3A_0 = arith.muli %arg0, %mul3A : i32
    %add3A = arith.addi %mul3A_0, %arg1 : i32
    %scan3A = arith.constant 0 : i32
    %scan3A_1 = arith.constant 0 : i32
    %scan3A_2 = arith.constant 640 : i32
    %scan3A_3 = arith.addi %scan3A_1, %scan3A_2 : i32
    %scan3A_4 = arith.constant 1 : i32
    scf.for %scan3A_25 = %scan3A_1 to %scan3A_3 step %scan3A_4  : i32 {
      %broadcast_in_dim3A_26 = arith.constant 0.000000e+00 : f32
      %broadcast_in_dim3A_27 = vector.broadcast %broadcast_in_dim3A_26 : f32 to vector<16xf32>
      %mul3A_28 = arith.constant 16 : i32
      %mul3A_29 = arith.muli %mul3A_28, %scan3A_25 : i32
      %swap3A = arith.index_cast %mul3A_29 : i32 to index
      %swap3A_30 = tpu.vector_load %arg5[%swap3A] {strides = array<i32>} : memref<10240xf32, #tpu.memory_space<vmem>>, vector<16xf32>,
      tpu.vector_store %arg5[%swap3A], %broadcast_in_dim3A_27 {strides = array<i32>} : memref<10240xf32, #tpu.memory_space<vmem>>, vector<16xf32>,
    }
    %scan3A_5 = arith.constant 640 : i32
    %mul3A_6 = arith.constant 10000 : i32
    %mul3A_7 = arith.muli %add3A, %mul3A_6 : i32
    "tpu.region"() ({
      %run_scoped3A = tpu.sem_alloc : memref<!tpu.dma_semaphore, #tpu.memory_space<semaphore_mem>>
      %dma_start3A = tpu.memref_slice %arg2[%mul3A_7] : memref<320000xi32, #tpu.memory_space<hbm>> -> memref<10000xi32, #tpu.memory_space<hbm>>
      %dma_start3A_25 = tpu.memref_slice %arg2[%mul3A_7] : memref<320000xi32, #tpu.memory_space<hbm>> -> memref<10000xi32, #tpu.memory_space<hbm>>
      tpu.enqueue_dma source(%dma_start3A_25 : memref<10000xi32, #tpu.memory_space<hbm>>) target(%arg4 : memref<10000xi32, #tpu.memory_space<vmem>>) target_semaphore(%run_scoped3A : memref<!tpu.dma_semaphore, #tpu.memory_space<semaphore_mem>>)
      %dma_wait3A = tpu.memref_slice %arg2[%mul3A_7] : memref<320000xi32, #tpu.memory_space<hbm>> -> memref<10000xi32, #tpu.memory_space<hbm>>
      %dma_wait3A_26 = tpu.memref_slice %arg2[%mul3A_7] : memref<320000xi32, #tpu.memory_space<hbm>> -> memref<10000xi32, #tpu.memory_space<hbm>>
      tpu.wait_dma2 semaphore(%run_scoped3A : memref<!tpu.dma_semaphore, #tpu.memory_space<semaphore_mem>>) src(%dma_wait3A_26 : memref<10000xi32, #tpu.memory_space<hbm>>) dst(%arg4 : memref<10000xi32, #tpu.memory_space<vmem>>)
      tpu.yield
    }) : () -> ()
    %broadcast_in_dim3A = arith.constant 1.000000e+00 : f32
    %broadcast_in_dim3A_8 = vector.broadcast %broadcast_in_dim3A : f32 to vector<16xf32>
    %scan3A_9 = arith.constant 0 : i32
    %scan3A_10 = arith.constant 0 : i32
    %scan3A_11 = arith.constant 625 : i32
    %scan3A_12 = arith.addi %scan3A_10, %scan3A_11 : i32
    %scan3A_13 = arith.constant 1 : i32
    scf.for %scan3A_25 = %scan3A_10 to %scan3A_12 step %scan3A_13  : i32 {
      %mul3A_26 = arith.constant 16 : i32
      %mul3A_27 = arith.muli %mul3A_26, %scan3A_25 : i32
      %get3A = arith.index_cast %mul3A_27 : i32 to index
      %get3A_28 = tpu.vector_load %arg4[%get3A] {strides = array<i32>} : memref<10000xi32, #tpu.memory_space<vmem>>, vector<16xi32>,
      tpu.vector_store_idx %arg5[%get3A_28], %broadcast_in_dim3A_8 {add = true} : memref<10240xf32, #tpu.memory_space<vmem>>[vector<16xi32>], vector<16xf32>,
    }
    %scan3A_14 = arith.constant 625 : i32
    "tpu.region"() ({
      %run_scoped3A = tpu.sem_alloc : memref<!tpu.dma_semaphore, #tpu.memory_space<semaphore_mem>>
      %dma_start3A = arith.constant 0 : i32
      %dma_start3A_25 = tpu.memref_slice %arg8[%arg1, %dma_start3A] : memref<16x10240xf32, #tpu.memory_space<vmem_shared>> -> memref<1x10240xf32, #tpu.memory_space<vmem_shared>>
      %dma_start3A_26 = tpu.memref_squeeze %dma_start3A_25 : memref<1x10240xf32, #tpu.memory_space<vmem_shared>> -> memref<10240xf32, #tpu.memory_space<vmem_shared>>
      %dma_start3A_27 = arith.constant 0 : i32
      %dma_start3A_28 = tpu.memref_slice %arg8[%arg1, %dma_start3A_27] : memref<16x10240xf32, #tpu.memory_space<vmem_shared>> -> memref<1x10240xf32, #tpu.memory_space<vmem_shared>>
      %dma_start3A_29 = tpu.memref_squeeze %dma_start3A_28 : memref<1x10240xf32, #tpu.memory_space<vmem_shared>> -> memref<10240xf32, #tpu.memory_space<vmem_shared>>
      tpu.enqueue_dma source(%arg5 : memref<10240xf32, #tpu.memory_space<vmem>>) target(%dma_start3A_29 : memref<10240xf32, #tpu.memory_space<vmem_shared>>) target_semaphore(%run_scoped3A : memref<!tpu.dma_semaphore, #tpu.memory_space<semaphore_mem>>)
      %dma_wait3A = arith.constant 0 : i32
      %dma_wait3A_30 = tpu.memref_slice %arg8[%arg1, %dma_wait3A] : memref<16x10240xf32, #tpu.memory_space<vmem_shared>> -> memref<1x10240xf32, #tpu.memory_space<vmem_shared>>
      %dma_wait3A_31 = tpu.memref_squeeze %dma_wait3A_30 : memref<1x10240xf32, #tpu.memory_space<vmem_shared>> -> memref<10240xf32, #tpu.memory_space<vmem_shared>>
      %dma_wait3A_32 = arith.constant 0 : i32
      %dma_wait3A_33 = tpu.memref_slice %arg8[%arg1, %dma_wait3A_32] : memref<16x10240xf32, #tpu.memory_space<vmem_shared>> -> memref<1x10240xf32, #tpu.memory_space<vmem_shared>>
      %dma_wait3A_34 = tpu.memref_squeeze %dma_wait3A_33 : memref<1x10240xf32, #tpu.memory_space<vmem_shared>> -> memref<10240xf32, #tpu.memory_space<vmem_shared>>
      tpu.wait_dma2 semaphore(%run_scoped3A : memref<!tpu.dma_semaphore, #tpu.memory_space<semaphore_mem>>) src(%arg5 : memref<10240xf32, #tpu.memory_space<vmem>>) dst(%dma_wait3A_34 : memref<10240xf32, #tpu.memory_space<vmem_shared>>)
      tpu.yield
    }) : () -> ()
    %barrier3A = arith.constant 0 : index
    tpu.barrier barrier_id(%barrier3A)
    %mul3A_15 = arith.constant 640 : i32
    %mul3A_16 = arith.muli %arg1, %mul3A_15 : i32
    "tpu.region"() ({
      %run_scoped3A = tpu.sem_alloc : memref<!tpu.dma_semaphore, #tpu.memory_space<semaphore_mem>>
      %dma_start3A = arith.constant 0 : i32
      %dma_start3A_25 = tpu.memref_slice %arg8[%dma_start3A, %mul3A_16] : memref<16x10240xf32, #tpu.memory_space<vmem_shared>> -> memref<16x640xf32, #tpu.memory_space<vmem_shared>>
      %dma_start3A_26 = arith.constant 0 : i32
      %dma_start3A_27 = tpu.memref_slice %arg8[%dma_start3A_26, %mul3A_16] : memref<16x10240xf32, #tpu.memory_space<vmem_shared>> -> memref<16x640xf32, #tpu.memory_space<vmem_shared>>
      tpu.enqueue_dma source(%dma_start3A_27 : memref<16x640xf32, #tpu.memory_space<vmem_shared>>) target(%arg6 : memref<16x640xf32, #tpu.memory_space<vmem>>) target_semaphore(%run_scoped3A : memref<!tpu.dma_semaphore, #tpu.memory_space<semaphore_mem>>)
      %dma_wait3A = arith.constant 0 : i32
      %dma_wait3A_28 = tpu.memref_slice %arg8[%dma_wait3A, %mul3A_16] : memref<16x10240xf32, #tpu.memory_space<vmem_shared>> -> memref<16x640xf32, #tpu.memory_space<vmem_shared>>
      %dma_wait3A_29 = arith.constant 0 : i32
      %dma_wait3A_30 = tpu.memref_slice %arg8[%dma_wait3A_29, %mul3A_16] : memref<16x10240xf32, #tpu.memory_space<vmem_shared>> -> memref<16x640xf32, #tpu.memory_space<vmem_shared>>
      tpu.wait_dma2 semaphore(%run_scoped3A : memref<!tpu.dma_semaphore, #tpu.memory_space<semaphore_mem>>) src(%dma_wait3A_30 : memref<16x640xf32, #tpu.memory_space<vmem_shared>>) dst(%arg6 : memref<16x640xf32, #tpu.memory_space<vmem>>)
      tpu.yield
    }) : () -> ()
    %scan3A_17 = arith.constant 0 : i32
    %scan3A_18 = arith.constant 0 : i32
    %scan3A_19 = arith.constant 40 : i32
    %scan3A_20 = arith.addi %scan3A_18, %scan3A_19 : i32
    %scan3A_21 = arith.constant 1 : i32
    scf.for %scan3A_25 = %scan3A_18 to %scan3A_20 step %scan3A_21  : i32 {
      %mul3A_26 = arith.constant 16 : i32
      %mul3A_27 = arith.muli %mul3A_26, %scan3A_25 : i32
      %get3A = arith.constant 0 : i32
      %get3A_28 = arith.index_cast %get3A : i32 to index
      %get3A_29 = arith.index_cast %mul3A_27 : i32 to index
      %get3A_30 = tpu.vector_load %arg6[%get3A_28, %get3A_29] {strides = array<i32>} : memref<16x640xf32, #tpu.memory_space<vmem>>, vector<16xf32>,
      %mul3A_31 = arith.constant 16 : i32
      %mul3A_32 = arith.muli %mul3A_31, %scan3A_25 : i32
      %get3A_33 = arith.constant 1 : i32
      %get3A_34 = arith.index_cast %get3A_33 : i32 to index
      %get3A_35 = arith.index_cast %mul3A_32 : i32 to index
      %get3A_36 = tpu.vector_load %arg6[%get3A_34, %get3A_35] {strides = array<i32>} : memref<16x640xf32, #tpu.memory_space<vmem>>, vector<16xf32>,
      %add3A_37 = arith.addf %get3A_30, %get3A_36 : vector<16xf32>
      %mul3A_38 = arith.constant 16 : i32
      %mul3A_39 = arith.muli %mul3A_38, %scan3A_25 : i32
      %get3A_40 = arith.constant 2 : i32
      %get3A_41 = arith.index_cast %get3A_40 : i32 to index
      %get3A_42 = arith.index_cast %mul3A_39 : i32 to index
      %get3A_43 = tpu.vector_load %arg6[%get3A_41, %get3A_42] {strides = array<i32>} : memref<16x640xf32, #tpu.memory_space<vmem>>, vector<16xf32>,
      %add3A_44 = arith.addf %add3A_37, %get3A_43 : vector<16xf32>
      %mul3A_45 = arith.constant 16 : i32
      %mul3A_46 = arith.muli %mul3A_45, %scan3A_25 : i32
      %get3A_47 = arith.constant 3 : i32
      %get3A_48 = arith.index_cast %get3A_47 : i32 to index
      %get3A_49 = arith.index_cast %mul3A_46 : i32 to index
      %get3A_50 = tpu.vector_load %arg6[%get3A_48, %get3A_49] {strides = array<i32>} : memref<16x640xf32, #tpu.memory_space<vmem>>, vector<16xf32>,
      %add3A_51 = arith.addf %add3A_44, %get3A_50 : vector<16xf32>
      %mul3A_52 = arith.constant 16 : i32
      %mul3A_53 = arith.muli %mul3A_52, %scan3A_25 : i32
      %get3A_54 = arith.constant 4 : i32
      %get3A_55 = arith.index_cast %get3A_54 : i32 to index
      %get3A_56 = arith.index_cast %mul3A_53 : i32 to index
      %get3A_57 = tpu.vector_load %arg6[%get3A_55, %get3A_56] {strides = array<i32>} : memref<16x640xf32, #tpu.memory_space<vmem>>, vector<16xf32>,
      %add3A_58 = arith.addf %add3A_51, %get3A_57 : vector<16xf32>
      %mul3A_59 = arith.constant 16 : i32
      %mul3A_60 = arith.muli %mul3A_59, %scan3A_25 : i32
      %get3A_61 = arith.constant 5 : i32
      %get3A_62 = arith.index_cast %get3A_61 : i32 to index
      %get3A_63 = arith.index_cast %mul3A_60 : i32 to index
      %get3A_64 = tpu.vector_load %arg6[%get3A_62, %get3A_63] {strides = array<i32>} : memref<16x640xf32, #tpu.memory_space<vmem>>, vector<16xf32>,
      %add3A_65 = arith.addf %add3A_58, %get3A_64 : vector<16xf32>
      %mul3A_66 = arith.constant 16 : i32
      %mul3A_67 = arith.muli %mul3A_66, %scan3A_25 : i32
      %get3A_68 = arith.constant 6 : i32
      %get3A_69 = arith.index_cast %get3A_68 : i32 to index
      %get3A_70 = arith.index_cast %mul3A_67 : i32 to index
      %get3A_71 = tpu.vector_load %arg6[%get3A_69, %get3A_70] {strides = array<i32>} : memref<16x640xf32, #tpu.memory_space<vmem>>, vector<16xf32>,
      %add3A_72 = arith.addf %add3A_65, %get3A_71 : vector<16xf32>
      %mul3A_73 = arith.constant 16 : i32
      %mul3A_74 = arith.muli %mul3A_73, %scan3A_25 : i32
      %get3A_75 = arith.constant 7 : i32
      %get3A_76 = arith.index_cast %get3A_75 : i32 to index
      %get3A_77 = arith.index_cast %mul3A_74 : i32 to index
      %get3A_78 = tpu.vector_load %arg6[%get3A_76, %get3A_77] {strides = array<i32>} : memref<16x640xf32, #tpu.memory_space<vmem>>, vector<16xf32>,
      %add3A_79 = arith.addf %add3A_72, %get3A_78 : vector<16xf32>
      %mul3A_80 = arith.constant 16 : i32
      %mul3A_81 = arith.muli %mul3A_80, %scan3A_25 : i32
      %get3A_82 = arith.constant 8 : i32
      %get3A_83 = arith.index_cast %get3A_82 : i32 to index
      %get3A_84 = arith.index_cast %mul3A_81 : i32 to index
      %get3A_85 = tpu.vector_load %arg6[%get3A_83, %get3A_84] {strides = array<i32>} : memref<16x640xf32, #tpu.memory_space<vmem>>, vector<16xf32>,
      %add3A_86 = arith.addf %add3A_79, %get3A_85 : vector<16xf32>
      %mul3A_87 = arith.constant 16 : i32
      %mul3A_88 = arith.muli %mul3A_87, %scan3A_25 : i32
      %get3A_89 = arith.constant 9 : i32
      %get3A_90 = arith.index_cast %get3A_89 : i32 to index
      %get3A_91 = arith.index_cast %mul3A_88 : i32 to index
      %get3A_92 = tpu.vector_load %arg6[%get3A_90, %get3A_91] {strides = array<i32>} : memref<16x640xf32, #tpu.memory_space<vmem>>, vector<16xf32>,
      %add3A_93 = arith.addf %add3A_86, %get3A_92 : vector<16xf32>
      %mul3A_94 = arith.constant 16 : i32
      %mul3A_95 = arith.muli %mul3A_94, %scan3A_25 : i32
      %get3A_96 = arith.constant 10 : i32
      %get3A_97 = arith.index_cast %get3A_96 : i32 to index
      %get3A_98 = arith.index_cast %mul3A_95 : i32 to index
      %get3A_99 = tpu.vector_load %arg6[%get3A_97, %get3A_98] {strides = array<i32>} : memref<16x640xf32, #tpu.memory_space<vmem>>, vector<16xf32>,
      %add3A_100 = arith.addf %add3A_93, %get3A_99 : vector<16xf32>
      %mul3A_101 = arith.constant 16 : i32
      %mul3A_102 = arith.muli %mul3A_101, %scan3A_25 : i32
      %get3A_103 = arith.constant 11 : i32
      %get3A_104 = arith.index_cast %get3A_103 : i32 to index
      %get3A_105 = arith.index_cast %mul3A_102 : i32 to index
      %get3A_106 = tpu.vector_load %arg6[%get3A_104, %get3A_105] {strides = array<i32>} : memref<16x640xf32, #tpu.memory_space<vmem>>, vector<16xf32>,
      %add3A_107 = arith.addf %add3A_100, %get3A_106 : vector<16xf32>
      %mul3A_108 = arith.constant 16 : i32
      %mul3A_109 = arith.muli %mul3A_108, %scan3A_25 : i32
      %get3A_110 = arith.constant 12 : i32
      %get3A_111 = arith.index_cast %get3A_110 : i32 to index
      %get3A_112 = arith.index_cast %mul3A_109 : i32 to index
      %get3A_113 = tpu.vector_load %arg6[%get3A_111, %get3A_112] {strides = array<i32>} : memref<16x640xf32, #tpu.memory_space<vmem>>, vector<16xf32>,
      %add3A_114 = arith.addf %add3A_107, %get3A_113 : vector<16xf32>
      %mul3A_115 = arith.constant 16 : i32
      %mul3A_116 = arith.muli %mul3A_115, %scan3A_25 : i32
      %get3A_117 = arith.constant 13 : i32
      %get3A_118 = arith.index_cast %get3A_117 : i32 to index
      %get3A_119 = arith.index_cast %mul3A_116 : i32 to index
      %get3A_120 = tpu.vector_load %arg6[%get3A_118, %get3A_119] {strides = array<i32>} : memref<16x640xf32, #tpu.memory_space<vmem>>, vector<16xf32>,
      %add3A_121 = arith.addf %add3A_114, %get3A_120 : vector<16xf32>
      %mul3A_122 = arith.constant 16 : i32
      %mul3A_123 = arith.muli %mul3A_122, %scan3A_25 : i32
      %get3A_124 = arith.constant 14 : i32
      %get3A_125 = arith.index_cast %get3A_124 : i32 to index
      %get3A_126 = arith.index_cast %mul3A_123 : i32 to index
      %get3A_127 = tpu.vector_load %arg6[%get3A_125, %get3A_126] {strides = array<i32>} : memref<16x640xf32, #tpu.memory_space<vmem>>, vector<16xf32>,
      %add3A_128 = arith.addf %add3A_121, %get3A_127 : vector<16xf32>
      %mul3A_129 = arith.constant 16 : i32
      %mul3A_130 = arith.muli %mul3A_129, %scan3A_25 : i32
      %get3A_131 = arith.constant 15 : i32
      %get3A_132 = arith.index_cast %get3A_131 : i32 to index
      %get3A_133 = arith.index_cast %mul3A_130 : i32 to index
      %get3A_134 = tpu.vector_load %arg6[%get3A_132, %get3A_133] {strides = array<i32>} : memref<16x640xf32, #tpu.memory_space<vmem>>, vector<16xf32>,
      %add3A_135 = arith.addf %add3A_128, %get3A_134 : vector<16xf32>
      %mul3A_136 = arith.constant 16 : i32
      %mul3A_137 = arith.muli %mul3A_136, %scan3A_25 : i32
      %swap3A = arith.index_cast %mul3A_137 : i32 to index
      %swap3A_138 = tpu.vector_load %arg7[%swap3A] {strides = array<i32>} : memref<640xf32, #tpu.memory_space<vmem>>, vector<16xf32>,
      tpu.vector_store %arg7[%swap3A], %add3A_135 {strides = array<i32>} : memref<640xf32, #tpu.memory_space<vmem>>, vector<16xf32>,
    }
    %scan3A_22 = arith.constant 40 : i32
    %mul3A_23 = arith.constant 640 : i32
    %mul3A_24 = arith.muli %arg1, %mul3A_23 : i32
    "tpu.region"() ({
      %run_scoped3A = tpu.sem_alloc : memref<!tpu.dma_semaphore, #tpu.memory_space<semaphore_mem>>
      %dma_start3A = arith.constant 0 : i32
      %dma_start3A_25 = tpu.memref_slice %arg3[%arg0, %dma_start3A] : memref<2x10240xf32, #tpu.memory_space<hbm>> -> memref<1x10240xf32, #tpu.memory_space<hbm>>
      %dma_start3A_26 = tpu.memref_squeeze %dma_start3A_25 : memref<1x10240xf32, #tpu.memory_space<hbm>> -> memref<10240xf32, #tpu.memory_space<hbm>>
      %dma_start3A_27 = tpu.memref_slice %dma_start3A_26[%mul3A_24] : memref<10240xf32, #tpu.memory_space<hbm>> -> memref<640xf32, #tpu.memory_space<hbm>>
      %dma_start3A_28 = arith.constant 0 : i32
      %dma_start3A_29 = tpu.memref_slice %arg3[%arg0, %dma_start3A_28] : memref<2x10240xf32, #tpu.memory_space<hbm>> -> memref<1x10240xf32, #tpu.memory_space<hbm>>
      %dma_start3A_30 = tpu.memref_squeeze %dma_start3A_29 : memref<1x10240xf32, #tpu.memory_space<hbm>> -> memref<10240xf32, #tpu.memory_space<hbm>>
      %dma_start3A_31 = tpu.memref_slice %dma_start3A_30[%mul3A_24] : memref<10240xf32, #tpu.memory_space<hbm>> -> memref<640xf32, #tpu.memory_space<hbm>>
      tpu.enqueue_dma source(%arg7 : memref<640xf32, #tpu.memory_space<vmem>>) target(%dma_start3A_31 : memref<640xf32, #tpu.memory_space<hbm>>) target_semaphore(%run_scoped3A : memref<!tpu.dma_semaphore, #tpu.memory_space<semaphore_mem>>)
      %dma_wait3A = arith.constant 0 : i32
      %dma_wait3A_32 = tpu.memref_slice %arg3[%arg0, %dma_wait3A] : memref<2x10240xf32, #tpu.memory_space<hbm>> -> memref<1x10240xf32, #tpu.memory_space<hbm>>
      %dma_wait3A_33 = tpu.memref_squeeze %dma_wait3A_32 : memref<1x10240xf32, #tpu.memory_space<hbm>> -> memref<10240xf32, #tpu.memory_space<hbm>>
      %dma_wait3A_34 = tpu.memref_slice %dma_wait3A_33[%mul3A_24] : memref<10240xf32, #tpu.memory_space<hbm>> -> memref<640xf32, #tpu.memory_space<hbm>>
      %dma_wait3A_35 = arith.constant 0 : i32
      %dma_wait3A_36 = tpu.memref_slice %arg3[%arg0, %dma_wait3A_35] : memref<2x10240xf32, #tpu.memory_space<hbm>> -> memref<1x10240xf32, #tpu.memory_space<hbm>>
      %dma_wait3A_37 = tpu.memref_squeeze %dma_wait3A_36 : memref<1x10240xf32, #tpu.memory_space<hbm>> -> memref<10240xf32, #tpu.memory_space<hbm>>
      %dma_wait3A_38 = tpu.memref_slice %dma_wait3A_37[%mul3A_24] : memref<10240xf32, #tpu.memory_space<hbm>> -> memref<640xf32, #tpu.memory_space<hbm>>
      tpu.wait_dma2 semaphore(%run_scoped3A : memref<!tpu.dma_semaphore, #tpu.memory_space<semaphore_mem>>) src(%arg7 : memref<640xf32, #tpu.memory_space<vmem>>) dst(%dma_wait3A_38 : memref<640xf32, #tpu.memory_space<hbm>>)
      tpu.yield
    }) : () -> ()
    return
  }
}

#map = affine_map<(d0, d1) -> (0, 0, 0, 0, 0)>
#map1 = affine_map<(d0, d1) -> (0, 0)>
#map2 = affine_map<(d0, d1) -> (0, 0, 0)>
module attributes {stable_mosaic.version = 14 : i64} {
  func.func @sc_prop128(%arg0: i32, %arg1: i32, %arg2: memref<32x40x2x2x125xi32, #tpu.memory_space<hbm>>, %arg3: memref<10000x128xf32, #tpu.memory_space<hbm>>, %arg4: memref<2x10000x128xf32, #tpu.memory_space<hbm>>, %arg5: memref<2x2x125xi32, #tpu.memory_space<vmem>>, %arg6: memref<2x2x125xi32, #tpu.memory_space<vmem>>, %arg7: memref<125x128xf32, #tpu.memory_space<vmem>>, %arg8: memref<125x128xf32, #tpu.memory_space<vmem>>, %arg9: memref<10000x128xf32, #tpu.memory_space<vmem_shared>>, %arg10: memref<!tpu.dma_semaphore, #tpu.memory_space<semaphore_mem>>, %arg11: memref<!tpu.dma_semaphore, #tpu.memory_space<semaphore_mem>>, %arg12: memref<!tpu.dma_semaphore, #tpu.memory_space<semaphore_mem>>, %arg13: memref<!tpu.dma_semaphore, #tpu.memory_space<semaphore_mem>>) attributes {dimension_semantics = [#tpu.dimension_semantics<core_parallel>, #tpu.dimension_semantics<subcore_parallel>], iteration_bounds = array<i64: 2, 16>, scalar_prefetch = 0 : i64, scratch_operands = 9 : i64, tpu.core_type = #tpu.core_type<sc_vector_subcore>, window_params = [{transform_indices = #map}, {transform_indices = #map1}, {transform_indices = #map2}]} {
    %mul3A = arith.constant 16 : i32
    %mul3A_0 = arith.muli %arg0, %mul3A : i32
    %add3A = arith.addi %mul3A_0, %arg1 : i32
    %scan3A = arith.constant 0 : i32
    %scan3A_1 = arith.constant 0 : i32
    %scan3A_2 = arith.constant 125 : i32
    %scan3A_3 = arith.addi %scan3A_1, %scan3A_2 : i32
    %scan3A_4 = arith.constant 1 : i32
    scf.for %scan3A_90 = %scan3A_1 to %scan3A_3 step %scan3A_4  : i32 {
      %broadcast_in_dim3A = arith.constant 0.000000e+00 : f32
      %broadcast_in_dim3A_91 = vector.broadcast %broadcast_in_dim3A : f32 to vector<16xf32>
      %swap3A = arith.index_cast %scan3A_90 : i32 to index
      %swap3A_92 = arith.constant 0 : index
      %swap3A_93 = tpu.vector_load %arg7[%swap3A, %swap3A_92] {strides = array<i32>} : memref<125x128xf32, #tpu.memory_space<vmem>>, vector<1x16xf32>,
      %swap3A_94 = vector.shape_cast %swap3A_93 : vector<1x16xf32> to vector<16xf32>
      %swap3A_95 = vector.shape_cast %broadcast_in_dim3A_91 : vector<16xf32> to vector<1x16xf32>
      tpu.vector_store %arg7[%swap3A, %swap3A_92], %swap3A_95 {strides = array<i32>} : memref<125x128xf32, #tpu.memory_space<vmem>>, vector<1x16xf32>,
      %broadcast_in_dim3A_96 = arith.constant 0.000000e+00 : f32
      %broadcast_in_dim3A_97 = vector.broadcast %broadcast_in_dim3A_96 : f32 to vector<16xf32>
      %swap3A_98 = arith.index_cast %scan3A_90 : i32 to index
      %swap3A_99 = arith.constant 16 : index
      %swap3A_100 = tpu.vector_load %arg7[%swap3A_98, %swap3A_99] {strides = array<i32>} : memref<125x128xf32, #tpu.memory_space<vmem>>, vector<1x16xf32>,
      %swap3A_101 = vector.shape_cast %swap3A_100 : vector<1x16xf32> to vector<16xf32>
      %swap3A_102 = vector.shape_cast %broadcast_in_dim3A_97 : vector<16xf32> to vector<1x16xf32>
      tpu.vector_store %arg7[%swap3A_98, %swap3A_99], %swap3A_102 {strides = array<i32>} : memref<125x128xf32, #tpu.memory_space<vmem>>, vector<1x16xf32>,
      %broadcast_in_dim3A_103 = arith.constant 0.000000e+00 : f32
      %broadcast_in_dim3A_104 = vector.broadcast %broadcast_in_dim3A_103 : f32 to vector<16xf32>
      %swap3A_105 = arith.index_cast %scan3A_90 : i32 to index
      %swap3A_106 = arith.constant 32 : index
      %swap3A_107 = tpu.vector_load %arg7[%swap3A_105, %swap3A_106] {strides = array<i32>} : memref<125x128xf32, #tpu.memory_space<vmem>>, vector<1x16xf32>,
      %swap3A_108 = vector.shape_cast %swap3A_107 : vector<1x16xf32> to vector<16xf32>
      %swap3A_109 = vector.shape_cast %broadcast_in_dim3A_104 : vector<16xf32> to vector<1x16xf32>
      tpu.vector_store %arg7[%swap3A_105, %swap3A_106], %swap3A_109 {strides = array<i32>} : memref<125x128xf32, #tpu.memory_space<vmem>>, vector<1x16xf32>,
      %broadcast_in_dim3A_110 = arith.constant 0.000000e+00 : f32
      %broadcast_in_dim3A_111 = vector.broadcast %broadcast_in_dim3A_110 : f32 to vector<16xf32>
      %swap3A_112 = arith.index_cast %scan3A_90 : i32 to index
      %swap3A_113 = arith.constant 48 : index
      %swap3A_114 = tpu.vector_load %arg7[%swap3A_112, %swap3A_113] {strides = array<i32>} : memref<125x128xf32, #tpu.memory_space<vmem>>, vector<1x16xf32>,
      %swap3A_115 = vector.shape_cast %swap3A_114 : vector<1x16xf32> to vector<16xf32>
      %swap3A_116 = vector.shape_cast %broadcast_in_dim3A_111 : vector<16xf32> to vector<1x16xf32>
      tpu.vector_store %arg7[%swap3A_112, %swap3A_113], %swap3A_116 {strides = array<i32>} : memref<125x128xf32, #tpu.memory_space<vmem>>, vector<1x16xf32>,
      %broadcast_in_dim3A_117 = arith.constant 0.000000e+00 : f32
      %broadcast_in_dim3A_118 = vector.broadcast %broadcast_in_dim3A_117 : f32 to vector<16xf32>
      %swap3A_119 = arith.index_cast %scan3A_90 : i32 to index
      %swap3A_120 = arith.constant 64 : index
      %swap3A_121 = tpu.vector_load %arg7[%swap3A_119, %swap3A_120] {strides = array<i32>} : memref<125x128xf32, #tpu.memory_space<vmem>>, vector<1x16xf32>,
      %swap3A_122 = vector.shape_cast %swap3A_121 : vector<1x16xf32> to vector<16xf32>
      %swap3A_123 = vector.shape_cast %broadcast_in_dim3A_118 : vector<16xf32> to vector<1x16xf32>
      tpu.vector_store %arg7[%swap3A_119, %swap3A_120], %swap3A_123 {strides = array<i32>} : memref<125x128xf32, #tpu.memory_space<vmem>>, vector<1x16xf32>,
      %broadcast_in_dim3A_124 = arith.constant 0.000000e+00 : f32
      %broadcast_in_dim3A_125 = vector.broadcast %broadcast_in_dim3A_124 : f32 to vector<16xf32>
      %swap3A_126 = arith.index_cast %scan3A_90 : i32 to index
      %swap3A_127 = arith.constant 80 : index
      %swap3A_128 = tpu.vector_load %arg7[%swap3A_126, %swap3A_127] {strides = array<i32>} : memref<125x128xf32, #tpu.memory_space<vmem>>, vector<1x16xf32>,
      %swap3A_129 = vector.shape_cast %swap3A_128 : vector<1x16xf32> to vector<16xf32>
      %swap3A_130 = vector.shape_cast %broadcast_in_dim3A_125 : vector<16xf32> to vector<1x16xf32>
      tpu.vector_store %arg7[%swap3A_126, %swap3A_127], %swap3A_130 {strides = array<i32>} : memref<125x128xf32, #tpu.memory_space<vmem>>, vector<1x16xf32>,
      %broadcast_in_dim3A_131 = arith.constant 0.000000e+00 : f32
      %broadcast_in_dim3A_132 = vector.broadcast %broadcast_in_dim3A_131 : f32 to vector<16xf32>
      %swap3A_133 = arith.index_cast %scan3A_90 : i32 to index
      %swap3A_134 = arith.constant 96 : index
      %swap3A_135 = tpu.vector_load %arg7[%swap3A_133, %swap3A_134] {strides = array<i32>} : memref<125x128xf32, #tpu.memory_space<vmem>>, vector<1x16xf32>,
      %swap3A_136 = vector.shape_cast %swap3A_135 : vector<1x16xf32> to vector<16xf32>
      %swap3A_137 = vector.shape_cast %broadcast_in_dim3A_132 : vector<16xf32> to vector<1x16xf32>
      tpu.vector_store %arg7[%swap3A_133, %swap3A_134], %swap3A_137 {strides = array<i32>} : memref<125x128xf32, #tpu.memory_space<vmem>>, vector<1x16xf32>,
      %broadcast_in_dim3A_138 = arith.constant 0.000000e+00 : f32
      %broadcast_in_dim3A_139 = vector.broadcast %broadcast_in_dim3A_138 : f32 to vector<16xf32>
      %swap3A_140 = arith.index_cast %scan3A_90 : i32 to index
      %swap3A_141 = arith.constant 112 : index
      %swap3A_142 = tpu.vector_load %arg7[%swap3A_140, %swap3A_141] {strides = array<i32>} : memref<125x128xf32, #tpu.memory_space<vmem>>, vector<1x16xf32>,
      %swap3A_143 = vector.shape_cast %swap3A_142 : vector<1x16xf32> to vector<16xf32>
      %swap3A_144 = vector.shape_cast %broadcast_in_dim3A_139 : vector<16xf32> to vector<1x16xf32>
      tpu.vector_store %arg7[%swap3A_140, %swap3A_141], %swap3A_144 {strides = array<i32>} : memref<125x128xf32, #tpu.memory_space<vmem>>, vector<1x16xf32>,
    }
    %scan3A_5 = arith.constant 125 : i32
    %mul3A_6 = arith.constant 640 : i32
    %mul3A_7 = arith.muli %arg1, %mul3A_6 : i32
    %add3A_8 = arith.constant 0 : i32
    %add3A_9 = arith.addi %mul3A_7, %add3A_8 : i32
    "tpu.region"() ({
      %run_scoped3A_90 = tpu.sem_alloc : memref<!tpu.dma_semaphore, #tpu.memory_space<semaphore_mem>>
      %dma_start3A_91 = arith.constant 0 : i32
      %dma_start3A_92 = arith.constant 0 : i32
      %dma_start3A_93 = tpu.memref_slice %arg7[%dma_start3A_91, %dma_start3A_92] : memref<125x128xf32, #tpu.memory_space<vmem>> -> memref<80x128xf32, #tpu.memory_space<vmem>>
      %dma_start3A_94 = arith.constant 0 : i32
      %dma_start3A_95 = tpu.memref_slice %arg9[%add3A_9, %dma_start3A_94] : memref<10000x128xf32, #tpu.memory_space<vmem_shared>> -> memref<80x128xf32, #tpu.memory_space<vmem_shared>>
      %dma_start3A_96 = arith.constant 0 : i32
      %dma_start3A_97 = tpu.memref_slice %arg9[%add3A_9, %dma_start3A_96] : memref<10000x128xf32, #tpu.memory_space<vmem_shared>> -> memref<80x128xf32, #tpu.memory_space<vmem_shared>>
      %dma_start3A_98 = arith.constant 0 : i32
      %dma_start3A_99 = arith.constant 0 : i32
      %dma_start3A_100 = tpu.memref_slice %arg7[%dma_start3A_98, %dma_start3A_99] : memref<125x128xf32, #tpu.memory_space<vmem>> -> memref<80x128xf32, #tpu.memory_space<vmem>>
      tpu.enqueue_dma source(%dma_start3A_100 : memref<80x128xf32, #tpu.memory_space<vmem>>) target(%dma_start3A_97 : memref<80x128xf32, #tpu.memory_space<vmem_shared>>) target_semaphore(%run_scoped3A_90 : memref<!tpu.dma_semaphore, #tpu.memory_space<semaphore_mem>>)
      %dma_wait3A = arith.constant 0 : i32
      %dma_wait3A_101 = arith.constant 0 : i32
      %dma_wait3A_102 = tpu.memref_slice %arg7[%dma_wait3A, %dma_wait3A_101] : memref<125x128xf32, #tpu.memory_space<vmem>> -> memref<80x128xf32, #tpu.memory_space<vmem>>
      %dma_wait3A_103 = arith.constant 0 : i32
      %dma_wait3A_104 = tpu.memref_slice %arg9[%add3A_9, %dma_wait3A_103] : memref<10000x128xf32, #tpu.memory_space<vmem_shared>> -> memref<80x128xf32, #tpu.memory_space<vmem_shared>>
      %dma_wait3A_105 = arith.constant 0 : i32
      %dma_wait3A_106 = tpu.memref_slice %arg9[%add3A_9, %dma_wait3A_105] : memref<10000x128xf32, #tpu.memory_space<vmem_shared>> -> memref<80x128xf32, #tpu.memory_space<vmem_shared>>
      %dma_wait3A_107 = arith.constant 0 : i32
      %dma_wait3A_108 = arith.constant 0 : i32
      %dma_wait3A_109 = tpu.memref_slice %arg7[%dma_wait3A_107, %dma_wait3A_108] : memref<125x128xf32, #tpu.memory_space<vmem>> -> memref<80x128xf32, #tpu.memory_space<vmem>>
      tpu.wait_dma2 semaphore(%run_scoped3A_90 : memref<!tpu.dma_semaphore, #tpu.memory_space<semaphore_mem>>) src(%dma_wait3A_109 : memref<80x128xf32, #tpu.memory_space<vmem>>) dst(%dma_wait3A_106 : memref<80x128xf32, #tpu.memory_space<vmem_shared>>)
      tpu.yield
    }) : () -> ()
    %mul3A_10 = arith.constant 640 : i32
    %mul3A_11 = arith.muli %arg1, %mul3A_10 : i32
    %add3A_12 = arith.constant 80 : i32
    %add3A_13 = arith.addi %mul3A_11, %add3A_12 : i32
    "tpu.region"() ({
      %run_scoped3A_90 = tpu.sem_alloc : memref<!tpu.dma_semaphore, #tpu.memory_space<semaphore_mem>>
      %dma_start3A_91 = arith.constant 0 : i32
      %dma_start3A_92 = arith.constant 0 : i32
      %dma_start3A_93 = tpu.memref_slice %arg7[%dma_start3A_91, %dma_start3A_92] : memref<125x128xf32, #tpu.memory_space<vmem>> -> memref<80x128xf32, #tpu.memory_space<vmem>>
      %dma_start3A_94 = arith.constant 0 : i32
      %dma_start3A_95 = tpu.memref_slice %arg9[%add3A_13, %dma_start3A_94] : memref<10000x128xf32, #tpu.memory_space<vmem_shared>> -> memref<80x128xf32, #tpu.memory_space<vmem_shared>>
      %dma_start3A_96 = arith.constant 0 : i32
      %dma_start3A_97 = tpu.memref_slice %arg9[%add3A_13, %dma_start3A_96] : memref<10000x128xf32, #tpu.memory_space<vmem_shared>> -> memref<80x128xf32, #tpu.memory_space<vmem_shared>>
      %dma_start3A_98 = arith.constant 0 : i32
      %dma_start3A_99 = arith.constant 0 : i32
      %dma_start3A_100 = tpu.memref_slice %arg7[%dma_start3A_98, %dma_start3A_99] : memref<125x128xf32, #tpu.memory_space<vmem>> -> memref<80x128xf32, #tpu.memory_space<vmem>>
      tpu.enqueue_dma source(%dma_start3A_100 : memref<80x128xf32, #tpu.memory_space<vmem>>) target(%dma_start3A_97 : memref<80x128xf32, #tpu.memory_space<vmem_shared>>) target_semaphore(%run_scoped3A_90 : memref<!tpu.dma_semaphore, #tpu.memory_space<semaphore_mem>>)
      %dma_wait3A = arith.constant 0 : i32
      %dma_wait3A_101 = arith.constant 0 : i32
      %dma_wait3A_102 = tpu.memref_slice %arg7[%dma_wait3A, %dma_wait3A_101] : memref<125x128xf32, #tpu.memory_space<vmem>> -> memref<80x128xf32, #tpu.memory_space<vmem>>
      %dma_wait3A_103 = arith.constant 0 : i32
      %dma_wait3A_104 = tpu.memref_slice %arg9[%add3A_13, %dma_wait3A_103] : memref<10000x128xf32, #tpu.memory_space<vmem_shared>> -> memref<80x128xf32, #tpu.memory_space<vmem_shared>>
      %dma_wait3A_105 = arith.constant 0 : i32
      %dma_wait3A_106 = tpu.memref_slice %arg9[%add3A_13, %dma_wait3A_105] : memref<10000x128xf32, #tpu.memory_space<vmem_shared>> -> memref<80x128xf32, #tpu.memory_space<vmem_shared>>
      %dma_wait3A_107 = arith.constant 0 : i32
      %dma_wait3A_108 = arith.constant 0 : i32
      %dma_wait3A_109 = tpu.memref_slice %arg7[%dma_wait3A_107, %dma_wait3A_108] : memref<125x128xf32, #tpu.memory_space<vmem>> -> memref<80x128xf32, #tpu.memory_space<vmem>>
      tpu.wait_dma2 semaphore(%run_scoped3A_90 : memref<!tpu.dma_semaphore, #tpu.memory_space<semaphore_mem>>) src(%dma_wait3A_109 : memref<80x128xf32, #tpu.memory_space<vmem>>) dst(%dma_wait3A_106 : memref<80x128xf32, #tpu.memory_space<vmem_shared>>)
      tpu.yield
    }) : () -> ()
    %mul3A_14 = arith.constant 640 : i32
    %mul3A_15 = arith.muli %arg1, %mul3A_14 : i32
    %add3A_16 = arith.constant 160 : i32
    %add3A_17 = arith.addi %mul3A_15, %add3A_16 : i32
    "tpu.region"() ({
      %run_scoped3A_90 = tpu.sem_alloc : memref<!tpu.dma_semaphore, #tpu.memory_space<semaphore_mem>>
      %dma_start3A_91 = arith.constant 0 : i32
      %dma_start3A_92 = arith.constant 0 : i32
      %dma_start3A_93 = tpu.memref_slice %arg7[%dma_start3A_91, %dma_start3A_92] : memref<125x128xf32, #tpu.memory_space<vmem>> -> memref<80x128xf32, #tpu.memory_space<vmem>>
      %dma_start3A_94 = arith.constant 0 : i32
      %dma_start3A_95 = tpu.memref_slice %arg9[%add3A_17, %dma_start3A_94] : memref<10000x128xf32, #tpu.memory_space<vmem_shared>> -> memref<80x128xf32, #tpu.memory_space<vmem_shared>>
      %dma_start3A_96 = arith.constant 0 : i32
      %dma_start3A_97 = tpu.memref_slice %arg9[%add3A_17, %dma_start3A_96] : memref<10000x128xf32, #tpu.memory_space<vmem_shared>> -> memref<80x128xf32, #tpu.memory_space<vmem_shared>>
      %dma_start3A_98 = arith.constant 0 : i32
      %dma_start3A_99 = arith.constant 0 : i32
      %dma_start3A_100 = tpu.memref_slice %arg7[%dma_start3A_98, %dma_start3A_99] : memref<125x128xf32, #tpu.memory_space<vmem>> -> memref<80x128xf32, #tpu.memory_space<vmem>>
      tpu.enqueue_dma source(%dma_start3A_100 : memref<80x128xf32, #tpu.memory_space<vmem>>) target(%dma_start3A_97 : memref<80x128xf32, #tpu.memory_space<vmem_shared>>) target_semaphore(%run_scoped3A_90 : memref<!tpu.dma_semaphore, #tpu.memory_space<semaphore_mem>>)
      %dma_wait3A = arith.constant 0 : i32
      %dma_wait3A_101 = arith.constant 0 : i32
      %dma_wait3A_102 = tpu.memref_slice %arg7[%dma_wait3A, %dma_wait3A_101] : memref<125x128xf32, #tpu.memory_space<vmem>> -> memref<80x128xf32, #tpu.memory_space<vmem>>
      %dma_wait3A_103 = arith.constant 0 : i32
      %dma_wait3A_104 = tpu.memref_slice %arg9[%add3A_17, %dma_wait3A_103] : memref<10000x128xf32, #tpu.memory_space<vmem_shared>> -> memref<80x128xf32, #tpu.memory_space<vmem_shared>>
      %dma_wait3A_105 = arith.constant 0 : i32
      %dma_wait3A_106 = tpu.memref_slice %arg9[%add3A_17, %dma_wait3A_105] : memref<10000x128xf32, #tpu.memory_space<vmem_shared>> -> memref<80x128xf32, #tpu.memory_space<vmem_shared>>
      %dma_wait3A_107 = arith.constant 0 : i32
      %dma_wait3A_108 = arith.constant 0 : i32
      %dma_wait3A_109 = tpu.memref_slice %arg7[%dma_wait3A_107, %dma_wait3A_108] : memref<125x128xf32, #tpu.memory_space<vmem>> -> memref<80x128xf32, #tpu.memory_space<vmem>>
      tpu.wait_dma2 semaphore(%run_scoped3A_90 : memref<!tpu.dma_semaphore, #tpu.memory_space<semaphore_mem>>) src(%dma_wait3A_109 : memref<80x128xf32, #tpu.memory_space<vmem>>) dst(%dma_wait3A_106 : memref<80x128xf32, #tpu.memory_space<vmem_shared>>)
      tpu.yield
    }) : () -> ()
    %mul3A_18 = arith.constant 640 : i32
    %mul3A_19 = arith.muli %arg1, %mul3A_18 : i32
    %add3A_20 = arith.constant 240 : i32
    %add3A_21 = arith.addi %mul3A_19, %add3A_20 : i32
    "tpu.region"() ({
      %run_scoped3A_90 = tpu.sem_alloc : memref<!tpu.dma_semaphore, #tpu.memory_space<semaphore_mem>>
      %dma_start3A_91 = arith.constant 0 : i32
      %dma_start3A_92 = arith.constant 0 : i32
      %dma_start3A_93 = tpu.memref_slice %arg7[%dma_start3A_91, %dma_start3A_92] : memref<125x128xf32, #tpu.memory_space<vmem>> -> memref<80x128xf32, #tpu.memory_space<vmem>>
      %dma_start3A_94 = arith.constant 0 : i32
      %dma_start3A_95 = tpu.memref_slice %arg9[%add3A_21, %dma_start3A_94] : memref<10000x128xf32, #tpu.memory_space<vmem_shared>> -> memref<80x128xf32, #tpu.memory_space<vmem_shared>>
      %dma_start3A_96 = arith.constant 0 : i32
      %dma_start3A_97 = tpu.memref_slice %arg9[%add3A_21, %dma_start3A_96] : memref<10000x128xf32, #tpu.memory_space<vmem_shared>> -> memref<80x128xf32, #tpu.memory_space<vmem_shared>>
      %dma_start3A_98 = arith.constant 0 : i32
      %dma_start3A_99 = arith.constant 0 : i32
      %dma_start3A_100 = tpu.memref_slice %arg7[%dma_start3A_98, %dma_start3A_99] : memref<125x128xf32, #tpu.memory_space<vmem>> -> memref<80x128xf32, #tpu.memory_space<vmem>>
      tpu.enqueue_dma source(%dma_start3A_100 : memref<80x128xf32, #tpu.memory_space<vmem>>) target(%dma_start3A_97 : memref<80x128xf32, #tpu.memory_space<vmem_shared>>) target_semaphore(%run_scoped3A_90 : memref<!tpu.dma_semaphore, #tpu.memory_space<semaphore_mem>>)
      %dma_wait3A = arith.constant 0 : i32
      %dma_wait3A_101 = arith.constant 0 : i32
      %dma_wait3A_102 = tpu.memref_slice %arg7[%dma_wait3A, %dma_wait3A_101] : memref<125x128xf32, #tpu.memory_space<vmem>> -> memref<80x128xf32, #tpu.memory_space<vmem>>
      %dma_wait3A_103 = arith.constant 0 : i32
      %dma_wait3A_104 = tpu.memref_slice %arg9[%add3A_21, %dma_wait3A_103] : memref<10000x128xf32, #tpu.memory_space<vmem_shared>> -> memref<80x128xf32, #tpu.memory_space<vmem_shared>>
      %dma_wait3A_105 = arith.constant 0 : i32
      %dma_wait3A_106 = tpu.memref_slice %arg9[%add3A_21, %dma_wait3A_105] : memref<10000x128xf32, #tpu.memory_space<vmem_shared>> -> memref<80x128xf32, #tpu.memory_space<vmem_shared>>
      %dma_wait3A_107 = arith.constant 0 : i32
      %dma_wait3A_108 = arith.constant 0 : i32
      %dma_wait3A_109 = tpu.memref_slice %arg7[%dma_wait3A_107, %dma_wait3A_108] : memref<125x128xf32, #tpu.memory_space<vmem>> -> memref<80x128xf32, #tpu.memory_space<vmem>>
      tpu.wait_dma2 semaphore(%run_scoped3A_90 : memref<!tpu.dma_semaphore, #tpu.memory_space<semaphore_mem>>) src(%dma_wait3A_109 : memref<80x128xf32, #tpu.memory_space<vmem>>) dst(%dma_wait3A_106 : memref<80x128xf32, #tpu.memory_space<vmem_shared>>)
      tpu.yield
    }) : () -> ()
    %mul3A_22 = arith.constant 640 : i32
    %mul3A_23 = arith.muli %arg1, %mul3A_22 : i32
    %add3A_24 = arith.constant 320 : i32
    %add3A_25 = arith.addi %mul3A_23, %add3A_24 : i32
    "tpu.region"() ({
      %run_scoped3A_90 = tpu.sem_alloc : memref<!tpu.dma_semaphore, #tpu.memory_space<semaphore_mem>>
      %dma_start3A_91 = arith.constant 0 : i32
      %dma_start3A_92 = arith.constant 0 : i32
      %dma_start3A_93 = tpu.memref_slice %arg7[%dma_start3A_91, %dma_start3A_92] : memref<125x128xf32, #tpu.memory_space<vmem>> -> memref<80x128xf32, #tpu.memory_space<vmem>>
      %dma_start3A_94 = arith.constant 0 : i32
      %dma_start3A_95 = tpu.memref_slice %arg9[%add3A_25, %dma_start3A_94] : memref<10000x128xf32, #tpu.memory_space<vmem_shared>> -> memref<80x128xf32, #tpu.memory_space<vmem_shared>>
      %dma_start3A_96 = arith.constant 0 : i32
      %dma_start3A_97 = tpu.memref_slice %arg9[%add3A_25, %dma_start3A_96] : memref<10000x128xf32, #tpu.memory_space<vmem_shared>> -> memref<80x128xf32, #tpu.memory_space<vmem_shared>>
      %dma_start3A_98 = arith.constant 0 : i32
      %dma_start3A_99 = arith.constant 0 : i32
      %dma_start3A_100 = tpu.memref_slice %arg7[%dma_start3A_98, %dma_start3A_99] : memref<125x128xf32, #tpu.memory_space<vmem>> -> memref<80x128xf32, #tpu.memory_space<vmem>>
      tpu.enqueue_dma source(%dma_start3A_100 : memref<80x128xf32, #tpu.memory_space<vmem>>) target(%dma_start3A_97 : memref<80x128xf32, #tpu.memory_space<vmem_shared>>) target_semaphore(%run_scoped3A_90 : memref<!tpu.dma_semaphore, #tpu.memory_space<semaphore_mem>>)
      %dma_wait3A = arith.constant 0 : i32
      %dma_wait3A_101 = arith.constant 0 : i32
      %dma_wait3A_102 = tpu.memref_slice %arg7[%dma_wait3A, %dma_wait3A_101] : memref<125x128xf32, #tpu.memory_space<vmem>> -> memref<80x128xf32, #tpu.memory_space<vmem>>
      %dma_wait3A_103 = arith.constant 0 : i32
      %dma_wait3A_104 = tpu.memref_slice %arg9[%add3A_25, %dma_wait3A_103] : memref<10000x128xf32, #tpu.memory_space<vmem_shared>> -> memref<80x128xf32, #tpu.memory_space<vmem_shared>>
      %dma_wait3A_105 = arith.constant 0 : i32
      %dma_wait3A_106 = tpu.memref_slice %arg9[%add3A_25, %dma_wait3A_105] : memref<10000x128xf32, #tpu.memory_space<vmem_shared>> -> memref<80x128xf32, #tpu.memory_space<vmem_shared>>
      %dma_wait3A_107 = arith.constant 0 : i32
      %dma_wait3A_108 = arith.constant 0 : i32
      %dma_wait3A_109 = tpu.memref_slice %arg7[%dma_wait3A_107, %dma_wait3A_108] : memref<125x128xf32, #tpu.memory_space<vmem>> -> memref<80x128xf32, #tpu.memory_space<vmem>>
      tpu.wait_dma2 semaphore(%run_scoped3A_90 : memref<!tpu.dma_semaphore, #tpu.memory_space<semaphore_mem>>) src(%dma_wait3A_109 : memref<80x128xf32, #tpu.memory_space<vmem>>) dst(%dma_wait3A_106 : memref<80x128xf32, #tpu.memory_space<vmem_shared>>)
      tpu.yield
    }) : () -> ()
    %lt3A = arith.constant 15 : i32
    %lt3A_26 = arith.cmpi slt, %arg1, %lt3A : i32
    %convert_element_type3A = arith.extui %lt3A_26 : i1 to i32
    %cond3A = arith.constant 0 : i32
    %cond3A_27 = arith.cmpi ne, %convert_element_type3A, %cond3A : i32
    scf.if %cond3A_27 {
      %mul3A_90 = arith.constant 640 : i32
      %mul3A_91 = arith.muli %arg1, %mul3A_90 : i32
      %add3A_92 = arith.constant 400 : i32
      %add3A_93 = arith.addi %mul3A_91, %add3A_92 : i32
      "tpu.region"() ({
        %run_scoped3A_102 = tpu.sem_alloc : memref<!tpu.dma_semaphore, #tpu.memory_space<semaphore_mem>>
        %dma_start3A_103 = arith.constant 0 : i32
        %dma_start3A_104 = arith.constant 0 : i32
        %dma_start3A_105 = tpu.memref_slice %arg7[%dma_start3A_103, %dma_start3A_104] : memref<125x128xf32, #tpu.memory_space<vmem>> -> memref<80x128xf32, #tpu.memory_space<vmem>>
        %dma_start3A_106 = arith.constant 0 : i32
        %dma_start3A_107 = tpu.memref_slice %arg9[%add3A_93, %dma_start3A_106] : memref<10000x128xf32, #tpu.memory_space<vmem_shared>> -> memref<80x128xf32, #tpu.memory_space<vmem_shared>>
        %dma_start3A_108 = arith.constant 0 : i32
        %dma_start3A_109 = tpu.memref_slice %arg9[%add3A_93, %dma_start3A_108] : memref<10000x128xf32, #tpu.memory_space<vmem_shared>> -> memref<80x128xf32, #tpu.memory_space<vmem_shared>>
        %dma_start3A_110 = arith.constant 0 : i32
        %dma_start3A_111 = arith.constant 0 : i32
        %dma_start3A_112 = tpu.memref_slice %arg7[%dma_start3A_110, %dma_start3A_111] : memref<125x128xf32, #tpu.memory_space<vmem>> -> memref<80x128xf32, #tpu.memory_space<vmem>>
        tpu.enqueue_dma source(%dma_start3A_112 : memref<80x128xf32, #tpu.memory_space<vmem>>) target(%dma_start3A_109 : memref<80x128xf32, #tpu.memory_space<vmem_shared>>) target_semaphore(%run_scoped3A_102 : memref<!tpu.dma_semaphore, #tpu.memory_space<semaphore_mem>>)
        %dma_wait3A = arith.constant 0 : i32
        %dma_wait3A_113 = arith.constant 0 : i32
        %dma_wait3A_114 = tpu.memref_slice %arg7[%dma_wait3A, %dma_wait3A_113] : memref<125x128xf32, #tpu.memory_space<vmem>> -> memref<80x128xf32, #tpu.memory_space<vmem>>
        %dma_wait3A_115 = arith.constant 0 : i32
        %dma_wait3A_116 = tpu.memref_slice %arg9[%add3A_93, %dma_wait3A_115] : memref<10000x128xf32, #tpu.memory_space<vmem_shared>> -> memref<80x128xf32, #tpu.memory_space<vmem_shared>>
        %dma_wait3A_117 = arith.constant 0 : i32
        %dma_wait3A_118 = tpu.memref_slice %arg9[%add3A_93, %dma_wait3A_117] : memref<10000x128xf32, #tpu.memory_space<vmem_shared>> -> memref<80x128xf32, #tpu.memory_space<vmem_shared>>
        %dma_wait3A_119 = arith.constant 0 : i32
        %dma_wait3A_120 = arith.constant 0 : i32
        %dma_wait3A_121 = tpu.memref_slice %arg7[%dma_wait3A_119, %dma_wait3A_120] : memref<125x128xf32, #tpu.memory_space<vmem>> -> memref<80x128xf32, #tpu.memory_space<vmem>>
        tpu.wait_dma2 semaphore(%run_scoped3A_102 : memref<!tpu.dma_semaphore, #tpu.memory_space<semaphore_mem>>) src(%dma_wait3A_121 : memref<80x128xf32, #tpu.memory_space<vmem>>) dst(%dma_wait3A_118 : memref<80x128xf32, #tpu.memory_space<vmem_shared>>)
        tpu.yield
      }) : () -> ()
      %mul3A_94 = arith.constant 640 : i32
      %mul3A_95 = arith.muli %arg1, %mul3A_94 : i32
      %add3A_96 = arith.constant 480 : i32
      %add3A_97 = arith.addi %mul3A_95, %add3A_96 : i32
      "tpu.region"() ({
        %run_scoped3A_102 = tpu.sem_alloc : memref<!tpu.dma_semaphore, #tpu.memory_space<semaphore_mem>>
        %dma_start3A_103 = arith.constant 0 : i32
        %dma_start3A_104 = arith.constant 0 : i32
        %dma_start3A_105 = tpu.memref_slice %arg7[%dma_start3A_103, %dma_start3A_104] : memref<125x128xf32, #tpu.memory_space<vmem>> -> memref<80x128xf32, #tpu.memory_space<vmem>>
        %dma_start3A_106 = arith.constant 0 : i32
        %dma_start3A_107 = tpu.memref_slice %arg9[%add3A_97, %dma_start3A_106] : memref<10000x128xf32, #tpu.memory_space<vmem_shared>> -> memref<80x128xf32, #tpu.memory_space<vmem_shared>>
        %dma_start3A_108 = arith.constant 0 : i32
        %dma_start3A_109 = tpu.memref_slice %arg9[%add3A_97, %dma_start3A_108] : memref<10000x128xf32, #tpu.memory_space<vmem_shared>> -> memref<80x128xf32, #tpu.memory_space<vmem_shared>>
        %dma_start3A_110 = arith.constant 0 : i32
        %dma_start3A_111 = arith.constant 0 : i32
        %dma_start3A_112 = tpu.memref_slice %arg7[%dma_start3A_110, %dma_start3A_111] : memref<125x128xf32, #tpu.memory_space<vmem>> -> memref<80x128xf32, #tpu.memory_space<vmem>>
        tpu.enqueue_dma source(%dma_start3A_112 : memref<80x128xf32, #tpu.memory_space<vmem>>) target(%dma_start3A_109 : memref<80x128xf32, #tpu.memory_space<vmem_shared>>) target_semaphore(%run_scoped3A_102 : memref<!tpu.dma_semaphore, #tpu.memory_space<semaphore_mem>>)
        %dma_wait3A = arith.constant 0 : i32
        %dma_wait3A_113 = arith.constant 0 : i32
        %dma_wait3A_114 = tpu.memref_slice %arg7[%dma_wait3A, %dma_wait3A_113] : memref<125x128xf32, #tpu.memory_space<vmem>> -> memref<80x128xf32, #tpu.memory_space<vmem>>
        %dma_wait3A_115 = arith.constant 0 : i32
        %dma_wait3A_116 = tpu.memref_slice %arg9[%add3A_97, %dma_wait3A_115] : memref<10000x128xf32, #tpu.memory_space<vmem_shared>> -> memref<80x128xf32, #tpu.memory_space<vmem_shared>>
        %dma_wait3A_117 = arith.constant 0 : i32
        %dma_wait3A_118 = tpu.memref_slice %arg9[%add3A_97, %dma_wait3A_117] : memref<10000x128xf32, #tpu.memory_space<vmem_shared>> -> memref<80x128xf32, #tpu.memory_space<vmem_shared>>
        %dma_wait3A_119 = arith.constant 0 : i32
        %dma_wait3A_120 = arith.constant 0 : i32
        %dma_wait3A_121 = tpu.memref_slice %arg7[%dma_wait3A_119, %dma_wait3A_120] : memref<125x128xf32, #tpu.memory_space<vmem>> -> memref<80x128xf32, #tpu.memory_space<vmem>>
        tpu.wait_dma2 semaphore(%run_scoped3A_102 : memref<!tpu.dma_semaphore, #tpu.memory_space<semaphore_mem>>) src(%dma_wait3A_121 : memref<80x128xf32, #tpu.memory_space<vmem>>) dst(%dma_wait3A_118 : memref<80x128xf32, #tpu.memory_space<vmem_shared>>)
        tpu.yield
      }) : () -> ()
      %mul3A_98 = arith.constant 640 : i32
      %mul3A_99 = arith.muli %arg1, %mul3A_98 : i32
      %add3A_100 = arith.constant 560 : i32
      %add3A_101 = arith.addi %mul3A_99, %add3A_100 : i32
      "tpu.region"() ({
        %run_scoped3A_102 = tpu.sem_alloc : memref<!tpu.dma_semaphore, #tpu.memory_space<semaphore_mem>>
        %dma_start3A_103 = arith.constant 0 : i32
        %dma_start3A_104 = arith.constant 0 : i32
        %dma_start3A_105 = tpu.memref_slice %arg7[%dma_start3A_103, %dma_start3A_104] : memref<125x128xf32, #tpu.memory_space<vmem>> -> memref<80x128xf32, #tpu.memory_space<vmem>>
        %dma_start3A_106 = arith.constant 0 : i32
        %dma_start3A_107 = tpu.memref_slice %arg9[%add3A_101, %dma_start3A_106] : memref<10000x128xf32, #tpu.memory_space<vmem_shared>> -> memref<80x128xf32, #tpu.memory_space<vmem_shared>>
        %dma_start3A_108 = arith.constant 0 : i32
        %dma_start3A_109 = tpu.memref_slice %arg9[%add3A_101, %dma_start3A_108] : memref<10000x128xf32, #tpu.memory_space<vmem_shared>> -> memref<80x128xf32, #tpu.memory_space<vmem_shared>>
        %dma_start3A_110 = arith.constant 0 : i32
        %dma_start3A_111 = arith.constant 0 : i32
        %dma_start3A_112 = tpu.memref_slice %arg7[%dma_start3A_110, %dma_start3A_111] : memref<125x128xf32, #tpu.memory_space<vmem>> -> memref<80x128xf32, #tpu.memory_space<vmem>>
        tpu.enqueue_dma source(%dma_start3A_112 : memref<80x128xf32, #tpu.memory_space<vmem>>) target(%dma_start3A_109 : memref<80x128xf32, #tpu.memory_space<vmem_shared>>) target_semaphore(%run_scoped3A_102 : memref<!tpu.dma_semaphore, #tpu.memory_space<semaphore_mem>>)
        %dma_wait3A = arith.constant 0 : i32
        %dma_wait3A_113 = arith.constant 0 : i32
        %dma_wait3A_114 = tpu.memref_slice %arg7[%dma_wait3A, %dma_wait3A_113] : memref<125x128xf32, #tpu.memory_space<vmem>> -> memref<80x128xf32, #tpu.memory_space<vmem>>
        %dma_wait3A_115 = arith.constant 0 : i32
        %dma_wait3A_116 = tpu.memref_slice %arg9[%add3A_101, %dma_wait3A_115] : memref<10000x128xf32, #tpu.memory_space<vmem_shared>> -> memref<80x128xf32, #tpu.memory_space<vmem_shared>>
        %dma_wait3A_117 = arith.constant 0 : i32
        %dma_wait3A_118 = tpu.memref_slice %arg9[%add3A_101, %dma_wait3A_117] : memref<10000x128xf32, #tpu.memory_space<vmem_shared>> -> memref<80x128xf32, #tpu.memory_space<vmem_shared>>
        %dma_wait3A_119 = arith.constant 0 : i32
        %dma_wait3A_120 = arith.constant 0 : i32
        %dma_wait3A_121 = tpu.memref_slice %arg7[%dma_wait3A_119, %dma_wait3A_120] : memref<125x128xf32, #tpu.memory_space<vmem>> -> memref<80x128xf32, #tpu.memory_space<vmem>>
        tpu.wait_dma2 semaphore(%run_scoped3A_102 : memref<!tpu.dma_semaphore, #tpu.memory_space<semaphore_mem>>) src(%dma_wait3A_121 : memref<80x128xf32, #tpu.memory_space<vmem>>) dst(%dma_wait3A_118 : memref<80x128xf32, #tpu.memory_space<vmem_shared>>)
        tpu.yield
      }) : () -> ()
    } else {
    }
    %barrier3A = arith.constant 0 : index
    tpu.barrier barrier_id(%barrier3A)
    %run_scoped3A = arith.constant 0 : i32
    "tpu.region"() ({
      %run_scoped3A_90 = tpu.sem_alloc : memref<!tpu.dma_semaphore, #tpu.memory_space<semaphore_mem>>
      %dma_start3A_91 = arith.constant 0 : i32
      %dma_start3A_92 = arith.constant 0 : i32
      %dma_start3A_93 = arith.constant 0 : i32
      %dma_start3A_94 = arith.constant 0 : i32
      %dma_start3A_95 = tpu.memref_slice %arg2[%add3A, %dma_start3A_91, %dma_start3A_92, %dma_start3A_93, %dma_start3A_94] : memref<32x40x2x2x125xi32, #tpu.memory_space<hbm>> -> memref<1x40x2x2x125xi32, #tpu.memory_space<hbm>>
      %dma_start3A_96 = tpu.memref_squeeze %dma_start3A_95 : memref<1x40x2x2x125xi32, #tpu.memory_space<hbm>> -> memref<40x2x2x125xi32, #tpu.memory_space<hbm>>
      %dma_start3A_97 = arith.constant 0 : i32
      %dma_start3A_98 = arith.constant 0 : i32
      %dma_start3A_99 = arith.constant 0 : i32
      %dma_start3A_100 = tpu.memref_slice %dma_start3A_96[%run_scoped3A, %dma_start3A_97, %dma_start3A_98, %dma_start3A_99] : memref<40x2x2x125xi32, #tpu.memory_space<hbm>> -> memref<1x2x2x125xi32, #tpu.memory_space<hbm>>
      %dma_start3A_101 = tpu.memref_squeeze %dma_start3A_100 : memref<1x2x2x125xi32, #tpu.memory_space<hbm>> -> memref<2x2x125xi32, #tpu.memory_space<hbm>>
      %dma_start3A_102 = arith.constant 0 : i32
      %dma_start3A_103 = arith.constant 0 : i32
      %dma_start3A_104 = arith.constant 0 : i32
      %dma_start3A_105 = arith.constant 0 : i32
      %dma_start3A_106 = tpu.memref_slice %arg2[%add3A, %dma_start3A_102, %dma_start3A_103, %dma_start3A_104, %dma_start3A_105] : memref<32x40x2x2x125xi32, #tpu.memory_space<hbm>> -> memref<1x40x2x2x125xi32, #tpu.memory_space<hbm>>
      %dma_start3A_107 = tpu.memref_squeeze %dma_start3A_106 : memref<1x40x2x2x125xi32, #tpu.memory_space<hbm>> -> memref<40x2x2x125xi32, #tpu.memory_space<hbm>>
      %dma_start3A_108 = arith.constant 0 : i32
      %dma_start3A_109 = arith.constant 0 : i32
      %dma_start3A_110 = arith.constant 0 : i32
      %dma_start3A_111 = tpu.memref_slice %dma_start3A_107[%run_scoped3A, %dma_start3A_108, %dma_start3A_109, %dma_start3A_110] : memref<40x2x2x125xi32, #tpu.memory_space<hbm>> -> memref<1x2x2x125xi32, #tpu.memory_space<hbm>>
      %dma_start3A_112 = tpu.memref_squeeze %dma_start3A_111 : memref<1x2x2x125xi32, #tpu.memory_space<hbm>> -> memref<2x2x125xi32, #tpu.memory_space<hbm>>
      tpu.enqueue_dma source(%dma_start3A_112 : memref<2x2x125xi32, #tpu.memory_space<hbm>>) target(%arg5 : memref<2x2x125xi32, #tpu.memory_space<vmem>>) target_semaphore(%run_scoped3A_90 : memref<!tpu.dma_semaphore, #tpu.memory_space<semaphore_mem>>)
      %dma_wait3A = arith.constant 0 : i32
      %dma_wait3A_113 = arith.constant 0 : i32
      %dma_wait3A_114 = arith.constant 0 : i32
      %dma_wait3A_115 = arith.constant 0 : i32
      %dma_wait3A_116 = tpu.memref_slice %arg2[%add3A, %dma_wait3A, %dma_wait3A_113, %dma_wait3A_114, %dma_wait3A_115] : memref<32x40x2x2x125xi32, #tpu.memory_space<hbm>> -> memref<1x40x2x2x125xi32, #tpu.memory_space<hbm>>
      %dma_wait3A_117 = tpu.memref_squeeze %dma_wait3A_116 : memref<1x40x2x2x125xi32, #tpu.memory_space<hbm>> -> memref<40x2x2x125xi32, #tpu.memory_space<hbm>>
      %dma_wait3A_118 = arith.constant 0 : i32
      %dma_wait3A_119 = arith.constant 0 : i32
      %dma_wait3A_120 = arith.constant 0 : i32
      %dma_wait3A_121 = tpu.memref_slice %dma_wait3A_117[%run_scoped3A, %dma_wait3A_118, %dma_wait3A_119, %dma_wait3A_120] : memref<40x2x2x125xi32, #tpu.memory_space<hbm>> -> memref<1x2x2x125xi32, #tpu.memory_space<hbm>>
      %dma_wait3A_122 = tpu.memref_squeeze %dma_wait3A_121 : memref<1x2x2x125xi32, #tpu.memory_space<hbm>> -> memref<2x2x125xi32, #tpu.memory_space<hbm>>
      %dma_wait3A_123 = arith.constant 0 : i32
      %dma_wait3A_124 = arith.constant 0 : i32
      %dma_wait3A_125 = arith.constant 0 : i32
      %dma_wait3A_126 = arith.constant 0 : i32
      %dma_wait3A_127 = tpu.memref_slice %arg2[%add3A, %dma_wait3A_123, %dma_wait3A_124, %dma_wait3A_125, %dma_wait3A_126] : memref<32x40x2x2x125xi32, #tpu.memory_space<hbm>> -> memref<1x40x2x2x125xi32, #tpu.memory_space<hbm>>
      %dma_wait3A_128 = tpu.memref_squeeze %dma_wait3A_127 : memref<1x40x2x2x125xi32, #tpu.memory_space<hbm>> -> memref<40x2x2x125xi32, #tpu.memory_space<hbm>>
      %dma_wait3A_129 = arith.constant 0 : i32
      %dma_wait3A_130 = arith.constant 0 : i32
      %dma_wait3A_131 = arith.constant 0 : i32
      %dma_wait3A_132 = tpu.memref_slice %dma_wait3A_128[%run_scoped3A, %dma_wait3A_129, %dma_wait3A_130, %dma_wait3A_131] : memref<40x2x2x125xi32, #tpu.memory_space<hbm>> -> memref<1x2x2x125xi32, #tpu.memory_space<hbm>>
      %dma_wait3A_133 = tpu.memref_squeeze %dma_wait3A_132 : memref<1x2x2x125xi32, #tpu.memory_space<hbm>> -> memref<2x2x125xi32, #tpu.memory_space<hbm>>
      tpu.wait_dma2 semaphore(%run_scoped3A_90 : memref<!tpu.dma_semaphore, #tpu.memory_space<semaphore_mem>>) src(%dma_wait3A_133 : memref<2x2x125xi32, #tpu.memory_space<hbm>>) dst(%arg5 : memref<2x2x125xi32, #tpu.memory_space<vmem>>)
      tpu.yield
    }) : () -> ()
    %dma_start3A = arith.constant 0 : i32
    %dma_start3A_28 = arith.constant 0 : i32
    %dma_start3A_29 = arith.constant 0 : i32
    %dma_start3A_30 = arith.constant 0 : i32
    %dma_start3A_31 = tpu.memref_slice %arg5[%dma_start3A, %dma_start3A_29, %dma_start3A_30] : memref<2x2x125xi32, #tpu.memory_space<vmem>> -> memref<1x2x125xi32, #tpu.memory_space<vmem>>
    %dma_start3A_32 = tpu.memref_squeeze %dma_start3A_31 : memref<1x2x125xi32, #tpu.memory_space<vmem>> -> memref<2x125xi32, #tpu.memory_space<vmem>>
    %dma_start3A_33 = arith.constant 0 : i32
    %dma_start3A_34 = tpu.memref_slice %dma_start3A_32[%dma_start3A_28, %dma_start3A_33] : memref<2x125xi32, #tpu.memory_space<vmem>> -> memref<1x125xi32, #tpu.memory_space<vmem>>
    %dma_start3A_35 = tpu.memref_squeeze %dma_start3A_34 : memref<1x125xi32, #tpu.memory_space<vmem>> -> memref<125xi32, #tpu.memory_space<vmem>>
    %dma_start3A_36 = arith.constant 0 : i32
    %dma_start3A_37 = arith.constant 0 : i32
    %dma_start3A_38 = tpu.memref_slice %arg3[%dma_start3A_36, %dma_start3A_37] : memref<10000x128xf32, #tpu.memory_space<hbm>> -> memref<10000x128xf32, #tpu.memory_space<hbm>>
    tpu.enqueue_indirect_dma source(%dma_start3A_38 : memref<10000x128xf32, #tpu.memory_space<hbm>>) target(%arg7 : memref<125x128xf32, #tpu.memory_space<vmem>>) offsets(%dma_start3A_35 : memref<125xi32, #tpu.memory_space<vmem>>) semaphore(%arg10 : memref<!tpu.dma_semaphore, #tpu.memory_space<semaphore_mem>>)
    %dma_start3A_39 = arith.constant 1 : i32
    %dma_start3A_40 = arith.constant 0 : i32
    %dma_start3A_41 = arith.constant 0 : i32
    %dma_start3A_42 = arith.constant 0 : i32
    %dma_start3A_43 = tpu.memref_slice %arg5[%dma_start3A_39, %dma_start3A_41, %dma_start3A_42] : memref<2x2x125xi32, #tpu.memory_space<vmem>> -> memref<1x2x125xi32, #tpu.memory_space<vmem>>
    %dma_start3A_44 = tpu.memref_squeeze %dma_start3A_43 : memref<1x2x125xi32, #tpu.memory_space<vmem>> -> memref<2x125xi32, #tpu.memory_space<vmem>>
    %dma_start3A_45 = arith.constant 0 : i32
    %dma_start3A_46 = tpu.memref_slice %dma_start3A_44[%dma_start3A_40, %dma_start3A_45] : memref<2x125xi32, #tpu.memory_space<vmem>> -> memref<1x125xi32, #tpu.memory_space<vmem>>
    %dma_start3A_47 = tpu.memref_squeeze %dma_start3A_46 : memref<1x125xi32, #tpu.memory_space<vmem>> -> memref<125xi32, #tpu.memory_space<vmem>>
    %dma_start3A_48 = arith.constant 0 : i32
    %dma_start3A_49 = arith.constant 0 : i32
    %dma_start3A_50 = tpu.memref_slice %arg3[%dma_start3A_48, %dma_start3A_49] : memref<10000x128xf32, #tpu.memory_space<hbm>> -> memref<10000x128xf32, #tpu.memory_space<hbm>>
    tpu.enqueue_indirect_dma source(%dma_start3A_50 : memref<10000x128xf32, #tpu.memory_space<hbm>>) target(%arg8 : memref<125x128xf32, #tpu.memory_space<vmem>>) offsets(%dma_start3A_47 : memref<125xi32, #tpu.memory_space<vmem>>) semaphore(%arg11 : memref<!tpu.dma_semaphore, #tpu.memory_space<semaphore_mem>>)
    %dma_start3A_51 = arith.constant 1 : i32
    %dma_start3A_52 = arith.constant 0 : i32
    %dma_start3A_53 = arith.constant 0 : i32
    %dma_start3A_54 = arith.constant 0 : i32
    %dma_start3A_55 = arith.constant 0 : i32
    %dma_start3A_56 = tpu.memref_slice %arg2[%add3A, %dma_start3A_52, %dma_start3A_53, %dma_start3A_54, %dma_start3A_55] : memref<32x40x2x2x125xi32, #tpu.memory_space<hbm>> -> memref<1x40x2x2x125xi32, #tpu.memory_space<hbm>>
    %dma_start3A_57 = tpu.memref_squeeze %dma_start3A_56 : memref<1x40x2x2x125xi32, #tpu.memory_space<hbm>> -> memref<40x2x2x125xi32, #tpu.memory_space<hbm>>
    %dma_start3A_58 = arith.constant 0 : i32
    %dma_start3A_59 = arith.constant 0 : i32
    %dma_start3A_60 = arith.constant 0 : i32
    %dma_start3A_61 = tpu.memref_slice %dma_start3A_57[%dma_start3A_51, %dma_start3A_58, %dma_start3A_59, %dma_start3A_60] : memref<40x2x2x125xi32, #tpu.memory_space<hbm>> -> memref<1x2x2x125xi32, #tpu.memory_space<hbm>>
    %dma_start3A_62 = tpu.memref_squeeze %dma_start3A_61 : memref<1x2x2x125xi32, #tpu.memory_space<hbm>> -> memref<2x2x125xi32, #tpu.memory_space<hbm>>
    %dma_start3A_63 = arith.constant 0 : i32
    %dma_start3A_64 = arith.constant 0 : i32
    %dma_start3A_65 = arith.constant 0 : i32
    %dma_start3A_66 = arith.constant 0 : i32
    %dma_start3A_67 = tpu.memref_slice %arg2[%add3A, %dma_start3A_63, %dma_start3A_64, %dma_start3A_65, %dma_start3A_66] : memref<32x40x2x2x125xi32, #tpu.memory_space<hbm>> -> memref<1x40x2x2x125xi32, #tpu.memory_space<hbm>>
    %dma_start3A_68 = tpu.memref_squeeze %dma_start3A_67 : memref<1x40x2x2x125xi32, #tpu.memory_space<hbm>> -> memref<40x2x2x125xi32, #tpu.memory_space<hbm>>
    %dma_start3A_69 = arith.constant 0 : i32
    %dma_start3A_70 = arith.constant 0 : i32
    %dma_start3A_71 = arith.constant 0 : i32
    %dma_start3A_72 = tpu.memref_slice %dma_start3A_68[%dma_start3A_51, %dma_start3A_69, %dma_start3A_70, %dma_start3A_71] : memref<40x2x2x125xi32, #tpu.memory_space<hbm>> -> memref<1x2x2x125xi32, #tpu.memory_space<hbm>>
    %dma_start3A_73 = tpu.memref_squeeze %dma_start3A_72 : memref<1x2x2x125xi32, #tpu.memory_space<hbm>> -> memref<2x2x125xi32, #tpu.memory_space<hbm>>
    tpu.enqueue_dma source(%dma_start3A_73 : memref<2x2x125xi32, #tpu.memory_space<hbm>>) target(%arg6 : memref<2x2x125xi32, #tpu.memory_space<vmem>>) target_semaphore(%arg13 : memref<!tpu.dma_semaphore, #tpu.memory_space<semaphore_mem>>)
    %scan3A_74 = arith.constant 0 : i32
    %scan3A_75 = arith.constant 0 : i32
    %scan3A_76 = arith.constant 20 : i32
    %scan3A_77 = arith.addi %scan3A_75, %scan3A_76 : i32
    %scan3A_78 = arith.constant 1 : i32
    scf.for %scan3A_90 = %scan3A_75 to %scan3A_77 step %scan3A_78  : i32 {
      %mul3A_91 = arith.constant 2 : i32
      %mul3A_92 = arith.muli %mul3A_91, %scan3A_90 : i32
      %add3A_93 = arith.constant 1 : i32
      %add3A_94 = arith.addi %mul3A_92, %add3A_93 : i32
      %dma_wait3A = arith.constant 0 : i32
      %dma_wait3A_95 = arith.constant 0 : i32
      %dma_wait3A_96 = arith.constant 0 : i32
      %dma_wait3A_97 = arith.constant 0 : i32
      %dma_wait3A_98 = tpu.memref_slice %arg2[%add3A, %dma_wait3A, %dma_wait3A_95, %dma_wait3A_96, %dma_wait3A_97] : memref<32x40x2x2x125xi32, #tpu.memory_space<hbm>> -> memref<1x40x2x2x125xi32, #tpu.memory_space<hbm>>
      %dma_wait3A_99 = tpu.memref_squeeze %dma_wait3A_98 : memref<1x40x2x2x125xi32, #tpu.memory_space<hbm>> -> memref<40x2x2x125xi32, #tpu.memory_space<hbm>>
      %dma_wait3A_100 = arith.constant 0 : i32
      %dma_wait3A_101 = arith.constant 0 : i32
      %dma_wait3A_102 = arith.constant 0 : i32
      %dma_wait3A_103 = tpu.memref_slice %dma_wait3A_99[%add3A_94, %dma_wait3A_100, %dma_wait3A_101, %dma_wait3A_102] : memref<40x2x2x125xi32, #tpu.memory_space<hbm>> -> memref<1x2x2x125xi32, #tpu.memory_space<hbm>>
      %dma_wait3A_104 = tpu.memref_squeeze %dma_wait3A_103 : memref<1x2x2x125xi32, #tpu.memory_space<hbm>> -> memref<2x2x125xi32, #tpu.memory_space<hbm>>
      %dma_wait3A_105 = arith.constant 0 : i32
      %dma_wait3A_106 = arith.constant 0 : i32
      %dma_wait3A_107 = arith.constant 0 : i32
      %dma_wait3A_108 = arith.constant 0 : i32
      %dma_wait3A_109 = tpu.memref_slice %arg2[%add3A, %dma_wait3A_105, %dma_wait3A_106, %dma_wait3A_107, %dma_wait3A_108] : memref<32x40x2x2x125xi32, #tpu.memory_space<hbm>> -> memref<1x40x2x2x125xi32, #tpu.memory_space<hbm>>
      %dma_wait3A_110 = tpu.memref_squeeze %dma_wait3A_109 : memref<1x40x2x2x125xi32, #tpu.memory_space<hbm>> -> memref<40x2x2x125xi32, #tpu.memory_space<hbm>>
      %dma_wait3A_111 = arith.constant 0 : i32
      %dma_wait3A_112 = arith.constant 0 : i32
      %dma_wait3A_113 = arith.constant 0 : i32
      %dma_wait3A_114 = tpu.memref_slice %dma_wait3A_110[%add3A_94, %dma_wait3A_111, %dma_wait3A_112, %dma_wait3A_113] : memref<40x2x2x125xi32, #tpu.memory_space<hbm>> -> memref<1x2x2x125xi32, #tpu.memory_space<hbm>>
      %dma_wait3A_115 = tpu.memref_squeeze %dma_wait3A_114 : memref<1x2x2x125xi32, #tpu.memory_space<hbm>> -> memref<2x2x125xi32, #tpu.memory_space<hbm>>
      tpu.wait_dma2 semaphore(%arg13 : memref<!tpu.dma_semaphore, #tpu.memory_space<semaphore_mem>>) src(%dma_wait3A_115 : memref<2x2x125xi32, #tpu.memory_space<hbm>>) dst(%arg6 : memref<2x2x125xi32, #tpu.memory_space<vmem>>)
      %dma_wait3A_116 = arith.constant 0 : i32
      %dma_wait3A_117 = arith.constant 0 : i32
      %dma_wait3A_118 = arith.constant 0 : i32
      %dma_wait3A_119 = arith.constant 0 : i32
      %dma_wait3A_120 = tpu.memref_slice %arg5[%dma_wait3A_116, %dma_wait3A_118, %dma_wait3A_119] : memref<2x2x125xi32, #tpu.memory_space<vmem>> -> memref<1x2x125xi32, #tpu.memory_space<vmem>>
      %dma_wait3A_121 = tpu.memref_squeeze %dma_wait3A_120 : memref<1x2x125xi32, #tpu.memory_space<vmem>> -> memref<2x125xi32, #tpu.memory_space<vmem>>
      %dma_wait3A_122 = arith.constant 0 : i32
      %dma_wait3A_123 = tpu.memref_slice %dma_wait3A_121[%dma_wait3A_117, %dma_wait3A_122] : memref<2x125xi32, #tpu.memory_space<vmem>> -> memref<1x125xi32, #tpu.memory_space<vmem>>
      %dma_wait3A_124 = tpu.memref_squeeze %dma_wait3A_123 : memref<1x125xi32, #tpu.memory_space<vmem>> -> memref<125xi32, #tpu.memory_space<vmem>>
      %dma_wait3A_125 = arith.constant 0 : i32
      %dma_wait3A_126 = arith.constant 0 : i32
      %dma_wait3A_127 = tpu.memref_slice %arg3[%dma_wait3A_125, %dma_wait3A_126] : memref<10000x128xf32, #tpu.memory_space<hbm>> -> memref<10000x128xf32, #tpu.memory_space<hbm>>
      tpu.wait_indirect_dma semaphore(%arg10 : memref<!tpu.dma_semaphore, #tpu.memory_space<semaphore_mem>>) src(%dma_wait3A_127 : memref<10000x128xf32, #tpu.memory_space<hbm>>) dst(%arg7 : memref<125x128xf32, #tpu.memory_space<vmem>>)
      %run_scoped3A_128 = arith.constant 0 : i32
      %run_scoped3A_129 = arith.constant 1 : i32
      "tpu.region"() ({
        %run_scoped3A_217 = tpu.sem_alloc : memref<!tpu.dma_semaphore, #tpu.memory_space<semaphore_mem>>
        %dma_start3A_218 = arith.constant 0 : i32
        %dma_start3A_219 = arith.constant 0 : i32
        %dma_start3A_220 = tpu.memref_slice %arg5[%run_scoped3A_128, %dma_start3A_218, %dma_start3A_219] : memref<2x2x125xi32, #tpu.memory_space<vmem>> -> memref<1x2x125xi32, #tpu.memory_space<vmem>>
        %dma_start3A_221 = tpu.memref_squeeze %dma_start3A_220 : memref<1x2x125xi32, #tpu.memory_space<vmem>> -> memref<2x125xi32, #tpu.memory_space<vmem>>
        %dma_start3A_222 = arith.constant 0 : i32
        %dma_start3A_223 = tpu.memref_slice %dma_start3A_221[%run_scoped3A_129, %dma_start3A_222] : memref<2x125xi32, #tpu.memory_space<vmem>> -> memref<1x125xi32, #tpu.memory_space<vmem>>
        %dma_start3A_224 = tpu.memref_squeeze %dma_start3A_223 : memref<1x125xi32, #tpu.memory_space<vmem>> -> memref<125xi32, #tpu.memory_space<vmem>>
        %dma_start3A_225 = arith.constant 0 : i32
        %dma_start3A_226 = arith.constant 0 : i32
        %dma_start3A_227 = tpu.memref_slice %arg9[%dma_start3A_225, %dma_start3A_226] : memref<10000x128xf32, #tpu.memory_space<vmem_shared>> -> memref<10000x128xf32, #tpu.memory_space<vmem_shared>>
        tpu.enqueue_indirect_dma source(%arg7 : memref<125x128xf32, #tpu.memory_space<vmem>>) target(%dma_start3A_227 : memref<10000x128xf32, #tpu.memory_space<vmem_shared>>) offsets(%dma_start3A_224 : memref<125xi32, #tpu.memory_space<vmem>>) semaphore(%run_scoped3A_217 : memref<!tpu.dma_semaphore, #tpu.memory_space<semaphore_mem>>) {add = true}
        %dma_wait3A_228 = arith.constant 0 : i32
        %dma_wait3A_229 = arith.constant 0 : i32
        %dma_wait3A_230 = tpu.memref_slice %arg5[%run_scoped3A_128, %dma_wait3A_228, %dma_wait3A_229] : memref<2x2x125xi32, #tpu.memory_space<vmem>> -> memref<1x2x125xi32, #tpu.memory_space<vmem>>
        %dma_wait3A_231 = tpu.memref_squeeze %dma_wait3A_230 : memref<1x2x125xi32, #tpu.memory_space<vmem>> -> memref<2x125xi32, #tpu.memory_space<vmem>>
        %dma_wait3A_232 = arith.constant 0 : i32
        %dma_wait3A_233 = tpu.memref_slice %dma_wait3A_231[%run_scoped3A_129, %dma_wait3A_232] : memref<2x125xi32, #tpu.memory_space<vmem>> -> memref<1x125xi32, #tpu.memory_space<vmem>>
        %dma_wait3A_234 = tpu.memref_squeeze %dma_wait3A_233 : memref<1x125xi32, #tpu.memory_space<vmem>> -> memref<125xi32, #tpu.memory_space<vmem>>
        %dma_wait3A_235 = arith.constant 0 : i32
        %dma_wait3A_236 = arith.constant 0 : i32
        %dma_wait3A_237 = tpu.memref_slice %arg9[%dma_wait3A_235, %dma_wait3A_236] : memref<10000x128xf32, #tpu.memory_space<vmem_shared>> -> memref<10000x128xf32, #tpu.memory_space<vmem_shared>>
        tpu.wait_indirect_dma semaphore(%run_scoped3A_217 : memref<!tpu.dma_semaphore, #tpu.memory_space<semaphore_mem>>) src(%arg7 : memref<125x128xf32, #tpu.memory_space<vmem>>) dst(%dma_wait3A_237 : memref<10000x128xf32, #tpu.memory_space<vmem_shared>>)
        tpu.yield
      }) : () -> ()
      %dma_start3A_130 = arith.constant 0 : i32
      %dma_start3A_131 = arith.constant 0 : i32
      %dma_start3A_132 = arith.constant 0 : i32
      %dma_start3A_133 = arith.constant 0 : i32
      %dma_start3A_134 = tpu.memref_slice %arg6[%dma_start3A_130, %dma_start3A_132, %dma_start3A_133] : memref<2x2x125xi32, #tpu.memory_space<vmem>> -> memref<1x2x125xi32, #tpu.memory_space<vmem>>
      %dma_start3A_135 = tpu.memref_squeeze %dma_start3A_134 : memref<1x2x125xi32, #tpu.memory_space<vmem>> -> memref<2x125xi32, #tpu.memory_space<vmem>>
      %dma_start3A_136 = arith.constant 0 : i32
      %dma_start3A_137 = tpu.memref_slice %dma_start3A_135[%dma_start3A_131, %dma_start3A_136] : memref<2x125xi32, #tpu.memory_space<vmem>> -> memref<1x125xi32, #tpu.memory_space<vmem>>
      %dma_start3A_138 = tpu.memref_squeeze %dma_start3A_137 : memref<1x125xi32, #tpu.memory_space<vmem>> -> memref<125xi32, #tpu.memory_space<vmem>>
      %dma_start3A_139 = arith.constant 0 : i32
      %dma_start3A_140 = arith.constant 0 : i32
      %dma_start3A_141 = tpu.memref_slice %arg3[%dma_start3A_139, %dma_start3A_140] : memref<10000x128xf32, #tpu.memory_space<hbm>> -> memref<10000x128xf32, #tpu.memory_space<hbm>>
      tpu.enqueue_indirect_dma source(%dma_start3A_141 : memref<10000x128xf32, #tpu.memory_space<hbm>>) target(%arg7 : memref<125x128xf32, #tpu.memory_space<vmem>>) offsets(%dma_start3A_138 : memref<125xi32, #tpu.memory_space<vmem>>) semaphore(%arg10 : memref<!tpu.dma_semaphore, #tpu.memory_space<semaphore_mem>>)
      %dma_wait3A_142 = arith.constant 1 : i32
      %dma_wait3A_143 = arith.constant 0 : i32
      %dma_wait3A_144 = arith.constant 0 : i32
      %dma_wait3A_145 = arith.constant 0 : i32
      %dma_wait3A_146 = tpu.memref_slice %arg5[%dma_wait3A_142, %dma_wait3A_144, %dma_wait3A_145] : memref<2x2x125xi32, #tpu.memory_space<vmem>> -> memref<1x2x125xi32, #tpu.memory_space<vmem>>
      %dma_wait3A_147 = tpu.memref_squeeze %dma_wait3A_146 : memref<1x2x125xi32, #tpu.memory_space<vmem>> -> memref<2x125xi32, #tpu.memory_space<vmem>>
      %dma_wait3A_148 = arith.constant 0 : i32
      %dma_wait3A_149 = tpu.memref_slice %dma_wait3A_147[%dma_wait3A_143, %dma_wait3A_148] : memref<2x125xi32, #tpu.memory_space<vmem>> -> memref<1x125xi32, #tpu.memory_space<vmem>>
      %dma_wait3A_150 = tpu.memref_squeeze %dma_wait3A_149 : memref<1x125xi32, #tpu.memory_space<vmem>> -> memref<125xi32, #tpu.memory_space<vmem>>
      %dma_wait3A_151 = arith.constant 0 : i32
      %dma_wait3A_152 = arith.constant 0 : i32
      %dma_wait3A_153 = tpu.memref_slice %arg3[%dma_wait3A_151, %dma_wait3A_152] : memref<10000x128xf32, #tpu.memory_space<hbm>> -> memref<10000x128xf32, #tpu.memory_space<hbm>>
      tpu.wait_indirect_dma semaphore(%arg11 : memref<!tpu.dma_semaphore, #tpu.memory_space<semaphore_mem>>) src(%dma_wait3A_153 : memref<10000x128xf32, #tpu.memory_space<hbm>>) dst(%arg8 : memref<125x128xf32, #tpu.memory_space<vmem>>)
      %run_scoped3A_154 = arith.constant 1 : i32
      %run_scoped3A_155 = arith.constant 1 : i32
      "tpu.region"() ({
        %run_scoped3A_217 = tpu.sem_alloc : memref<!tpu.dma_semaphore, #tpu.memory_space<semaphore_mem>>
        %dma_start3A_218 = arith.constant 0 : i32
        %dma_start3A_219 = arith.constant 0 : i32
        %dma_start3A_220 = tpu.memref_slice %arg5[%run_scoped3A_154, %dma_start3A_218, %dma_start3A_219] : memref<2x2x125xi32, #tpu.memory_space<vmem>> -> memref<1x2x125xi32, #tpu.memory_space<vmem>>
        %dma_start3A_221 = tpu.memref_squeeze %dma_start3A_220 : memref<1x2x125xi32, #tpu.memory_space<vmem>> -> memref<2x125xi32, #tpu.memory_space<vmem>>
        %dma_start3A_222 = arith.constant 0 : i32
        %dma_start3A_223 = tpu.memref_slice %dma_start3A_221[%run_scoped3A_155, %dma_start3A_222] : memref<2x125xi32, #tpu.memory_space<vmem>> -> memref<1x125xi32, #tpu.memory_space<vmem>>
        %dma_start3A_224 = tpu.memref_squeeze %dma_start3A_223 : memref<1x125xi32, #tpu.memory_space<vmem>> -> memref<125xi32, #tpu.memory_space<vmem>>
        %dma_start3A_225 = arith.constant 0 : i32
        %dma_start3A_226 = arith.constant 0 : i32
        %dma_start3A_227 = tpu.memref_slice %arg9[%dma_start3A_225, %dma_start3A_226] : memref<10000x128xf32, #tpu.memory_space<vmem_shared>> -> memref<10000x128xf32, #tpu.memory_space<vmem_shared>>
        tpu.enqueue_indirect_dma source(%arg8 : memref<125x128xf32, #tpu.memory_space<vmem>>) target(%dma_start3A_227 : memref<10000x128xf32, #tpu.memory_space<vmem_shared>>) offsets(%dma_start3A_224 : memref<125xi32, #tpu.memory_space<vmem>>) semaphore(%run_scoped3A_217 : memref<!tpu.dma_semaphore, #tpu.memory_space<semaphore_mem>>) {add = true}
        %dma_wait3A_228 = arith.constant 0 : i32
        %dma_wait3A_229 = arith.constant 0 : i32
        %dma_wait3A_230 = tpu.memref_slice %arg5[%run_scoped3A_154, %dma_wait3A_228, %dma_wait3A_229] : memref<2x2x125xi32, #tpu.memory_space<vmem>> -> memref<1x2x125xi32, #tpu.memory_space<vmem>>
        %dma_wait3A_231 = tpu.memref_squeeze %dma_wait3A_230 : memref<1x2x125xi32, #tpu.memory_space<vmem>> -> memref<2x125xi32, #tpu.memory_space<vmem>>
        %dma_wait3A_232 = arith.constant 0 : i32
        %dma_wait3A_233 = tpu.memref_slice %dma_wait3A_231[%run_scoped3A_155, %dma_wait3A_232] : memref<2x125xi32, #tpu.memory_space<vmem>> -> memref<1x125xi32, #tpu.memory_space<vmem>>
        %dma_wait3A_234 = tpu.memref_squeeze %dma_wait3A_233 : memref<1x125xi32, #tpu.memory_space<vmem>> -> memref<125xi32, #tpu.memory_space<vmem>>
        %dma_wait3A_235 = arith.constant 0 : i32
        %dma_wait3A_236 = arith.constant 0 : i32
        %dma_wait3A_237 = tpu.memref_slice %arg9[%dma_wait3A_235, %dma_wait3A_236] : memref<10000x128xf32, #tpu.memory_space<vmem_shared>> -> memref<10000x128xf32, #tpu.memory_space<vmem_shared>>
        tpu.wait_indirect_dma semaphore(%run_scoped3A_217 : memref<!tpu.dma_semaphore, #tpu.memory_space<semaphore_mem>>) src(%arg8 : memref<125x128xf32, #tpu.memory_space<vmem>>) dst(%dma_wait3A_237 : memref<10000x128xf32, #tpu.memory_space<vmem_shared>>)
        tpu.yield
      }) : () -> ()
      %add3A_156 = arith.constant 1 : i32
      %add3A_157 = arith.addi %scan3A_90, %add3A_156 : i32
      %lt3A_158 = arith.constant 20 : i32
      %lt3A_159 = arith.cmpi slt, %add3A_157, %lt3A_158 : i32
      %convert_element_type3A_160 = arith.extui %lt3A_159 : i1 to i32
      %cond3A_161 = arith.constant 0 : i32
      %cond3A_162 = arith.cmpi ne, %convert_element_type3A_160, %cond3A_161 : i32
      scf.if %cond3A_162 {
        %mul3A_217 = arith.constant 2 : i32
        %mul3A_218 = arith.muli %mul3A_217, %scan3A_90 : i32
        %add3A_219 = arith.constant 2 : i32
        %add3A_220 = arith.addi %mul3A_218, %add3A_219 : i32
        %dma_start3A_221 = arith.constant 0 : i32
        %dma_start3A_222 = arith.constant 0 : i32
        %dma_start3A_223 = arith.constant 0 : i32
        %dma_start3A_224 = arith.constant 0 : i32
        %dma_start3A_225 = tpu.memref_slice %arg2[%add3A, %dma_start3A_221, %dma_start3A_222, %dma_start3A_223, %dma_start3A_224] : memref<32x40x2x2x125xi32, #tpu.memory_space<hbm>> -> memref<1x40x2x2x125xi32, #tpu.memory_space<hbm>>
        %dma_start3A_226 = tpu.memref_squeeze %dma_start3A_225 : memref<1x40x2x2x125xi32, #tpu.memory_space<hbm>> -> memref<40x2x2x125xi32, #tpu.memory_space<hbm>>
        %dma_start3A_227 = arith.constant 0 : i32
        %dma_start3A_228 = arith.constant 0 : i32
        %dma_start3A_229 = arith.constant 0 : i32
        %dma_start3A_230 = tpu.memref_slice %dma_start3A_226[%add3A_220, %dma_start3A_227, %dma_start3A_228, %dma_start3A_229] : memref<40x2x2x125xi32, #tpu.memory_space<hbm>> -> memref<1x2x2x125xi32, #tpu.memory_space<hbm>>
        %dma_start3A_231 = tpu.memref_squeeze %dma_start3A_230 : memref<1x2x2x125xi32, #tpu.memory_space<hbm>> -> memref<2x2x125xi32, #tpu.memory_space<hbm>>
        %dma_start3A_232 = arith.constant 0 : i32
        %dma_start3A_233 = arith.constant 0 : i32
        %dma_start3A_234 = arith.constant 0 : i32
        %dma_start3A_235 = arith.constant 0 : i32
        %dma_start3A_236 = tpu.memref_slice %arg2[%add3A, %dma_start3A_232, %dma_start3A_233, %dma_start3A_234, %dma_start3A_235] : memref<32x40x2x2x125xi32, #tpu.memory_space<hbm>> -> memref<1x40x2x2x125xi32, #tpu.memory_space<hbm>>
        %dma_start3A_237 = tpu.memref_squeeze %dma_start3A_236 : memref<1x40x2x2x125xi32, #tpu.memory_space<hbm>> -> memref<40x2x2x125xi32, #tpu.memory_space<hbm>>
        %dma_start3A_238 = arith.constant 0 : i32
        %dma_start3A_239 = arith.constant 0 : i32
        %dma_start3A_240 = arith.constant 0 : i32
        %dma_start3A_241 = tpu.memref_slice %dma_start3A_237[%add3A_220, %dma_start3A_238, %dma_start3A_239, %dma_start3A_240] : memref<40x2x2x125xi32, #tpu.memory_space<hbm>> -> memref<1x2x2x125xi32, #tpu.memory_space<hbm>>
        %dma_start3A_242 = tpu.memref_squeeze %dma_start3A_241 : memref<1x2x2x125xi32, #tpu.memory_space<hbm>> -> memref<2x2x125xi32, #tpu.memory_space<hbm>>
        tpu.enqueue_dma source(%dma_start3A_242 : memref<2x2x125xi32, #tpu.memory_space<hbm>>) target(%arg5 : memref<2x2x125xi32, #tpu.memory_space<vmem>>) target_semaphore(%arg12 : memref<!tpu.dma_semaphore, #tpu.memory_space<semaphore_mem>>)
      } else {
      }
      %dma_start3A_163 = arith.constant 1 : i32
      %dma_start3A_164 = arith.constant 0 : i32
      %dma_start3A_165 = arith.constant 0 : i32
      %dma_start3A_166 = arith.constant 0 : i32
      %dma_start3A_167 = tpu.memref_slice %arg6[%dma_start3A_163, %dma_start3A_165, %dma_start3A_166] : memref<2x2x125xi32, #tpu.memory_space<vmem>> -> memref<1x2x125xi32, #tpu.memory_space<vmem>>
      %dma_start3A_168 = tpu.memref_squeeze %dma_start3A_167 : memref<1x2x125xi32, #tpu.memory_space<vmem>> -> memref<2x125xi32, #tpu.memory_space<vmem>>
      %dma_start3A_169 = arith.constant 0 : i32
      %dma_start3A_170 = tpu.memref_slice %dma_start3A_168[%dma_start3A_164, %dma_start3A_169] : memref<2x125xi32, #tpu.memory_space<vmem>> -> memref<1x125xi32, #tpu.memory_space<vmem>>
      %dma_start3A_171 = tpu.memref_squeeze %dma_start3A_170 : memref<1x125xi32, #tpu.memory_space<vmem>> -> memref<125xi32, #tpu.memory_space<vmem>>
      %dma_start3A_172 = arith.constant 0 : i32
      %dma_start3A_173 = arith.constant 0 : i32
      %dma_start3A_174 = tpu.memref_slice %arg3[%dma_start3A_172, %dma_start3A_173] : memref<10000x128xf32, #tpu.memory_space<hbm>> -> memref<10000x128xf32, #tpu.memory_space<hbm>>
      tpu.enqueue_indirect_dma source(%dma_start3A_174 : memref<10000x128xf32, #tpu.memory_space<hbm>>) target(%arg8 : memref<125x128xf32, #tpu.memory_space<vmem>>) offsets(%dma_start3A_171 : memref<125xi32, #tpu.memory_space<vmem>>) semaphore(%arg11 : memref<!tpu.dma_semaphore, #tpu.memory_space<semaphore_mem>>)
      %dma_wait3A_175 = arith.constant 0 : i32
      %dma_wait3A_176 = arith.constant 0 : i32
      %dma_wait3A_177 = arith.constant 0 : i32
      %dma_wait3A_178 = arith.constant 0 : i32
      %dma_wait3A_179 = tpu.memref_slice %arg6[%dma_wait3A_175, %dma_wait3A_177, %dma_wait3A_178] : memref<2x2x125xi32, #tpu.memory_space<vmem>> -> memref<1x2x125xi32, #tpu.memory_space<vmem>>
      %dma_wait3A_180 = tpu.memref_squeeze %dma_wait3A_179 : memref<1x2x125xi32, #tpu.memory_space<vmem>> -> memref<2x125xi32, #tpu.memory_space<vmem>>
      %dma_wait3A_181 = arith.constant 0 : i32
      %dma_wait3A_182 = tpu.memref_slice %dma_wait3A_180[%dma_wait3A_176, %dma_wait3A_181] : memref<2x125xi32, #tpu.memory_space<vmem>> -> memref<1x125xi32, #tpu.memory_space<vmem>>
      %dma_wait3A_183 = tpu.memref_squeeze %dma_wait3A_182 : memref<1x125xi32, #tpu.memory_space<vmem>> -> memref<125xi32, #tpu.memory_space<vmem>>
      %dma_wait3A_184 = arith.constant 0 : i32
      %dma_wait3A_185 = arith.constant 0 : i32
      %dma_wait3A_186 = tpu.memref_slice %arg3[%dma_wait3A_184, %dma_wait3A_185] : memref<10000x128xf32, #tpu.memory_space<hbm>> -> memref<10000x128xf32, #tpu.memory_space<hbm>>
      tpu.wait_indirect_dma semaphore(%arg10 : memref<!tpu.dma_semaphore, #tpu.memory_space<semaphore_mem>>) src(%dma_wait3A_186 : memref<10000x128xf32, #tpu.memory_space<hbm>>) dst(%arg7 : memref<125x128xf32, #tpu.memory_space<vmem>>)
      %run_scoped3A_187 = arith.constant 0 : i32
      %run_scoped3A_188 = arith.constant 1 : i32
      "tpu.region"() ({
        %run_scoped3A_217 = tpu.sem_alloc : memref<!tpu.dma_semaphore, #tpu.memory_space<semaphore_mem>>
        %dma_start3A_218 = arith.constant 0 : i32
        %dma_start3A_219 = arith.constant 0 : i32
        %dma_start3A_220 = tpu.memref_slice %arg6[%run_scoped3A_187, %dma_start3A_218, %dma_start3A_219] : memref<2x2x125xi32, #tpu.memory_space<vmem>> -> memref<1x2x125xi32, #tpu.memory_space<vmem>>
        %dma_start3A_221 = tpu.memref_squeeze %dma_start3A_220 : memref<1x2x125xi32, #tpu.memory_space<vmem>> -> memref<2x125xi32, #tpu.memory_space<vmem>>
        %dma_start3A_222 = arith.constant 0 : i32
        %dma_start3A_223 = tpu.memref_slice %dma_start3A_221[%run_scoped3A_188, %dma_start3A_222] : memref<2x125xi32, #tpu.memory_space<vmem>> -> memref<1x125xi32, #tpu.memory_space<vmem>>
        %dma_start3A_224 = tpu.memref_squeeze %dma_start3A_223 : memref<1x125xi32, #tpu.memory_space<vmem>> -> memref<125xi32, #tpu.memory_space<vmem>>
        %dma_start3A_225 = arith.constant 0 : i32
        %dma_start3A_226 = arith.constant 0 : i32
        %dma_start3A_227 = tpu.memref_slice %arg9[%dma_start3A_225, %dma_start3A_226] : memref<10000x128xf32, #tpu.memory_space<vmem_shared>> -> memref<10000x128xf32, #tpu.memory_space<vmem_shared>>
        tpu.enqueue_indirect_dma source(%arg7 : memref<125x128xf32, #tpu.memory_space<vmem>>) target(%dma_start3A_227 : memref<10000x128xf32, #tpu.memory_space<vmem_shared>>) offsets(%dma_start3A_224 : memref<125xi32, #tpu.memory_space<vmem>>) semaphore(%run_scoped3A_217 : memref<!tpu.dma_semaphore, #tpu.memory_space<semaphore_mem>>) {add = true}
        %dma_wait3A_228 = arith.constant 0 : i32
        %dma_wait3A_229 = arith.constant 0 : i32
        %dma_wait3A_230 = tpu.memref_slice %arg6[%run_scoped3A_187, %dma_wait3A_228, %dma_wait3A_229] : memref<2x2x125xi32, #tpu.memory_space<vmem>> -> memref<1x2x125xi32, #tpu.memory_space<vmem>>
        %dma_wait3A_231 = tpu.memref_squeeze %dma_wait3A_230 : memref<1x2x125xi32, #tpu.memory_space<vmem>> -> memref<2x125xi32, #tpu.memory_space<vmem>>
        %dma_wait3A_232 = arith.constant 0 : i32
        %dma_wait3A_233 = tpu.memref_slice %dma_wait3A_231[%run_scoped3A_188, %dma_wait3A_232] : memref<2x125xi32, #tpu.memory_space<vmem>> -> memref<1x125xi32, #tpu.memory_space<vmem>>
        %dma_wait3A_234 = tpu.memref_squeeze %dma_wait3A_233 : memref<1x125xi32, #tpu.memory_space<vmem>> -> memref<125xi32, #tpu.memory_space<vmem>>
        %dma_wait3A_235 = arith.constant 0 : i32
        %dma_wait3A_236 = arith.constant 0 : i32
        %dma_wait3A_237 = tpu.memref_slice %arg9[%dma_wait3A_235, %dma_wait3A_236] : memref<10000x128xf32, #tpu.memory_space<vmem_shared>> -> memref<10000x128xf32, #tpu.memory_space<vmem_shared>>
        tpu.wait_indirect_dma semaphore(%run_scoped3A_217 : memref<!tpu.dma_semaphore, #tpu.memory_space<semaphore_mem>>) src(%arg7 : memref<125x128xf32, #tpu.memory_space<vmem>>) dst(%dma_wait3A_237 : memref<10000x128xf32, #tpu.memory_space<vmem_shared>>)
        tpu.yield
      }) : () -> ()
      %add3A_189 = arith.constant 1 : i32
      %add3A_190 = arith.addi %scan3A_90, %add3A_189 : i32
      %lt3A_191 = arith.constant 20 : i32
      %lt3A_192 = arith.cmpi slt, %add3A_190, %lt3A_191 : i32
      %convert_element_type3A_193 = arith.extui %lt3A_192 : i1 to i32
      %cond3A_194 = arith.constant 0 : i32
      %cond3A_195 = arith.cmpi ne, %convert_element_type3A_193, %cond3A_194 : i32
      scf.if %cond3A_195 {
        %mul3A_217 = arith.constant 2 : i32
        %mul3A_218 = arith.muli %mul3A_217, %scan3A_90 : i32
        %add3A_219 = arith.constant 2 : i32
        %add3A_220 = arith.addi %mul3A_218, %add3A_219 : i32
        %dma_wait3A_221 = arith.constant 0 : i32
        %dma_wait3A_222 = arith.constant 0 : i32
        %dma_wait3A_223 = arith.constant 0 : i32
        %dma_wait3A_224 = arith.constant 0 : i32
        %dma_wait3A_225 = tpu.memref_slice %arg2[%add3A, %dma_wait3A_221, %dma_wait3A_222, %dma_wait3A_223, %dma_wait3A_224] : memref<32x40x2x2x125xi32, #tpu.memory_space<hbm>> -> memref<1x40x2x2x125xi32, #tpu.memory_space<hbm>>
        %dma_wait3A_226 = tpu.memref_squeeze %dma_wait3A_225 : memref<1x40x2x2x125xi32, #tpu.memory_space<hbm>> -> memref<40x2x2x125xi32, #tpu.memory_space<hbm>>
        %dma_wait3A_227 = arith.constant 0 : i32
        %dma_wait3A_228 = arith.constant 0 : i32
        %dma_wait3A_229 = arith.constant 0 : i32
        %dma_wait3A_230 = tpu.memref_slice %dma_wait3A_226[%add3A_220, %dma_wait3A_227, %dma_wait3A_228, %dma_wait3A_229] : memref<40x2x2x125xi32, #tpu.memory_space<hbm>> -> memref<1x2x2x125xi32, #tpu.memory_space<hbm>>
        %dma_wait3A_231 = tpu.memref_squeeze %dma_wait3A_230 : memref<1x2x2x125xi32, #tpu.memory_space<hbm>> -> memref<2x2x125xi32, #tpu.memory_space<hbm>>
        %dma_wait3A_232 = arith.constant 0 : i32
        %dma_wait3A_233 = arith.constant 0 : i32
        %dma_wait3A_234 = arith.constant 0 : i32
        %dma_wait3A_235 = arith.constant 0 : i32
        %dma_wait3A_236 = tpu.memref_slice %arg2[%add3A, %dma_wait3A_232, %dma_wait3A_233, %dma_wait3A_234, %dma_wait3A_235] : memref<32x40x2x2x125xi32, #tpu.memory_space<hbm>> -> memref<1x40x2x2x125xi32, #tpu.memory_space<hbm>>
        %dma_wait3A_237 = tpu.memref_squeeze %dma_wait3A_236 : memref<1x40x2x2x125xi32, #tpu.memory_space<hbm>> -> memref<40x2x2x125xi32, #tpu.memory_space<hbm>>
        %dma_wait3A_238 = arith.constant 0 : i32
        %dma_wait3A_239 = arith.constant 0 : i32
        %dma_wait3A_240 = arith.constant 0 : i32
        %dma_wait3A_241 = tpu.memref_slice %dma_wait3A_237[%add3A_220, %dma_wait3A_238, %dma_wait3A_239, %dma_wait3A_240] : memref<40x2x2x125xi32, #tpu.memory_space<hbm>> -> memref<1x2x2x125xi32, #tpu.memory_space<hbm>>
        %dma_wait3A_242 = tpu.memref_squeeze %dma_wait3A_241 : memref<1x2x2x125xi32, #tpu.memory_space<hbm>> -> memref<2x2x125xi32, #tpu.memory_space<hbm>>
        tpu.wait_dma2 semaphore(%arg12 : memref<!tpu.dma_semaphore, #tpu.memory_space<semaphore_mem>>) src(%dma_wait3A_242 : memref<2x2x125xi32, #tpu.memory_space<hbm>>) dst(%arg5 : memref<2x2x125xi32, #tpu.memory_space<vmem>>)
        %dma_start3A_243 = arith.constant 0 : i32
        %dma_start3A_244 = arith.constant 0 : i32
        %dma_start3A_245 = arith.constant 0 : i32
        %dma_start3A_246 = arith.constant 0 : i32
        %dma_start3A_247 = tpu.memref_slice %arg5[%dma_start3A_243, %dma_start3A_245, %dma_start3A_246] : memref<2x2x125xi32, #tpu.memory_space<vmem>> -> memref<1x2x125xi32, #tpu.memory_space<vmem>>
        %dma_start3A_248 = tpu.memref_squeeze %dma_start3A_247 : memref<1x2x125xi32, #tpu.memory_space<vmem>> -> memref<2x125xi32, #tpu.memory_space<vmem>>
        %dma_start3A_249 = arith.constant 0 : i32
        %dma_start3A_250 = tpu.memref_slice %dma_start3A_248[%dma_start3A_244, %dma_start3A_249] : memref<2x125xi32, #tpu.memory_space<vmem>> -> memref<1x125xi32, #tpu.memory_space<vmem>>
        %dma_start3A_251 = tpu.memref_squeeze %dma_start3A_250 : memref<1x125xi32, #tpu.memory_space<vmem>> -> memref<125xi32, #tpu.memory_space<vmem>>
        %dma_start3A_252 = arith.constant 0 : i32
        %dma_start3A_253 = arith.constant 0 : i32
        %dma_start3A_254 = tpu.memref_slice %arg3[%dma_start3A_252, %dma_start3A_253] : memref<10000x128xf32, #tpu.memory_space<hbm>> -> memref<10000x128xf32, #tpu.memory_space<hbm>>
        tpu.enqueue_indirect_dma source(%dma_start3A_254 : memref<10000x128xf32, #tpu.memory_space<hbm>>) target(%arg7 : memref<125x128xf32, #tpu.memory_space<vmem>>) offsets(%dma_start3A_251 : memref<125xi32, #tpu.memory_space<vmem>>) semaphore(%arg10 : memref<!tpu.dma_semaphore, #tpu.memory_space<semaphore_mem>>)
      } else {
      }
      %dma_wait3A_196 = arith.constant 1 : i32
      %dma_wait3A_197 = arith.constant 0 : i32
      %dma_wait3A_198 = arith.constant 0 : i32
      %dma_wait3A_199 = arith.constant 0 : i32
      %dma_wait3A_200 = tpu.memref_slice %arg6[%dma_wait3A_196, %dma_wait3A_198, %dma_wait3A_199] : memref<2x2x125xi32, #tpu.memory_space<vmem>> -> memref<1x2x125xi32, #tpu.memory_space<vmem>>
      %dma_wait3A_201 = tpu.memref_squeeze %dma_wait3A_200 : memref<1x2x125xi32, #tpu.memory_space<vmem>> -> memref<2x125xi32, #tpu.memory_space<vmem>>
      %dma_wait3A_202 = arith.constant 0 : i32
      %dma_wait3A_203 = tpu.memref_slice %dma_wait3A_201[%dma_wait3A_197, %dma_wait3A_202] : memref<2x125xi32, #tpu.memory_space<vmem>> -> memref<1x125xi32, #tpu.memory_space<vmem>>
      %dma_wait3A_204 = tpu.memref_squeeze %dma_wait3A_203 : memref<1x125xi32, #tpu.memory_space<vmem>> -> memref<125xi32, #tpu.memory_space<vmem>>
      %dma_wait3A_205 = arith.constant 0 : i32
      %dma_wait3A_206 = arith.constant 0 : i32
      %dma_wait3A_207 = tpu.memref_slice %arg3[%dma_wait3A_205, %dma_wait3A_206] : memref<10000x128xf32, #tpu.memory_space<hbm>> -> memref<10000x128xf32, #tpu.memory_space<hbm>>
      tpu.wait_indirect_dma semaphore(%arg11 : memref<!tpu.dma_semaphore, #tpu.memory_space<semaphore_mem>>) src(%dma_wait3A_207 : memref<10000x128xf32, #tpu.memory_space<hbm>>) dst(%arg8 : memref<125x128xf32, #tpu.memory_space<vmem>>)
      %run_scoped3A_208 = arith.constant 1 : i32
      %run_scoped3A_209 = arith.constant 1 : i32
      "tpu.region"() ({
        %run_scoped3A_217 = tpu.sem_alloc : memref<!tpu.dma_semaphore, #tpu.memory_space<semaphore_mem>>
        %dma_start3A_218 = arith.constant 0 : i32
        %dma_start3A_219 = arith.constant 0 : i32
        %dma_start3A_220 = tpu.memref_slice %arg6[%run_scoped3A_208, %dma_start3A_218, %dma_start3A_219] : memref<2x2x125xi32, #tpu.memory_space<vmem>> -> memref<1x2x125xi32, #tpu.memory_space<vmem>>
        %dma_start3A_221 = tpu.memref_squeeze %dma_start3A_220 : memref<1x2x125xi32, #tpu.memory_space<vmem>> -> memref<2x125xi32, #tpu.memory_space<vmem>>
        %dma_start3A_222 = arith.constant 0 : i32
        %dma_start3A_223 = tpu.memref_slice %dma_start3A_221[%run_scoped3A_209, %dma_start3A_222] : memref<2x125xi32, #tpu.memory_space<vmem>> -> memref<1x125xi32, #tpu.memory_space<vmem>>
        %dma_start3A_224 = tpu.memref_squeeze %dma_start3A_223 : memref<1x125xi32, #tpu.memory_space<vmem>> -> memref<125xi32, #tpu.memory_space<vmem>>
        %dma_start3A_225 = arith.constant 0 : i32
        %dma_start3A_226 = arith.constant 0 : i32
        %dma_start3A_227 = tpu.memref_slice %arg9[%dma_start3A_225, %dma_start3A_226] : memref<10000x128xf32, #tpu.memory_space<vmem_shared>> -> memref<10000x128xf32, #tpu.memory_space<vmem_shared>>
        tpu.enqueue_indirect_dma source(%arg8 : memref<125x128xf32, #tpu.memory_space<vmem>>) target(%dma_start3A_227 : memref<10000x128xf32, #tpu.memory_space<vmem_shared>>) offsets(%dma_start3A_224 : memref<125xi32, #tpu.memory_space<vmem>>) semaphore(%run_scoped3A_217 : memref<!tpu.dma_semaphore, #tpu.memory_space<semaphore_mem>>) {add = true}
        %dma_wait3A_228 = arith.constant 0 : i32
        %dma_wait3A_229 = arith.constant 0 : i32
        %dma_wait3A_230 = tpu.memref_slice %arg6[%run_scoped3A_208, %dma_wait3A_228, %dma_wait3A_229] : memref<2x2x125xi32, #tpu.memory_space<vmem>> -> memref<1x2x125xi32, #tpu.memory_space<vmem>>
        %dma_wait3A_231 = tpu.memref_squeeze %dma_wait3A_230 : memref<1x2x125xi32, #tpu.memory_space<vmem>> -> memref<2x125xi32, #tpu.memory_space<vmem>>
        %dma_wait3A_232 = arith.constant 0 : i32
        %dma_wait3A_233 = tpu.memref_slice %dma_wait3A_231[%run_scoped3A_209, %dma_wait3A_232] : memref<2x125xi32, #tpu.memory_space<vmem>> -> memref<1x125xi32, #tpu.memory_space<vmem>>
        %dma_wait3A_234 = tpu.memref_squeeze %dma_wait3A_233 : memref<1x125xi32, #tpu.memory_space<vmem>> -> memref<125xi32, #tpu.memory_space<vmem>>
        %dma_wait3A_235 = arith.constant 0 : i32
        %dma_wait3A_236 = arith.constant 0 : i32
        %dma_wait3A_237 = tpu.memref_slice %arg9[%dma_wait3A_235, %dma_wait3A_236] : memref<10000x128xf32, #tpu.memory_space<vmem_shared>> -> memref<10000x128xf32, #tpu.memory_space<vmem_shared>>
        tpu.wait_indirect_dma semaphore(%run_scoped3A_217 : memref<!tpu.dma_semaphore, #tpu.memory_space<semaphore_mem>>) src(%arg8 : memref<125x128xf32, #tpu.memory_space<vmem>>) dst(%dma_wait3A_237 : memref<10000x128xf32, #tpu.memory_space<vmem_shared>>)
        tpu.yield
      }) : () -> ()
      %add3A_210 = arith.constant 1 : i32
      %add3A_211 = arith.addi %scan3A_90, %add3A_210 : i32
      %lt3A_212 = arith.constant 20 : i32
      %lt3A_213 = arith.cmpi slt, %add3A_211, %lt3A_212 : i32
      %convert_element_type3A_214 = arith.extui %lt3A_213 : i1 to i32
      %cond3A_215 = arith.constant 0 : i32
      %cond3A_216 = arith.cmpi ne, %convert_element_type3A_214, %cond3A_215 : i32
      scf.if %cond3A_216 {
        %mul3A_217 = arith.constant 2 : i32
        %mul3A_218 = arith.muli %mul3A_217, %scan3A_90 : i32
        %add3A_219 = arith.constant 3 : i32
        %add3A_220 = arith.addi %mul3A_218, %add3A_219 : i32
        %dma_start3A_221 = arith.constant 0 : i32
        %dma_start3A_222 = arith.constant 0 : i32
        %dma_start3A_223 = arith.constant 0 : i32
        %dma_start3A_224 = arith.constant 0 : i32
        %dma_start3A_225 = tpu.memref_slice %arg2[%add3A, %dma_start3A_221, %dma_start3A_222, %dma_start3A_223, %dma_start3A_224] : memref<32x40x2x2x125xi32, #tpu.memory_space<hbm>> -> memref<1x40x2x2x125xi32, #tpu.memory_space<hbm>>
        %dma_start3A_226 = tpu.memref_squeeze %dma_start3A_225 : memref<1x40x2x2x125xi32, #tpu.memory_space<hbm>> -> memref<40x2x2x125xi32, #tpu.memory_space<hbm>>
        %dma_start3A_227 = arith.constant 0 : i32
        %dma_start3A_228 = arith.constant 0 : i32
        %dma_start3A_229 = arith.constant 0 : i32
        %dma_start3A_230 = tpu.memref_slice %dma_start3A_226[%add3A_220, %dma_start3A_227, %dma_start3A_228, %dma_start3A_229] : memref<40x2x2x125xi32, #tpu.memory_space<hbm>> -> memref<1x2x2x125xi32, #tpu.memory_space<hbm>>
        %dma_start3A_231 = tpu.memref_squeeze %dma_start3A_230 : memref<1x2x2x125xi32, #tpu.memory_space<hbm>> -> memref<2x2x125xi32, #tpu.memory_space<hbm>>
        %dma_start3A_232 = arith.constant 0 : i32
        %dma_start3A_233 = arith.constant 0 : i32
        %dma_start3A_234 = arith.constant 0 : i32
        %dma_start3A_235 = arith.constant 0 : i32
        %dma_start3A_236 = tpu.memref_slice %arg2[%add3A, %dma_start3A_232, %dma_start3A_233, %dma_start3A_234, %dma_start3A_235] : memref<32x40x2x2x125xi32, #tpu.memory_space<hbm>> -> memref<1x40x2x2x125xi32, #tpu.memory_space<hbm>>
        %dma_start3A_237 = tpu.memref_squeeze %dma_start3A_236 : memref<1x40x2x2x125xi32, #tpu.memory_space<hbm>> -> memref<40x2x2x125xi32, #tpu.memory_space<hbm>>
        %dma_start3A_238 = arith.constant 0 : i32
        %dma_start3A_239 = arith.constant 0 : i32
        %dma_start3A_240 = arith.constant 0 : i32
        %dma_start3A_241 = tpu.memref_slice %dma_start3A_237[%add3A_220, %dma_start3A_238, %dma_start3A_239, %dma_start3A_240] : memref<40x2x2x125xi32, #tpu.memory_space<hbm>> -> memref<1x2x2x125xi32, #tpu.memory_space<hbm>>
        %dma_start3A_242 = tpu.memref_squeeze %dma_start3A_241 : memref<1x2x2x125xi32, #tpu.memory_space<hbm>> -> memref<2x2x125xi32, #tpu.memory_space<hbm>>
        tpu.enqueue_dma source(%dma_start3A_242 : memref<2x2x125xi32, #tpu.memory_space<hbm>>) target(%arg6 : memref<2x2x125xi32, #tpu.memory_space<vmem>>) target_semaphore(%arg13 : memref<!tpu.dma_semaphore, #tpu.memory_space<semaphore_mem>>)
        %dma_start3A_243 = arith.constant 1 : i32
        %dma_start3A_244 = arith.constant 0 : i32
        %dma_start3A_245 = arith.constant 0 : i32
        %dma_start3A_246 = arith.constant 0 : i32
        %dma_start3A_247 = tpu.memref_slice %arg5[%dma_start3A_243, %dma_start3A_245, %dma_start3A_246] : memref<2x2x125xi32, #tpu.memory_space<vmem>> -> memref<1x2x125xi32, #tpu.memory_space<vmem>>
        %dma_start3A_248 = tpu.memref_squeeze %dma_start3A_247 : memref<1x2x125xi32, #tpu.memory_space<vmem>> -> memref<2x125xi32, #tpu.memory_space<vmem>>
        %dma_start3A_249 = arith.constant 0 : i32
        %dma_start3A_250 = tpu.memref_slice %dma_start3A_248[%dma_start3A_244, %dma_start3A_249] : memref<2x125xi32, #tpu.memory_space<vmem>> -> memref<1x125xi32, #tpu.memory_space<vmem>>
        %dma_start3A_251 = tpu.memref_squeeze %dma_start3A_250 : memref<1x125xi32, #tpu.memory_space<vmem>> -> memref<125xi32, #tpu.memory_space<vmem>>
        %dma_start3A_252 = arith.constant 0 : i32
        %dma_start3A_253 = arith.constant 0 : i32
        %dma_start3A_254 = tpu.memref_slice %arg3[%dma_start3A_252, %dma_start3A_253] : memref<10000x128xf32, #tpu.memory_space<hbm>> -> memref<10000x128xf32, #tpu.memory_space<hbm>>
        tpu.enqueue_indirect_dma source(%dma_start3A_254 : memref<10000x128xf32, #tpu.memory_space<hbm>>) target(%arg8 : memref<125x128xf32, #tpu.memory_space<vmem>>) offsets(%dma_start3A_251 : memref<125xi32, #tpu.memory_space<vmem>>) semaphore(%arg11 : memref<!tpu.dma_semaphore, #tpu.memory_space<semaphore_mem>>)
      } else {
      }
    }
    %scan3A_79 = arith.constant 20 : i32
    %barrier3A_80 = arith.constant 0 : index
    tpu.barrier barrier_id(%barrier3A_80)
    %lt3A_81 = arith.constant 15 : i32
    %lt3A_82 = arith.cmpi slt, %arg1, %lt3A_81 : i32
    %convert_element_type3A_83 = arith.extui %lt3A_82 : i1 to i32
    %cond3A_84 = arith.constant 0 : i32
    %cond3A_85 = arith.cmpi ne, %convert_element_type3A_83, %cond3A_84 : i32
    scf.if %cond3A_85 {
      %mul3A_90 = arith.constant 640 : i32
      %mul3A_91 = arith.muli %arg1, %mul3A_90 : i32
      "tpu.region"() ({
        %run_scoped3A_92 = tpu.sem_alloc : memref<!tpu.dma_semaphore, #tpu.memory_space<semaphore_mem>>
        %dma_start3A_93 = arith.constant 0 : i32
        %dma_start3A_94 = arith.constant 0 : i32
        %dma_start3A_95 = tpu.memref_slice %arg4[%arg0, %dma_start3A_93, %dma_start3A_94] : memref<2x10000x128xf32, #tpu.memory_space<hbm>> -> memref<1x10000x128xf32, #tpu.memory_space<hbm>>
        %dma_start3A_96 = tpu.memref_squeeze %dma_start3A_95 : memref<1x10000x128xf32, #tpu.memory_space<hbm>> -> memref<10000x128xf32, #tpu.memory_space<hbm>>
        %dma_start3A_97 = arith.constant 0 : i32
        %dma_start3A_98 = tpu.memref_slice %dma_start3A_96[%mul3A_91, %dma_start3A_97] : memref<10000x128xf32, #tpu.memory_space<hbm>> -> memref<640x128xf32, #tpu.memory_space<hbm>>
        %dma_start3A_99 = arith.constant 0 : i32
        %dma_start3A_100 = tpu.memref_slice %arg9[%mul3A_91, %dma_start3A_99] : memref<10000x128xf32, #tpu.memory_space<vmem_shared>> -> memref<640x128xf32, #tpu.memory_space<vmem_shared>>
        tpu.enqueue_dma source(%dma_start3A_100 : memref<640x128xf32, #tpu.memory_space<vmem_shared>>) target(%dma_start3A_98 : memref<640x128xf32, #tpu.memory_space<hbm>>) target_semaphore(%run_scoped3A_92 : memref<!tpu.dma_semaphore, #tpu.memory_space<semaphore_mem>>)
        %dma_wait3A = arith.constant 0 : i32
        %dma_wait3A_101 = arith.constant 0 : i32
        %dma_wait3A_102 = tpu.memref_slice %arg4[%arg0, %dma_wait3A, %dma_wait3A_101] : memref<2x10000x128xf32, #tpu.memory_space<hbm>> -> memref<1x10000x128xf32, #tpu.memory_space<hbm>>
        %dma_wait3A_103 = tpu.memref_squeeze %dma_wait3A_102 : memref<1x10000x128xf32, #tpu.memory_space<hbm>> -> memref<10000x128xf32, #tpu.memory_space<hbm>>
        %dma_wait3A_104 = arith.constant 0 : i32
        %dma_wait3A_105 = tpu.memref_slice %dma_wait3A_103[%mul3A_91, %dma_wait3A_104] : memref<10000x128xf32, #tpu.memory_space<hbm>> -> memref<640x128xf32, #tpu.memory_space<hbm>>
        %dma_wait3A_106 = arith.constant 0 : i32
        %dma_wait3A_107 = tpu.memref_slice %arg9[%mul3A_91, %dma_wait3A_106] : memref<10000x128xf32, #tpu.memory_space<vmem_shared>> -> memref<640x128xf32, #tpu.memory_space<vmem_shared>>
        tpu.wait_dma2 semaphore(%run_scoped3A_92 : memref<!tpu.dma_semaphore, #tpu.memory_space<semaphore_mem>>) src(%dma_wait3A_107 : memref<640x128xf32, #tpu.memory_space<vmem_shared>>) dst(%dma_wait3A_105 : memref<640x128xf32, #tpu.memory_space<hbm>>)
        tpu.yield
      }) : () -> ()
    } else {
    }
    %eq3A = arith.constant 15 : i32
    %eq3A_86 = arith.cmpi eq, %arg1, %eq3A : i32
    %convert_element_type3A_87 = arith.extui %eq3A_86 : i1 to i32
    %cond3A_88 = arith.constant 0 : i32
    %cond3A_89 = arith.cmpi ne, %convert_element_type3A_87, %cond3A_88 : i32
    scf.if %cond3A_89 {
      "tpu.region"() ({
        %run_scoped3A_90 = tpu.sem_alloc : memref<!tpu.dma_semaphore, #tpu.memory_space<semaphore_mem>>
        %dma_start3A_91 = arith.constant 0 : i32
        %dma_start3A_92 = arith.constant 0 : i32
        %dma_start3A_93 = tpu.memref_slice %arg4[%arg0, %dma_start3A_91, %dma_start3A_92] : memref<2x10000x128xf32, #tpu.memory_space<hbm>> -> memref<1x10000x128xf32, #tpu.memory_space<hbm>>
        %dma_start3A_94 = tpu.memref_squeeze %dma_start3A_93 : memref<1x10000x128xf32, #tpu.memory_space<hbm>> -> memref<10000x128xf32, #tpu.memory_space<hbm>>
        %dma_start3A_95 = arith.constant 9600 : i32
        %dma_start3A_96 = arith.constant 0 : i32
        %dma_start3A_97 = tpu.memref_slice %dma_start3A_94[%dma_start3A_95, %dma_start3A_96] : memref<10000x128xf32, #tpu.memory_space<hbm>> -> memref<400x128xf32, #tpu.memory_space<hbm>>
        %dma_start3A_98 = arith.constant 9600 : i32
        %dma_start3A_99 = arith.constant 0 : i32
        %dma_start3A_100 = tpu.memref_slice %arg9[%dma_start3A_98, %dma_start3A_99] : memref<10000x128xf32, #tpu.memory_space<vmem_shared>> -> memref<400x128xf32, #tpu.memory_space<vmem_shared>>
        tpu.enqueue_dma source(%dma_start3A_100 : memref<400x128xf32, #tpu.memory_space<vmem_shared>>) target(%dma_start3A_97 : memref<400x128xf32, #tpu.memory_space<hbm>>) target_semaphore(%run_scoped3A_90 : memref<!tpu.dma_semaphore, #tpu.memory_space<semaphore_mem>>)
        %dma_wait3A = arith.constant 0 : i32
        %dma_wait3A_101 = arith.constant 0 : i32
        %dma_wait3A_102 = tpu.memref_slice %arg4[%arg0, %dma_wait3A, %dma_wait3A_101] : memref<2x10000x128xf32, #tpu.memory_space<hbm>> -> memref<1x10000x128xf32, #tpu.memory_space<hbm>>
        %dma_wait3A_103 = tpu.memref_squeeze %dma_wait3A_102 : memref<1x10000x128xf32, #tpu.memory_space<hbm>> -> memref<10000x128xf32, #tpu.memory_space<hbm>>
        %dma_wait3A_104 = arith.constant 9600 : i32
        %dma_wait3A_105 = arith.constant 0 : i32
        %dma_wait3A_106 = tpu.memref_slice %dma_wait3A_103[%dma_wait3A_104, %dma_wait3A_105] : memref<10000x128xf32, #tpu.memory_space<hbm>> -> memref<400x128xf32, #tpu.memory_space<hbm>>
        %dma_wait3A_107 = arith.constant 9600 : i32
        %dma_wait3A_108 = arith.constant 0 : i32
        %dma_wait3A_109 = tpu.memref_slice %arg9[%dma_wait3A_107, %dma_wait3A_108] : memref<10000x128xf32, #tpu.memory_space<vmem_shared>> -> memref<400x128xf32, #tpu.memory_space<vmem_shared>>
        tpu.wait_dma2 semaphore(%run_scoped3A_90 : memref<!tpu.dma_semaphore, #tpu.memory_space<semaphore_mem>>) src(%dma_wait3A_109 : memref<400x128xf32, #tpu.memory_space<vmem_shared>>) dst(%dma_wait3A_106 : memref<400x128xf32, #tpu.memory_space<hbm>>)
        tpu.yield
      }) : () -> ()
    } else {
    }
    return
  }
}

module attributes {stable_mosaic.version = 14 : i64} {
  func.func @_tc1_body(%arg0: i32, %arg1: memref<2x2000x1xf32, #tpu.memory_space<vmem>>, %arg2: memref<2000x128xf32, #tpu.memory_space<vmem>>, %arg3: memref<128x128xf32, #tpu.memory_space<vmem>>, %arg4: memref<2000x128xf32, #tpu.memory_space<vmem>>) attributes {dimension_semantics = [#tpu.dimension_semantics<arbitrary>], iteration_bounds = array<i64: 5>, scalar_prefetch = 0 : i64, scratch_operands = 0 : i64, tpu.core_type = #tpu.core_type<tc>, window_params = [{transform_indices = @transform_0, window_bounds = array<i64: 2, 2000, 1>}, {transform_indices = @transform_1, window_bounds = array<i64: 2000, 128>}, {pipeline_mode = #tpu.pipeline_mode<synchronous>, transform_indices = @transform_2, window_bounds = array<i64: 128, 128>}, {transform_indices = @transform_3, window_bounds = array<i64: 2000, 128>}]} {
    %get3A = arith.constant 0 : index
    %get3A_0 = arith.constant 0 : index
    %get3A_1 = vector.load %arg2[%get3A, %get3A_0] : memref<2000x128xf32, #tpu.memory_space<vmem>>, vector<2000x128xf32>
    %get3A_2 = arith.constant 0 : index
    %get3A_3 = arith.constant 0 : index
    %get3A_4 = vector.load %arg3[%get3A_2, %get3A_3] : memref<128x128xf32, #tpu.memory_space<vmem>>, vector<128x128xf32>
    %dot_general3A = arith.constant dense<0.000000e+00> : vector<2000x128xf32>
    %dot_general3A_5 = tpu.matmul %get3A_1, %get3A_4, %dot_general3A {dimension_numbers = #tpu.dot_dimension_numbers<[1], [0], [0], [1], [0, 0, 1, 1], [], []>, transpose_lhs_hint = false} : vector<2000x128xf32>, vector<128x128xf32>, vector<2000x128xf32> -> vector<2000x128xf32>
    %get3A_6 = arith.constant 0 : index
    %get3A_7 = arith.constant 0 : index
    %get3A_8 = arith.constant 0 : index
    %get3A_9 = vector.load %arg1[%get3A_6, %get3A_7, %get3A_8] : memref<2x2000x1xf32, #tpu.memory_space<vmem>>, vector<1x2000x1xf32>
    %get3A_10 = vector.shape_cast %get3A_9 : vector<1x2000x1xf32> to vector<2000x1xf32>
    %get3A_11 = arith.constant 1 : index
    %get3A_12 = arith.constant 0 : index
    %get3A_13 = arith.constant 0 : index
    %get3A_14 = vector.load %arg1[%get3A_11, %get3A_12, %get3A_13] : memref<2x2000x1xf32, #tpu.memory_space<vmem>>, vector<1x2000x1xf32>
    %get3A_15 = vector.shape_cast %get3A_14 : vector<1x2000x1xf32> to vector<2000x1xf32>
    %add3A = arith.addf %get3A_10, %get3A_15 : vector<2000x1xf32>
    %add3A_16 = arith.constant 1.000000e+00 : f32
    %add3A_17 = vector.broadcast %add3A_16 : f32 to vector<2000x1xf32>
    %add3A_18 = arith.addf %add3A, %add3A_17 : vector<2000x1xf32>
    %rsqrt3A = math.rsqrt %add3A_18 : vector<2000x1xf32>
    %mul3A = vector.broadcast %rsqrt3A : vector<2000x1xf32> to vector<2000x128xf32>
    %mul3A_19 = arith.mulf %mul3A, %dot_general3A_5 : vector<2000x128xf32>
    %swap3A = arith.constant 0 : index
    %swap3A_20 = arith.constant 0 : index
    %swap3A_21 = vector.load %arg4[%swap3A, %swap3A_20] : memref<2000x128xf32, #tpu.memory_space<vmem>>, vector<2000x128xf32>
    tpu.vector_store %arg4[%swap3A, %swap3A_20], %mul3A_19 {strides = array<i32>} : memref<2000x128xf32, #tpu.memory_space<vmem>>, vector<2000x128xf32>,
    return
  }
  func.func @transform_0(%arg0: i32) -> (i32, i32, i32) {
    %c0_i32 = arith.constant 0 : i32
    %c0_i32_0 = arith.constant 0 : i32
    %c0_i32_1 = arith.constant 0 : i32
    return %c0_i32, %arg0, %c0_i32_0 : i32, i32, i32
  }
  func.func @transform_1(%arg0: i32) -> (i32, i32) {
    %c0_i32 = arith.constant 0 : i32
    %c0_i32_0 = arith.constant 0 : i32
    return %arg0, %c0_i32 : i32, i32
  }
  func.func @transform_2(%arg0: i32) -> (i32, i32) {
    %c0_i32 = arith.constant 0 : i32
    %c0_i32_0 = arith.constant 0 : i32
    %c0_i32_1 = arith.constant 0 : i32
    return %c0_i32, %c0_i32_0 : i32, i32
  }
  func.func @transform_3(%arg0: i32) -> (i32, i32) {
    %c0_i32 = arith.constant 0 : i32
    %c0_i32_0 = arith.constant 0 : i32
    return %arg0, %c0_i32 : i32, i32
  }
}

module attributes {stable_mosaic.version = 14 : i64} {
  func.func @_tc2_body(%arg0: i32, %arg1: memref<2x2000x1xf32, #tpu.memory_space<vmem>>, %arg2: memref<2x2000x128xf32, #tpu.memory_space<vmem>>, %arg3: memref<2000x128xf32, #tpu.memory_space<vmem>>, %arg4: memref<128x128xf32, #tpu.memory_space<vmem>>, %arg5: memref<1x128xf32, #tpu.memory_space<vmem>>, %arg6: memref<2000x128xf32, #tpu.memory_space<vmem>>) attributes {dimension_semantics = [#tpu.dimension_semantics<arbitrary>], iteration_bounds = array<i64: 5>, scalar_prefetch = 0 : i64, scratch_operands = 0 : i64, tpu.core_type = #tpu.core_type<tc>, window_params = [{transform_indices = @transform_0, window_bounds = array<i64: 2, 2000, 1>}, {transform_indices = @transform_1, window_bounds = array<i64: 2, 2000, 128>}, {transform_indices = @transform_2, window_bounds = array<i64: 2000, 128>}, {pipeline_mode = #tpu.pipeline_mode<synchronous>, transform_indices = @transform_3, window_bounds = array<i64: 128, 128>}, {pipeline_mode = #tpu.pipeline_mode<synchronous>, transform_indices = @transform_4, window_bounds = array<i64: 1, 128>}, {transform_indices = @transform_5, window_bounds = array<i64: 2000, 128>}]} {
    %get3A = arith.constant 0 : index
    %get3A_0 = arith.constant 0 : index
    %get3A_1 = arith.constant 0 : index
    %get3A_2 = vector.load %arg1[%get3A, %get3A_0, %get3A_1] : memref<2x2000x1xf32, #tpu.memory_space<vmem>>, vector<1x2000x1xf32>
    %get3A_3 = vector.shape_cast %get3A_2 : vector<1x2000x1xf32> to vector<2000x1xf32>
    %get3A_4 = arith.constant 1 : index
    %get3A_5 = arith.constant 0 : index
    %get3A_6 = arith.constant 0 : index
    %get3A_7 = vector.load %arg1[%get3A_4, %get3A_5, %get3A_6] : memref<2x2000x1xf32, #tpu.memory_space<vmem>>, vector<1x2000x1xf32>
    %get3A_8 = vector.shape_cast %get3A_7 : vector<1x2000x1xf32> to vector<2000x1xf32>
    %add3A = arith.addf %get3A_3, %get3A_8 : vector<2000x1xf32>
    %add3A_9 = arith.constant 1.000000e+00 : f32
    %add3A_10 = vector.broadcast %add3A_9 : f32 to vector<2000x1xf32>
    %add3A_11 = arith.addf %add3A, %add3A_10 : vector<2000x1xf32>
    %rsqrt3A = math.rsqrt %add3A_11 : vector<2000x1xf32>
    %get3A_12 = arith.constant 0 : index
    %get3A_13 = arith.constant 0 : index
    %get3A_14 = arith.constant 0 : index
    %get3A_15 = vector.load %arg2[%get3A_12, %get3A_13, %get3A_14] : memref<2x2000x128xf32, #tpu.memory_space<vmem>>, vector<1x2000x128xf32>
    %get3A_16 = vector.shape_cast %get3A_15 : vector<1x2000x128xf32> to vector<2000x128xf32>
    %get3A_17 = arith.constant 1 : index
    %get3A_18 = arith.constant 0 : index
    %get3A_19 = arith.constant 0 : index
    %get3A_20 = vector.load %arg2[%get3A_17, %get3A_18, %get3A_19] : memref<2x2000x128xf32, #tpu.memory_space<vmem>>, vector<1x2000x128xf32>
    %get3A_21 = vector.shape_cast %get3A_20 : vector<1x2000x128xf32> to vector<2000x128xf32>
    %add3A_22 = arith.addf %get3A_16, %get3A_21 : vector<2000x128xf32>
    %get3A_23 = arith.constant 0 : index
    %get3A_24 = arith.constant 0 : index
    %get3A_25 = vector.load %arg3[%get3A_23, %get3A_24] : memref<2000x128xf32, #tpu.memory_space<vmem>>, vector<2000x128xf32>
    %add3A_26 = arith.addf %add3A_22, %get3A_25 : vector<2000x128xf32>
    %mul3A = vector.broadcast %rsqrt3A : vector<2000x1xf32> to vector<2000x128xf32>
    %mul3A_27 = arith.mulf %mul3A, %add3A_26 : vector<2000x128xf32>
    %get3A_28 = arith.constant 0 : index
    %get3A_29 = arith.constant 0 : index
    %get3A_30 = vector.load %arg5[%get3A_28, %get3A_29] : memref<1x128xf32, #tpu.memory_space<vmem>>, vector<1x128xf32>
    %add3A_31 = vector.broadcast %get3A_30 : vector<1x128xf32> to vector<2000x128xf32>
    %add3A_32 = arith.addf %mul3A_27, %add3A_31 : vector<2000x128xf32>
    %max3A = arith.constant 0.000000e+00 : f32
    %max3A_33 = vector.broadcast %max3A : f32 to vector<2000x128xf32>
    %max3A_34 = arith.maximumf %add3A_32, %max3A_33 : vector<2000x128xf32>
    %get3A_35 = arith.constant 0 : index
    %get3A_36 = arith.constant 0 : index
    %get3A_37 = vector.load %arg4[%get3A_35, %get3A_36] : memref<128x128xf32, #tpu.memory_space<vmem>>, vector<128x128xf32>
    %dot_general3A = arith.constant dense<0.000000e+00> : vector<2000x128xf32>
    %dot_general3A_38 = tpu.matmul %max3A_34, %get3A_37, %dot_general3A {dimension_numbers = #tpu.dot_dimension_numbers<[1], [0], [0], [1], [0, 0, 1, 1], [], []>, transpose_lhs_hint = false} : vector<2000x128xf32>, vector<128x128xf32>, vector<2000x128xf32> -> vector<2000x128xf32>
    %mul3A_39 = vector.broadcast %rsqrt3A : vector<2000x1xf32> to vector<2000x128xf32>
    %mul3A_40 = arith.mulf %mul3A_39, %dot_general3A_38 : vector<2000x128xf32>
    %swap3A = arith.constant 0 : index
    %swap3A_41 = arith.constant 0 : index
    %swap3A_42 = vector.load %arg6[%swap3A, %swap3A_41] : memref<2000x128xf32, #tpu.memory_space<vmem>>, vector<2000x128xf32>
    tpu.vector_store %arg6[%swap3A, %swap3A_41], %mul3A_40 {strides = array<i32>} : memref<2000x128xf32, #tpu.memory_space<vmem>>, vector<2000x128xf32>,
    return
  }
  func.func @transform_0(%arg0: i32) -> (i32, i32, i32) {
    %c0_i32 = arith.constant 0 : i32
    %c0_i32_0 = arith.constant 0 : i32
    %c0_i32_1 = arith.constant 0 : i32
    return %c0_i32, %arg0, %c0_i32_0 : i32, i32, i32
  }
  func.func @transform_1(%arg0: i32) -> (i32, i32, i32) {
    %c0_i32 = arith.constant 0 : i32
    %c0_i32_0 = arith.constant 0 : i32
    %c0_i32_1 = arith.constant 0 : i32
    return %c0_i32, %arg0, %c0_i32_0 : i32, i32, i32
  }
  func.func @transform_2(%arg0: i32) -> (i32, i32) {
    %c0_i32 = arith.constant 0 : i32
    %c0_i32_0 = arith.constant 0 : i32
    return %arg0, %c0_i32 : i32, i32
  }
  func.func @transform_3(%arg0: i32) -> (i32, i32) {
    %c0_i32 = arith.constant 0 : i32
    %c0_i32_0 = arith.constant 0 : i32
    %c0_i32_1 = arith.constant 0 : i32
    return %c0_i32, %c0_i32_0 : i32, i32
  }
  func.func @transform_4(%arg0: i32) -> (i32, i32) {
    %c0_i32 = arith.constant 0 : i32
    %c0_i32_0 = arith.constant 0 : i32
    %c0_i32_1 = arith.constant 0 : i32
    return %c0_i32, %c0_i32_0 : i32, i32
  }
  func.func @transform_5(%arg0: i32) -> (i32, i32) {
    %c0_i32 = arith.constant 0 : i32
    %c0_i32_0 = arith.constant 0 : i32
    return %arg0, %c0_i32 : i32, i32
  }
}

module attributes {stable_mosaic.version = 14 : i64} {
  func.func @_tc3_body(%arg0: i32, %arg1: memref<2x2000x1xf32, #tpu.memory_space<vmem>>, %arg2: memref<2x2000x128xf32, #tpu.memory_space<vmem>>, %arg3: memref<2000x128xf32, #tpu.memory_space<vmem>>, %arg4: memref<1x128xf32, #tpu.memory_space<vmem>>, %arg5: memref<2000x128xf32, #tpu.memory_space<vmem>>) attributes {dimension_semantics = [#tpu.dimension_semantics<arbitrary>], iteration_bounds = array<i64: 5>, scalar_prefetch = 0 : i64, scratch_operands = 0 : i64, tpu.core_type = #tpu.core_type<tc>, window_params = [{transform_indices = @transform_0, window_bounds = array<i64: 2, 2000, 1>}, {transform_indices = @transform_1, window_bounds = array<i64: 2, 2000, 128>}, {transform_indices = @transform_2, window_bounds = array<i64: 2000, 128>}, {pipeline_mode = #tpu.pipeline_mode<synchronous>, transform_indices = @transform_3, window_bounds = array<i64: 1, 128>}, {transform_indices = @transform_4, window_bounds = array<i64: 2000, 128>}]} {
    %get3A = arith.constant 0 : index
    %get3A_0 = arith.constant 0 : index
    %get3A_1 = arith.constant 0 : index
    %get3A_2 = vector.load %arg1[%get3A, %get3A_0, %get3A_1] : memref<2x2000x1xf32, #tpu.memory_space<vmem>>, vector<1x2000x1xf32>
    %get3A_3 = vector.shape_cast %get3A_2 : vector<1x2000x1xf32> to vector<2000x1xf32>
    %get3A_4 = arith.constant 1 : index
    %get3A_5 = arith.constant 0 : index
    %get3A_6 = arith.constant 0 : index
    %get3A_7 = vector.load %arg1[%get3A_4, %get3A_5, %get3A_6] : memref<2x2000x1xf32, #tpu.memory_space<vmem>>, vector<1x2000x1xf32>
    %get3A_8 = vector.shape_cast %get3A_7 : vector<1x2000x1xf32> to vector<2000x1xf32>
    %add3A = arith.addf %get3A_3, %get3A_8 : vector<2000x1xf32>
    %add3A_9 = arith.constant 1.000000e+00 : f32
    %add3A_10 = vector.broadcast %add3A_9 : f32 to vector<2000x1xf32>
    %add3A_11 = arith.addf %add3A, %add3A_10 : vector<2000x1xf32>
    %rsqrt3A = math.rsqrt %add3A_11 : vector<2000x1xf32>
    %get3A_12 = arith.constant 0 : index
    %get3A_13 = arith.constant 0 : index
    %get3A_14 = arith.constant 0 : index
    %get3A_15 = vector.load %arg2[%get3A_12, %get3A_13, %get3A_14] : memref<2x2000x128xf32, #tpu.memory_space<vmem>>, vector<1x2000x128xf32>
    %get3A_16 = vector.shape_cast %get3A_15 : vector<1x2000x128xf32> to vector<2000x128xf32>
    %get3A_17 = arith.constant 1 : index
    %get3A_18 = arith.constant 0 : index
    %get3A_19 = arith.constant 0 : index
    %get3A_20 = vector.load %arg2[%get3A_17, %get3A_18, %get3A_19] : memref<2x2000x128xf32, #tpu.memory_space<vmem>>, vector<1x2000x128xf32>
    %get3A_21 = vector.shape_cast %get3A_20 : vector<1x2000x128xf32> to vector<2000x128xf32>
    %add3A_22 = arith.addf %get3A_16, %get3A_21 : vector<2000x128xf32>
    %get3A_23 = arith.constant 0 : index
    %get3A_24 = arith.constant 0 : index
    %get3A_25 = vector.load %arg3[%get3A_23, %get3A_24] : memref<2000x128xf32, #tpu.memory_space<vmem>>, vector<2000x128xf32>
    %add3A_26 = arith.addf %add3A_22, %get3A_25 : vector<2000x128xf32>
    %mul3A = vector.broadcast %rsqrt3A : vector<2000x1xf32> to vector<2000x128xf32>
    %mul3A_27 = arith.mulf %mul3A, %add3A_26 : vector<2000x128xf32>
    %get3A_28 = arith.constant 0 : index
    %get3A_29 = arith.constant 0 : index
    %get3A_30 = vector.load %arg4[%get3A_28, %get3A_29] : memref<1x128xf32, #tpu.memory_space<vmem>>, vector<1x128xf32>
    %add3A_31 = vector.broadcast %get3A_30 : vector<1x128xf32> to vector<2000x128xf32>
    %add3A_32 = arith.addf %mul3A_27, %add3A_31 : vector<2000x128xf32>
    %max3A = arith.constant 0.000000e+00 : f32
    %max3A_33 = vector.broadcast %max3A : f32 to vector<2000x128xf32>
    %max3A_34 = arith.maximumf %add3A_32, %max3A_33 : vector<2000x128xf32>
    %mul3A_35 = vector.broadcast %rsqrt3A : vector<2000x1xf32> to vector<2000x128xf32>
    %mul3A_36 = arith.mulf %mul3A_35, %max3A_34 : vector<2000x128xf32>
    %swap3A = arith.constant 0 : index
    %swap3A_37 = arith.constant 0 : index
    %swap3A_38 = vector.load %arg5[%swap3A, %swap3A_37] : memref<2000x128xf32, #tpu.memory_space<vmem>>, vector<2000x128xf32>
    tpu.vector_store %arg5[%swap3A, %swap3A_37], %mul3A_36 {strides = array<i32>} : memref<2000x128xf32, #tpu.memory_space<vmem>>, vector<2000x128xf32>,
    return
  }
  func.func @transform_0(%arg0: i32) -> (i32, i32, i32) {
    %c0_i32 = arith.constant 0 : i32
    %c0_i32_0 = arith.constant 0 : i32
    %c0_i32_1 = arith.constant 0 : i32
    return %c0_i32, %arg0, %c0_i32_0 : i32, i32, i32
  }
  func.func @transform_1(%arg0: i32) -> (i32, i32, i32) {
    %c0_i32 = arith.constant 0 : i32
    %c0_i32_0 = arith.constant 0 : i32
    %c0_i32_1 = arith.constant 0 : i32
    return %c0_i32, %arg0, %c0_i32_0 : i32, i32, i32
  }
  func.func @transform_2(%arg0: i32) -> (i32, i32) {
    %c0_i32 = arith.constant 0 : i32
    %c0_i32_0 = arith.constant 0 : i32
    return %arg0, %c0_i32 : i32, i32
  }
  func.func @transform_3(%arg0: i32) -> (i32, i32) {
    %c0_i32 = arith.constant 0 : i32
    %c0_i32_0 = arith.constant 0 : i32
    %c0_i32_1 = arith.constant 0 : i32
    return %c0_i32, %c0_i32_0 : i32, i32
  }
  func.func @transform_4(%arg0: i32) -> (i32, i32) {
    %c0_i32 = arith.constant 0 : i32
    %c0_i32_0 = arith.constant 0 : i32
    return %arg0, %c0_i32 : i32, i32
  }
}

module attributes {stable_mosaic.version = 14 : i64} {
  func.func @_tc4_body(%arg0: i32, %arg1: memref<2x2000x1xf32, #tpu.memory_space<vmem>>, %arg2: memref<2x2000x128xf32, #tpu.memory_space<vmem>>, %arg3: memref<2000x128xf32, #tpu.memory_space<vmem>>, %arg4: memref<128x64xf32, #tpu.memory_space<vmem>>, %arg5: memref<1x64xf32, #tpu.memory_space<vmem>>, %arg6: memref<2000x64xf32, #tpu.memory_space<vmem>>) attributes {dimension_semantics = [#tpu.dimension_semantics<arbitrary>], iteration_bounds = array<i64: 5>, scalar_prefetch = 0 : i64, scratch_operands = 0 : i64, tpu.core_type = #tpu.core_type<tc>, window_params = [{transform_indices = @transform_0, window_bounds = array<i64: 2, 2000, 1>}, {transform_indices = @transform_1, window_bounds = array<i64: 2, 2000, 128>}, {transform_indices = @transform_2, window_bounds = array<i64: 2000, 128>}, {pipeline_mode = #tpu.pipeline_mode<synchronous>, transform_indices = @transform_3, window_bounds = array<i64: 128, 64>}, {pipeline_mode = #tpu.pipeline_mode<synchronous>, transform_indices = @transform_4, window_bounds = array<i64: 1, 64>}, {transform_indices = @transform_5, window_bounds = array<i64: 2000, 64>}]} {
    %get3A = arith.constant 0 : index
    %get3A_0 = arith.constant 0 : index
    %get3A_1 = arith.constant 0 : index
    %get3A_2 = vector.load %arg1[%get3A, %get3A_0, %get3A_1] : memref<2x2000x1xf32, #tpu.memory_space<vmem>>, vector<1x2000x1xf32>
    %get3A_3 = vector.shape_cast %get3A_2 : vector<1x2000x1xf32> to vector<2000x1xf32>
    %get3A_4 = arith.constant 1 : index
    %get3A_5 = arith.constant 0 : index
    %get3A_6 = arith.constant 0 : index
    %get3A_7 = vector.load %arg1[%get3A_4, %get3A_5, %get3A_6] : memref<2x2000x1xf32, #tpu.memory_space<vmem>>, vector<1x2000x1xf32>
    %get3A_8 = vector.shape_cast %get3A_7 : vector<1x2000x1xf32> to vector<2000x1xf32>
    %add3A = arith.addf %get3A_3, %get3A_8 : vector<2000x1xf32>
    %add3A_9 = arith.constant 1.000000e+00 : f32
    %add3A_10 = vector.broadcast %add3A_9 : f32 to vector<2000x1xf32>
    %add3A_11 = arith.addf %add3A, %add3A_10 : vector<2000x1xf32>
    %rsqrt3A = math.rsqrt %add3A_11 : vector<2000x1xf32>
    %get3A_12 = arith.constant 0 : index
    %get3A_13 = arith.constant 0 : index
    %get3A_14 = arith.constant 0 : index
    %get3A_15 = vector.load %arg2[%get3A_12, %get3A_13, %get3A_14] : memref<2x2000x128xf32, #tpu.memory_space<vmem>>, vector<1x2000x128xf32>
    %get3A_16 = vector.shape_cast %get3A_15 : vector<1x2000x128xf32> to vector<2000x128xf32>
    %get3A_17 = arith.constant 1 : index
    %get3A_18 = arith.constant 0 : index
    %get3A_19 = arith.constant 0 : index
    %get3A_20 = vector.load %arg2[%get3A_17, %get3A_18, %get3A_19] : memref<2x2000x128xf32, #tpu.memory_space<vmem>>, vector<1x2000x128xf32>
    %get3A_21 = vector.shape_cast %get3A_20 : vector<1x2000x128xf32> to vector<2000x128xf32>
    %add3A_22 = arith.addf %get3A_16, %get3A_21 : vector<2000x128xf32>
    %get3A_23 = arith.constant 0 : index
    %get3A_24 = arith.constant 0 : index
    %get3A_25 = vector.load %arg3[%get3A_23, %get3A_24] : memref<2000x128xf32, #tpu.memory_space<vmem>>, vector<2000x128xf32>
    %add3A_26 = arith.addf %add3A_22, %get3A_25 : vector<2000x128xf32>
    %mul3A = vector.broadcast %rsqrt3A : vector<2000x1xf32> to vector<2000x128xf32>
    %mul3A_27 = arith.mulf %mul3A, %add3A_26 : vector<2000x128xf32>
    %get3A_28 = arith.constant 0 : index
    %get3A_29 = arith.constant 0 : index
    %get3A_30 = vector.load %arg4[%get3A_28, %get3A_29] : memref<128x64xf32, #tpu.memory_space<vmem>>, vector<128x64xf32>
    %dot_general3A = arith.constant dense<0.000000e+00> : vector<2000x64xf32>
    %dot_general3A_31 = tpu.matmul %mul3A_27, %get3A_30, %dot_general3A {dimension_numbers = #tpu.dot_dimension_numbers<[1], [0], [0], [1], [0, 0, 1, 1], [], []>, transpose_lhs_hint = false} : vector<2000x128xf32>, vector<128x64xf32>, vector<2000x64xf32> -> vector<2000x64xf32>
    %get3A_32 = arith.constant 0 : index
    %get3A_33 = arith.constant 0 : index
    %get3A_34 = vector.load %arg5[%get3A_32, %get3A_33] : memref<1x64xf32, #tpu.memory_space<vmem>>, vector<1x64xf32>
    %add3A_35 = vector.broadcast %get3A_34 : vector<1x64xf32> to vector<2000x64xf32>
    %add3A_36 = arith.addf %dot_general3A_31, %add3A_35 : vector<2000x64xf32>
    %swap3A = arith.constant 0 : index
    %swap3A_37 = arith.constant 0 : index
    %swap3A_38 = vector.load %arg6[%swap3A, %swap3A_37] : memref<2000x64xf32, #tpu.memory_space<vmem>>, vector<2000x64xf32>
    tpu.vector_store %arg6[%swap3A, %swap3A_37], %add3A_36 {strides = array<i32>} : memref<2000x64xf32, #tpu.memory_space<vmem>>, vector<2000x64xf32>,
    return
  }
  func.func @transform_0(%arg0: i32) -> (i32, i32, i32) {
    %c0_i32 = arith.constant 0 : i32
    %c0_i32_0 = arith.constant 0 : i32
    %c0_i32_1 = arith.constant 0 : i32
    return %c0_i32, %arg0, %c0_i32_0 : i32, i32, i32
  }
  func.func @transform_1(%arg0: i32) -> (i32, i32, i32) {
    %c0_i32 = arith.constant 0 : i32
    %c0_i32_0 = arith.constant 0 : i32
    %c0_i32_1 = arith.constant 0 : i32
    return %c0_i32, %arg0, %c0_i32_0 : i32, i32, i32
  }
  func.func @transform_2(%arg0: i32) -> (i32, i32) {
    %c0_i32 = arith.constant 0 : i32
    %c0_i32_0 = arith.constant 0 : i32
    return %arg0, %c0_i32 : i32, i32
  }
  func.func @transform_3(%arg0: i32) -> (i32, i32) {
    %c0_i32 = arith.constant 0 : i32
    %c0_i32_0 = arith.constant 0 : i32
    %c0_i32_1 = arith.constant 0 : i32
    return %c0_i32, %c0_i32_0 : i32, i32
  }
  func.func @transform_4(%arg0: i32) -> (i32, i32) {
    %c0_i32 = arith.constant 0 : i32
    %c0_i32_0 = arith.constant 0 : i32
    %c0_i32_1 = arith.constant 0 : i32
    return %c0_i32, %c0_i32_0 : i32, i32
  }
  func.func @transform_5(%arg0: i32) -> (i32, i32) {
    %c0_i32 = arith.constant 0 : i32
    %c0_i32_0 = arith.constant 0 : i32
    return %arg0, %c0_i32 : i32, i32
  }
}

</mosaic_0001>

<sc_bundles>
// kernel: sc_deg.3.cloned.1.call-start
scs
__scs_entry_jumppad:
0x0: {  	(pc) =	sbr.rel $0x88, $3  }
0x1: {  	(tag) =	ssettag $0x0;
	lr =	simm.s32 $0x1  }
0x2: {  	[smem:$0x3F97] =	sst lr;
	_ =	strace $0xD0000000  }
0x3: {  	_ = 	snop  }
0x4: {  	_ = 	snop  }
0x5: {  	_ = 	snop  }
0x6: {  	_ = 	snop  }
0x7: {  	_ = 	snop  }
__scs_overlays_trampoline_lowered:
0x8: {  	[smem:$0x3FA6] =	sst s0  }
0x9: {  	[smem:$0x3FA7] =	sst s1  }
0xa: {  	[smem:$0x3FA8] =	sst s2  }
0xb: {  	[smem:$0x3FA9] =	sst s3  }
0xc: {  	[smem:$0x3FAA] =	sst s4  }
0xd: {  	[smem:$0x3FAB] =	sst s5  }
0xe: {  	[smem:$0x3FAC] =	sst s6  }
0xf: {  	[smem:$0x3FAD] =	sst s7  }
0x10: {  	[smem:$0x3FAE] =	sst s8  }
0x11: {  	[smem:$0x3FAF] =	sst s9;
	s0 =	simm.s32 @!p0 $0x0  }
0x12: {  	s1 =	sld [smem:$0x3F95];
	s0 =	simm.s32 @p0 $0x1  }
0x13: {  	[smem:$0x3FB0] =	sst s0;
	s0 =	simm.s32 @!p1 $0x0  }
0x14: {  	s2 =	sld [smem:$0x3F94];
	s0 =	simm.s32 @p1 $0x1  }
0x15: {  	[smem:$0x3FB1] =	sst s0;
	s0 =	simm.s32 @!p2 $0x0  }
0x16: {  	s3 =	sld [smem:$0x3FDB];
	s0 =	simm.s32 @p2 $0x1  }
0x17: {  	s4 =	simm.s32 $0x1BF5;
	[smem:$0x3FB3] =	sst s0  }
0x18: {  	s0 =	sld [smem:$0x3F96];
	_ =	swait.ge [sflag:s4], $0x0  }
0x19: {  	s7 =	sld [smem:$0x3F97]  }
0x1a: {  	s8 =	sadd.s32 $0xFFFFE003, lr  }
0x1b: {  	s9 =	sadd.s32 $0xFFFFFEF7, lr;
	s5 =	simm.s32 $0xFFFFFFFF;
	p2 =	slt.u32 s8, $0xFFFFF086  }
0x1c: {  	p1 =	slt.u32 s9, $0xF7A;
	s5 =	simm.s32 @!p2 $0x0  }
0x1d: {  	s5 =	simm.s32 @p1 $0x1;
	p0 =	seq.s32 s7, s2  }
0x1e: {  	s7 =	smul.u32 @!p0 $0xF7A, s2;
	p2 =	seq.s32 @!p0 s5, $0x0  }
0x1f: {  	s9 =	smul.u32 $0xF7A, s1;
	s8 =	simm.s32 @!p0 $0x1BF5;
	p2 =	por !p2, p0  }
0x20: {  	[sflag:s8] =	ssyncset.s32 @!p0 $0xFFFFF086;
	s6 =	sadd.s32 @!p0 s3, s7;
	s7 =	simm.s32 @!p0 $0x108  }
0x21: {  	s3 =	sadd.s32 s3, s9;
	s6 =	sadd.s32 @!p0 $0x88, s6;
	s7 =	simm.s32 @p2 $0x1082  }
0x22: {  	[simem:s7], [sflag:s8] =	dma.local @!p0 [hbm:s6], $0xF7A  }
0x23: {  	s9 =	sor.u32 $0xD0000000, s2;
	s6 =	simm.s32 $0x108;
	_ =	swait.ge @!p0 [sflag:s8], $0x0  }
0x24: {  	s3 =	sadd.s32 $0x88, s3;
	s6 =	simm.s32 @!p1 $0x1082;
	[sflag:s4] =	ssyncset.s32 $0xFFFFF086  }
0x25: {  	[simem:s6], [sflag:s4] =	dma.local [hbm:s3], $0xF7A  }
0x26: {  	[smem:$0x3F97] =	sst s1;
	(tag) =	ssettag s2;
	_ =	strace s9  }
0x27: {  	s1 =	sld [smem:$0x3FA7]  }
0x28: {  	s2 =	sld [smem:$0x3FA8]  }
0x29: {  	s4 =	sld [smem:$0x3FAA]  }
0x2a: {  	p0 =	seq.s32 s5, $0x0;
	s5 =	sld [smem:$0x3FAB]  }
0x2b: {  	s6 =	sld [smem:$0x3FAC]  }
0x2c: {  	s7 =	sld [smem:$0x3FAD]  }
0x2d: {  	s3 =	simm.s32 $0x108;
	s8 =	sld [smem:$0x3FAE]  }
0x2e: {  	s3 =	simm.s32 @!p0 $0x1082;
	s9 =	sld [smem:$0x3FAF]  }
0x2f: {  	lr =	sadd.s32 s0, s3;
	s0 =	sld [smem:$0x3FA6]  }
0x30: {  	s3 =	sld [smem:$0x3FA9]  }
0x31: {  	[smem:$0x3FB2] =	sst s10  }
0x32: {  	s10 =	sld [smem:$0x3FB0];
	_ =	sdelay $0x3  }
0x33: {  	p0 =	seq.s32 s10, $0x1;
	s10 =	sld [smem:$0x3FB2];
	_ =	sdelay $0x3  }
0x34: {  	[smem:$0x3FB2] =	sst s10  }
0x35: {  	s10 =	sld [smem:$0x3FB1];
	_ =	sdelay $0x3  }
0x36: {  	p1 =	seq.s32 s10, $0x1;
	s10 =	sld [smem:$0x3FB2];
	_ =	sdelay $0x3  }
0x37: {  	[smem:$0x3FB2] =	sst s10  }
0x38: {  	s10 =	sld [smem:$0x3FB3]  }
0x39: {  	_ = 	snop;
	(pc) =	sbr.ind lr, $3  }
0x3a: {  	_ = 	snop  }
0x3b: {  	_ = 	snop  }
0x3c: {  	p2 =	seq.s32 s10, $0x1;
	s10 =	sld [smem:$0x3FB2]  }
0x3d: {  	_ =	shalt  }
0x3e: {  	_ =	shalt  }
0x3f: {  	_ =	shalt  }
0x40: {  	_ =	shalt  }
0x41: {  	_ =	shalt  }
0x42: {  	_ =	shalt  }
0x43: {  	_ =	shalt  }
0x44: {  	_ =	shalt  }
0x45: {  	_ =	shalt  }
0x46: {  	_ =	shalt  }
0x47: {  	_ =	shalt  }
0x48: {  	_ =	shalt  }
0x49: {  	_ =	shalt  }
0x4a: {  	_ =	shalt  }
0x4b: {  	_ =	shalt  }
0x4c: {  	_ =	shalt  }
0x4d: {  	_ =	shalt  }
0x4e: {  	_ =	shalt  }
0x4f: {  	_ =	shalt  }
0x50: {  	_ =	shalt  }
0x51: {  	_ =	shalt  }
0x52: {  	_ =	shalt  }
0x53: {  	_ =	shalt  }
0x54: {  	_ =	shalt  }
0x55: {  	_ =	shalt  }
0x56: {  	_ =	shalt  }
0x57: {  	_ =	shalt  }
0x58: {  	_ =	shalt  }
0x59: {  	_ =	shalt  }
0x5a: {  	_ =	shalt  }
0x5b: {  	_ =	shalt  }
0x5c: {  	_ =	shalt  }
0x5d: {  	_ =	shalt  }
0x5e: {  	_ =	shalt  }
0x5f: {  	_ =	shalt  }
0x60: {  	_ =	shalt  }
0x61: {  	_ =	shalt  }
0x62: {  	_ =	shalt  }
0x63: {  	_ =	shalt  }
0x64: {  	_ =	shalt  }
0x65: {  	_ =	shalt  }
0x66: {  	_ =	shalt  }
0x67: {  	_ =	shalt  }
0x68: {  	_ =	shalt  }
0x69: {  	_ =	shalt  }
0x6a: {  	_ =	shalt  }
0x6b: {  	_ =	shalt  }
0x6c: {  	_ =	shalt  }
0x6d: {  	_ =	shalt  }
0x6e: {  	_ =	shalt  }
0x6f: {  	_ =	shalt  }
0x70: {  	_ =	shalt  }
0x71: {  	_ =	shalt  }
0x72: {  	_ =	shalt  }
0x73: {  	_ =	shalt  }
0x74: {  	_ =	shalt  }
0x75: {  	_ =	shalt  }
0x76: {  	_ =	shalt  }
0x77: {  	_ =	shalt  }
0x78: {  	_ =	shalt  }
0x79: {  	_ =	shalt  }
0x7a: {  	_ =	shalt  }
0x7b: {  	_ =	shalt  }
0x7c: {  	_ =	shalt  }
0x7d: {  	_ =	shalt  }
0x7e: {  	_ =	shalt  }
0x7f: {  	_ =	shalt  }
0x80: {  	_ =	shalt  }
0x81: {  	_ =	shalt  }
0x82: {  	_ =	shalt  }
0x83: {  	_ =	shalt  }
0x84: {  	_ =	shalt  }
0x85: {  	_ =	shalt  }
0x86: {  	_ =	shalt  }
0x87: {  	_ =	shalt  }
.Lfunc_end0:
.L_simem_size_0:
called_computation_lowered:
.L_overlay_start_0:
0x88: {  	s2 =	sld [smem:$0x3FD9]  }
0x89: {  	s3 =	sld [smem:$0x3FFE];
	_ =	sdelay $0x1  }
0x8a: {  	s1 =	srdreg.scid  }
0x8b: {  	s0 =	sand.u32 $0x1, s1  }
0x8c: {  	s15 =	sshll.u32 s0, $0xA;
	s2 =	sadd.s32 s3, s2  }
0x8d: {  	s2 =	sadd.s32 s2, s15  }
0x8e: {  	[smem:$0x3FBE] =	sst s2  }
0x8f: {  	_ = 	snop  }
0x90: {  	s2 =	sld [smem:$0x3FD0];
	_ =	sdelay $0x2  }
0x91: {  	s16 =	simm.s32 $0xA;
	s4 =	simm.s32 $0x10  }
0x92: {  	[smem:s4], [sflag:s16] =	dma.local [hbm:s2], $0x1  }
0x93: {  	_ =	swait.eq [sflag:s16], $0x1  }
0x94: {  	[sflag:s16] =	ssyncset.done $0x0  }
0x95: {  	s17 =	sld [smem:$0x10];
	[sflag:s16] =	ssyncadd.s32 $0xFFFFFFFF  }
0x96: {  	s18 =	sld [smem:$0x11];
	(tm) =	ssettm $0x1  }
0x97: {  	s19 =	sld [smem:$0x3FFB];
	_ =	sdelay $0x3  }
0x98: {  	_ =	strace s19  }
0x99: {  	s4 =	sld [smem:$0x3FFC];
	_ =	sdelay $0x3  }
0x9a: {  	_ =	strace s4  }
0x9b: {  	s4 =	sld [smem:$0x3FFD];
	_ =	sdelay $0x3  }
0x9c: {  	_ =	strace s4  }
0x9d: {  	_ =	strace $0x8FFFFFFF  }
0x9e: {  	s20 =	sld [smem:$0x3FDB];
	_ =	sdelay $0x1  }
0x9f: {  	s5 =	simm.s32 $_scs_section_size  }
0xa0: {  	s6 =	simm.s32 $_size__tile_overlayer_lowered;
	s7 =	simm.s32 $_tile_overlayer_lowered  }
0xa1: {  	s23 =	simm.s32 $0x1BFF;
	s22 =	sshll.u32 s7, $0x1;
	s4 =	sadd.s32 s5, s20  }
0xa2: {  	s8 =	simm.s32 $0x0;
	s21 =	sshll.u32 s6, $0x1;
	s6 =	sadd.s32 s22, s4  }
0xa3: {  	[timem:s8], [sflag:s23] =	dma.local [hbm:s6], s21  }
0xa4: {  	_ =	swait.ge [sflag:s23], s21  }
0xa5: {  	s5 =	ssub.s32 $0x0, s21;
	[sflag:s23] =	ssyncset.done $0x0  }
0xa6: {  	[sflag:s23] =	ssyncadd.s32 s5;
	_ =	sdelay $0x1  }
0xa7: {  	s24 =	simm.s32 $0x1B8B  }
0xa8: {  	_ =	swait.ge [sflag:s24], $0x1  }
0xa9: {  	[sflag:s24] =	ssyncset.done $0x0  }
0xaa: {  	s25 =	simm.s32 $0x1B8E;
	[sflag:s24] =	ssyncadd.s32 $0xFFFFFFFF  }
0xab: {  	s26 =	simm.s32 $execute0_lowered;
	[smem:$0x3FD2] =	sst s25  }
0xac: {  	s5 =	sshll.u32 s26, $0x1;
	_ =	strace $0x80000046;
	[dreg:$0x1] =	wrdreg $0xFFFFFFFF  }
0xad: {  	s28 =	simm.s32 $_size_execute0_lowered;
	s4 =	sadd.s32 s4, s5;
	[dreg:$0x0] =	wrdreg $0x0  }
0xae: {  	s5 =	sshll.u32 s28, $0x1;
	[dreg:$0x2] =	wrdreg s4  }
0xaf: {  	[dreg:$0x3] =	wrdreg s5  }
0xb0: {  	[dreg:$0x4] =	wrdreg $0xC0  }
0xb1: {  	_ =	task [dreg:s8], $0x5FFFF  }
0xb2: {  	[dreg:$0x1] =	wrdreg $0xFFFFFFFF  }
0xb3: {  	[dreg:$0x0] =	wrdreg $0x60  }
0xb4: {  	[dreg:$0x2] =	wrdreg s18  }
0xb5: {  	[dreg:$0x3] =	wrdreg s17  }
0xb6: {  	[dreg:$0x4] =	wrdreg $0x7A000  }
0xb7: {  	[dreg:$0x5] =	wrdreg $0x9  }
0xb8: {  	_ =	task.clear_ibuf [dreg:s8], $0x6FFFF;
	_ =	strace $0x90000046  }
0xb9: {  	s29 =	simm.s32 $0x9;
	_ =	strace $0x80000048  }
0xba: {  	_ =	swait.ge [sflag:s29], $0x1  }
0xbb: {  	[sflag:s29] =	ssyncadd.s32 $0xFFFFFFFF  }
0xbc: {  	_ =	strace $0x90000048  }
0xbd: {  	_ =	sfence  }
0xbe: {  	s30 =	sld [smem:$0x0];
	_ =	sdelay $0x2  }
0xbf: {  	s31 =	sshll.u32 s1, $0xD;
	s1 =	sshrl.u32 s1, $0x2  }
0xc0: {  	s3 =	sand.u32 $0x4000, s31;
	s1 =	sadd.s32 s1, s30  }
0xc1: {  	s0 =	sor.u32 s3, s0;
	s1 =	sshll.u32 s1, $0x11  }
0xc2: {  	s0 =	sor.u32 s1, s0  }
0xc3: {  	s0 =	sadd.s32 $0x8F2B, s0  }
0xc4: {  	[sflag:s0] =	ssyncadd.remote.s32 $0x1  }
0xc5: {  	_ =	sfence.sel $0xFFFF  }
0xc6: {  	[dreg:$0x0] =	wrdreg $0xFFFFFFFF;
	(pc) =	sbr.abs _section_cstart, $3  }
0xc7: {  	[dreg:$0x1] =	wrdreg $0xFFFFFFFF  }
0xc8: {  	_ =	task.clear_ibuf [dreg:s8], $0x2FFFF;
	_ =	strace $0x9FFFFFFF  }
0xc9: {  	(tm) =	ssettm $0x7FFFFFFF  }
tec
execute0_lowered:
.L_overlay_start_1:
0x0: {  	(tag) =	ssettag $0x1  }
0x1: {  	s3 =	rddreg [dreg:$0x0]  }
0x2: {  	s6 =	rddreg [dreg:$0x1]  }
0x3: {  	s0 =	srdreg.scid;
	s5 =	rddreg [dreg:$0x2]  }
0x4: {  	s1 =	stileid.u32;
	s2 =	simm.s32 $0x0;
	s12 =	simm.s32 $0x14000  }
0x5: {  	s13 =	simm.s32 $0x4F80;
	s16 =	simm.s32 $0x7780;
	s4 =	sand.u32 $0x1, s0  }
0x6: {  	s0 =	rddreg [dreg:$0x3];
	s9 =	sshrl.u32 s1, $0x3;
	s30 =	smul.u32 $0x5000, s1  }
0x7: {  	[smem:$0x7FF] =	sst s2;
	s31 =	sshll.u32 s1, $0x7;
	s15 =	smul.u32 $0xA0, s1  }
0x8: {  	s7 =	sshll.u32 s4, $0x4;
	s4 =	ssub.s32 $0x2, s4;
	s9 =	smul.u32 $0x50000, s9  }
0x9: {  	_ =	strace $0x80000047;
	s8 =	sor.u32 s1, s7;
	s10 =	sshrl.u32 s4, $0x1  }
0xa: {  	s11 =	sshrl.u32 s30, $0x2;
	s14 =	sadd.s32 s6, s7;
	s7 =	simm.s32 $0x1  }
0xb: {  	s8 =	smul.u32 $0x4E2, s8;
	s10 =	ssub.s32 s4, s10;
	s9 =	sshrl.u32 s9, $0x2  }
0xc: {  	s14 =	sadd.s32 s15, s14;
	s15 =	simm.s32 $0x100;
	s9 =	sadd.s32 s9, s5  }
0xd: {  	s5 =	sadd.s32 s11, s5;
	s6 =	smax.u32 s10, $0x1;
	s10 =	simm.s32 $0x400  }
0xe: {  	s11 =	simm.s32 $0x1400;
	s3 =	sadd.s32 s3, s8;
	s8 =	sand.u32 $0x380, s31  }
0xf: {  	v0 =	vimm.f32 $0.0e+00;
	v1 =	vimm.f32 $1.000000000e+00;
	s4 =	sadd.s32 s8, s9;
	s8 =	simm.s32 $0x2780;
	s9 =	simm.s32 $0x80  }
.LBB2_1:
0x10: {  	s17 =	simm.s32 $0x40;
	s18 =	simm.s32 $0x0  }
.LBB2_2:
0x11: {  	p0 =	sne.s32 s17, $0x9FC0;
	[tilespmem:s18+$0x2780] =	vst v0;
	s18 =	smov.u32 s17;
	s17 =	sadd.s32 $0x40, s17  }
.Ltmp0:
0x12: {  	(pc) =	sbr.rel @p0 .LBB2_2-.Ltmp0, $2  }
0x13: {  	_ =	sdelay $0x2  }
0x14: {  	s18 =	sshra.s32 s18, $0x2  }
0x15: {  	[tilespmem:s18+$0x2780] =	vst v0;
	s17 =	simm.s32 $0x0  }
0x16: {  	[tilespmem:s17], [sflag:$0x1] =	stream.linear.gather [hbm4b:s3+s17], $0x2710, $0x38;
	[tilespmem:$0xA200] =	vst v63  }
0x17: {  	_ =	swait.ge [sflag:s7], $0x2710  }
0x18: {  	[sflag:s7] =	ssyncset.done $0x0  }
0x19: {  	s18 =	simm.s32 $0x0;
	s17 =	simm.s32 $0x40;
	[sflag:s7] =	ssyncadd.s32 $0xFFFFD8F0  }
.LBB2_4:
0x1a: {  	p0 =	sne.s32 s17, $0x9C00;
	v2 =	vld [tilespmem:s18+$0x0];
	_ =	sdelay $0x3  }
.Ltmp1:
0x1b: {  	(pc) =	sbr.rel @p0 .LBB2_4-.Ltmp1, $2  }
0x1c: {  	_ =	sdelay $0x2  }
0x1d: {  	s18 =	sshra.s32 s17, $0x2;
	s17 =	sadd.s32 $0x40, s17;
	[tilespmem:v2+s8+$0x0] =	vst.idx.add.f32.msk $0xffff, v1  }
0x1e: {  	v2 =	vld [tilespmem:s18+$0x0];
	_ =	sdelay $0x7  }
0x1f: {  	[tilespmem:v2+s8+$0x0] =	vst.idx.add.f32.msk $0xffff, v1  }
0x20: {  	[spmem:s4] =	stream.strided.scatter [tilespmem:s8], [sflag:$0x1], $0x2800, s10, s9, $0x38;
	[tilespmem:$0xA200] =	vst v63  }
0x21: {  	_ =	swait.ge [sflag:s7], $0x2800  }
0x22: {  	[sflag:s7] =	ssyncset.done $0x0  }
0x23: {  	[sflag:s7] =	ssyncadd.s32 $0xFFFFD800  }
0x24: {  	[bflag:$0x0] =	sbarrier.arrive $0xFFFF  }
0x25: {  	[tilespmem:s13], [sflag:$0x1] =	stream.strided.gather [spmem:s5], $0x2800, s12, s11, $0x38;
	[tilespmem:$0xA200] =	vst v63  }
0x26: {  	s17 =	simm.s32 $0x0;
	_ =	swait.ge [sflag:s7], $0x2800  }
0x27: {  	s30 =	sand.u32 $0x70, s17;
	s17 =	sand.u32 $0x1C00, s17;
	[sflag:s7] =	ssyncset.done $0x0  }
0x28: {  	s17 =	sor.u32 s30, s17;
	[sflag:s7] =	ssyncadd.s32 $0xFFFFD800  }
0x29: {  	v2 =	vld [tilespmem:s17+$0x5000]  }
0x2a: {  	v3 =	vld [tilespmem:s17+$0x4F80];
	_ =	sdelay $0x1  }
0x2b: {  	v4 =	vld [tilespmem:s17+$0x5080];
	_ =	sdelay $0x1  }
0x2c: {  	v5 =	vld [tilespmem:s17+$0x5100]  }
0x2d: {  	v2 =	vadd.f32 v2, v3  }
0x2e: {  	v3 =	vld [tilespmem:s17+$0x5180]  }
0x2f: {  	v2 =	vadd.f32 v4, v2  }
0x30: {  	v56 =	vld [tilespmem:s17+$0x5200]  }
0x31: {  	v2 =	vadd.f32 v5, v2  }
0x32: {  	v57 =	vld [tilespmem:s17+$0x5280]  }
0x33: {  	v2 =	vadd.f32 v3, v2  }
0x34: {  	v3 =	vld [tilespmem:s17+$0x5300]  }
0x35: {  	v2 =	vadd.f32 v56, v2  }
0x36: {  	v58 =	vld [tilespmem:s17+$0x6380]  }
0x37: {  	v2 =	vadd.f32 v57, v2  }
0x38: {  	v59 =	vld [tilespmem:s17+$0x6400]  }
0x39: {  	v2 =	vadd.f32 v3, v2  }
0x3a: {  	v3 =	vld [tilespmem:s17+$0x6480]  }
0x3b: {  	v2 =	vadd.f32 v58, v2  }
0x3c: {  	v60 =	vld [tilespmem:s17+$0x6500]  }
0x3d: {  	v2 =	vadd.f32 v59, v2  }
0x3e: {  	v61 =	vld [tilespmem:s17+$0x6580]  }
0x3f: {  	v2 =	vadd.f32 v3, v2  }
0x40: {  	v3 =	vld [tilespmem:s17+$0x6600]  }
0x41: {  	v2 =	vadd.f32 v60, v2  }
0x42: {  	v62 =	vld [tilespmem:s17+$0x6680]  }
0x43: {  	v2 =	vadd.f32 v61, v2  }
0x44: {  	v63 =	vld [tilespmem:s17+$0x6700]  }
0x45: {  	v2 =	vadd.f32 v3, v2;
	_ =	sdelay $0x1  }
0x46: {  	v2 =	vadd.f32 v62, v2;
	_ =	sdelay $0x1  }
0x47: {  	s31 =	simm.s32 $0x10;
	s19 =	simm.s32 $0x80;
	v2 =	vadd.f32 v63, v2  }
0x48: {  	s18 =	sand.u32 $0x70, s31;
	s20 =	sand.u32 $0x1C00, s19;
	s17 =	simm.s32 $0x7780  }
0x49: {  	s18 =	sor.u32 s18, s20;
	s20 =	simm.s32 $0x20;
	[tilespmem:s17+$0x0] =	vst v2  }
.LBB2_6:
0x4a: {  	p0 =	sne.s32 s20, $0x270;
	v2 =	vld [tilespmem:s18+$0x5000]  }
0x4b: {  	v3 =	vld [tilespmem:s18+$0x4F80];
	_ =	sdelay $0x1  }
0x4c: {  	v4 =	vld [tilespmem:s18+$0x5080];
	_ =	sdelay $0x1  }
0x4d: {  	v5 =	vld [tilespmem:s18+$0x5100]  }
0x4e: {  	v2 =	vadd.f32 v2, v3  }
0x4f: {  	v3 =	vld [tilespmem:s18+$0x5180]  }
0x50: {  	v2 =	vadd.f32 v4, v2  }
0x51: {  	v4 =	vld [tilespmem:s18+$0x5200]  }
0x52: {  	v2 =	vadd.f32 v5, v2  }
0x53: {  	v5 =	vld [tilespmem:s18+$0x5280]  }
0x54: {  	v2 =	vadd.f32 v3, v2  }
0x55: {  	v3 =	vld [tilespmem:s18+$0x5300]  }
0x56: {  	v2 =	vadd.f32 v4, v2  }
0x57: {  	v4 =	vld [tilespmem:s18+$0x6380]  }
0x58: {  	v2 =	vadd.f32 v5, v2  }
0x59: {  	v5 =	vld [tilespmem:s18+$0x6400]  }
0x5a: {  	v2 =	vadd.f32 v3, v2  }
0x5b: {  	v3 =	vld [tilespmem:s18+$0x6480]  }
0x5c: {  	v2 =	vadd.f32 v4, v2  }
0x5d: {  	v4 =	vld [tilespmem:s18+$0x6500]  }
0x5e: {  	v2 =	vadd.f32 v5, v2  }
0x5f: {  	v5 =	vld [tilespmem:s18+$0x6580]  }
0x60: {  	v2 =	vadd.f32 v3, v2  }
0x61: {  	v3 =	vld [tilespmem:s18+$0x6600]  }
0x62: {  	v2 =	vadd.f32 v4, v2  }
0x63: {  	v4 =	vld [tilespmem:s18+$0x6680]  }
0x64: {  	v2 =	vadd.f32 v5, v2  }
0x65: {  	v5 =	vld [tilespmem:s18+$0x6700]  }
0x66: {  	v2 =	vadd.f32 v3, v2;
	_ =	sdelay $0x1  }
.Ltmp2:
0x67: {  	v2 =	vadd.f32 v4, v2;
	(pc) =	sbr.rel @p0 .LBB2_6-.Ltmp2, $4  }
0x68: {  	_ = 	snop  }
0x69: {  	s19 =	sadd.s32 $0x80, s19;
	v2 =	vadd.f32 v5, v2  }
0x6a: {  	s17 =	sadd.s32 $0x10, s17;
	s21 =	sand.u32 $0x1C00, s19;
	s18 =	sand.u32 $0x70, s20  }
0x6b: {  	s20 =	sadd.s32 $0x10, s20;
	s18 =	sor.u32 s18, s21;
	[tilespmem:s17+$0x0] =	vst v2  }
0x6c: {  	v2 =	vld [tilespmem:s18+$0x5000]  }
0x6d: {  	v3 =	vld [tilespmem:s18+$0x4F80];
	_ =	sdelay $0x1  }
0x6e: {  	v4 =	vld [tilespmem:s18+$0x5080];
	_ =	sdelay $0x1  }
0x6f: {  	v5 =	vld [tilespmem:s18+$0x5100]  }
0x70: {  	v2 =	vadd.f32 v2, v3  }
0x71: {  	v3 =	vld [tilespmem:s18+$0x5180]  }
0x72: {  	v2 =	vadd.f32 v4, v2  }
0x73: {  	v56 =	vld [tilespmem:s18+$0x5200]  }
0x74: {  	v2 =	vadd.f32 v5, v2  }
0x75: {  	v57 =	vld [tilespmem:s18+$0x5280]  }
0x76: {  	v2 =	vadd.f32 v3, v2  }
0x77: {  	v3 =	vld [tilespmem:s18+$0x5300]  }
0x78: {  	v2 =	vadd.f32 v56, v2  }
0x79: {  	v58 =	vld [tilespmem:s18+$0x6380]  }
0x7a: {  	v2 =	vadd.f32 v57, v2  }
0x7b: {  	v59 =	vld [tilespmem:s18+$0x6400]  }
0x7c: {  	v2 =	vadd.f32 v3, v2  }
0x7d: {  	v3 =	vld [tilespmem:s18+$0x6480]  }
0x7e: {  	v2 =	vadd.f32 v58, v2  }
0x7f: {  	v60 =	vld [tilespmem:s18+$0x6500]  }
0x80: {  	v2 =	vadd.f32 v59, v2  }
0x81: {  	v61 =	vld [tilespmem:s18+$0x6580]  }
0x82: {  	v2 =	vadd.f32 v3, v2  }
0x83: {  	v3 =	vld [tilespmem:s18+$0x6600]  }
0x84: {  	v2 =	vadd.f32 v60, v2  }
0x85: {  	v62 =	vld [tilespmem:s18+$0x6680]  }
0x86: {  	v2 =	vadd.f32 v61, v2  }
0x87: {  	v63 =	vld [tilespmem:s18+$0x6700]  }
0x88: {  	v2 =	vadd.f32 v3, v2;
	_ =	sdelay $0x1  }
0x89: {  	v2 =	vadd.f32 v62, v2;
	_ =	sdelay $0x1  }
0x8a: {  	s2 =	sadd.s32 $0x1, s2;
	v2 =	vadd.f32 v63, v2  }
0x8b: {  	s17 =	sadd.s32 $0x10, s17;
	p0 =	sne.s32 s2, s6  }
.Ltmp3:
0x8c: {  	[tilespmem:s17+$0x0] =	vst v2;
	(pc) =	sbr.rel @p0 .LBB2_1-.Ltmp3, $4  }
0x8d: {  	[hbm4b:s14+s9] =	stream.strided.scatter [tilespmem:s16], [sflag:$0x1], $0x280, s15, s9, $0x38;
	[tilespmem:$0xA200] =	vst v63  }
0x8e: {  	_ =	swait.ge [sflag:s7], $0x280  }
0x8f: {  	[sflag:s7] =	ssyncset.done $0x0  }
0x90: {  	[sflag:s7] =	ssyncadd.s32 $0xFFFFFD80  }
0x91: {  	_ =	sfence.sel $0x180000  }
0x92: {  	[bflag:$0x0] =	sbarrier.arrive $0xFFFF  }
0x93: {  	p0 =	sne.s32 s1, $0x0;
	_ =	strace $0x90000047  }
0x94: {  	s0 =	sadd.s32 @!p0 $0x100000, s0;
	[bflag:$0x2] =	sbarrier.arrive $0xFFFF  }
0x95: {  	[sflag:s0] =	ssyncadd.tile.s32 @!p0 $0x1;
	_ =	shalt  }
.Lfunc_end2:
_tile_overlayer_lowered:
.L_overlay_start_2:
0x96: {  	(tag) =	ssettag $0x2  }
0x97: {  	s0 =	rddreg [dreg:$0x0];
	s2 =	stileid.u32  }
0x98: {  	s1 =	rddreg [dreg:$0x1];
	p0 =	sne.s32 s2, $0x0  }
0x99: {  	s3 =	rddreg [dreg:$0x2];
	[bflag:$0x3] =	sbarrier.arrive $0xFFFF;
	s2 =	simm.s32 @!p0 $0x1C01  }
0x9a: {  	[timem:s3], [sflag:s2] =	dma.local @!p0 [hbm:s0], s1  }
0x9b: {  	s0 =	simm.s32 @!p0 $0x1  }
0x9c: {  	_ =	swait.ge @!p0 [sflag:s0], s1  }
0x9d: {  	s1 =	ssub.s32 @!p0 $0x0, s1;
	[sflag:s0] =	ssyncset.done @!p0 $0x0  }
0x9e: {  	[sflag:s0] =	ssyncadd.s32 @!p0 s1  }
0x9f: {  	[bflag:$0x3] =	sbarrier.arrive $0xFFFF  }
0xa0: {  	_ =	shalt  }

// kernel: sc_prop128.11.cloned.1.call-start
scs
__scs_entry_jumppad:
0x0: {  	(pc) =	sbr.rel $0x88, $3  }
0x1: {  	(tag) =	ssettag $0x0;
	lr =	simm.s32 $0x1  }
0x2: {  	[smem:$0x3F97] =	sst lr;
	_ =	strace $0xD0000000  }
0x3: {  	_ = 	snop  }
0x4: {  	_ = 	snop  }
0x5: {  	_ = 	snop  }
0x6: {  	_ = 	snop  }
0x7: {  	_ = 	snop  }
__scs_overlays_trampoline_lowered:
0x8: {  	[smem:$0x3FA6] =	sst s0  }
0x9: {  	[smem:$0x3FA7] =	sst s1  }
0xa: {  	[smem:$0x3FA8] =	sst s2  }
0xb: {  	[smem:$0x3FA9] =	sst s3  }
0xc: {  	[smem:$0x3FAA] =	sst s4  }
0xd: {  	[smem:$0x3FAB] =	sst s5  }
0xe: {  	[smem:$0x3FAC] =	sst s6  }
0xf: {  	[smem:$0x3FAD] =	sst s7  }
0x10: {  	[smem:$0x3FAE] =	sst s8  }
0x11: {  	[smem:$0x3FAF] =	sst s9;
	s0 =	simm.s32 @!p0 $0x0  }
0x12: {  	s1 =	sld [smem:$0x3F95];
	s0 =	simm.s32 @p0 $0x1  }
0x13: {  	[smem:$0x3FB0] =	sst s0;
	s0 =	simm.s32 @!p1 $0x0  }
0x14: {  	s2 =	sld [smem:$0x3F94];
	s0 =	simm.s32 @p1 $0x1  }
0x15: {  	[smem:$0x3FB1] =	sst s0;
	s0 =	simm.s32 @!p2 $0x0  }
0x16: {  	s3 =	sld [smem:$0x3FDB];
	s0 =	simm.s32 @p2 $0x1  }
0x17: {  	s4 =	simm.s32 $0x1BF5;
	[smem:$0x3FB3] =	sst s0  }
0x18: {  	s0 =	sld [smem:$0x3F96];
	_ =	swait.ge [sflag:s4], $0x0  }
0x19: {  	s7 =	sld [smem:$0x3F97]  }
0x1a: {  	s8 =	sadd.s32 $0xFFFFE003, lr  }
0x1b: {  	s9 =	sadd.s32 $0xFFFFFEF7, lr;
	s5 =	simm.s32 $0xFFFFFFFF;
	p2 =	slt.u32 s8, $0xFFFFF086  }
0x1c: {  	p1 =	slt.u32 s9, $0xF7A;
	s5 =	simm.s32 @!p2 $0x0  }
0x1d: {  	s5 =	simm.s32 @p1 $0x1;
	p0 =	seq.s32 s7, s2  }
0x1e: {  	s7 =	smul.u32 @!p0 $0xF7A, s2;
	p2 =	seq.s32 @!p0 s5, $0x0  }
0x1f: {  	s9 =	smul.u32 $0xF7A, s1;
	s8 =	simm.s32 @!p0 $0x1BF5;
	p2 =	por !p2, p0  }
0x20: {  	[sflag:s8] =	ssyncset.s32 @!p0 $0xFFFFF086;
	s6 =	sadd.s32 @!p0 s3, s7;
	s7 =	simm.s32 @!p0 $0x108  }
0x21: {  	s3 =	sadd.s32 s3, s9;
	s6 =	sadd.s32 @!p0 $0x88, s6;
	s7 =	simm.s32 @p2 $0x1082  }
0x22: {  	[simem:s7], [sflag:s8] =	dma.local @!p0 [hbm:s6], $0xF7A  }
0x23: {  	s9 =	sor.u32 $0xD0000000, s2;
	s6 =	simm.s32 $0x108;
	_ =	swait.ge @!p0 [sflag:s8], $0x0  }
0x24: {  	s3 =	sadd.s32 $0x88, s3;
	s6 =	simm.s32 @!p1 $0x1082;
	[sflag:s4] =	ssyncset.s32 $0xFFFFF086  }
0x25: {  	[simem:s6], [sflag:s4] =	dma.local [hbm:s3], $0xF7A  }
0x26: {  	[smem:$0x3F97] =	sst s1;
	(tag) =	ssettag s2;
	_ =	strace s9  }
0x27: {  	s1 =	sld [smem:$0x3FA7]  }
0x28: {  	s2 =	sld [smem:$0x3FA8]  }
0x29: {  	s4 =	sld [smem:$0x3FAA]  }
0x2a: {  	p0 =	seq.s32 s5, $0x0;
	s5 =	sld [smem:$0x3FAB]  }
0x2b: {  	s6 =	sld [smem:$0x3FAC]  }
0x2c: {  	s7 =	sld [smem:$0x3FAD]  }
0x2d: {  	s3 =	simm.s32 $0x108;
	s8 =	sld [smem:$0x3FAE]  }
0x2e: {  	s3 =	simm.s32 @!p0 $0x1082;
	s9 =	sld [smem:$0x3FAF]  }
0x2f: {  	lr =	sadd.s32 s0, s3;
	s0 =	sld [smem:$0x3FA6]  }
0x30: {  	s3 =	sld [smem:$0x3FA9]  }
0x31: {  	[smem:$0x3FB2] =	sst s10  }
0x32: {  	s10 =	sld [smem:$0x3FB0];
	_ =	sdelay $0x3  }
0x33: {  	p0 =	seq.s32 s10, $0x1;
	s10 =	sld [smem:$0x3FB2];
	_ =	sdelay $0x3  }
0x34: {  	[smem:$0x3FB2] =	sst s10  }
0x35: {  	s10 =	sld [smem:$0x3FB1];
	_ =	sdelay $0x3  }
0x36: {  	p1 =	seq.s32 s10, $0x1;
	s10 =	sld [smem:$0x3FB2];
	_ =	sdelay $0x3  }
0x37: {  	[smem:$0x3FB2] =	sst s10  }
0x38: {  	s10 =	sld [smem:$0x3FB3]  }
0x39: {  	_ = 	snop;
	(pc) =	sbr.ind lr, $3  }
0x3a: {  	_ = 	snop  }
0x3b: {  	_ = 	snop  }
0x3c: {  	p2 =	seq.s32 s10, $0x1;
	s10 =	sld [smem:$0x3FB2]  }
0x3d: {  	_ =	shalt  }
0x3e: {  	_ =	shalt  }
0x3f: {  	_ =	shalt  }
0x40: {  	_ =	shalt  }
0x41: {  	_ =	shalt  }
0x42: {  	_ =	shalt  }
0x43: {  	_ =	shalt  }
0x44: {  	_ =	shalt  }
0x45: {  	_ =	shalt  }
0x46: {  	_ =	shalt  }
0x47: {  	_ =	shalt  }
0x48: {  	_ =	shalt  }
0x49: {  	_ =	shalt  }
0x4a: {  	_ =	shalt  }
0x4b: {  	_ =	shalt  }
0x4c: {  	_ =	shalt  }
0x4d: {  	_ =	shalt  }
0x4e: {  	_ =	shalt  }
0x4f: {  	_ =	shalt  }
0x50: {  	_ =	shalt  }
0x51: {  	_ =	shalt  }
0x52: {  	_ =	shalt  }
0x53: {  	_ =	shalt  }
0x54: {  	_ =	shalt  }
0x55: {  	_ =	shalt  }
0x56: {  	_ =	shalt  }
0x57: {  	_ =	shalt  }
0x58: {  	_ =	shalt  }
0x59: {  	_ =	shalt  }
0x5a: {  	_ =	shalt  }
0x5b: {  	_ =	shalt  }
0x5c: {  	_ =	shalt  }
0x5d: {  	_ =	shalt  }
0x5e: {  	_ =	shalt  }
0x5f: {  	_ =	shalt  }
0x60: {  	_ =	shalt  }
0x61: {  	_ =	shalt  }
0x62: {  	_ =	shalt  }
0x63: {  	_ =	shalt  }
0x64: {  	_ =	shalt  }
0x65: {  	_ =	shalt  }
0x66: {  	_ =	shalt  }
0x67: {  	_ =	shalt  }
0x68: {  	_ =	shalt  }
0x69: {  	_ =	shalt  }
0x6a: {  	_ =	shalt  }
0x6b: {  	_ =	shalt  }
0x6c: {  	_ =	shalt  }
0x6d: {  	_ =	shalt  }
0x6e: {  	_ =	shalt  }
0x6f: {  	_ =	shalt  }
0x70: {  	_ =	shalt  }
0x71: {  	_ =	shalt  }
0x72: {  	_ =	shalt  }
0x73: {  	_ =	shalt  }
0x74: {  	_ =	shalt  }
0x75: {  	_ =	shalt  }
0x76: {  	_ =	shalt  }
0x77: {  	_ =	shalt  }
0x78: {  	_ =	shalt  }
0x79: {  	_ =	shalt  }
0x7a: {  	_ =	shalt  }
0x7b: {  	_ =	shalt  }
0x7c: {  	_ =	shalt  }
0x7d: {  	_ =	shalt  }
0x7e: {  	_ =	shalt  }
0x7f: {  	_ =	shalt  }
0x80: {  	_ =	shalt  }
0x81: {  	_ =	shalt  }
0x82: {  	_ =	shalt  }
0x83: {  	_ =	shalt  }
0x84: {  	_ =	shalt  }
0x85: {  	_ =	shalt  }
0x86: {  	_ =	shalt  }
0x87: {  	_ =	shalt  }
.Lfunc_end0:
.L_simem_size_0:
called_computation.3_lowered:
.L_overlay_start_0:
0x88: {  	s2 =	sld [smem:$0x3FD9]  }
0x89: {  	s3 =	sld [smem:$0x3FFE];
	_ =	sdelay $0x1  }
0x8a: {  	s1 =	srdreg.scid  }
0x8b: {  	s0 =	sand.u32 $0x1, s1  }
0x8c: {  	s16 =	sshll.u32 s0, $0xA;
	s2 =	sadd.s32 s3, s2  }
0x8d: {  	s2 =	sadd.s32 s2, s16  }
0x8e: {  	[smem:$0x3FBE] =	sst s2  }
0x8f: {  	_ = 	snop  }
0x90: {  	(tm) =	ssettm $0x1  }
0x91: {  	s17 =	sld [smem:$0x3FFB];
	_ =	sdelay $0x3  }
0x92: {  	_ =	strace s17  }
0x93: {  	s2 =	sld [smem:$0x3FFC];
	_ =	sdelay $0x3  }
0x94: {  	_ =	strace s2  }
0x95: {  	s2 =	sld [smem:$0x3FFD];
	_ =	sdelay $0x3  }
0x96: {  	_ =	strace s2  }
0x97: {  	_ =	strace $0x8FFFFFFF  }
0x98: {  	s18 =	sld [smem:$0x3FDB];
	_ =	sdelay $0x1  }
0x99: {  	s19 =	simm.s32 $_scs_section_size  }
0x9a: {  	s4 =	simm.s32 $_size__tile_overlayer_lowered;
	s5 =	simm.s32 $_tile_overlayer_lowered  }
0x9b: {  	s22 =	simm.s32 $0x1BFF;
	s21 =	sshll.u32 s5, $0x1;
	s2 =	sadd.s32 s19, s18  }
0x9c: {  	s6 =	simm.s32 $0x0;
	s20 =	sshll.u32 s4, $0x1;
	s4 =	sadd.s32 s21, s2  }
0x9d: {  	[timem:s6], [sflag:s22] =	dma.local [hbm:s4], s20  }
0x9e: {  	_ =	swait.ge [sflag:s22], s20  }
0x9f: {  	s3 =	ssub.s32 $0x0, s20;
	[sflag:s22] =	ssyncset.done $0x0  }
0xa0: {  	[sflag:s22] =	ssyncadd.s32 s3;
	_ =	sdelay $0x1  }
0xa1: {  	s23 =	simm.s32 $0x1B8B  }
0xa2: {  	_ =	swait.ge [sflag:s23], $0x1  }
0xa3: {  	[sflag:s23] =	ssyncset.done $0x0  }
0xa4: {  	s25 =	simm.s32 $0x1B8E;
	s24 =	sld [smem:$0x3FFE];
	[sflag:s23] =	ssyncadd.s32 $0xFFFFFFFF  }
0xa5: {  	s26 =	simm.s32 $execute0_lowered;
	[smem:$0x3FD2] =	sst s25  }
0xa6: {  	s4 =	sshll.u32 s26, $0x1;
	_ =	strace $0x8000004F;
	[dreg:$0x1] =	wrdreg $0xFFFFFFFF  }
0xa7: {  	s28 =	simm.s32 $_size_execute0_lowered;
	s2 =	sadd.s32 s2, s4;
	[dreg:$0x0] =	wrdreg $0x0  }
0xa8: {  	s4 =	sshll.u32 s28, $0x1;
	[dreg:$0x2] =	wrdreg s2  }
0xa9: {  	[dreg:$0x3] =	wrdreg s4  }
0xaa: {  	[dreg:$0x4] =	wrdreg $0xC0  }
0xab: {  	_ =	task [dreg:s6], $0x5FFFF  }
0xac: {  	[dreg:$0x1] =	wrdreg $0xFFFFFFFF  }
0xad: {  	[dreg:$0x0] =	wrdreg $0x60  }
0xae: {  	[dreg:$0x2] =	wrdreg s24  }
0xaf: {  	[dreg:$0x3] =	wrdreg $0x84000  }
0xb0: {  	[dreg:$0x4] =	wrdreg $0x9  }
0xb1: {  	_ =	task.clear_ibuf [dreg:s6], $0x5FFFF;
	_ =	strace $0x9000004F  }
0xb2: {  	s29 =	simm.s32 $0x9;
	_ =	strace $0x80000051  }
0xb3: {  	_ =	swait.ge [sflag:s29], $0x1  }
0xb4: {  	[sflag:s29] =	ssyncadd.s32 $0xFFFFFFFF  }
0xb5: {  	_ =	strace $0x90000051  }
0xb6: {  	_ =	sfence  }
0xb7: {  	s30 =	sld [smem:$0x0];
	_ =	sdelay $0x2  }
0xb8: {  	s31 =	sshll.u32 s1, $0xD;
	s1 =	sshrl.u32 s1, $0x2  }
0xb9: {  	s3 =	sand.u32 $0x4000, s31;
	s1 =	sadd.s32 s1, s30  }
0xba: {  	s0 =	sor.u32 s3, s0;
	s1 =	sshll.u32 s1, $0x11  }
0xbb: {  	s0 =	sor.u32 s1, s0  }
0xbc: {  	s0 =	sadd.s32 $0x8F2B, s0  }
0xbd: {  	[sflag:s0] =	ssyncadd.remote.s32 $0x1  }
0xbe: {  	_ =	sfence.sel $0xFFFF  }
0xbf: {  	[dreg:$0x0] =	wrdreg $0xFFFFFFFF;
	(pc) =	sbr.abs _section_cstart, $3  }
0xc0: {  	[dreg:$0x1] =	wrdreg $0xFFFFFFFF  }
0xc1: {  	_ =	task.clear_ibuf [dreg:s6], $0x2FFFF;
	_ =	strace $0x9FFFFFFF  }
0xc2: {  	(tm) =	ssettm $0x7FFFFFFF  }
0xc3: {  	_ =	shalt  }
tec
execute0_lowered:
.L_overlay_start_1:
0x0: {  	(tag) =	ssettag $0x1  }
0x1: {  	s0 =	srdreg.scid;
	s1 =	rddreg [dreg:$0x0]  }
0x2: {  	s9 =	stileid.u32;
	s2 =	rddreg [dreg:$0x1];
	s16 =	simm.s32 $0x400  }
0x3: {  	s17 =	simm.s32 $0x5;
	s18 =	simm.s32 $0x7D;
	s19 =	simm.s32 $0x100  }
0x4: {  	s20 =	simm.s32 $0x4400;
	s21 =	simm.s32 $0x200;
	s22 =	simm.s32 $0x4  }
0x5: {  	s28 =	simm.s32 $0x2;
	s29 =	simm.s32 $0x180;
	s30 =	simm.s32 $0x300  }
0x6: {  	s31 =	simm.s32 $0x280;
	s0 =	sand.u32 $0x1, s0;
	s5 =	smul.u32 $0x50000, s9  }
0x7: {  	p0 =	seq.s32 s9, $0xF;
	s3 =	sshll.u32 s0, $0x4;
	s7 =	smul.u32 $0x27100, s0  }
0x8: {  	s0 =	ssub.s32 $0x2, s0;
	s4 =	sor.u32 s9, s3;
	s3 =	simm.s32 $0x0  }
0x9: {  	s5 =	sshrl.u32 s5, $0x2;
	s8 =	sshrl.u32 s0, $0x1;
	s4 =	smul.u32 $0xA00, s4  }
0xa: {  	[smem:$0x7FF] =	sst s3;
	s5 =	sadd.s32 s5, s2;
	s0 =	ssub.s32 s0, s8  }
0xb: {  	_ =	strace $0x80000050;
	s23 =	sadd.s32 $0x2800, s5;
	s24 =	sadd.s32 $0x5000, s5  }
0xc: {  	s25 =	sadd.s32 $0x7800, s5;
	s26 =	sadd.s32 $0xA000, s5;
	s10 =	sadd.s32 $0xC800, s5  }
0xd: {  	s11 =	sadd.s32 $0xF000, s5;
	s12 =	sadd.s32 $0x11800, s5;
	[dreg:$0x3] =	wrdreg s23  }
0xe: {  	s15 =	smax.u32 s0, $0x1;
	s0 =	simm.s32 $0x380;
	[dreg:$0x4] =	wrdreg s24  }
0xf: {  	s6 =	sadd.s32 s4, s1;
	s4 =	sadd.s32 $0x17400, s1;
	[dreg:$0x5] =	wrdreg s25  }
0x10: {  	s1 =	sadd.s32 s7, s1;
	[dreg:$0x6] =	wrdreg s26;
	s13 =	sadd.s32 $0x3400, s6  }
0x11: {  	s14 =	sadd.s32 $0x3E600, s1;
	s1 =	smul.u32 $0x2800, s9;
	s6 =	sadd.s32 $0x12C000, s2  }
0x12: {  	s23 =	simm.s32 $0x1;
	s26 =	simm.s32 $0x80;
	s24 =	sshrl.u32 @p0 s6, $0x3  }
0x13: {  	v0 =	vimm.f32 $0.0e+00;
	s6 =	simm.s32 $0x0;
	s25 =	sadd.s32 @!p0 s1, s14;
	s1 =	simm.s32 $0x3  }
.LBB2_1:
0x14: {  	s7 =	simm.s32 $0x0;
	s8 =	simm.s32 $0x200  }
.LBB2_2:
0x15: {  	p1 =	sne.s32 s8, $0xF800;
	[tilespmem:s7+$0x470] =	vst v0  }
0x16: {  	[tilespmem:s7+$0x400] =	vst v0  }
0x17: {  	[tilespmem:s7+$0x410] =	vst v0  }
.Ltmp0:
0x18: {  	[tilespmem:s7+$0x420] =	vst v0;
	(pc) =	sbr.rel @p1 .LBB2_2-.Ltmp0, $4  }
0x19: {  	[tilespmem:s7+$0x430] =	vst v0  }
0x1a: {  	[tilespmem:s7+$0x440] =	vst v0  }
0x1b: {  	[tilespmem:s7+$0x450] =	vst v0  }
0x1c: {  	[tilespmem:s7+$0x460] =	vst v0;
	s7 =	sshra.s32 s8, $0x2;
	s8 =	sadd.s32 $0x200, s8  }
0x1d: {  	[tilespmem:s7+$0x470] =	vst v0  }
0x1e: {  	[tilespmem:s7+$0x400] =	vst v0  }
0x1f: {  	[tilespmem:s7+$0x410] =	vst v0  }
0x20: {  	[tilespmem:s7+$0x420] =	vst v0  }
0x21: {  	[tilespmem:s7+$0x430] =	vst v0  }
0x22: {  	[tilespmem:s7+$0x440] =	vst v0  }
0x23: {  	[tilespmem:s7+$0x450] =	vst v0  }
0x24: {  	[tilespmem:s7+$0x460] =	vst v0  }
0x25: {  	[spmem:s5] =	stream.linear.scatter [tilespmem:s16], [sflag:$0x5], $0x2800, $0x38;
	[tilespmem:$0x1BC80] =	vst v63  }
0x26: {  	_ =	swait.ge [sflag:s17], $0x2800  }
0x27: {  	[sflag:s17] =	ssyncset.done $0x0  }
0x28: {  	s8 =	rddreg [dreg:$0x3];
	[sflag:s17] =	ssyncadd.s32 $0xFFFFD800  }
0x29: {  	[spmem:s8] =	stream.linear.scatter [tilespmem:s16], [sflag:$0x5], $0x2800, $0x38;
	[tilespmem:$0x1BC80] =	vst v63  }
0x2a: {  	_ =	swait.ge [sflag:s17], $0x2800  }
0x2b: {  	[sflag:s17] =	ssyncset.done $0x0  }
0x2c: {  	s9 =	rddreg [dreg:$0x4];
	[sflag:s17] =	ssyncadd.s32 $0xFFFFD800  }
0x2d: {  	[spmem:s9] =	stream.linear.scatter [tilespmem:s16], [sflag:$0x5], $0x2800, $0x38;
	[tilespmem:$0x1BC80] =	vst v63  }
0x2e: {  	_ =	swait.ge [sflag:s17], $0x2800  }
0x2f: {  	[sflag:s17] =	ssyncset.done $0x0  }
0x30: {  	s8 =	rddreg [dreg:$0x5];
	[sflag:s17] =	ssyncadd.s32 $0xFFFFD800  }
0x31: {  	[spmem:s8] =	stream.linear.scatter [tilespmem:s16], [sflag:$0x5], $0x2800, $0x38;
	[tilespmem:$0x1BC80] =	vst v63  }
0x32: {  	_ =	swait.ge [sflag:s17], $0x2800  }
0x33: {  	[sflag:s17] =	ssyncset.done $0x0  }
0x34: {  	s9 =	rddreg [dreg:$0x6];
	[sflag:s17] =	ssyncadd.s32 $0xFFFFD800  }
0x35: {  	[spmem:s9] =	stream.linear.scatter [tilespmem:s16], [sflag:$0x5], $0x2800, $0x38;
	[tilespmem:$0x1BC80] =	vst v63  }
0x36: {  	_ =	swait.ge [sflag:s17], $0x2800  }
0x37: {  	[sflag:s17] =	ssyncset.done $0x0  }
0x38: {  	s7 =	simm.s32 @!p0 $0x400;
	s8 =	simm.s32 @!p0 $0x5;
	[sflag:s17] =	ssyncadd.s32 $0xFFFFD800  }
0x39: {  	[spmem:s10] =	stream.linear.scatter @!p0 [tilespmem:s7], [sflag:$0x5], $0x2800, $0x38;
	[tilespmem:$0x1BC80] =	vst v63  }
0x3a: {  	_ =	swait.ge @!p0 [sflag:s8], $0x2800  }
0x3b: {  	[sflag:s8] =	ssyncset.done @!p0 $0x0  }
0x3c: {  	[sflag:s8] =	ssyncadd.s32 @!p0 $0xFFFFD800  }
0x3d: {  	[spmem:s11] =	stream.linear.scatter @!p0 [tilespmem:s7], [sflag:$0x5], $0x2800, $0x38;
	[tilespmem:$0x1BC80] =	vst v63  }
0x3e: {  	_ =	swait.ge @!p0 [sflag:s8], $0x2800  }
0x3f: {  	[sflag:s8] =	ssyncset.done @!p0 $0x0  }
0x40: {  	[sflag:s8] =	ssyncadd.s32 @!p0 $0xFFFFD800  }
0x41: {  	[spmem:s12] =	stream.linear.scatter @!p0 [tilespmem:s7], [sflag:$0x5], $0x2800, $0x38;
	[tilespmem:$0x1BC80] =	vst v63  }
0x42: {  	_ =	swait.ge @!p0 [sflag:s8], $0x2800  }
0x43: {  	[sflag:s8] =	ssyncset.done @!p0 $0x0  }
0x44: {  	[sflag:s8] =	ssyncadd.s32 @!p0 $0xFFFFD800  }
0x45: {  	[bflag:$0x0] =	sbarrier.arrive $0xFFFF  }
0x46: {  	[tilespmem:s3], [sflag:$0x5] =	stream.linear.gather [hbm4b:s13+s3], $0x200, $0x38;
	[tilespmem:$0x1BC80] =	vst v63  }
0x47: {  	_ =	swait.ge [sflag:s17], $0x200  }
0x48: {  	[sflag:s17] =	ssyncset.done $0x0  }
0x49: {  	[sflag:s17] =	ssyncadd.s32 $0xFFFFFE00  }
0x4a: {  	[tilespmem:s16], [sflag:$0x1] =	stream.indirect.gather [hbm4b:s4+s18], $0x80, s3, s18, $0xb8;
	[tilespmem:$0x1BC80] =	vst v63  }
0x4b: {  	_ = 	snop  }
0x4c: {  	[tilespmem:s20], [sflag:$0x2] =	stream.indirect.gather [hbm4b:s4+s18], $0x80, s19, s18, $0xb8;
	[tilespmem:$0x1BC80] =	vst v63  }
0x4d: {  	s8 =	sadd.s32 $0x40, s13  }
0x4e: {  	[tilespmem:s21], [sflag:$0x4] =	stream.linear.gather [hbm4b:s8+s3], $0x200, $0x38;
	[tilespmem:$0x1BC80] =	vst v63  }
0x4f: {  	_ =	swait.ge [sflag:s22], $0x200  }
0x50: {  	[sflag:s22] =	ssyncset.done $0x0  }
0x51: {  	[sflag:s22] =	ssyncadd.s32 $0xFFFFFE00  }
0x52: {  	_ =	swait.ge [sflag:s23], $0x3E80  }
0x53: {  	[sflag:s23] =	ssyncset.done $0x0  }
0x54: {  	[sflag:s23] =	ssyncadd.s32 $0xFFFFC180  }
0x55: {  	[spmem:s2] =	stream.indirect.scatter.add.f32 [tilespmem:s16], [sflag:$0x5], $0x80, s26, s18, $0xb8;
	[tilespmem:$0x1BC80] =	vst v63  }
0x56: {  	_ =	swait.ge [sflag:s17], $0x3E80  }
0x57: {  	[sflag:s17] =	ssyncset.done $0x0  }
0x58: {  	[sflag:s17] =	ssyncadd.s32 $0xFFFFC180  }
0x59: {  	[tilespmem:s16], [sflag:$0x1] =	stream.indirect.gather [hbm4b:s4+s18], $0x80, s21, s18, $0xb8;
	[tilespmem:$0x1BC80] =	vst v63  }
0x5a: {  	_ =	swait.ge [sflag:s28], $0x3E80  }
0x5b: {  	[sflag:s28] =	ssyncset.done $0x0  }
0x5c: {  	[sflag:s28] =	ssyncadd.s32 $0xFFFFC180  }
0x5d: {  	[spmem:s2] =	stream.indirect.scatter.add.f32 [tilespmem:s20], [sflag:$0x5], $0x80, s29, s18, $0xb8;
	[tilespmem:$0x1BC80] =	vst v63  }
0x5e: {  	_ =	swait.ge [sflag:s17], $0x3E80  }
0x5f: {  	s7 =	sadd.s32 $0xFFFFF680, s13;
	[sflag:s17] =	ssyncset.done $0x0  }
0x60: {  	s9 =	sadd.s32 $0xA00, s7;
	[sflag:s17] =	ssyncadd.s32 $0xFFFFC180  }
0x61: {  	[tilespmem:s3], [sflag:$0x3] =	stream.linear.gather [hbm4b:s9+s3], $0x200, $0x38;
	[tilespmem:$0x1BC80] =	vst v63  }
0x62: {  	_ = 	snop  }
0x63: {  	[tilespmem:s20], [sflag:$0x2] =	stream.indirect.gather [hbm4b:s4+s18], $0x80, s30, s18, $0xb8;
	[tilespmem:$0x1BC80] =	vst v63  }
0x64: {  	_ =	swait.ge [sflag:s23], $0x3E80  }
0x65: {  	[sflag:s23] =	ssyncset.done $0x0  }
0x66: {  	[sflag:s23] =	ssyncadd.s32 $0xFFFFC180  }
0x67: {  	[spmem:s2] =	stream.indirect.scatter.add.f32 [tilespmem:s16], [sflag:$0x5], $0x80, s31, s18, $0xb8;
	[tilespmem:$0x1BC80] =	vst v63  }
0x68: {  	_ =	swait.ge [sflag:s17], $0x3E80  }
0x69: {  	[sflag:s17] =	ssyncset.done $0x0  }
0x6a: {  	[sflag:s17] =	ssyncadd.s32 $0xFFFFC180  }
0x6b: {  	_ =	swait.ge [sflag:s1], $0x200  }
0x6c: {  	[sflag:s1] =	ssyncset.done $0x0  }
0x6d: {  	[sflag:s1] =	ssyncadd.s32 $0xFFFFFE00  }
0x6e: {  	[tilespmem:s16], [sflag:$0x1] =	stream.indirect.gather [hbm4b:s4+s18], $0x80, s3, s18, $0xb8;
	[tilespmem:$0x1BC80] =	vst v63  }
0x6f: {  	_ =	swait.ge [sflag:s28], $0x3E80  }
0x70: {  	[sflag:s28] =	ssyncset.done $0x0  }
0x71: {  	[sflag:s28] =	ssyncadd.s32 $0xFFFFC180  }
0x72: {  	[spmem:s2] =	stream.indirect.scatter.add.f32 [tilespmem:s20], [sflag:$0x5], $0x80, s0, s18, $0xb8;
	[tilespmem:$0x1BC80] =	vst v63  }
0x73: {  	_ =	swait.ge [sflag:s17], $0x3E80  }
0x74: {  	[sflag:s17] =	ssyncset.done $0x0  }
0x75: {  	s7 =	sadd.s32 $0xA40, s7;
	[sflag:s17] =	ssyncadd.s32 $0xFFFFC180  }
0x76: {  	[tilespmem:s21], [sflag:$0x4] =	stream.linear.gather [hbm4b:s7+s3], $0x200, $0x38;
	[tilespmem:$0x1BC80] =	vst v63  }
0x77: {  	s7 =	simm.s32 $0xFFFFF700  }
.LBB2_4:
0x78: {  	[tilespmem:s20], [sflag:$0x2] =	stream.indirect.gather [hbm4b:s4+s18], $0x80, s19, s18, $0xb8;
	[tilespmem:$0x1BC80] =	vst v63  }
0x79: {  	s8 =	smov.u32 s7  }
0x7a: {  	p1 =	sne.s32 s7, $0xFFFFFF80;
	s7 =	sadd.s32 $0x80, s7;
	_ =	swait.ge [sflag:s22], $0x200  }
0x7b: {  	[sflag:s22] =	ssyncset.done $0x0  }
0x7c: {  	[sflag:s22] =	ssyncadd.s32 $0xFFFFFE00  }
0x7d: {  	_ =	swait.ge [sflag:s23], $0x3E80  }
0x7e: {  	[sflag:s23] =	ssyncset.done $0x0  }
0x7f: {  	[sflag:s23] =	ssyncadd.s32 $0xFFFFC180  }
0x80: {  	[spmem:s2] =	stream.indirect.scatter.add.f32 [tilespmem:s16], [sflag:$0x5], $0x80, s26, s18, $0xb8;
	[tilespmem:$0x1BC80] =	vst v63  }
0x81: {  	_ =	swait.ge [sflag:s17], $0x3E80  }
0x82: {  	[sflag:s17] =	ssyncset.done $0x0  }
0x83: {  	[sflag:s17] =	ssyncadd.s32 $0xFFFFC180  }
0x84: {  	[tilespmem:s16], [sflag:$0x1] =	stream.indirect.gather [hbm4b:s4+s18], $0x80, s21, s18, $0xb8;
	[tilespmem:$0x1BC80] =	vst v63  }
0x85: {  	_ =	swait.ge [sflag:s28], $0x3E80  }
0x86: {  	[sflag:s28] =	ssyncset.done $0x0  }
0x87: {  	[sflag:s28] =	ssyncadd.s32 $0xFFFFC180  }
0x88: {  	[spmem:s2] =	stream.indirect.scatter.add.f32 [tilespmem:s20], [sflag:$0x5], $0x80, s29, s18, $0xb8;
	[tilespmem:$0x1BC80] =	vst v63  }
0x89: {  	_ =	swait.ge [sflag:s17], $0x3E80  }
0x8a: {  	s8 =	sadd.s32 s8, s13;
	[sflag:s17] =	ssyncset.done $0x0  }
0x8b: {  	s9 =	sadd.s32 $0xA00, s8;
	[sflag:s17] =	ssyncadd.s32 $0xFFFFC180  }
0x8c: {  	[tilespmem:s3], [sflag:$0x3] =	stream.linear.gather [hbm4b:s9+s3], $0x200, $0x38;
	[tilespmem:$0x1BC80] =	vst v63  }
0x8d: {  	_ = 	snop  }
0x8e: {  	[tilespmem:s20], [sflag:$0x2] =	stream.indirect.gather [hbm4b:s4+s18], $0x80, s30, s18, $0xb8;
	[tilespmem:$0x1BC80] =	vst v63  }
0x8f: {  	_ =	swait.ge [sflag:s23], $0x3E80  }
0x90: {  	[sflag:s23] =	ssyncset.done $0x0  }
0x91: {  	[sflag:s23] =	ssyncadd.s32 $0xFFFFC180  }
0x92: {  	[spmem:s2] =	stream.indirect.scatter.add.f32 [tilespmem:s16], [sflag:$0x5], $0x80, s31, s18, $0xb8;
	[tilespmem:$0x1BC80] =	vst v63  }
0x93: {  	_ =	swait.ge [sflag:s17], $0x3E80  }
0x94: {  	[sflag:s17] =	ssyncset.done $0x0  }
0x95: {  	[sflag:s17] =	ssyncadd.s32 $0xFFFFC180  }
0x96: {  	_ =	swait.ge [sflag:s1], $0x200  }
0x97: {  	[sflag:s1] =	ssyncset.done $0x0  }
0x98: {  	[sflag:s1] =	ssyncadd.s32 $0xFFFFFE00  }
0x99: {  	[tilespmem:s16], [sflag:$0x1] =	stream.indirect.gather [hbm4b:s4+s18], $0x80, s3, s18, $0xb8;
	[tilespmem:$0x1BC80] =	vst v63  }
0x9a: {  	_ =	swait.ge [sflag:s28], $0x3E80  }
0x9b: {  	[sflag:s28] =	ssyncset.done $0x0  }
0x9c: {  	[sflag:s28] =	ssyncadd.s32 $0xFFFFC180  }
0x9d: {  	[spmem:s2] =	stream.indirect.scatter.add.f32 [tilespmem:s20], [sflag:$0x5], $0x80, s0, s18, $0xb8;
	[tilespmem:$0x1BC80] =	vst v63  }
.Ltmp1:
0x9e: {  	_ = 	snop;
	(pc) =	sbr.rel @p1 .LBB2_4-.Ltmp1, $4  }
0x9f: {  	_ =	swait.ge [sflag:s17], $0x3E80  }
0xa0: {  	[sflag:s17] =	ssyncset.done $0x0  }
0xa1: {  	s8 =	sadd.s32 $0xA40, s8;
	[sflag:s17] =	ssyncadd.s32 $0xFFFFC180  }
0xa2: {  	[tilespmem:s21], [sflag:$0x4] =	stream.linear.gather [hbm4b:s8+s3], $0x200, $0x38;
	[tilespmem:$0x1BC80] =	vst v63  }
0xa3: {  	[tilespmem:s20], [sflag:$0x2] =	stream.indirect.gather [hbm4b:s4+s18], $0x80, s19, s18, $0xb8;
	[tilespmem:$0x1BC80] =	vst v63  }
0xa4: {  	_ =	swait.ge [sflag:s22], $0x200  }
0xa5: {  	[sflag:s22] =	ssyncset.done $0x0  }
0xa6: {  	[sflag:s22] =	ssyncadd.s32 $0xFFFFFE00  }
0xa7: {  	_ =	swait.ge [sflag:s23], $0x3E80  }
0xa8: {  	[sflag:s23] =	ssyncset.done $0x0  }
0xa9: {  	[sflag:s23] =	ssyncadd.s32 $0xFFFFC180  }
0xaa: {  	[spmem:s2] =	stream.indirect.scatter.add.f32 [tilespmem:s16], [sflag:$0x5], $0x80, s26, s18, $0xb8;
	[tilespmem:$0x1BC80] =	vst v63  }
0xab: {  	_ =	swait.ge [sflag:s17], $0x3E80  }
0xac: {  	[sflag:s17] =	ssyncset.done $0x0  }
0xad: {  	[sflag:s17] =	ssyncadd.s32 $0xFFFFC180  }
0xae: {  	[tilespmem:s16], [sflag:$0x1] =	stream.indirect.gather [hbm4b:s4+s18], $0x80, s21, s18, $0xb8;
	[tilespmem:$0x1BC80] =	vst v63  }
0xaf: {  	_ =	swait.ge [sflag:s28], $0x3E80  }
0xb0: {  	[sflag:s28] =	ssyncset.done $0x0  }
0xb1: {  	[sflag:s28] =	ssyncadd.s32 $0xFFFFC180  }
0xb2: {  	[spmem:s2] =	stream.indirect.scatter.add.f32 [tilespmem:s20], [sflag:$0x5], $0x80, s29, s18, $0xb8;
	[tilespmem:$0x1BC80] =	vst v63  }
0xb3: {  	_ =	swait.ge [sflag:s17], $0x3E80  }
0xb4: {  	[sflag:s17] =	ssyncset.done $0x0  }
0xb5: {  	[sflag:s17] =	ssyncadd.s32 $0xFFFFC180  }
0xb6: {  	[tilespmem:s20], [sflag:$0x2] =	stream.indirect.gather [hbm4b:s4+s18], $0x80, s30, s18, $0xb8;
	[tilespmem:$0x1BC80] =	vst v63  }
0xb7: {  	_ =	swait.ge [sflag:s23], $0x3E80  }
0xb8: {  	[sflag:s23] =	ssyncset.done $0x0  }
0xb9: {  	[sflag:s23] =	ssyncadd.s32 $0xFFFFC180  }
0xba: {  	[spmem:s2] =	stream.indirect.scatter.add.f32 [tilespmem:s16], [sflag:$0x5], $0x80, s31, s18, $0xb8;
	[tilespmem:$0x1BC80] =	vst v63  }
0xbb: {  	_ =	swait.ge [sflag:s17], $0x3E80  }
0xbc: {  	[sflag:s17] =	ssyncset.done $0x0  }
0xbd: {  	[sflag:s17] =	ssyncadd.s32 $0xFFFFC180  }
0xbe: {  	_ =	swait.ge [sflag:s28], $0x3E80  }
0xbf: {  	[sflag:s28] =	ssyncset.done $0x0  }
0xc0: {  	[sflag:s28] =	ssyncadd.s32 $0xFFFFC180  }
0xc1: {  	[spmem:s2] =	stream.indirect.scatter.add.f32 [tilespmem:s20], [sflag:$0x5], $0x80, s0, s18, $0xb8;
	[tilespmem:$0x1BC80] =	vst v63  }
0xc2: {  	_ =	swait.ge [sflag:s17], $0x3E80  }
0xc3: {  	[sflag:s17] =	ssyncset.done $0x0  }
0xc4: {  	[sflag:s17] =	ssyncadd.s32 $0xFFFFC180  }
0xc5: {  	s7 =	sadd.s32 @p0 $0x25800, s14;
	s8 =	simm.s32 @p0 $0x1FC5;
	[bflag:$0x0] =	sbarrier.arrive $0xFFFF  }
0xc6: {  	[hbm:s7], [sflag:s8] =	dma.local @p0 [spmem:s24], $0x1900  }
0xc7: {  	s7 =	simm.s32 @p0 $0x5  }
0xc8: {  	s6 =	sadd.s32 $0x1, s6;
	s8 =	stileid.u32;
	_ =	swait.ge @p0 [sflag:s7], $0x1900  }
0xc9: {  	p1 =	sne.s32 s6, s15;
	s8 =	sshll.u32 @!p0 s8, $0x6;
	[sflag:s7] =	ssyncset.done @p0 $0x0  }
0xca: {  	[sflag:s7] =	ssyncadd.s32 @p0 $0xFFFFE700;
	s7 =	sor.u32 @!p0 $0x1C05, s8;
	s8 =	sshrl.u32 @!p0 s5, $0x3  }
0xcb: {  	[hbm:s25], [sflag:s7] =	dma.local @!p0 [spmem:s8], $0x2800  }
.Ltmp2:
0xcc: {  	_ = 	snop;
	(pc) =	sbr.rel @p1 .LBB2_1-.Ltmp2, $4  }
0xcd: {  	s7 =	simm.s32 @!p0 $0x5  }
0xce: {  	_ =	swait.ge @!p0 [sflag:s7], $0x2800  }
0xcf: {  	[sflag:s7] =	ssyncset.done @!p0 $0x0  }
0xd0: {  	[sflag:s7] =	ssyncadd.s32 @!p0 $0xFFFFD800  }
0xd1: {  	_ =	sfence.sel $0x180000  }
0xd2: {  	[bflag:$0x0] =	sbarrier.arrive $0xFFFF  }
0xd3: {  	_ =	strace $0x90000050  }
0xd4: {  	s0 =	stileid.u32;
	[bflag:$0x2] =	sbarrier.arrive $0xFFFF  }
0xd5: {  	p0 =	sne.s32 s0, $0x0;
	s0 =	rddreg [dreg:$0x2]  }
0xd6: {  	s0 =	sadd.s32 @!p0 $0x100000, s0  }
0xd7: {  	[sflag:s0] =	ssyncadd.tile.s32 @!p0 $0x1;
	_ =	shalt  }
.Lfunc_end2:
_tile_overlayer_lowered:
.L_overlay_start_2:
0xd8: {  	(tag) =	ssettag $0x2  }
0xd9: {  	s0 =	rddreg [dreg:$0x0];
	s2 =	stileid.u32  }
0xda: {  	s1 =	rddreg [dreg:$0x1];
	p0 =	sne.s32 s2, $0x0  }
0xdb: {  	s3 =	rddreg [dreg:$0x2];
	[bflag:$0x3] =	sbarrier.arrive $0xFFFF;
	s2 =	simm.s32 @!p0 $0x1C05  }
0xdc: {  	[timem:s3], [sflag:s2] =	dma.local @!p0 [hbm:s0], s1  }
0xdd: {  	s0 =	simm.s32 @!p0 $0x5  }
0xde: {  	_ =	swait.ge @!p0 [sflag:s0], s1  }
0xdf: {  	s1 =	ssub.s32 @!p0 $0x0, s1;
	[sflag:s0] =	ssyncset.done @!p0 $0x0  }
0xe0: {  	[sflag:s0] =	ssyncadd.s32 @!p0 s1  }
0xe1: {  	[bflag:$0x3] =	sbarrier.arrive $0xFFFF  }
0xe2: {  	_ =	shalt  }

// kernel: sc_prop128.5.cloned.1.call-start
scs
__scs_entry_jumppad:
0x0: {  	(pc) =	sbr.rel $0x88, $3  }
0x1: {  	(tag) =	ssettag $0x0;
	lr =	simm.s32 $0x1  }
0x2: {  	[smem:$0x3F97] =	sst lr;
	_ =	strace $0xD0000000  }
0x3: {  	_ = 	snop  }
0x4: {  	_ = 	snop  }
0x5: {  	_ = 	snop  }
0x6: {  	_ = 	snop  }
0x7: {  	_ = 	snop  }
__scs_overlays_trampoline_lowered:
0x8: {  	[smem:$0x3FA6] =	sst s0  }
0x9: {  	[smem:$0x3FA7] =	sst s1  }
0xa: {  	[smem:$0x3FA8] =	sst s2  }
0xb: {  	[smem:$0x3FA9] =	sst s3  }
0xc: {  	[smem:$0x3FAA] =	sst s4  }
0xd: {  	[smem:$0x3FAB] =	sst s5  }
0xe: {  	[smem:$0x3FAC] =	sst s6  }
0xf: {  	[smem:$0x3FAD] =	sst s7  }
0x10: {  	[smem:$0x3FAE] =	sst s8  }
0x11: {  	[smem:$0x3FAF] =	sst s9;
	s0 =	simm.s32 @!p0 $0x0  }
0x12: {  	s1 =	sld [smem:$0x3F95];
	s0 =	simm.s32 @p0 $0x1  }
0x13: {  	[smem:$0x3FB0] =	sst s0;
	s0 =	simm.s32 @!p1 $0x0  }
0x14: {  	s2 =	sld [smem:$0x3F94];
	s0 =	simm.s32 @p1 $0x1  }
0x15: {  	[smem:$0x3FB1] =	sst s0;
	s0 =	simm.s32 @!p2 $0x0  }
0x16: {  	s3 =	sld [smem:$0x3FDB];
	s0 =	simm.s32 @p2 $0x1  }
0x17: {  	s4 =	simm.s32 $0x1BF5;
	[smem:$0x3FB3] =	sst s0  }
0x18: {  	s0 =	sld [smem:$0x3F96];
	_ =	swait.ge [sflag:s4], $0x0  }
0x19: {  	s7 =	sld [smem:$0x3F97]  }
0x1a: {  	s8 =	sadd.s32 $0xFFFFE003, lr  }
0x1b: {  	s9 =	sadd.s32 $0xFFFFFEF7, lr;
	s5 =	simm.s32 $0xFFFFFFFF;
	p2 =	slt.u32 s8, $0xFFFFF086  }
0x1c: {  	p1 =	slt.u32 s9, $0xF7A;
	s5 =	simm.s32 @!p2 $0x0  }
0x1d: {  	s5 =	simm.s32 @p1 $0x1;
	p0 =	seq.s32 s7, s2  }
0x1e: {  	s7 =	smul.u32 @!p0 $0xF7A, s2;
	p2 =	seq.s32 @!p0 s5, $0x0  }
0x1f: {  	s9 =	smul.u32 $0xF7A, s1;
	s8 =	simm.s32 @!p0 $0x1BF5;
	p2 =	por !p2, p0  }
0x20: {  	[sflag:s8] =	ssyncset.s32 @!p0 $0xFFFFF086;
	s6 =	sadd.s32 @!p0 s3, s7;
	s7 =	simm.s32 @!p0 $0x108  }
0x21: {  	s3 =	sadd.s32 s3, s9;
	s6 =	sadd.s32 @!p0 $0x88, s6;
	s7 =	simm.s32 @p2 $0x1082  }
0x22: {  	[simem:s7], [sflag:s8] =	dma.local @!p0 [hbm:s6], $0xF7A  }
0x23: {  	s9 =	sor.u32 $0xD0000000, s2;
	s6 =	simm.s32 $0x108;
	_ =	swait.ge @!p0 [sflag:s8], $0x0  }
0x24: {  	s3 =	sadd.s32 $0x88, s3;
	s6 =	simm.s32 @!p1 $0x1082;
	[sflag:s4] =	ssyncset.s32 $0xFFFFF086  }
0x25: {  	[simem:s6], [sflag:s4] =	dma.local [hbm:s3], $0xF7A  }
0x26: {  	[smem:$0x3F97] =	sst s1;
	(tag) =	ssettag s2;
	_ =	strace s9  }
0x27: {  	s1 =	sld [smem:$0x3FA7]  }
0x28: {  	s2 =	sld [smem:$0x3FA8]  }
0x29: {  	s4 =	sld [smem:$0x3FAA]  }
0x2a: {  	p0 =	seq.s32 s5, $0x0;
	s5 =	sld [smem:$0x3FAB]  }
0x2b: {  	s6 =	sld [smem:$0x3FAC]  }
0x2c: {  	s7 =	sld [smem:$0x3FAD]  }
0x2d: {  	s3 =	simm.s32 $0x108;
	s8 =	sld [smem:$0x3FAE]  }
0x2e: {  	s3 =	simm.s32 @!p0 $0x1082;
	s9 =	sld [smem:$0x3FAF]  }
0x2f: {  	lr =	sadd.s32 s0, s3;
	s0 =	sld [smem:$0x3FA6]  }
0x30: {  	s3 =	sld [smem:$0x3FA9]  }
0x31: {  	[smem:$0x3FB2] =	sst s10  }
0x32: {  	s10 =	sld [smem:$0x3FB0];
	_ =	sdelay $0x3  }
0x33: {  	p0 =	seq.s32 s10, $0x1;
	s10 =	sld [smem:$0x3FB2];
	_ =	sdelay $0x3  }
0x34: {  	[smem:$0x3FB2] =	sst s10  }
0x35: {  	s10 =	sld [smem:$0x3FB1];
	_ =	sdelay $0x3  }
0x36: {  	p1 =	seq.s32 s10, $0x1;
	s10 =	sld [smem:$0x3FB2];
	_ =	sdelay $0x3  }
0x37: {  	[smem:$0x3FB2] =	sst s10  }
0x38: {  	s10 =	sld [smem:$0x3FB3]  }
0x39: {  	_ = 	snop;
	(pc) =	sbr.ind lr, $3  }
0x3a: {  	_ = 	snop  }
0x3b: {  	_ = 	snop  }
0x3c: {  	p2 =	seq.s32 s10, $0x1;
	s10 =	sld [smem:$0x3FB2]  }
0x3d: {  	_ =	shalt  }
0x3e: {  	_ =	shalt  }
0x3f: {  	_ =	shalt  }
0x40: {  	_ =	shalt  }
0x41: {  	_ =	shalt  }
0x42: {  	_ =	shalt  }
0x43: {  	_ =	shalt  }
0x44: {  	_ =	shalt  }
0x45: {  	_ =	shalt  }
0x46: {  	_ =	shalt  }
0x47: {  	_ =	shalt  }
0x48: {  	_ =	shalt  }
0x49: {  	_ =	shalt  }
0x4a: {  	_ =	shalt  }
0x4b: {  	_ =	shalt  }
0x4c: {  	_ =	shalt  }
0x4d: {  	_ =	shalt  }
0x4e: {  	_ =	shalt  }
0x4f: {  	_ =	shalt  }
0x50: {  	_ =	shalt  }
0x51: {  	_ =	shalt  }
0x52: {  	_ =	shalt  }
0x53: {  	_ =	shalt  }
0x54: {  	_ =	shalt  }
0x55: {  	_ =	shalt  }
0x56: {  	_ =	shalt  }
0x57: {  	_ =	shalt  }
0x58: {  	_ =	shalt  }
0x59: {  	_ =	shalt  }
0x5a: {  	_ =	shalt  }
0x5b: {  	_ =	shalt  }
0x5c: {  	_ =	shalt  }
0x5d: {  	_ =	shalt  }
0x5e: {  	_ =	shalt  }
0x5f: {  	_ =	shalt  }
0x60: {  	_ =	shalt  }
0x61: {  	_ =	shalt  }
0x62: {  	_ =	shalt  }
0x63: {  	_ =	shalt  }
0x64: {  	_ =	shalt  }
0x65: {  	_ =	shalt  }
0x66: {  	_ =	shalt  }
0x67: {  	_ =	shalt  }
0x68: {  	_ =	shalt  }
0x69: {  	_ =	shalt  }
0x6a: {  	_ =	shalt  }
0x6b: {  	_ =	shalt  }
0x6c: {  	_ =	shalt  }
0x6d: {  	_ =	shalt  }
0x6e: {  	_ =	shalt  }
0x6f: {  	_ =	shalt  }
0x70: {  	_ =	shalt  }
0x71: {  	_ =	shalt  }
0x72: {  	_ =	shalt  }
0x73: {  	_ =	shalt  }
0x74: {  	_ =	shalt  }
0x75: {  	_ =	shalt  }
0x76: {  	_ =	shalt  }
0x77: {  	_ =	shalt  }
0x78: {  	_ =	shalt  }
0x79: {  	_ =	shalt  }
0x7a: {  	_ =	shalt  }
0x7b: {  	_ =	shalt  }
0x7c: {  	_ =	shalt  }
0x7d: {  	_ =	shalt  }
0x7e: {  	_ =	shalt  }
0x7f: {  	_ =	shalt  }
0x80: {  	_ =	shalt  }
0x81: {  	_ =	shalt  }
0x82: {  	_ =	shalt  }
0x83: {  	_ =	shalt  }
0x84: {  	_ =	shalt  }
0x85: {  	_ =	shalt  }
0x86: {  	_ =	shalt  }
0x87: {  	_ =	shalt  }
.Lfunc_end0:
.L_simem_size_0:
called_computation.1_lowered:
.L_overlay_start_0:
0x88: {  	s2 =	sld [smem:$0x3FD9]  }
0x89: {  	s3 =	sld [smem:$0x3FFE];
	_ =	sdelay $0x1  }
0x8a: {  	s1 =	srdreg.scid  }
0x8b: {  	s0 =	sand.u32 $0x1, s1  }
0x8c: {  	s16 =	sshll.u32 s0, $0xA;
	s2 =	sadd.s32 s3, s2  }
0x8d: {  	s2 =	sadd.s32 s2, s16  }
0x8e: {  	[smem:$0x3FBE] =	sst s2  }
0x8f: {  	_ = 	snop  }
0x90: {  	(tm) =	ssettm $0x1  }
0x91: {  	s17 =	sld [smem:$0x3FFB];
	_ =	sdelay $0x3  }
0x92: {  	_ =	strace s17  }
0x93: {  	s2 =	sld [smem:$0x3FFC];
	_ =	sdelay $0x3  }
0x94: {  	_ =	strace s2  }
0x95: {  	s2 =	sld [smem:$0x3FFD];
	_ =	sdelay $0x3  }
0x96: {  	_ =	strace s2  }
0x97: {  	_ =	strace $0x8FFFFFFF  }
0x98: {  	s18 =	sld [smem:$0x3FDB];
	_ =	sdelay $0x1  }
0x99: {  	s19 =	simm.s32 $_scs_section_size  }
0x9a: {  	s4 =	simm.s32 $_size__tile_overlayer_lowered;
	s5 =	simm.s32 $_tile_overlayer_lowered  }
0x9b: {  	s22 =	simm.s32 $0x1BFF;
	s21 =	sshll.u32 s5, $0x1;
	s2 =	sadd.s32 s19, s18  }
0x9c: {  	s6 =	simm.s32 $0x0;
	s20 =	sshll.u32 s4, $0x1;
	s4 =	sadd.s32 s21, s2  }
0x9d: {  	[timem:s6], [sflag:s22] =	dma.local [hbm:s4], s20  }
0x9e: {  	_ =	swait.ge [sflag:s22], s20  }
0x9f: {  	s3 =	ssub.s32 $0x0, s20;
	[sflag:s22] =	ssyncset.done $0x0  }
0xa0: {  	[sflag:s22] =	ssyncadd.s32 s3;
	_ =	sdelay $0x1  }
0xa1: {  	s23 =	simm.s32 $0x1B8B  }
0xa2: {  	_ =	swait.ge [sflag:s23], $0x1  }
0xa3: {  	[sflag:s23] =	ssyncset.done $0x0  }
0xa4: {  	s25 =	simm.s32 $0x1B8E;
	s24 =	sld [smem:$0x3FFE];
	[sflag:s23] =	ssyncadd.s32 $0xFFFFFFFF  }
0xa5: {  	s26 =	simm.s32 $execute0_lowered;
	[smem:$0x3FD2] =	sst s25  }
0xa6: {  	s4 =	sshll.u32 s26, $0x1;
	_ =	strace $0x80000049;
	[dreg:$0x1] =	wrdreg $0xFFFFFFFF  }
0xa7: {  	s28 =	simm.s32 $_size_execute0_lowered;
	s2 =	sadd.s32 s2, s4;
	[dreg:$0x0] =	wrdreg $0x0  }
0xa8: {  	s4 =	sshll.u32 s28, $0x1;
	[dreg:$0x2] =	wrdreg s2  }
0xa9: {  	[dreg:$0x3] =	wrdreg s4  }
0xaa: {  	[dreg:$0x4] =	wrdreg $0xC0  }
0xab: {  	_ =	task [dreg:s6], $0x5FFFF  }
0xac: {  	[dreg:$0x1] =	wrdreg $0xFFFFFFFF  }
0xad: {  	[dreg:$0x0] =	wrdreg $0x60  }
0xae: {  	[dreg:$0x2] =	wrdreg s24  }
0xaf: {  	[dreg:$0x3] =	wrdreg $0x84000  }
0xb0: {  	[dreg:$0x4] =	wrdreg $0x9  }
0xb1: {  	_ =	task.clear_ibuf [dreg:s6], $0x5FFFF;
	_ =	strace $0x90000049  }
0xb2: {  	s29 =	simm.s32 $0x9;
	_ =	strace $0x8000004B  }
0xb3: {  	_ =	swait.ge [sflag:s29], $0x1  }
0xb4: {  	[sflag:s29] =	ssyncadd.s32 $0xFFFFFFFF  }
0xb5: {  	_ =	strace $0x9000004B  }
0xb6: {  	_ =	sfence  }
0xb7: {  	s30 =	sld [smem:$0x0];
	_ =	sdelay $0x2  }
0xb8: {  	s31 =	sshll.u32 s1, $0xD;
	s1 =	sshrl.u32 s1, $0x2  }
0xb9: {  	s3 =	sand.u32 $0x4000, s31;
	s1 =	sadd.s32 s1, s30  }
0xba: {  	s0 =	sor.u32 s3, s0;
	s1 =	sshll.u32 s1, $0x11  }
0xbb: {  	s0 =	sor.u32 s1, s0  }
0xbc: {  	s0 =	sadd.s32 $0x8F2B, s0  }
0xbd: {  	[sflag:s0] =	ssyncadd.remote.s32 $0x1  }
0xbe: {  	_ =	sfence.sel $0xFFFF  }
0xbf: {  	[dreg:$0x0] =	wrdreg $0xFFFFFFFF;
	(pc) =	sbr.abs _section_cstart, $3  }
0xc0: {  	[dreg:$0x1] =	wrdreg $0xFFFFFFFF  }
0xc1: {  	_ =	task.clear_ibuf [dreg:s6], $0x2FFFF;
	_ =	strace $0x9FFFFFFF  }
0xc2: {  	(tm) =	ssettm $0x7FFFFFFF  }
0xc3: {  	_ =	shalt  }
tec
execute0_lowered:
.L_overlay_start_1:
0x0: {  	(tag) =	ssettag $0x1  }
0x1: {  	s0 =	srdreg.scid;
	s1 =	rddreg [dreg:$0x0]  }
0x2: {  	s9 =	stileid.u32;
	s2 =	rddreg [dreg:$0x1];
	s16 =	simm.s32 $0x400  }
0x3: {  	s17 =	simm.s32 $0x5;
	s18 =	simm.s32 $0x7D;
	s19 =	simm.s32 $0x100  }
0x4: {  	s20 =	simm.s32 $0x4400;
	s21 =	simm.s32 $0x200;
	s22 =	simm.s32 $0x4  }
0x5: {  	s28 =	simm.s32 $0x2;
	s29 =	simm.s32 $0x180;
	s30 =	simm.s32 $0x300  }
0x6: {  	s31 =	simm.s32 $0x280;
	s0 =	sand.u32 $0x1, s0;
	s5 =	smul.u32 $0x50000, s9  }
0x7: {  	p0 =	seq.s32 s9, $0xF;
	s3 =	sshll.u32 s0, $0x4;
	s7 =	smul.u32 $0x27100, s0  }
0x8: {  	s0 =	ssub.s32 $0x2, s0;
	s4 =	sor.u32 s9, s3;
	s3 =	simm.s32 $0x0  }
0x9: {  	s5 =	sshrl.u32 s5, $0x2;
	s8 =	sshrl.u32 s0, $0x1;
	s4 =	smul.u32 $0xA00, s4  }
0xa: {  	[smem:$0x7FF] =	sst s3;
	s5 =	sadd.s32 s5, s2;
	s0 =	ssub.s32 s0, s8  }
0xb: {  	_ =	strace $0x8000004A;
	s23 =	sadd.s32 $0x2800, s5;
	s24 =	sadd.s32 $0x5000, s5  }
0xc: {  	s25 =	sadd.s32 $0x7800, s5;
	s26 =	sadd.s32 $0xA000, s5;
	s10 =	sadd.s32 $0xC800, s5  }
0xd: {  	s11 =	sadd.s32 $0xF000, s5;
	s12 =	sadd.s32 $0x11800, s5;
	[dreg:$0x3] =	wrdreg s23  }
0xe: {  	s15 =	smax.u32 s0, $0x1;
	s0 =	simm.s32 $0x380;
	[dreg:$0x4] =	wrdreg s24  }
0xf: {  	s6 =	sadd.s32 s4, s1;
	s4 =	sadd.s32 $0x17400, s1;
	[dreg:$0x5] =	wrdreg s25  }
0x10: {  	s1 =	sadd.s32 s7, s1;
	[dreg:$0x6] =	wrdreg s26;
	s13 =	sadd.s32 $0x3400, s6  }
0x11: {  	s14 =	sadd.s32 $0x3E600, s1;
	s1 =	smul.u32 $0x2800, s9;
	s6 =	sadd.s32 $0x12C000, s2  }
0x12: {  	s23 =	simm.s32 $0x1;
	s26 =	simm.s32 $0x80;
	s24 =	sshrl.u32 @p0 s6, $0x3  }
0x13: {  	v0 =	vimm.f32 $0.0e+00;
	s6 =	simm.s32 $0x0;
	s25 =	sadd.s32 @!p0 s1, s14;
	s1 =	simm.s32 $0x3  }
.LBB2_1:
0x14: {  	s7 =	simm.s32 $0x0;
	s8 =	simm.s32 $0x200  }
.LBB2_2:
0x15: {  	p1 =	sne.s32 s8, $0xF800;
	[tilespmem:s7+$0x470] =	vst v0  }
0x16: {  	[tilespmem:s7+$0x400] =	vst v0  }
0x17: {  	[tilespmem:s7+$0x410] =	vst v0  }
.Ltmp0:
0x18: {  	[tilespmem:s7+$0x420] =	vst v0;
	(pc) =	sbr.rel @p1 .LBB2_2-.Ltmp0, $4  }
0x19: {  	[tilespmem:s7+$0x430] =	vst v0  }
0x1a: {  	[tilespmem:s7+$0x440] =	vst v0  }
0x1b: {  	[tilespmem:s7+$0x450] =	vst v0  }
0x1c: {  	[tilespmem:s7+$0x460] =	vst v0;
	s7 =	sshra.s32 s8, $0x2;
	s8 =	sadd.s32 $0x200, s8  }
0x1d: {  	[tilespmem:s7+$0x470] =	vst v0  }
0x1e: {  	[tilespmem:s7+$0x400] =	vst v0  }
0x1f: {  	[tilespmem:s7+$0x410] =	vst v0  }
0x20: {  	[tilespmem:s7+$0x420] =	vst v0  }
0x21: {  	[tilespmem:s7+$0x430] =	vst v0  }
0x22: {  	[tilespmem:s7+$0x440] =	vst v0  }
0x23: {  	[tilespmem:s7+$0x450] =	vst v0  }
0x24: {  	[tilespmem:s7+$0x460] =	vst v0  }
0x25: {  	[spmem:s5] =	stream.linear.scatter [tilespmem:s16], [sflag:$0x5], $0x2800, $0x38;
	[tilespmem:$0x1BC80] =	vst v63  }
0x26: {  	_ =	swait.ge [sflag:s17], $0x2800  }
0x27: {  	[sflag:s17] =	ssyncset.done $0x0  }
0x28: {  	s8 =	rddreg [dreg:$0x3];
	[sflag:s17] =	ssyncadd.s32 $0xFFFFD800  }
0x29: {  	[spmem:s8] =	stream.linear.scatter [tilespmem:s16], [sflag:$0x5], $0x2800, $0x38;
	[tilespmem:$0x1BC80] =	vst v63  }
0x2a: {  	_ =	swait.ge [sflag:s17], $0x2800  }
0x2b: {  	[sflag:s17] =	ssyncset.done $0x0  }
0x2c: {  	s9 =	rddreg [dreg:$0x4];
	[sflag:s17] =	ssyncadd.s32 $0xFFFFD800  }
0x2d: {  	[spmem:s9] =	stream.linear.scatter [tilespmem:s16], [sflag:$0x5], $0x2800, $0x38;
	[tilespmem:$0x1BC80] =	vst v63  }
0x2e: {  	_ =	swait.ge [sflag:s17], $0x2800  }
0x2f: {  	[sflag:s17] =	ssyncset.done $0x0  }
0x30: {  	s8 =	rddreg [dreg:$0x5];
	[sflag:s17] =	ssyncadd.s32 $0xFFFFD800  }
0x31: {  	[spmem:s8] =	stream.linear.scatter [tilespmem:s16], [sflag:$0x5], $0x2800, $0x38;
	[tilespmem:$0x1BC80] =	vst v63  }
0x32: {  	_ =	swait.ge [sflag:s17], $0x2800  }
0x33: {  	[sflag:s17] =	ssyncset.done $0x0  }
0x34: {  	s9 =	rddreg [dreg:$0x6];
	[sflag:s17] =	ssyncadd.s32 $0xFFFFD800  }
0x35: {  	[spmem:s9] =	stream.linear.scatter [tilespmem:s16], [sflag:$0x5], $0x2800, $0x38;
	[tilespmem:$0x1BC80] =	vst v63  }
0x36: {  	_ =	swait.ge [sflag:s17], $0x2800  }
0x37: {  	[sflag:s17] =	ssyncset.done $0x0  }
0x38: {  	s7 =	simm.s32 @!p0 $0x400;
	s8 =	simm.s32 @!p0 $0x5;
	[sflag:s17] =	ssyncadd.s32 $0xFFFFD800  }
0x39: {  	[spmem:s10] =	stream.linear.scatter @!p0 [tilespmem:s7], [sflag:$0x5], $0x2800, $0x38;
	[tilespmem:$0x1BC80] =	vst v63  }
0x3a: {  	_ =	swait.ge @!p0 [sflag:s8], $0x2800  }
0x3b: {  	[sflag:s8] =	ssyncset.done @!p0 $0x0  }
0x3c: {  	[sflag:s8] =	ssyncadd.s32 @!p0 $0xFFFFD800  }
0x3d: {  	[spmem:s11] =	stream.linear.scatter @!p0 [tilespmem:s7], [sflag:$0x5], $0x2800, $0x38;
	[tilespmem:$0x1BC80] =	vst v63  }
0x3e: {  	_ =	swait.ge @!p0 [sflag:s8], $0x2800  }
0x3f: {  	[sflag:s8] =	ssyncset.done @!p0 $0x0  }
0x40: {  	[sflag:s8] =	ssyncadd.s32 @!p0 $0xFFFFD800  }
0x41: {  	[spmem:s12] =	stream.linear.scatter @!p0 [tilespmem:s7], [sflag:$0x5], $0x2800, $0x38;
	[tilespmem:$0x1BC80] =	vst v63  }
0x42: {  	_ =	swait.ge @!p0 [sflag:s8], $0x2800  }
0x43: {  	[sflag:s8] =	ssyncset.done @!p0 $0x0  }
0x44: {  	[sflag:s8] =	ssyncadd.s32 @!p0 $0xFFFFD800  }
0x45: {  	[bflag:$0x0] =	sbarrier.arrive $0xFFFF  }
0x46: {  	[tilespmem:s3], [sflag:$0x5] =	stream.linear.gather [hbm4b:s13+s3], $0x200, $0x38;
	[tilespmem:$0x1BC80] =	vst v63  }
0x47: {  	_ =	swait.ge [sflag:s17], $0x200  }
0x48: {  	[sflag:s17] =	ssyncset.done $0x0  }
0x49: {  	[sflag:s17] =	ssyncadd.s32 $0xFFFFFE00  }
0x4a: {  	[tilespmem:s16], [sflag:$0x1] =	stream.indirect.gather [hbm4b:s4+s18], $0x80, s3, s18, $0xb8;
	[tilespmem:$0x1BC80] =	vst v63  }
0x4b: {  	_ = 	snop  }
0x4c: {  	[tilespmem:s20], [sflag:$0x2] =	stream.indirect.gather [hbm4b:s4+s18], $0x80, s19, s18, $0xb8;
	[tilespmem:$0x1BC80] =	vst v63  }
0x4d: {  	s8 =	sadd.s32 $0x40, s13  }
0x4e: {  	[tilespmem:s21], [sflag:$0x4] =	stream.linear.gather [hbm4b:s8+s3], $0x200, $0x38;
	[tilespmem:$0x1BC80] =	vst v63  }
0x4f: {  	_ =	swait.ge [sflag:s22], $0x200  }
0x50: {  	[sflag:s22] =	ssyncset.done $0x0  }
0x51: {  	[sflag:s22] =	ssyncadd.s32 $0xFFFFFE00  }
0x52: {  	_ =	swait.ge [sflag:s23], $0x3E80  }
0x53: {  	[sflag:s23] =	ssyncset.done $0x0  }
0x54: {  	[sflag:s23] =	ssyncadd.s32 $0xFFFFC180  }
0x55: {  	[spmem:s2] =	stream.indirect.scatter.add.f32 [tilespmem:s16], [sflag:$0x5], $0x80, s26, s18, $0xb8;
	[tilespmem:$0x1BC80] =	vst v63  }
0x56: {  	_ =	swait.ge [sflag:s17], $0x3E80  }
0x57: {  	[sflag:s17] =	ssyncset.done $0x0  }
0x58: {  	[sflag:s17] =	ssyncadd.s32 $0xFFFFC180  }
0x59: {  	[tilespmem:s16], [sflag:$0x1] =	stream.indirect.gather [hbm4b:s4+s18], $0x80, s21, s18, $0xb8;
	[tilespmem:$0x1BC80] =	vst v63  }
0x5a: {  	_ =	swait.ge [sflag:s28], $0x3E80  }
0x5b: {  	[sflag:s28] =	ssyncset.done $0x0  }
0x5c: {  	[sflag:s28] =	ssyncadd.s32 $0xFFFFC180  }
0x5d: {  	[spmem:s2] =	stream.indirect.scatter.add.f32 [tilespmem:s20], [sflag:$0x5], $0x80, s29, s18, $0xb8;
	[tilespmem:$0x1BC80] =	vst v63  }
0x5e: {  	_ =	swait.ge [sflag:s17], $0x3E80  }
0x5f: {  	s7 =	sadd.s32 $0xFFFFF680, s13;
	[sflag:s17] =	ssyncset.done $0x0  }
0x60: {  	s9 =	sadd.s32 $0xA00, s7;
	[sflag:s17] =	ssyncadd.s32 $0xFFFFC180  }
0x61: {  	[tilespmem:s3], [sflag:$0x3] =	stream.linear.gather [hbm4b:s9+s3], $0x200, $0x38;
	[tilespmem:$0x1BC80] =	vst v63  }
0x62: {  	_ = 	snop  }
0x63: {  	[tilespmem:s20], [sflag:$0x2] =	stream.indirect.gather [hbm4b:s4+s18], $0x80, s30, s18, $0xb8;
	[tilespmem:$0x1BC80] =	vst v63  }
0x64: {  	_ =	swait.ge [sflag:s23], $0x3E80  }
0x65: {  	[sflag:s23] =	ssyncset.done $0x0  }
0x66: {  	[sflag:s23] =	ssyncadd.s32 $0xFFFFC180  }
0x67: {  	[spmem:s2] =	stream.indirect.scatter.add.f32 [tilespmem:s16], [sflag:$0x5], $0x80, s31, s18, $0xb8;
	[tilespmem:$0x1BC80] =	vst v63  }
0x68: {  	_ =	swait.ge [sflag:s17], $0x3E80  }
0x69: {  	[sflag:s17] =	ssyncset.done $0x0  }
0x6a: {  	[sflag:s17] =	ssyncadd.s32 $0xFFFFC180  }
0x6b: {  	_ =	swait.ge [sflag:s1], $0x200  }
0x6c: {  	[sflag:s1] =	ssyncset.done $0x0  }
0x6d: {  	[sflag:s1] =	ssyncadd.s32 $0xFFFFFE00  }
0x6e: {  	[tilespmem:s16], [sflag:$0x1] =	stream.indirect.gather [hbm4b:s4+s18], $0x80, s3, s18, $0xb8;
	[tilespmem:$0x1BC80] =	vst v63  }
0x6f: {  	_ =	swait.ge [sflag:s28], $0x3E80  }
0x70: {  	[sflag:s28] =	ssyncset.done $0x0  }
0x71: {  	[sflag:s28] =	ssyncadd.s32 $0xFFFFC180  }
0x72: {  	[spmem:s2] =	stream.indirect.scatter.add.f32 [tilespmem:s20], [sflag:$0x5], $0x80, s0, s18, $0xb8;
	[tilespmem:$0x1BC80] =	vst v63  }
0x73: {  	_ =	swait.ge [sflag:s17], $0x3E80  }
0x74: {  	[sflag:s17] =	ssyncset.done $0x0  }
0x75: {  	s7 =	sadd.s32 $0xA40, s7;
	[sflag:s17] =	ssyncadd.s32 $0xFFFFC180  }
0x76: {  	[tilespmem:s21], [sflag:$0x4] =	stream.linear.gather [hbm4b:s7+s3], $0x200, $0x38;
	[tilespmem:$0x1BC80] =	vst v63  }
0x77: {  	s7 =	simm.s32 $0xFFFFF700  }
.LBB2_4:
0x78: {  	[tilespmem:s20], [sflag:$0x2] =	stream.indirect.gather [hbm4b:s4+s18], $0x80, s19, s18, $0xb8;
	[tilespmem:$0x1BC80] =	vst v63  }
0x79: {  	s8 =	smov.u32 s7  }
0x7a: {  	p1 =	sne.s32 s7, $0xFFFFFF80;
	s7 =	sadd.s32 $0x80, s7;
	_ =	swait.ge [sflag:s22], $0x200  }
0x7b: {  	[sflag:s22] =	ssyncset.done $0x0  }
0x7c: {  	[sflag:s22] =	ssyncadd.s32 $0xFFFFFE00  }
0x7d: {  	_ =	swait.ge [sflag:s23], $0x3E80  }
0x7e: {  	[sflag:s23] =	ssyncset.done $0x0  }
0x7f: {  	[sflag:s23] =	ssyncadd.s32 $0xFFFFC180  }
0x80: {  	[spmem:s2] =	stream.indirect.scatter.add.f32 [tilespmem:s16], [sflag:$0x5], $0x80, s26, s18, $0xb8;
	[tilespmem:$0x1BC80] =	vst v63  }
0x81: {  	_ =	swait.ge [sflag:s17], $0x3E80  }
0x82: {  	[sflag:s17] =	ssyncset.done $0x0  }
0x83: {  	[sflag:s17] =	ssyncadd.s32 $0xFFFFC180  }
0x84: {  	[tilespmem:s16], [sflag:$0x1] =	stream.indirect.gather [hbm4b:s4+s18], $0x80, s21, s18, $0xb8;
	[tilespmem:$0x1BC80] =	vst v63  }
0x85: {  	_ =	swait.ge [sflag:s28], $0x3E80  }
0x86: {  	[sflag:s28] =	ssyncset.done $0x0  }
0x87: {  	[sflag:s28] =	ssyncadd.s32 $0xFFFFC180  }
0x88: {  	[spmem:s2] =	stream.indirect.scatter.add.f32 [tilespmem:s20], [sflag:$0x5], $0x80, s29, s18, $0xb8;
	[tilespmem:$0x1BC80] =	vst v63  }
0x89: {  	_ =	swait.ge [sflag:s17], $0x3E80  }
0x8a: {  	s8 =	sadd.s32 s8, s13;
	[sflag:s17] =	ssyncset.done $0x0  }
0x8b: {  	s9 =	sadd.s32 $0xA00, s8;
	[sflag:s17] =	ssyncadd.s32 $0xFFFFC180  }
0x8c: {  	[tilespmem:s3], [sflag:$0x3] =	stream.linear.gather [hbm4b:s9+s3], $0x200, $0x38;
	[tilespmem:$0x1BC80] =	vst v63  }
0x8d: {  	_ = 	snop  }
0x8e: {  	[tilespmem:s20], [sflag:$0x2] =	stream.indirect.gather [hbm4b:s4+s18], $0x80, s30, s18, $0xb8;
	[tilespmem:$0x1BC80] =	vst v63  }
0x8f: {  	_ =	swait.ge [sflag:s23], $0x3E80  }
0x90: {  	[sflag:s23] =	ssyncset.done $0x0  }
0x91: {  	[sflag:s23] =	ssyncadd.s32 $0xFFFFC180  }
0x92: {  	[spmem:s2] =	stream.indirect.scatter.add.f32 [tilespmem:s16], [sflag:$0x5], $0x80, s31, s18, $0xb8;
	[tilespmem:$0x1BC80] =	vst v63  }
0x93: {  	_ =	swait.ge [sflag:s17], $0x3E80  }
0x94: {  	[sflag:s17] =	ssyncset.done $0x0  }
0x95: {  	[sflag:s17] =	ssyncadd.s32 $0xFFFFC180  }
0x96: {  	_ =	swait.ge [sflag:s1], $0x200  }
0x97: {  	[sflag:s1] =	ssyncset.done $0x0  }
0x98: {  	[sflag:s1] =	ssyncadd.s32 $0xFFFFFE00  }
0x99: {  	[tilespmem:s16], [sflag:$0x1] =	stream.indirect.gather [hbm4b:s4+s18], $0x80, s3, s18, $0xb8;
	[tilespmem:$0x1BC80] =	vst v63  }
0x9a: {  	_ =	swait.ge [sflag:s28], $0x3E80  }
0x9b: {  	[sflag:s28] =	ssyncset.done $0x0  }
0x9c: {  	[sflag:s28] =	ssyncadd.s32 $0xFFFFC180  }
0x9d: {  	[spmem:s2] =	stream.indirect.scatter.add.f32 [tilespmem:s20], [sflag:$0x5], $0x80, s0, s18, $0xb8;
	[tilespmem:$0x1BC80] =	vst v63  }
.Ltmp1:
0x9e: {  	_ = 	snop;
	(pc) =	sbr.rel @p1 .LBB2_4-.Ltmp1, $4  }
0x9f: {  	_ =	swait.ge [sflag:s17], $0x3E80  }
0xa0: {  	[sflag:s17] =	ssyncset.done $0x0  }
0xa1: {  	s8 =	sadd.s32 $0xA40, s8;
	[sflag:s17] =	ssyncadd.s32 $0xFFFFC180  }
0xa2: {  	[tilespmem:s21], [sflag:$0x4] =	stream.linear.gather [hbm4b:s8+s3], $0x200, $0x38;
	[tilespmem:$0x1BC80] =	vst v63  }
0xa3: {  	[tilespmem:s20], [sflag:$0x2] =	stream.indirect.gather [hbm4b:s4+s18], $0x80, s19, s18, $0xb8;
	[tilespmem:$0x1BC80] =	vst v63  }
0xa4: {  	_ =	swait.ge [sflag:s22], $0x200  }
0xa5: {  	[sflag:s22] =	ssyncset.done $0x0  }
0xa6: {  	[sflag:s22] =	ssyncadd.s32 $0xFFFFFE00  }
0xa7: {  	_ =	swait.ge [sflag:s23], $0x3E80  }
0xa8: {  	[sflag:s23] =	ssyncset.done $0x0  }
0xa9: {  	[sflag:s23] =	ssyncadd.s32 $0xFFFFC180  }
0xaa: {  	[spmem:s2] =	stream.indirect.scatter.add.f32 [tilespmem:s16], [sflag:$0x5], $0x80, s26, s18, $0xb8;
	[tilespmem:$0x1BC80] =	vst v63  }
0xab: {  	_ =	swait.ge [sflag:s17], $0x3E80  }
0xac: {  	[sflag:s17] =	ssyncset.done $0x0  }
0xad: {  	[sflag:s17] =	ssyncadd.s32 $0xFFFFC180  }
0xae: {  	[tilespmem:s16], [sflag:$0x1] =	stream.indirect.gather [hbm4b:s4+s18], $0x80, s21, s18, $0xb8;
	[tilespmem:$0x1BC80] =	vst v63  }
0xaf: {  	_ =	swait.ge [sflag:s28], $0x3E80  }
0xb0: {  	[sflag:s28] =	ssyncset.done $0x0  }
0xb1: {  	[sflag:s28] =	ssyncadd.s32 $0xFFFFC180  }
0xb2: {  	[spmem:s2] =	stream.indirect.scatter.add.f32 [tilespmem:s20], [sflag:$0x5], $0x80, s29, s18, $0xb8;
	[tilespmem:$0x1BC80] =	vst v63  }
0xb3: {  	_ =	swait.ge [sflag:s17], $0x3E80  }
0xb4: {  	[sflag:s17] =	ssyncset.done $0x0  }
0xb5: {  	[sflag:s17] =	ssyncadd.s32 $0xFFFFC180  }
0xb6: {  	[tilespmem:s20], [sflag:$0x2] =	stream.indirect.gather [hbm4b:s4+s18], $0x80, s30, s18, $0xb8;
	[tilespmem:$0x1BC80] =	vst v63  }
0xb7: {  	_ =	swait.ge [sflag:s23], $0x3E80  }
0xb8: {  	[sflag:s23] =	ssyncset.done $0x0  }
0xb9: {  	[sflag:s23] =	ssyncadd.s32 $0xFFFFC180  }
0xba: {  	[spmem:s2] =	stream.indirect.scatter.add.f32 [tilespmem:s16], [sflag:$0x5], $0x80, s31, s18, $0xb8;
	[tilespmem:$0x1BC80] =	vst v63  }
0xbb: {  	_ =	swait.ge [sflag:s17], $0x3E80  }
0xbc: {  	[sflag:s17] =	ssyncset.done $0x0  }
0xbd: {  	[sflag:s17] =	ssyncadd.s32 $0xFFFFC180  }
0xbe: {  	_ =	swait.ge [sflag:s28], $0x3E80  }
0xbf: {  	[sflag:s28] =	ssyncset.done $0x0  }
0xc0: {  	[sflag:s28] =	ssyncadd.s32 $0xFFFFC180  }
0xc1: {  	[spmem:s2] =	stream.indirect.scatter.add.f32 [tilespmem:s20], [sflag:$0x5], $0x80, s0, s18, $0xb8;
	[tilespmem:$0x1BC80] =	vst v63  }
0xc2: {  	_ =	swait.ge [sflag:s17], $0x3E80  }
0xc3: {  	[sflag:s17] =	ssyncset.done $0x0  }
0xc4: {  	[sflag:s17] =	ssyncadd.s32 $0xFFFFC180  }
0xc5: {  	s7 =	sadd.s32 @p0 $0x25800, s14;
	s8 =	simm.s32 @p0 $0x1FC5;
	[bflag:$0x0] =	sbarrier.arrive $0xFFFF  }
0xc6: {  	[hbm:s7], [sflag:s8] =	dma.local @p0 [spmem:s24], $0x1900  }
0xc7: {  	s7 =	simm.s32 @p0 $0x5  }
0xc8: {  	s6 =	sadd.s32 $0x1, s6;
	s8 =	stileid.u32;
	_ =	swait.ge @p0 [sflag:s7], $0x1900  }
0xc9: {  	p1 =	sne.s32 s6, s15;
	s8 =	sshll.u32 @!p0 s8, $0x6;
	[sflag:s7] =	ssyncset.done @p0 $0x0  }
0xca: {  	[sflag:s7] =	ssyncadd.s32 @p0 $0xFFFFE700;
	s7 =	sor.u32 @!p0 $0x1C05, s8;
	s8 =	sshrl.u32 @!p0 s5, $0x3  }
0xcb: {  	[hbm:s25], [sflag:s7] =	dma.local @!p0 [spmem:s8], $0x2800  }
.Ltmp2:
0xcc: {  	_ = 	snop;
	(pc) =	sbr.rel @p1 .LBB2_1-.Ltmp2, $4  }
0xcd: {  	s7 =	simm.s32 @!p0 $0x5  }
0xce: {  	_ =	swait.ge @!p0 [sflag:s7], $0x2800  }
0xcf: {  	[sflag:s7] =	ssyncset.done @!p0 $0x0  }
0xd0: {  	[sflag:s7] =	ssyncadd.s32 @!p0 $0xFFFFD800  }
0xd1: {  	_ =	sfence.sel $0x180000  }
0xd2: {  	[bflag:$0x0] =	sbarrier.arrive $0xFFFF  }
0xd3: {  	_ =	strace $0x9000004A  }
0xd4: {  	s0 =	stileid.u32;
	[bflag:$0x2] =	sbarrier.arrive $0xFFFF  }
0xd5: {  	p0 =	sne.s32 s0, $0x0;
	s0 =	rddreg [dreg:$0x2]  }
0xd6: {  	s0 =	sadd.s32 @!p0 $0x100000, s0  }
0xd7: {  	[sflag:s0] =	ssyncadd.tile.s32 @!p0 $0x1;
	_ =	shalt  }
.Lfunc_end2:
_tile_overlayer_lowered:
.L_overlay_start_2:
0xd8: {  	(tag) =	ssettag $0x2  }
0xd9: {  	s0 =	rddreg [dreg:$0x0];
	s2 =	stileid.u32  }
0xda: {  	s1 =	rddreg [dreg:$0x1];
	p0 =	sne.s32 s2, $0x0  }
0xdb: {  	s3 =	rddreg [dreg:$0x2];
	[bflag:$0x3] =	sbarrier.arrive $0xFFFF;
	s2 =	simm.s32 @!p0 $0x1C05  }
0xdc: {  	[timem:s3], [sflag:s2] =	dma.local @!p0 [hbm:s0], s1  }
0xdd: {  	s0 =	simm.s32 @!p0 $0x5  }
0xde: {  	_ =	swait.ge @!p0 [sflag:s0], s1  }
0xdf: {  	s1 =	ssub.s32 @!p0 $0x0, s1;
	[sflag:s0] =	ssyncset.done @!p0 $0x0  }
0xe0: {  	[sflag:s0] =	ssyncadd.s32 @!p0 s1  }
0xe1: {  	[bflag:$0x3] =	sbarrier.arrive $0xFFFF  }
0xe2: {  	_ =	shalt  }

// kernel: sc_prop128.8.cloned.1.call-start
scs
__scs_entry_jumppad:
0x0: {  	(pc) =	sbr.rel $0x88, $3  }
0x1: {  	(tag) =	ssettag $0x0;
	lr =	simm.s32 $0x1  }
0x2: {  	[smem:$0x3F97] =	sst lr;
	_ =	strace $0xD0000000  }
0x3: {  	_ = 	snop  }
0x4: {  	_ = 	snop  }
0x5: {  	_ = 	snop  }
0x6: {  	_ = 	snop  }
0x7: {  	_ = 	snop  }
__scs_overlays_trampoline_lowered:
0x8: {  	[smem:$0x3FA6] =	sst s0  }
0x9: {  	[smem:$0x3FA7] =	sst s1  }
0xa: {  	[smem:$0x3FA8] =	sst s2  }
0xb: {  	[smem:$0x3FA9] =	sst s3  }
0xc: {  	[smem:$0x3FAA] =	sst s4  }
0xd: {  	[smem:$0x3FAB] =	sst s5  }
0xe: {  	[smem:$0x3FAC] =	sst s6  }
0xf: {  	[smem:$0x3FAD] =	sst s7  }
0x10: {  	[smem:$0x3FAE] =	sst s8  }
0x11: {  	[smem:$0x3FAF] =	sst s9;
	s0 =	simm.s32 @!p0 $0x0  }
0x12: {  	s1 =	sld [smem:$0x3F95];
	s0 =	simm.s32 @p0 $0x1  }
0x13: {  	[smem:$0x3FB0] =	sst s0;
	s0 =	simm.s32 @!p1 $0x0  }
0x14: {  	s2 =	sld [smem:$0x3F94];
	s0 =	simm.s32 @p1 $0x1  }
0x15: {  	[smem:$0x3FB1] =	sst s0;
	s0 =	simm.s32 @!p2 $0x0  }
0x16: {  	s3 =	sld [smem:$0x3FDB];
	s0 =	simm.s32 @p2 $0x1  }
0x17: {  	s4 =	simm.s32 $0x1BF5;
	[smem:$0x3FB3] =	sst s0  }
0x18: {  	s0 =	sld [smem:$0x3F96];
	_ =	swait.ge [sflag:s4], $0x0  }
0x19: {  	s7 =	sld [smem:$0x3F97]  }
0x1a: {  	s8 =	sadd.s32 $0xFFFFE003, lr  }
0x1b: {  	s9 =	sadd.s32 $0xFFFFFEF7, lr;
	s5 =	simm.s32 $0xFFFFFFFF;
	p2 =	slt.u32 s8, $0xFFFFF086  }
0x1c: {  	p1 =	slt.u32 s9, $0xF7A;
	s5 =	simm.s32 @!p2 $0x0  }
0x1d: {  	s5 =	simm.s32 @p1 $0x1;
	p0 =	seq.s32 s7, s2  }
0x1e: {  	s7 =	smul.u32 @!p0 $0xF7A, s2;
	p2 =	seq.s32 @!p0 s5, $0x0  }
0x1f: {  	s9 =	smul.u32 $0xF7A, s1;
	s8 =	simm.s32 @!p0 $0x1BF5;
	p2 =	por !p2, p0  }
0x20: {  	[sflag:s8] =	ssyncset.s32 @!p0 $0xFFFFF086;
	s6 =	sadd.s32 @!p0 s3, s7;
	s7 =	simm.s32 @!p0 $0x108  }
0x21: {  	s3 =	sadd.s32 s3, s9;
	s6 =	sadd.s32 @!p0 $0x88, s6;
	s7 =	simm.s32 @p2 $0x1082  }
0x22: {  	[simem:s7], [sflag:s8] =	dma.local @!p0 [hbm:s6], $0xF7A  }
0x23: {  	s9 =	sor.u32 $0xD0000000, s2;
	s6 =	simm.s32 $0x108;
	_ =	swait.ge @!p0 [sflag:s8], $0x0  }
0x24: {  	s3 =	sadd.s32 $0x88, s3;
	s6 =	simm.s32 @!p1 $0x1082;
	[sflag:s4] =	ssyncset.s32 $0xFFFFF086  }
0x25: {  	[simem:s6], [sflag:s4] =	dma.local [hbm:s3], $0xF7A  }
0x26: {  	[smem:$0x3F97] =	sst s1;
	(tag) =	ssettag s2;
	_ =	strace s9  }
0x27: {  	s1 =	sld [smem:$0x3FA7]  }
0x28: {  	s2 =	sld [smem:$0x3FA8]  }
0x29: {  	s4 =	sld [smem:$0x3FAA]  }
0x2a: {  	p0 =	seq.s32 s5, $0x0;
	s5 =	sld [smem:$0x3FAB]  }
0x2b: {  	s6 =	sld [smem:$0x3FAC]  }
0x2c: {  	s7 =	sld [smem:$0x3FAD]  }
0x2d: {  	s3 =	simm.s32 $0x108;
	s8 =	sld [smem:$0x3FAE]  }
0x2e: {  	s3 =	simm.s32 @!p0 $0x1082;
	s9 =	sld [smem:$0x3FAF]  }
0x2f: {  	lr =	sadd.s32 s0, s3;
	s0 =	sld [smem:$0x3FA6]  }
0x30: {  	s3 =	sld [smem:$0x3FA9]  }
0x31: {  	[smem:$0x3FB2] =	sst s10  }
0x32: {  	s10 =	sld [smem:$0x3FB0];
	_ =	sdelay $0x3  }
0x33: {  	p0 =	seq.s32 s10, $0x1;
	s10 =	sld [smem:$0x3FB2];
	_ =	sdelay $0x3  }
0x34: {  	[smem:$0x3FB2] =	sst s10  }
0x35: {  	s10 =	sld [smem:$0x3FB1];
	_ =	sdelay $0x3  }
0x36: {  	p1 =	seq.s32 s10, $0x1;
	s10 =	sld [smem:$0x3FB2];
	_ =	sdelay $0x3  }
0x37: {  	[smem:$0x3FB2] =	sst s10  }
0x38: {  	s10 =	sld [smem:$0x3FB3]  }
0x39: {  	_ = 	snop;
	(pc) =	sbr.ind lr, $3  }
0x3a: {  	_ = 	snop  }
0x3b: {  	_ = 	snop  }
0x3c: {  	p2 =	seq.s32 s10, $0x1;
	s10 =	sld [smem:$0x3FB2]  }
0x3d: {  	_ =	shalt  }
0x3e: {  	_ =	shalt  }
0x3f: {  	_ =	shalt  }
0x40: {  	_ =	shalt  }
0x41: {  	_ =	shalt  }
0x42: {  	_ =	shalt  }
0x43: {  	_ =	shalt  }
0x44: {  	_ =	shalt  }
0x45: {  	_ =	shalt  }
0x46: {  	_ =	shalt  }
0x47: {  	_ =	shalt  }
0x48: {  	_ =	shalt  }
0x49: {  	_ =	shalt  }
0x4a: {  	_ =	shalt  }
0x4b: {  	_ =	shalt  }
0x4c: {  	_ =	shalt  }
0x4d: {  	_ =	shalt  }
0x4e: {  	_ =	shalt  }
0x4f: {  	_ =	shalt  }
0x50: {  	_ =	shalt  }
0x51: {  	_ =	shalt  }
0x52: {  	_ =	shalt  }
0x53: {  	_ =	shalt  }
0x54: {  	_ =	shalt  }
0x55: {  	_ =	shalt  }
0x56: {  	_ =	shalt  }
0x57: {  	_ =	shalt  }
0x58: {  	_ =	shalt  }
0x59: {  	_ =	shalt  }
0x5a: {  	_ =	shalt  }
0x5b: {  	_ =	shalt  }
0x5c: {  	_ =	shalt  }
0x5d: {  	_ =	shalt  }
0x5e: {  	_ =	shalt  }
0x5f: {  	_ =	shalt  }
0x60: {  	_ =	shalt  }
0x61: {  	_ =	shalt  }
0x62: {  	_ =	shalt  }
0x63: {  	_ =	shalt  }
0x64: {  	_ =	shalt  }
0x65: {  	_ =	shalt  }
0x66: {  	_ =	shalt  }
0x67: {  	_ =	shalt  }
0x68: {  	_ =	shalt  }
0x69: {  	_ =	shalt  }
0x6a: {  	_ =	shalt  }
0x6b: {  	_ =	shalt  }
0x6c: {  	_ =	shalt  }
0x6d: {  	_ =	shalt  }
0x6e: {  	_ =	shalt  }
0x6f: {  	_ =	shalt  }
0x70: {  	_ =	shalt  }
0x71: {  	_ =	shalt  }
0x72: {  	_ =	shalt  }
0x73: {  	_ =	shalt  }
0x74: {  	_ =	shalt  }
0x75: {  	_ =	shalt  }
0x76: {  	_ =	shalt  }
0x77: {  	_ =	shalt  }
0x78: {  	_ =	shalt  }
0x79: {  	_ =	shalt  }
0x7a: {  	_ =	shalt  }
0x7b: {  	_ =	shalt  }
0x7c: {  	_ =	shalt  }
0x7d: {  	_ =	shalt  }
0x7e: {  	_ =	shalt  }
0x7f: {  	_ =	shalt  }
0x80: {  	_ =	shalt  }
0x81: {  	_ =	shalt  }
0x82: {  	_ =	shalt  }
0x83: {  	_ =	shalt  }
0x84: {  	_ =	shalt  }
0x85: {  	_ =	shalt  }
0x86: {  	_ =	shalt  }
0x87: {  	_ =	shalt  }
.Lfunc_end0:
.L_simem_size_0:
called_computation.2_lowered:
.L_overlay_start_0:
0x88: {  	s2 =	sld [smem:$0x3FD9]  }
0x89: {  	s3 =	sld [smem:$0x3FFE];
	_ =	sdelay $0x1  }
0x8a: {  	s1 =	srdreg.scid  }
0x8b: {  	s0 =	sand.u32 $0x1, s1  }
0x8c: {  	s16 =	sshll.u32 s0, $0xA;
	s2 =	sadd.s32 s3, s2  }
0x8d: {  	s2 =	sadd.s32 s2, s16  }
0x8e: {  	[smem:$0x3FBE] =	sst s2  }
0x8f: {  	_ = 	snop  }
0x90: {  	(tm) =	ssettm $0x1  }
0x91: {  	s17 =	sld [smem:$0x3FFB];
	_ =	sdelay $0x3  }
0x92: {  	_ =	strace s17  }
0x93: {  	s2 =	sld [smem:$0x3FFC];
	_ =	sdelay $0x3  }
0x94: {  	_ =	strace s2  }
0x95: {  	s2 =	sld [smem:$0x3FFD];
	_ =	sdelay $0x3  }
0x96: {  	_ =	strace s2  }
0x97: {  	_ =	strace $0x8FFFFFFF  }
0x98: {  	s18 =	sld [smem:$0x3FDB];
	_ =	sdelay $0x1  }
0x99: {  	s19 =	simm.s32 $_scs_section_size  }
0x9a: {  	s4 =	simm.s32 $_size__tile_overlayer_lowered;
	s5 =	simm.s32 $_tile_overlayer_lowered  }
0x9b: {  	s22 =	simm.s32 $0x1BFF;
	s21 =	sshll.u32 s5, $0x1;
	s2 =	sadd.s32 s19, s18  }
0x9c: {  	s6 =	simm.s32 $0x0;
	s20 =	sshll.u32 s4, $0x1;
	s4 =	sadd.s32 s21, s2  }
0x9d: {  	[timem:s6], [sflag:s22] =	dma.local [hbm:s4], s20  }
0x9e: {  	_ =	swait.ge [sflag:s22], s20  }
0x9f: {  	s3 =	ssub.s32 $0x0, s20;
	[sflag:s22] =	ssyncset.done $0x0  }
0xa0: {  	[sflag:s22] =	ssyncadd.s32 s3;
	_ =	sdelay $0x1  }
0xa1: {  	s23 =	simm.s32 $0x1B8B  }
0xa2: {  	_ =	swait.ge [sflag:s23], $0x1  }
0xa3: {  	[sflag:s23] =	ssyncset.done $0x0  }
0xa4: {  	s25 =	simm.s32 $0x1B8E;
	s24 =	sld [smem:$0x3FFE];
	[sflag:s23] =	ssyncadd.s32 $0xFFFFFFFF  }
0xa5: {  	s26 =	simm.s32 $execute0_lowered;
	[smem:$0x3FD2] =	sst s25  }
0xa6: {  	s4 =	sshll.u32 s26, $0x1;
	_ =	strace $0x8000004C;
	[dreg:$0x1] =	wrdreg $0xFFFFFFFF  }
0xa7: {  	s28 =	simm.s32 $_size_execute0_lowered;
	s2 =	sadd.s32 s2, s4;
	[dreg:$0x0] =	wrdreg $0x0  }
0xa8: {  	s4 =	sshll.u32 s28, $0x1;
	[dreg:$0x2] =	wrdreg s2  }
0xa9: {  	[dreg:$0x3] =	wrdreg s4  }
0xaa: {  	[dreg:$0x4] =	wrdreg $0xC0  }
0xab: {  	_ =	task [dreg:s6], $0x5FFFF  }
0xac: {  	[dreg:$0x1] =	wrdreg $0xFFFFFFFF  }
0xad: {  	[dreg:$0x0] =	wrdreg $0x60  }
0xae: {  	[dreg:$0x2] =	wrdreg s24  }
0xaf: {  	[dreg:$0x3] =	wrdreg $0x84000  }
0xb0: {  	[dreg:$0x4] =	wrdreg $0x9  }
0xb1: {  	_ =	task.clear_ibuf [dreg:s6], $0x5FFFF;
	_ =	strace $0x9000004C  }
0xb2: {  	s29 =	simm.s32 $0x9;
	_ =	strace $0x8000004E  }
0xb3: {  	_ =	swait.ge [sflag:s29], $0x1  }
0xb4: {  	[sflag:s29] =	ssyncadd.s32 $0xFFFFFFFF  }
0xb5: {  	_ =	strace $0x9000004E  }
0xb6: {  	_ =	sfence  }
0xb7: {  	s30 =	sld [smem:$0x0];
	_ =	sdelay $0x2  }
0xb8: {  	s31 =	sshll.u32 s1, $0xD;
	s1 =	sshrl.u32 s1, $0x2  }
0xb9: {  	s3 =	sand.u32 $0x4000, s31;
	s1 =	sadd.s32 s1, s30  }
0xba: {  	s0 =	sor.u32 s3, s0;
	s1 =	sshll.u32 s1, $0x11  }
0xbb: {  	s0 =	sor.u32 s1, s0  }
0xbc: {  	s0 =	sadd.s32 $0x8F2B, s0  }
0xbd: {  	[sflag:s0] =	ssyncadd.remote.s32 $0x1  }
0xbe: {  	_ =	sfence.sel $0xFFFF  }
0xbf: {  	[dreg:$0x0] =	wrdreg $0xFFFFFFFF;
	(pc) =	sbr.abs _section_cstart, $3  }
0xc0: {  	[dreg:$0x1] =	wrdreg $0xFFFFFFFF  }
0xc1: {  	_ =	task.clear_ibuf [dreg:s6], $0x2FFFF;
	_ =	strace $0x9FFFFFFF  }
0xc2: {  	(tm) =	ssettm $0x7FFFFFFF  }
0xc3: {  	_ =	shalt  }
tec
execute0_lowered:
.L_overlay_start_1:
0x0: {  	(tag) =	ssettag $0x1  }
0x1: {  	s0 =	srdreg.scid;
	s1 =	rddreg [dreg:$0x0]  }
0x2: {  	s9 =	stileid.u32;
	s2 =	rddreg [dreg:$0x1];
	s16 =	simm.s32 $0x400  }
0x3: {  	s17 =	simm.s32 $0x5;
	s18 =	simm.s32 $0x7D;
	s19 =	simm.s32 $0x100  }
0x4: {  	s20 =	simm.s32 $0x4400;
	s21 =	simm.s32 $0x200;
	s22 =	simm.s32 $0x4  }
0x5: {  	s28 =	simm.s32 $0x2;
	s29 =	simm.s32 $0x180;
	s30 =	simm.s32 $0x300  }
0x6: {  	s31 =	simm.s32 $0x280;
	s0 =	sand.u32 $0x1, s0;
	s5 =	smul.u32 $0x50000, s9  }
0x7: {  	p0 =	seq.s32 s9, $0xF;
	s3 =	sshll.u32 s0, $0x4;
	s7 =	smul.u32 $0x27100, s0  }
0x8: {  	s0 =	ssub.s32 $0x2, s0;
	s4 =	sor.u32 s9, s3;
	s3 =	simm.s32 $0x0  }
0x9: {  	s5 =	sshrl.u32 s5, $0x2;
	s8 =	sshrl.u32 s0, $0x1;
	s4 =	smul.u32 $0xA00, s4  }
0xa: {  	[smem:$0x7FF] =	sst s3;
	s5 =	sadd.s32 s5, s2;
	s0 =	ssub.s32 s0, s8  }
0xb: {  	_ =	strace $0x8000004D;
	s23 =	sadd.s32 $0x2800, s5;
	s24 =	sadd.s32 $0x5000, s5  }
0xc: {  	s25 =	sadd.s32 $0x7800, s5;
	s26 =	sadd.s32 $0xA000, s5;
	s10 =	sadd.s32 $0xC800, s5  }
0xd: {  	s11 =	sadd.s32 $0xF000, s5;
	s12 =	sadd.s32 $0x11800, s5;
	[dreg:$0x3] =	wrdreg s23  }
0xe: {  	s15 =	smax.u32 s0, $0x1;
	s0 =	simm.s32 $0x380;
	[dreg:$0x4] =	wrdreg s24  }
0xf: {  	s6 =	sadd.s32 s4, s1;
	s4 =	sadd.s32 $0x17400, s1;
	[dreg:$0x5] =	wrdreg s25  }
0x10: {  	s1 =	sadd.s32 s7, s1;
	[dreg:$0x6] =	wrdreg s26;
	s13 =	sadd.s32 $0x3400, s6  }
0x11: {  	s14 =	sadd.s32 $0x3E600, s1;
	s1 =	smul.u32 $0x2800, s9;
	s6 =	sadd.s32 $0x12C000, s2  }
0x12: {  	s23 =	simm.s32 $0x1;
	s26 =	simm.s32 $0x80;
	s24 =	sshrl.u32 @p0 s6, $0x3  }
0x13: {  	v0 =	vimm.f32 $0.0e+00;
	s6 =	simm.s32 $0x0;
	s25 =	sadd.s32 @!p0 s1, s14;
	s1 =	simm.s32 $0x3  }
.LBB2_1:
0x14: {  	s7 =	simm.s32 $0x0;
	s8 =	simm.s32 $0x200  }
.LBB2_2:
0x15: {  	p1 =	sne.s32 s8, $0xF800;
	[tilespmem:s7+$0x470] =	vst v0  }
0x16: {  	[tilespmem:s7+$0x400] =	vst v0  }
0x17: {  	[tilespmem:s7+$0x410] =	vst v0  }
.Ltmp0:
0x18: {  	[tilespmem:s7+$0x420] =	vst v0;
	(pc) =	sbr.rel @p1 .LBB2_2-.Ltmp0, $4  }
0x19: {  	[tilespmem:s7+$0x430] =	vst v0  }
0x1a: {  	[tilespmem:s7+$0x440] =	vst v0  }
0x1b: {  	[tilespmem:s7+$0x450] =	vst v0  }
0x1c: {  	[tilespmem:s7+$0x460] =	vst v0;
	s7 =	sshra.s32 s8, $0x2;
	s8 =	sadd.s32 $0x200, s8  }
0x1d: {  	[tilespmem:s7+$0x470] =	vst v0  }
0x1e: {  	[tilespmem:s7+$0x400] =	vst v0  }
0x1f: {  	[tilespmem:s7+$0x410] =	vst v0  }
0x20: {  	[tilespmem:s7+$0x420] =	vst v0  }
0x21: {  	[tilespmem:s7+$0x430] =	vst v0  }
0x22: {  	[tilespmem:s7+$0x440] =	vst v0  }
0x23: {  	[tilespmem:s7+$0x450] =	vst v0  }
0x24: {  	[tilespmem:s7+$0x460] =	vst v0  }
0x25: {  	[spmem:s5] =	stream.linear.scatter [tilespmem:s16], [sflag:$0x5], $0x2800, $0x38;
	[tilespmem:$0x1BC80] =	vst v63  }
0x26: {  	_ =	swait.ge [sflag:s17], $0x2800  }
0x27: {  	[sflag:s17] =	ssyncset.done $0x0  }
0x28: {  	s8 =	rddreg [dreg:$0x3];
	[sflag:s17] =	ssyncadd.s32 $0xFFFFD800  }
0x29: {  	[spmem:s8] =	stream.linear.scatter [tilespmem:s16], [sflag:$0x5], $0x2800, $0x38;
	[tilespmem:$0x1BC80] =	vst v63  }
0x2a: {  	_ =	swait.ge [sflag:s17], $0x2800  }
0x2b: {  	[sflag:s17] =	ssyncset.done $0x0  }
0x2c: {  	s9 =	rddreg [dreg:$0x4];
	[sflag:s17] =	ssyncadd.s32 $0xFFFFD800  }
0x2d: {  	[spmem:s9] =	stream.linear.scatter [tilespmem:s16], [sflag:$0x5], $0x2800, $0x38;
	[tilespmem:$0x1BC80] =	vst v63  }
0x2e: {  	_ =	swait.ge [sflag:s17], $0x2800  }
0x2f: {  	[sflag:s17] =	ssyncset.done $0x0  }
0x30: {  	s8 =	rddreg [dreg:$0x5];
	[sflag:s17] =	ssyncadd.s32 $0xFFFFD800  }
0x31: {  	[spmem:s8] =	stream.linear.scatter [tilespmem:s16], [sflag:$0x5], $0x2800, $0x38;
	[tilespmem:$0x1BC80] =	vst v63  }
0x32: {  	_ =	swait.ge [sflag:s17], $0x2800  }
0x33: {  	[sflag:s17] =	ssyncset.done $0x0  }
0x34: {  	s9 =	rddreg [dreg:$0x6];
	[sflag:s17] =	ssyncadd.s32 $0xFFFFD800  }
0x35: {  	[spmem:s9] =	stream.linear.scatter [tilespmem:s16], [sflag:$0x5], $0x2800, $0x38;
	[tilespmem:$0x1BC80] =	vst v63  }
0x36: {  	_ =	swait.ge [sflag:s17], $0x2800  }
0x37: {  	[sflag:s17] =	ssyncset.done $0x0  }
0x38: {  	s7 =	simm.s32 @!p0 $0x400;
	s8 =	simm.s32 @!p0 $0x5;
	[sflag:s17] =	ssyncadd.s32 $0xFFFFD800  }
0x39: {  	[spmem:s10] =	stream.linear.scatter @!p0 [tilespmem:s7], [sflag:$0x5], $0x2800, $0x38;
	[tilespmem:$0x1BC80] =	vst v63  }
0x3a: {  	_ =	swait.ge @!p0 [sflag:s8], $0x2800  }
0x3b: {  	[sflag:s8] =	ssyncset.done @!p0 $0x0  }
0x3c: {  	[sflag:s8] =	ssyncadd.s32 @!p0 $0xFFFFD800  }
0x3d: {  	[spmem:s11] =	stream.linear.scatter @!p0 [tilespmem:s7], [sflag:$0x5], $0x2800, $0x38;
	[tilespmem:$0x1BC80] =	vst v63  }
0x3e: {  	_ =	swait.ge @!p0 [sflag:s8], $0x2800  }
0x3f: {  	[sflag:s8] =	ssyncset.done @!p0 $0x0  }
0x40: {  	[sflag:s8] =	ssyncadd.s32 @!p0 $0xFFFFD800  }
0x41: {  	[spmem:s12] =	stream.linear.scatter @!p0 [tilespmem:s7], [sflag:$0x5], $0x2800, $0x38;
	[tilespmem:$0x1BC80] =	vst v63  }
0x42: {  	_ =	swait.ge @!p0 [sflag:s8], $0x2800  }
0x43: {  	[sflag:s8] =	ssyncset.done @!p0 $0x0  }
0x44: {  	[sflag:s8] =	ssyncadd.s32 @!p0 $0xFFFFD800  }
0x45: {  	[bflag:$0x0] =	sbarrier.arrive $0xFFFF  }
0x46: {  	[tilespmem:s3], [sflag:$0x5] =	stream.linear.gather [hbm4b:s13+s3], $0x200, $0x38;
	[tilespmem:$0x1BC80] =	vst v63  }
0x47: {  	_ =	swait.ge [sflag:s17], $0x200  }
0x48: {  	[sflag:s17] =	ssyncset.done $0x0  }
0x49: {  	[sflag:s17] =	ssyncadd.s32 $0xFFFFFE00  }
0x4a: {  	[tilespmem:s16], [sflag:$0x1] =	stream.indirect.gather [hbm4b:s4+s18], $0x80, s3, s18, $0xb8;
	[tilespmem:$0x1BC80] =	vst v63  }
0x4b: {  	_ = 	snop  }
0x4c: {  	[tilespmem:s20], [sflag:$0x2] =	stream.indirect.gather [hbm4b:s4+s18], $0x80, s19, s18, $0xb8;
	[tilespmem:$0x1BC80] =	vst v63  }
0x4d: {  	s8 =	sadd.s32 $0x40, s13  }
0x4e: {  	[tilespmem:s21], [sflag:$0x4] =	stream.linear.gather [hbm4b:s8+s3], $0x200, $0x38;
	[tilespmem:$0x1BC80] =	vst v63  }
0x4f: {  	_ =	swait.ge [sflag:s22], $0x200  }
0x50: {  	[sflag:s22] =	ssyncset.done $0x0  }
0x51: {  	[sflag:s22] =	ssyncadd.s32 $0xFFFFFE00  }
0x52: {  	_ =	swait.ge [sflag:s23], $0x3E80  }
0x53: {  	[sflag:s23] =	ssyncset.done $0x0  }
0x54: {  	[sflag:s23] =	ssyncadd.s32 $0xFFFFC180  }
0x55: {  	[spmem:s2] =	stream.indirect.scatter.add.f32 [tilespmem:s16], [sflag:$0x5], $0x80, s26, s18, $0xb8;
	[tilespmem:$0x1BC80] =	vst v63  }
0x56: {  	_ =	swait.ge [sflag:s17], $0x3E80  }
0x57: {  	[sflag:s17] =	ssyncset.done $0x0  }
0x58: {  	[sflag:s17] =	ssyncadd.s32 $0xFFFFC180  }
0x59: {  	[tilespmem:s16], [sflag:$0x1] =	stream.indirect.gather [hbm4b:s4+s18], $0x80, s21, s18, $0xb8;
	[tilespmem:$0x1BC80] =	vst v63  }
0x5a: {  	_ =	swait.ge [sflag:s28], $0x3E80  }
0x5b: {  	[sflag:s28] =	ssyncset.done $0x0  }
0x5c: {  	[sflag:s28] =	ssyncadd.s32 $0xFFFFC180  }
0x5d: {  	[spmem:s2] =	stream.indirect.scatter.add.f32 [tilespmem:s20], [sflag:$0x5], $0x80, s29, s18, $0xb8;
	[tilespmem:$0x1BC80] =	vst v63  }
0x5e: {  	_ =	swait.ge [sflag:s17], $0x3E80  }
0x5f: {  	s7 =	sadd.s32 $0xFFFFF680, s13;
	[sflag:s17] =	ssyncset.done $0x0  }
0x60: {  	s9 =	sadd.s32 $0xA00, s7;
	[sflag:s17] =	ssyncadd.s32 $0xFFFFC180  }
0x61: {  	[tilespmem:s3], [sflag:$0x3] =	stream.linear.gather [hbm4b:s9+s3], $0x200, $0x38;
	[tilespmem:$0x1BC80] =	vst v63  }
0x62: {  	_ = 	snop  }
0x63: {  	[tilespmem:s20], [sflag:$0x2] =	stream.indirect.gather [hbm4b:s4+s18], $0x80, s30, s18, $0xb8;
	[tilespmem:$0x1BC80] =	vst v63  }
0x64: {  	_ =	swait.ge [sflag:s23], $0x3E80  }
0x65: {  	[sflag:s23] =	ssyncset.done $0x0  }
0x66: {  	[sflag:s23] =	ssyncadd.s32 $0xFFFFC180  }
0x67: {  	[spmem:s2] =	stream.indirect.scatter.add.f32 [tilespmem:s16], [sflag:$0x5], $0x80, s31, s18, $0xb8;
	[tilespmem:$0x1BC80] =	vst v63  }
0x68: {  	_ =	swait.ge [sflag:s17], $0x3E80  }
0x69: {  	[sflag:s17] =	ssyncset.done $0x0  }
0x6a: {  	[sflag:s17] =	ssyncadd.s32 $0xFFFFC180  }
0x6b: {  	_ =	swait.ge [sflag:s1], $0x200  }
0x6c: {  	[sflag:s1] =	ssyncset.done $0x0  }
0x6d: {  	[sflag:s1] =	ssyncadd.s32 $0xFFFFFE00  }
0x6e: {  	[tilespmem:s16], [sflag:$0x1] =	stream.indirect.gather [hbm4b:s4+s18], $0x80, s3, s18, $0xb8;
	[tilespmem:$0x1BC80] =	vst v63  }
0x6f: {  	_ =	swait.ge [sflag:s28], $0x3E80  }
0x70: {  	[sflag:s28] =	ssyncset.done $0x0  }
0x71: {  	[sflag:s28] =	ssyncadd.s32 $0xFFFFC180  }
0x72: {  	[spmem:s2] =	stream.indirect.scatter.add.f32 [tilespmem:s20], [sflag:$0x5], $0x80, s0, s18, $0xb8;
	[tilespmem:$0x1BC80] =	vst v63  }
0x73: {  	_ =	swait.ge [sflag:s17], $0x3E80  }
0x74: {  	[sflag:s17] =	ssyncset.done $0x0  }
0x75: {  	s7 =	sadd.s32 $0xA40, s7;
	[sflag:s17] =	ssyncadd.s32 $0xFFFFC180  }
0x76: {  	[tilespmem:s21], [sflag:$0x4] =	stream.linear.gather [hbm4b:s7+s3], $0x200, $0x38;
	[tilespmem:$0x1BC80] =	vst v63  }
0x77: {  	s7 =	simm.s32 $0xFFFFF700  }
.LBB2_4:
0x78: {  	[tilespmem:s20], [sflag:$0x2] =	stream.indirect.gather [hbm4b:s4+s18], $0x80, s19, s18, $0xb8;
	[tilespmem:$0x1BC80] =	vst v63  }
0x79: {  	s8 =	smov.u32 s7  }
0x7a: {  	p1 =	sne.s32 s7, $0xFFFFFF80;
	s7 =	sadd.s32 $0x80, s7;
	_ =	swait.ge [sflag:s22], $0x200  }
0x7b: {  	[sflag:s22] =	ssyncset.done $0x0  }
0x7c: {  	[sflag:s22] =	ssyncadd.s32 $0xFFFFFE00  }
0x7d: {  	_ =	swait.ge [sflag:s23], $0x3E80  }
0x7e: {  	[sflag:s23] =	ssyncset.done $0x0  }
0x7f: {  	[sflag:s23] =	ssyncadd.s32 $0xFFFFC180  }
0x80: {  	[spmem:s2] =	stream.indirect.scatter.add.f32 [tilespmem:s16], [sflag:$0x5], $0x80, s26, s18, $0xb8;
	[tilespmem:$0x1BC80] =	vst v63  }
0x81: {  	_ =	swait.ge [sflag:s17], $0x3E80  }
0x82: {  	[sflag:s17] =	ssyncset.done $0x0  }
0x83: {  	[sflag:s17] =	ssyncadd.s32 $0xFFFFC180  }
0x84: {  	[tilespmem:s16], [sflag:$0x1] =	stream.indirect.gather [hbm4b:s4+s18], $0x80, s21, s18, $0xb8;
	[tilespmem:$0x1BC80] =	vst v63  }
0x85: {  	_ =	swait.ge [sflag:s28], $0x3E80  }
0x86: {  	[sflag:s28] =	ssyncset.done $0x0  }
0x87: {  	[sflag:s28] =	ssyncadd.s32 $0xFFFFC180  }
0x88: {  	[spmem:s2] =	stream.indirect.scatter.add.f32 [tilespmem:s20], [sflag:$0x5], $0x80, s29, s18, $0xb8;
	[tilespmem:$0x1BC80] =	vst v63  }
0x89: {  	_ =	swait.ge [sflag:s17], $0x3E80  }
0x8a: {  	s8 =	sadd.s32 s8, s13;
	[sflag:s17] =	ssyncset.done $0x0  }
0x8b: {  	s9 =	sadd.s32 $0xA00, s8;
	[sflag:s17] =	ssyncadd.s32 $0xFFFFC180  }
0x8c: {  	[tilespmem:s3], [sflag:$0x3] =	stream.linear.gather [hbm4b:s9+s3], $0x200, $0x38;
	[tilespmem:$0x1BC80] =	vst v63  }
0x8d: {  	_ = 	snop  }
0x8e: {  	[tilespmem:s20], [sflag:$0x2] =	stream.indirect.gather [hbm4b:s4+s18], $0x80, s30, s18, $0xb8;
	[tilespmem:$0x1BC80] =	vst v63  }
0x8f: {  	_ =	swait.ge [sflag:s23], $0x3E80  }
0x90: {  	[sflag:s23] =	ssyncset.done $0x0  }
0x91: {  	[sflag:s23] =	ssyncadd.s32 $0xFFFFC180  }
0x92: {  	[spmem:s2] =	stream.indirect.scatter.add.f32 [tilespmem:s16], [sflag:$0x5], $0x80, s31, s18, $0xb8;
	[tilespmem:$0x1BC80] =	vst v63  }
0x93: {  	_ =	swait.ge [sflag:s17], $0x3E80  }
0x94: {  	[sflag:s17] =	ssyncset.done $0x0  }
0x95: {  	[sflag:s17] =	ssyncadd.s32 $0xFFFFC180  }
0x96: {  	_ =	swait.ge [sflag:s1], $0x200  }
0x97: {  	[sflag:s1] =	ssyncset.done $0x0  }
0x98: {  	[sflag:s1] =	ssyncadd.s32 $0xFFFFFE00  }
0x99: {  	[tilespmem:s16], [sflag:$0x1] =	stream.indirect.gather [hbm4b:s4+s18], $0x80, s3, s18, $0xb8;
	[tilespmem:$0x1BC80] =	vst v63  }
0x9a: {  	_ =	swait.ge [sflag:s28], $0x3E80  }
0x9b: {  	[sflag:s28] =	ssyncset.done $0x0  }
0x9c: {  	[sflag:s28] =	ssyncadd.s32 $0xFFFFC180  }
0x9d: {  	[spmem:s2] =	stream.indirect.scatter.add.f32 [tilespmem:s20], [sflag:$0x5], $0x80, s0, s18, $0xb8;
	[tilespmem:$0x1BC80] =	vst v63  }
.Ltmp1:
0x9e: {  	_ = 	snop;
	(pc) =	sbr.rel @p1 .LBB2_4-.Ltmp1, $4  }
0x9f: {  	_ =	swait.ge [sflag:s17], $0x3E80  }
0xa0: {  	[sflag:s17] =	ssyncset.done $0x0  }
0xa1: {  	s8 =	sadd.s32 $0xA40, s8;
	[sflag:s17] =	ssyncadd.s32 $0xFFFFC180  }
0xa2: {  	[tilespmem:s21], [sflag:$0x4] =	stream.linear.gather [hbm4b:s8+s3], $0x200, $0x38;
	[tilespmem:$0x1BC80] =	vst v63  }
0xa3: {  	[tilespmem:s20], [sflag:$0x2] =	stream.indirect.gather [hbm4b:s4+s18], $0x80, s19, s18, $0xb8;
	[tilespmem:$0x1BC80] =	vst v63  }
0xa4: {  	_ =	swait.ge [sflag:s22], $0x200  }
0xa5: {  	[sflag:s22] =	ssyncset.done $0x0  }
0xa6: {  	[sflag:s22] =	ssyncadd.s32 $0xFFFFFE00  }
0xa7: {  	_ =	swait.ge [sflag:s23], $0x3E80  }
0xa8: {  	[sflag:s23] =	ssyncset.done $0x0  }
0xa9: {  	[sflag:s23] =	ssyncadd.s32 $0xFFFFC180  }
0xaa: {  	[spmem:s2] =	stream.indirect.scatter.add.f32 [tilespmem:s16], [sflag:$0x5], $0x80, s26, s18, $0xb8;
	[tilespmem:$0x1BC80] =	vst v63  }
0xab: {  	_ =	swait.ge [sflag:s17], $0x3E80  }
0xac: {  	[sflag:s17] =	ssyncset.done $0x0  }
0xad: {  	[sflag:s17] =	ssyncadd.s32 $0xFFFFC180  }
0xae: {  	[tilespmem:s16], [sflag:$0x1] =	stream.indirect.gather [hbm4b:s4+s18], $0x80, s21, s18, $0xb8;
	[tilespmem:$0x1BC80] =	vst v63  }
0xaf: {  	_ =	swait.ge [sflag:s28], $0x3E80  }
0xb0: {  	[sflag:s28] =	ssyncset.done $0x0  }
0xb1: {  	[sflag:s28] =	ssyncadd.s32 $0xFFFFC180  }
0xb2: {  	[spmem:s2] =	stream.indirect.scatter.add.f32 [tilespmem:s20], [sflag:$0x5], $0x80, s29, s18, $0xb8;
	[tilespmem:$0x1BC80] =	vst v63  }
0xb3: {  	_ =	swait.ge [sflag:s17], $0x3E80  }
0xb4: {  	[sflag:s17] =	ssyncset.done $0x0  }
0xb5: {  	[sflag:s17] =	ssyncadd.s32 $0xFFFFC180  }
0xb6: {  	[tilespmem:s20], [sflag:$0x2] =	stream.indirect.gather [hbm4b:s4+s18], $0x80, s30, s18, $0xb8;
	[tilespmem:$0x1BC80] =	vst v63  }
0xb7: {  	_ =	swait.ge [sflag:s23], $0x3E80  }
0xb8: {  	[sflag:s23] =	ssyncset.done $0x0  }
0xb9: {  	[sflag:s23] =	ssyncadd.s32 $0xFFFFC180  }
0xba: {  	[spmem:s2] =	stream.indirect.scatter.add.f32 [tilespmem:s16], [sflag:$0x5], $0x80, s31, s18, $0xb8;
	[tilespmem:$0x1BC80] =	vst v63  }
0xbb: {  	_ =	swait.ge [sflag:s17], $0x3E80  }
0xbc: {  	[sflag:s17] =	ssyncset.done $0x0  }
0xbd: {  	[sflag:s17] =	ssyncadd.s32 $0xFFFFC180  }
0xbe: {  	_ =	swait.ge [sflag:s28], $0x3E80  }
0xbf: {  	[sflag:s28] =	ssyncset.done $0x0  }
0xc0: {  	[sflag:s28] =	ssyncadd.s32 $0xFFFFC180  }
0xc1: {  	[spmem:s2] =	stream.indirect.scatter.add.f32 [tilespmem:s20], [sflag:$0x5], $0x80, s0, s18, $0xb8;
	[tilespmem:$0x1BC80] =	vst v63  }
0xc2: {  	_ =	swait.ge [sflag:s17], $0x3E80  }
0xc3: {  	[sflag:s17] =	ssyncset.done $0x0  }
0xc4: {  	[sflag:s17] =	ssyncadd.s32 $0xFFFFC180  }
0xc5: {  	s7 =	sadd.s32 @p0 $0x25800, s14;
	s8 =	simm.s32 @p0 $0x1FC5;
	[bflag:$0x0] =	sbarrier.arrive $0xFFFF  }
0xc6: {  	[hbm:s7], [sflag:s8] =	dma.local @p0 [spmem:s24], $0x1900  }
0xc7: {  	s7 =	simm.s32 @p0 $0x5  }
0xc8: {  	s6 =	sadd.s32 $0x1, s6;
	s8 =	stileid.u32;
	_ =	swait.ge @p0 [sflag:s7], $0x1900  }
0xc9: {  	p1 =	sne.s32 s6, s15;
	s8 =	sshll.u32 @!p0 s8, $0x6;
	[sflag:s7] =	ssyncset.done @p0 $0x0  }
0xca: {  	[sflag:s7] =	ssyncadd.s32 @p0 $0xFFFFE700;
	s7 =	sor.u32 @!p0 $0x1C05, s8;
	s8 =	sshrl.u32 @!p0 s5, $0x3  }
0xcb: {  	[hbm:s25], [sflag:s7] =	dma.local @!p0 [spmem:s8], $0x2800  }
.Ltmp2:
0xcc: {  	_ = 	snop;
	(pc) =	sbr.rel @p1 .LBB2_1-.Ltmp2, $4  }
0xcd: {  	s7 =	simm.s32 @!p0 $0x5  }
0xce: {  	_ =	swait.ge @!p0 [sflag:s7], $0x2800  }
0xcf: {  	[sflag:s7] =	ssyncset.done @!p0 $0x0  }
0xd0: {  	[sflag:s7] =	ssyncadd.s32 @!p0 $0xFFFFD800  }
0xd1: {  	_ =	sfence.sel $0x180000  }
0xd2: {  	[bflag:$0x0] =	sbarrier.arrive $0xFFFF  }
0xd3: {  	_ =	strace $0x9000004D  }
0xd4: {  	s0 =	stileid.u32;
	[bflag:$0x2] =	sbarrier.arrive $0xFFFF  }
0xd5: {  	p0 =	sne.s32 s0, $0x0;
	s0 =	rddreg [dreg:$0x2]  }
0xd6: {  	s0 =	sadd.s32 @!p0 $0x100000, s0  }
0xd7: {  	[sflag:s0] =	ssyncadd.tile.s32 @!p0 $0x1;
	_ =	shalt  }
.Lfunc_end2:
_tile_overlayer_lowered:
.L_overlay_start_2:
0xd8: {  	(tag) =	ssettag $0x2  }
0xd9: {  	s0 =	rddreg [dreg:$0x0];
	s2 =	stileid.u32  }
0xda: {  	s1 =	rddreg [dreg:$0x1];
	p0 =	sne.s32 s2, $0x0  }
0xdb: {  	s3 =	rddreg [dreg:$0x2];
	[bflag:$0x3] =	sbarrier.arrive $0xFFFF;
	s2 =	simm.s32 @!p0 $0x1C05  }
0xdc: {  	[timem:s3], [sflag:s2] =	dma.local @!p0 [hbm:s0], s1  }
0xdd: {  	s0 =	simm.s32 @!p0 $0x5  }
0xde: {  	_ =	swait.ge @!p0 [sflag:s0], s1  }
0xdf: {  	s1 =	ssub.s32 @!p0 $0x0, s1;
	[sflag:s0] =	ssyncset.done @!p0 $0x0  }
0xe0: {  	[sflag:s0] =	ssyncadd.s32 @!p0 s1  }
0xe1: {  	[bflag:$0x3] =	sbarrier.arrive $0xFFFF  }
0xe2: {  	_ =	shalt  }

</sc_bundles>
